<compile_context>
chip_gen: v7x
topology: tpu7x:2x2x1
jax: 0.10.2.dev20260603
libtpu: 0.0.44.dev20260713+nightly
codegen_flags: <defaults>
</compile_context>

<pallas_src>
import functools

import jax
import jax.numpy as jnp
from jax import lax
from jax.experimental import pallas as pl
from jax.experimental.pallas import tpu as pltpu
from jax.experimental.pallas import tpu_sc as plsc

N = 10000
E = 320000
D = 128

NPAD = 10240
SENT = 10000
NTILES = 32
R = 1024

DCHUNK = 128
EPT = 10240
DNCHUNK = EPT // DCHUNK
E_PAD = EPT * NTILES
DROWS = NPAD // 16

CHUNK = 32
SNCHUNK = E_PAD // CHUNK // 16
A_ROWS = 10112
APT = A_ROWS // 16
HP_HALF = 5120
HP_ROWS = HP_HALF + 8

_MESH = plsc.VectorSubcoreMesh(core_axis_name="c", subcore_axis_name="s")


@functools.partial(
    pl.kernel,
    out_type=jax.ShapeDtypeStruct((2 * NPAD,), jnp.float32),
    mesh=_MESH,
    scratch_types=[
        pltpu.VMEM((DNCHUNK, 1, DCHUNK), jnp.int32),
        pltpu.VMEM((DCHUNK,), jnp.float32),
        pltpu.VMEM((DROWS,), jnp.float32),
        pltpu.VMEM_SHARED((NPAD,), jnp.float32),
    ],
)
def _sc_degree(dst_hbm, out_hbm, dstb, ones, zb, deg):
    c = lax.axis_index("c")
    s = lax.axis_index("s")
    wid = c * 16 + s

    @pl.loop(0, DCHUNK // 16)
    def _o(i):
        ones[pl.ds(i * 16, 16)] = jnp.full((16,), 1.0, jnp.float32)

    @pl.loop(0, DROWS // 16)
    def _z(i):
        zb[pl.ds(i * 16, 16)] = jnp.zeros((16,), jnp.float32)

    pltpu.sync_copy(zb, deg.at[pl.ds(s * DROWS, DROWS)])
    pltpu.sync_copy(dst_hbm.at[pl.ds(wid * DNCHUNK, DNCHUNK)], dstb)
    plsc.subcore_barrier()

    @pl.loop(0, DNCHUNK)
    def _k(k):
        pltpu.sync_copy(ones, deg.at[dstb.at[k, 0]], add=True)

    plsc.subcore_barrier()
    pltpu.sync_copy(
        deg.at[pl.ds(s * DROWS, DROWS)],
        out_hbm.at[pl.ds(c * NPAD + s * DROWS, DROWS)],
    )


@functools.partial(
    pl.kernel,
    out_type=jax.ShapeDtypeStruct((2 * NPAD, D), jnp.float32),
    mesh=_MESH,
    scratch_types=[
        pltpu.VMEM((3, 1, CHUNK), jnp.int32),
        pltpu.VMEM((3, 1, CHUNK), jnp.int32),
        pltpu.VMEM((2, CHUNK, D), jnp.float32),
        pltpu.VMEM_SHARED((HP_ROWS, D), jnp.float32),
        pltpu.VMEM_SHARED((A_ROWS, D), jnp.float32),
        pltpu.SemaphoreType.DMA,
        pltpu.SemaphoreType.DMA,
        pltpu.SemaphoreType.DMA,
        pltpu.SemaphoreType.DMA,
        pltpu.SemaphoreType.DMA,
    ],
)
def _sc_segsum(hp_hbm, src_hbm, dst_hbm, out_hbm, srcb, dstb, rows, hps, accum,
               sm0, sm1, sm2, gs0, gs1):
    c = lax.axis_index("c")
    s = lax.axis_index("s")
    lo = c * HP_HALF
    sems = (sm0, sm1, sm2)
    gsems = (gs0, gs1)

    @pl.loop(0, CHUNK)
    def _zr(r):
        @pl.loop(0, D // 16)
        def _zc(j):
            rows[0, r, pl.ds(j * 16, 16)] = jnp.zeros((16,), jnp.float32)

    @pl.loop(0, APT // CHUNK)
    def _za(i):
        pltpu.sync_copy(rows.at[0], accum.at[pl.ds(s * APT + i * CHUNK, CHUNK)])

    pltpu.sync_copy(rows.at[0], accum.at[pl.ds(s * APT + (APT - CHUNK), CHUNK)])

    @pl.when(s == 0)
    def _zh():
        pltpu.sync_copy(rows.at[0, pl.ds(0, 8)], hps.at[pl.ds(HP_HALF, 8)])

    pltpu.sync_copy(
        hp_hbm.at[pl.ds(lo + s * (HP_HALF // 16), HP_HALF // 16)],
        hps.at[pl.ds(s * (HP_HALF // 16), HP_HALF // 16)],
    )

    base = s * SNCHUNK
    for k0 in range(2):
        pltpu.sync_copy(src_hbm.at[pl.ds(base + k0, 1)], srcb.at[pl.ds(k0, 1)])
        pltpu.sync_copy(dst_hbm.at[pl.ds(base + k0, 1)], dstb.at[pl.ds(k0, 1)])

    plsc.subcore_barrier()

    zrow = HP_HALF + (lax.iota(jnp.int32, 16) & 7)

    def _remap(slot):
        @pl.loop(0, CHUNK // 16)
        def _m(j):
            v = srcb[slot, 0, pl.ds(j * 16, 16)] - lo
            inh = v.astype(jnp.uint32) < jnp.uint32(HP_HALF)
            srcb[slot, 0, pl.ds(j * 16, 16)] = jnp.where(inh, v, zrow)

    _remap(0)
    pltpu.async_copy(hps.at[srcb.at[0, 0]], rows.at[0], gs0)

    def _step(k, b, bn, sn, cs, rslot):
        @pl.when(jnp.logical_and(k >= 1, k + 1 <= SNCHUNK - 1))
        def _wi():
            pltpu.make_async_copy(
                src_hbm.at[pl.ds(base, 1)], srcb.at[pl.ds(sn, 1)], sems[sn]
            ).wait()
            pltpu.make_async_copy(
                dst_hbm.at[pl.ds(base, 1)], dstb.at[pl.ds(sn, 1)], sems[sn]
            ).wait()

        @pl.when(k + 1 <= SNCHUNK - 1)
        def _g():
            _remap(sn)
            pltpu.async_copy(hps.at[srcb.at[sn, 0]], rows.at[bn], gsems[bn])

        @pl.when(k + 2 <= SNCHUNK - 1)
        def _r():
            pltpu.async_copy(
                src_hbm.at[pl.ds(base + k + 2, 1)], srcb.at[pl.ds(rslot, 1)],
                sems[rslot],
            )
            pltpu.async_copy(
                dst_hbm.at[pl.ds(base + k + 2, 1)], dstb.at[pl.ds(rslot, 1)],
                sems[rslot],
            )

        pltpu.make_async_copy(
            hps.at[srcb.at[cs, 0]], rows.at[b], gsems[b]
        ).wait()
        pltpu.sync_copy(rows.at[b], accum.at[dstb.at[cs, 0]], add=True)

    @pl.loop(0, SNCHUNK)
    def _k(k):
        for r in range(6):
            @pl.when(k % 6 == r)
            def _br(r=r):
                _step(k, r % 2, (r + 1) % 2, (r + 1) % 3, r % 3, (r + 2) % 3)

    plsc.subcore_barrier()
    pltpu.sync_copy(
        accum.at[pl.ds(s * APT, APT)],
        out_hbm.at[pl.ds(c * NPAD + s * APT, APT)],
    )


def _tc1_body(x_ref, w_ref, p0_ref, p1_ref, hp_ref, dinv_ref):
    dinv = lax.rsqrt(p0_ref[...] + p1_ref[...] + 1.0)
    h = jnp.dot(x_ref[...], w_ref[...], preferred_element_type=jnp.float32)
    hp_ref[...] = h * dinv
    dinv_ref[...] = dinv


def _tc2_body(s_ref, hp_ref, dinv_ref, b_ref, w_ref, h2p_ref):
    dinv = dinv_ref[...]
    out1 = dinv * (s_ref[0] + s_ref[1] + hp_ref[...]) + b_ref[...]
    h2 = jnp.dot(out1, w_ref[...], preferred_element_type=jnp.float32)
    h2p_ref[...] = h2 * dinv


def _tc3_body(s_ref, hp_ref, dinv_ref, b_ref, out_ref):
    out_ref[...] = (
        dinv_ref[...] * (s_ref[0] + s_ref[1] + hp_ref[...]) + b_ref[...]
    )


_GRID = (NPAD // R,)
_ROWS = pl.BlockSpec((R, D), lambda i: (i, 0))
_COL = pl.BlockSpec((R, 1), lambda i: (i, 0))
_WMAT = pl.BlockSpec((D, D), lambda i: (0, 0))
_BVEC = pl.BlockSpec((1, D), lambda i: (0, 0))
_PART = pl.BlockSpec((2, R, D), lambda i: (0, i, 0))

_tc1 = pl.pallas_call(
    _tc1_body,
    grid=_GRID,
    in_specs=[_ROWS, _WMAT, _COL, _COL],
    out_specs=[_ROWS, _COL],
    out_shape=[
        jax.ShapeDtypeStruct((NPAD, D), jnp.float32),
        jax.ShapeDtypeStruct((NPAD, 1), jnp.float32),
    ],
)

_tc2 = pl.pallas_call(
    _tc2_body,
    grid=_GRID,
    in_specs=[_PART, _ROWS, _COL, _BVEC, _WMAT],
    out_specs=_ROWS,
    out_shape=jax.ShapeDtypeStruct((NPAD, D), jnp.float32),
)

_tc3 = pl.pallas_call(
    _tc3_body,
    grid=_GRID,
    in_specs=[_PART, _ROWS, _COL, _BVEC],
    out_specs=_ROWS,
    out_shape=jax.ShapeDtypeStruct((NPAD, D), jnp.float32),
)


def kernel(x, edge_index, W1, b1, W2, b2):
    src = edge_index[0].astype(jnp.int32)
    dst = edge_index[1].astype(jnp.int32)
    pad = jnp.full((E_PAD - E,), SENT, jnp.int32)
    src_p = jnp.concatenate([src, pad])
    dst_p = jnp.concatenate([dst, pad])
    dst_deg = dst_p.reshape(E_PAD // DCHUNK, 1, DCHUNK)
    src_ss = src_p.reshape(E_PAD // CHUNK, 1, CHUNK)
    dst_ss = dst_p.reshape(E_PAD // CHUNK, 1, CHUNK)
    x_pad = jnp.pad(x, ((0, NPAD - N), (0, 0)))
    b1r = b1.reshape(1, D)
    b2r = b2.reshape(1, D)

    degp = _sc_degree(dst_deg)
    p0 = degp[:NPAD].reshape(NPAD, 1)
    p1 = degp[NPAD:].reshape(NPAD, 1)

    hp1, dinv = _tc1(x_pad, W1, p0, p1)
    s1 = _sc_segsum(hp1, src_ss, dst_ss).reshape(2, NPAD, D)
    h2p = _tc2(s1, hp1, dinv, b1r, W2)
    s2 = _sc_segsum(h2p, src_ss, dst_ss).reshape(2, NPAD, D)
    out2 = _tc3(s2, h2p, dinv, b2r)
    return out2[:N]

# --- scband reference (transcript-rebuilt; emitter-appended) ---
"""Pipeline reference for scband-graph-space-90065464197595 (READ-ONLY COPY).

The authoritative reference and input builder live on the scoring server;
editing this copy changes nothing except your own understanding.
"""

import jax, jax.numpy as jnp
import numpy as np

N_NODES = 10000
N_EDGES = 320000
D = 128

def setup_inputs(seed: int = 0) -> dict:
    key = jax.random.key(seed)
    k1, k2, k3, k4, k5, k6 = jax.random.split(key, 6)
    x = jax.random.normal(k1, (N_NODES, D), dtype=jnp.float32)
    edge_index = jax.random.randint(k2, (2, N_EDGES), 0, N_NODES, dtype=jnp.int64)
    s = 1.0 / np.sqrt(D)
    W1 = jax.random.uniform(k3, (D, D), dtype=jnp.float32, minval=-s, maxval=s)
    b1 = jnp.zeros((D,), dtype=jnp.float32)
    W2 = jax.random.uniform(k4, (D, D), dtype=jnp.float32, minval=-s, maxval=s)
    b2 = jnp.zeros((D,), dtype=jnp.float32)
    return {"x": x, "edge_index": edge_index, "W1": W1, "b1": b1, "W2": W2, "b2": b2}

def _gcn_conv(x, src, dst, W, b, n_nodes):
    # GCNConv: out = D^{-1/2} (A + I) D^{-1/2} X W + b  (self-loops included in src/dst)
    h = x @ W
    ones = jnp.ones_like(dst, dtype=h.dtype)
    deg = jax.ops.segment_sum(ones, dst, num_segments=n_nodes)
    deg_inv_sqrt = jnp.where(deg > 0, jax.lax.rsqrt(deg), 0.0)
    norm = deg_inv_sqrt[src] * deg_inv_sqrt[dst]
    msg = h[src] * norm[:, None]
    out = jax.ops.segment_sum(msg, dst, num_segments=n_nodes)
    return out + b

def reference(x, edge_index, W1, b1, W2, b2):
    n_nodes = x.shape[0]
    loops = jnp.arange(n_nodes, dtype=edge_index.dtype)
    src = jnp.concatenate([edge_index[0], loops])
    dst = jnp.concatenate([edge_index[1], loops])
    h = _gcn_conv(x, src, dst, W1, b1, n_nodes)
    out = _gcn_conv(h, src, dst, W2, b2, n_nodes)
    return out

if __name__ == "__main__":
    import jax
    _d = setup_inputs()
    print(jax.jit(kernel)(*tuple(_d.values())))

</pallas_src>

<mosaic_0001>
#map = affine_map<(d0, d1) -> (0, 0)>
#map1 = affine_map<(d0, d1) -> (0, 0, 0)>
module attributes {stable_mosaic.version = 14 : i64} {
  func.func @_sc_segsum(%arg0: i32, %arg1: i32, %arg2: memref<10240x128xf32, #tpu.memory_space<hbm>>, %arg3: memref<10240x1x32xi32, #tpu.memory_space<hbm>>, %arg4: memref<10240x1x32xi32, #tpu.memory_space<hbm>>, %arg5: memref<20480x128xf32, #tpu.memory_space<hbm>>, %arg6: memref<3x1x32xi32, #tpu.memory_space<vmem>>, %arg7: memref<3x1x32xi32, #tpu.memory_space<vmem>>, %arg8: memref<2x32x128xf32, #tpu.memory_space<vmem>>, %arg9: memref<5128x128xf32, #tpu.memory_space<vmem_shared>>, %arg10: memref<10112x128xf32, #tpu.memory_space<vmem_shared>>, %arg11: memref<!tpu.dma_semaphore, #tpu.memory_space<semaphore_mem>>, %arg12: memref<!tpu.dma_semaphore, #tpu.memory_space<semaphore_mem>>, %arg13: memref<!tpu.dma_semaphore, #tpu.memory_space<semaphore_mem>>, %arg14: memref<!tpu.dma_semaphore, #tpu.memory_space<semaphore_mem>>, %arg15: memref<!tpu.dma_semaphore, #tpu.memory_space<semaphore_mem>>) attributes {dimension_semantics = [#tpu.dimension_semantics<core_parallel>, #tpu.dimension_semantics<subcore_parallel>], iteration_bounds = array<i64: 2, 16>, scalar_prefetch = 0 : i64, scratch_operands = 10 : i64, tpu.core_type = #tpu.core_type<sc_vector_subcore>, window_params = [{transform_indices = #map}, {transform_indices = #map1}, {transform_indices = #map1}, {transform_indices = #map}]} {
    %mul3A = arith.constant 5120 : i32
    %mul3A_0 = arith.muli %arg0, %mul3A : i32
    %scan3A = arith.constant 0 : i32
    %scan3A_1 = arith.constant 32 : i32
    %scan3A_2 = arith.addi %scan3A, %scan3A_1 : i32
    %scan3A_3 = arith.constant 1 : i32
    scf.for %scan3A_65 = %scan3A to %scan3A_2 step %scan3A_3  : i32 {
      %mul3A_66 = arith.constant 1 : i32
      %mul3A_67 = arith.muli %scan3A_65, %mul3A_66 : i32
      %add3A_68 = arith.constant 0 : i32
      %add3A_69 = arith.addi %add3A_68, %mul3A_67 : i32
      %scan3A_70 = arith.constant 0 : i32
      %scan3A_71 = arith.constant 8 : i32
      %scan3A_72 = arith.addi %scan3A_70, %scan3A_71 : i32
      %scan3A_73 = arith.constant 1 : i32
      scf.for %scan3A_75 = %scan3A_70 to %scan3A_72 step %scan3A_73  : i32 {
        %mul3A_76 = arith.constant 1 : i32
        %mul3A_77 = arith.muli %scan3A_75, %mul3A_76 : i32
        %add3A_78 = arith.constant 0 : i32
        %add3A_79 = arith.addi %add3A_78, %mul3A_77 : i32
        %broadcast_in_dim3A = arith.constant 0.000000e+00 : f32
        %broadcast_in_dim3A_80 = vector.broadcast %broadcast_in_dim3A : f32 to vector<16xf32>
        %mul3A_81 = arith.constant 16 : i32
        %mul3A_82 = arith.muli %add3A_79, %mul3A_81 : i32
        %swap3A = arith.constant 0 : i32
        %swap3A_83 = arith.index_cast %swap3A : i32 to index
        %swap3A_84 = arith.index_cast %add3A_69 : i32 to index
        %swap3A_85 = arith.index_cast %mul3A_82 : i32 to index
        %swap3A_86 = tpu.vector_load %arg8[%swap3A_83, %swap3A_84, %swap3A_85] {strides = array<i32>} : memref<2x32x128xf32, #tpu.memory_space<vmem>>, vector<1x1x16xf32>,
        %swap3A_87 = vector.shape_cast %swap3A_86 : vector<1x1x16xf32> to vector<16xf32>
        %swap3A_88 = vector.shape_cast %broadcast_in_dim3A_80 : vector<16xf32> to vector<1x1x16xf32>
        tpu.vector_store %arg8[%swap3A_83, %swap3A_84, %swap3A_85], %swap3A_88 {strides = array<i32>} : memref<2x32x128xf32, #tpu.memory_space<vmem>>, vector<1x1x16xf32>,
      }
      %scan3A_74 = arith.constant 8 : i32
    }
    %scan3A_4 = arith.constant 32 : i32
    %scan3A_5 = arith.constant 0 : i32
    %scan3A_6 = arith.constant 19 : i32
    %scan3A_7 = arith.addi %scan3A_5, %scan3A_6 : i32
    %scan3A_8 = arith.constant 1 : i32
    scf.for %scan3A_65 = %scan3A_5 to %scan3A_7 step %scan3A_8  : i32 {
      %mul3A_66 = arith.constant 1 : i32
      %mul3A_67 = arith.muli %scan3A_65, %mul3A_66 : i32
      %add3A_68 = arith.constant 0 : i32
      %add3A_69 = arith.addi %add3A_68, %mul3A_67 : i32
      %mul3A_70 = arith.constant 632 : i32
      %mul3A_71 = arith.muli %arg1, %mul3A_70 : i32
      %mul3A_72 = arith.constant 32 : i32
      %mul3A_73 = arith.muli %add3A_69, %mul3A_72 : i32
      %add3A_74 = arith.addi %mul3A_71, %mul3A_73 : i32
      %run_scoped3A_75 = arith.constant 0 : i32
      "tpu.region"() ({
        %run_scoped3A_76 = tpu.sem_alloc : memref<!tpu.dma_semaphore, #tpu.memory_space<semaphore_mem>>
        %dma_start3A_77 = arith.constant 0 : i32
        %dma_start3A_78 = arith.constant 0 : i32
        %dma_start3A_79 = tpu.memref_slice %arg8[%run_scoped3A_75, %dma_start3A_77, %dma_start3A_78] : memref<2x32x128xf32, #tpu.memory_space<vmem>> -> memref<1x32x128xf32, #tpu.memory_space<vmem>>
        %dma_start3A_80 = tpu.memref_squeeze %dma_start3A_79 : memref<1x32x128xf32, #tpu.memory_space<vmem>> -> memref<32x128xf32, #tpu.memory_space<vmem>>
        %dma_start3A_81 = arith.constant 0 : i32
        %dma_start3A_82 = tpu.memref_slice %arg10[%add3A_74, %dma_start3A_81] : memref<10112x128xf32, #tpu.memory_space<vmem_shared>> -> memref<32x128xf32, #tpu.memory_space<vmem_shared>>
        %dma_start3A_83 = arith.constant 0 : i32
        %dma_start3A_84 = tpu.memref_slice %arg10[%add3A_74, %dma_start3A_83] : memref<10112x128xf32, #tpu.memory_space<vmem_shared>> -> memref<32x128xf32, #tpu.memory_space<vmem_shared>>
        %dma_start3A_85 = arith.constant 0 : i32
        %dma_start3A_86 = arith.constant 0 : i32
        %dma_start3A_87 = tpu.memref_slice %arg8[%run_scoped3A_75, %dma_start3A_85, %dma_start3A_86] : memref<2x32x128xf32, #tpu.memory_space<vmem>> -> memref<1x32x128xf32, #tpu.memory_space<vmem>>
        %dma_start3A_88 = tpu.memref_squeeze %dma_start3A_87 : memref<1x32x128xf32, #tpu.memory_space<vmem>> -> memref<32x128xf32, #tpu.memory_space<vmem>>
        tpu.enqueue_dma source(%dma_start3A_88 : memref<32x128xf32, #tpu.memory_space<vmem>>) target(%dma_start3A_84 : memref<32x128xf32, #tpu.memory_space<vmem_shared>>) target_semaphore(%run_scoped3A_76 : memref<!tpu.dma_semaphore, #tpu.memory_space<semaphore_mem>>)
        %dma_wait3A = arith.constant 0 : i32
        %dma_wait3A_89 = arith.constant 0 : i32
        %dma_wait3A_90 = tpu.memref_slice %arg8[%run_scoped3A_75, %dma_wait3A, %dma_wait3A_89] : memref<2x32x128xf32, #tpu.memory_space<vmem>> -> memref<1x32x128xf32, #tpu.memory_space<vmem>>
        %dma_wait3A_91 = tpu.memref_squeeze %dma_wait3A_90 : memref<1x32x128xf32, #tpu.memory_space<vmem>> -> memref<32x128xf32, #tpu.memory_space<vmem>>
        %dma_wait3A_92 = arith.constant 0 : i32
        %dma_wait3A_93 = tpu.memref_slice %arg10[%add3A_74, %dma_wait3A_92] : memref<10112x128xf32, #tpu.memory_space<vmem_shared>> -> memref<32x128xf32, #tpu.memory_space<vmem_shared>>
        %dma_wait3A_94 = arith.constant 0 : i32
        %dma_wait3A_95 = tpu.memref_slice %arg10[%add3A_74, %dma_wait3A_94] : memref<10112x128xf32, #tpu.memory_space<vmem_shared>> -> memref<32x128xf32, #tpu.memory_space<vmem_shared>>
        %dma_wait3A_96 = arith.constant 0 : i32
        %dma_wait3A_97 = arith.constant 0 : i32
        %dma_wait3A_98 = tpu.memref_slice %arg8[%run_scoped3A_75, %dma_wait3A_96, %dma_wait3A_97] : memref<2x32x128xf32, #tpu.memory_space<vmem>> -> memref<1x32x128xf32, #tpu.memory_space<vmem>>
        %dma_wait3A_99 = tpu.memref_squeeze %dma_wait3A_98 : memref<1x32x128xf32, #tpu.memory_space<vmem>> -> memref<32x128xf32, #tpu.memory_space<vmem>>
        tpu.wait_dma2 semaphore(%run_scoped3A_76 : memref<!tpu.dma_semaphore, #tpu.memory_space<semaphore_mem>>) src(%dma_wait3A_99 : memref<32x128xf32, #tpu.memory_space<vmem>>) dst(%dma_wait3A_95 : memref<32x128xf32, #tpu.memory_space<vmem_shared>>)
        tpu.yield
      }) : () -> ()
    }
    %scan3A_9 = arith.constant 19 : i32
    %mul3A_10 = arith.constant 632 : i32
    %mul3A_11 = arith.muli %arg1, %mul3A_10 : i32
    %add3A = arith.constant 600 : i32
    %add3A_12 = arith.addi %mul3A_11, %add3A : i32
    %run_scoped3A = arith.constant 0 : i32
    "tpu.region"() ({
      %run_scoped3A_65 = tpu.sem_alloc : memref<!tpu.dma_semaphore, #tpu.memory_space<semaphore_mem>>
      %dma_start3A_66 = arith.constant 0 : i32
      %dma_start3A_67 = arith.constant 0 : i32
      %dma_start3A_68 = tpu.memref_slice %arg8[%run_scoped3A, %dma_start3A_66, %dma_start3A_67] : memref<2x32x128xf32, #tpu.memory_space<vmem>> -> memref<1x32x128xf32, #tpu.memory_space<vmem>>
      %dma_start3A_69 = tpu.memref_squeeze %dma_start3A_68 : memref<1x32x128xf32, #tpu.memory_space<vmem>> -> memref<32x128xf32, #tpu.memory_space<vmem>>
      %dma_start3A_70 = arith.constant 0 : i32
      %dma_start3A_71 = tpu.memref_slice %arg10[%add3A_12, %dma_start3A_70] : memref<10112x128xf32, #tpu.memory_space<vmem_shared>> -> memref<32x128xf32, #tpu.memory_space<vmem_shared>>
      %dma_start3A_72 = arith.constant 0 : i32
      %dma_start3A_73 = tpu.memref_slice %arg10[%add3A_12, %dma_start3A_72] : memref<10112x128xf32, #tpu.memory_space<vmem_shared>> -> memref<32x128xf32, #tpu.memory_space<vmem_shared>>
      %dma_start3A_74 = arith.constant 0 : i32
      %dma_start3A_75 = arith.constant 0 : i32
      %dma_start3A_76 = tpu.memref_slice %arg8[%run_scoped3A, %dma_start3A_74, %dma_start3A_75] : memref<2x32x128xf32, #tpu.memory_space<vmem>> -> memref<1x32x128xf32, #tpu.memory_space<vmem>>
      %dma_start3A_77 = tpu.memref_squeeze %dma_start3A_76 : memref<1x32x128xf32, #tpu.memory_space<vmem>> -> memref<32x128xf32, #tpu.memory_space<vmem>>
      tpu.enqueue_dma source(%dma_start3A_77 : memref<32x128xf32, #tpu.memory_space<vmem>>) target(%dma_start3A_73 : memref<32x128xf32, #tpu.memory_space<vmem_shared>>) target_semaphore(%run_scoped3A_65 : memref<!tpu.dma_semaphore, #tpu.memory_space<semaphore_mem>>)
      %dma_wait3A = arith.constant 0 : i32
      %dma_wait3A_78 = arith.constant 0 : i32
      %dma_wait3A_79 = tpu.memref_slice %arg8[%run_scoped3A, %dma_wait3A, %dma_wait3A_78] : memref<2x32x128xf32, #tpu.memory_space<vmem>> -> memref<1x32x128xf32, #tpu.memory_space<vmem>>
      %dma_wait3A_80 = tpu.memref_squeeze %dma_wait3A_79 : memref<1x32x128xf32, #tpu.memory_space<vmem>> -> memref<32x128xf32, #tpu.memory_space<vmem>>
      %dma_wait3A_81 = arith.constant 0 : i32
      %dma_wait3A_82 = tpu.memref_slice %arg10[%add3A_12, %dma_wait3A_81] : memref<10112x128xf32, #tpu.memory_space<vmem_shared>> -> memref<32x128xf32, #tpu.memory_space<vmem_shared>>
      %dma_wait3A_83 = arith.constant 0 : i32
      %dma_wait3A_84 = tpu.memref_slice %arg10[%add3A_12, %dma_wait3A_83] : memref<10112x128xf32, #tpu.memory_space<vmem_shared>> -> memref<32x128xf32, #tpu.memory_space<vmem_shared>>
      %dma_wait3A_85 = arith.constant 0 : i32
      %dma_wait3A_86 = arith.constant 0 : i32
      %dma_wait3A_87 = tpu.memref_slice %arg8[%run_scoped3A, %dma_wait3A_85, %dma_wait3A_86] : memref<2x32x128xf32, #tpu.memory_space<vmem>> -> memref<1x32x128xf32, #tpu.memory_space<vmem>>
      %dma_wait3A_88 = tpu.memref_squeeze %dma_wait3A_87 : memref<1x32x128xf32, #tpu.memory_space<vmem>> -> memref<32x128xf32, #tpu.memory_space<vmem>>
      tpu.wait_dma2 semaphore(%run_scoped3A_65 : memref<!tpu.dma_semaphore, #tpu.memory_space<semaphore_mem>>) src(%dma_wait3A_88 : memref<32x128xf32, #tpu.memory_space<vmem>>) dst(%dma_wait3A_84 : memref<32x128xf32, #tpu.memory_space<vmem_shared>>)
      tpu.yield
    }) : () -> ()
    %eq3A = arith.constant 0 : i32
    %eq3A_13 = arith.cmpi eq, %arg1, %eq3A : i32
    %convert_element_type3A = arith.extui %eq3A_13 : i1 to i32
    %cond3A = arith.constant 0 : i32
    %cond3A_14 = arith.cmpi ne, %convert_element_type3A, %cond3A : i32
    scf.if %cond3A_14 {
      %run_scoped3A_65 = arith.constant 0 : i32
      "tpu.region"() ({
        %run_scoped3A_66 = tpu.sem_alloc : memref<!tpu.dma_semaphore, #tpu.memory_space<semaphore_mem>>
        %dma_start3A_67 = arith.constant 0 : i32
        %dma_start3A_68 = arith.constant 0 : i32
        %dma_start3A_69 = tpu.memref_slice %arg8[%run_scoped3A_65, %dma_start3A_67, %dma_start3A_68] : memref<2x32x128xf32, #tpu.memory_space<vmem>> -> memref<1x8x128xf32, #tpu.memory_space<vmem>>
        %dma_start3A_70 = tpu.memref_squeeze %dma_start3A_69 : memref<1x8x128xf32, #tpu.memory_space<vmem>> -> memref<8x128xf32, #tpu.memory_space<vmem>>
        %dma_start3A_71 = arith.constant 5120 : i32
        %dma_start3A_72 = arith.constant 0 : i32
        %dma_start3A_73 = tpu.memref_slice %arg9[%dma_start3A_71, %dma_start3A_72] : memref<5128x128xf32, #tpu.memory_space<vmem_shared>> -> memref<8x128xf32, #tpu.memory_space<vmem_shared>>
        %dma_start3A_74 = arith.constant 5120 : i32
        %dma_start3A_75 = arith.constant 0 : i32
        %dma_start3A_76 = tpu.memref_slice %arg9[%dma_start3A_74, %dma_start3A_75] : memref<5128x128xf32, #tpu.memory_space<vmem_shared>> -> memref<8x128xf32, #tpu.memory_space<vmem_shared>>
        %dma_start3A_77 = arith.constant 0 : i32
        %dma_start3A_78 = arith.constant 0 : i32
        %dma_start3A_79 = tpu.memref_slice %arg8[%run_scoped3A_65, %dma_start3A_77, %dma_start3A_78] : memref<2x32x128xf32, #tpu.memory_space<vmem>> -> memref<1x8x128xf32, #tpu.memory_space<vmem>>
        %dma_start3A_80 = tpu.memref_squeeze %dma_start3A_79 : memref<1x8x128xf32, #tpu.memory_space<vmem>> -> memref<8x128xf32, #tpu.memory_space<vmem>>
        tpu.enqueue_dma source(%dma_start3A_80 : memref<8x128xf32, #tpu.memory_space<vmem>>) target(%dma_start3A_76 : memref<8x128xf32, #tpu.memory_space<vmem_shared>>) target_semaphore(%run_scoped3A_66 : memref<!tpu.dma_semaphore, #tpu.memory_space<semaphore_mem>>)
        %dma_wait3A = arith.constant 0 : i32
        %dma_wait3A_81 = arith.constant 0 : i32
        %dma_wait3A_82 = tpu.memref_slice %arg8[%run_scoped3A_65, %dma_wait3A, %dma_wait3A_81] : memref<2x32x128xf32, #tpu.memory_space<vmem>> -> memref<1x8x128xf32, #tpu.memory_space<vmem>>
        %dma_wait3A_83 = tpu.memref_squeeze %dma_wait3A_82 : memref<1x8x128xf32, #tpu.memory_space<vmem>> -> memref<8x128xf32, #tpu.memory_space<vmem>>
        %dma_wait3A_84 = arith.constant 5120 : i32
        %dma_wait3A_85 = arith.constant 0 : i32
        %dma_wait3A_86 = tpu.memref_slice %arg9[%dma_wait3A_84, %dma_wait3A_85] : memref<5128x128xf32, #tpu.memory_space<vmem_shared>> -> memref<8x128xf32, #tpu.memory_space<vmem_shared>>
        %dma_wait3A_87 = arith.constant 5120 : i32
        %dma_wait3A_88 = arith.constant 0 : i32
        %dma_wait3A_89 = tpu.memref_slice %arg9[%dma_wait3A_87, %dma_wait3A_88] : memref<5128x128xf32, #tpu.memory_space<vmem_shared>> -> memref<8x128xf32, #tpu.memory_space<vmem_shared>>
        %dma_wait3A_90 = arith.constant 0 : i32
        %dma_wait3A_91 = arith.constant 0 : i32
        %dma_wait3A_92 = tpu.memref_slice %arg8[%run_scoped3A_65, %dma_wait3A_90, %dma_wait3A_91] : memref<2x32x128xf32, #tpu.memory_space<vmem>> -> memref<1x8x128xf32, #tpu.memory_space<vmem>>
        %dma_wait3A_93 = tpu.memref_squeeze %dma_wait3A_92 : memref<1x8x128xf32, #tpu.memory_space<vmem>> -> memref<8x128xf32, #tpu.memory_space<vmem>>
        tpu.wait_dma2 semaphore(%run_scoped3A_66 : memref<!tpu.dma_semaphore, #tpu.memory_space<semaphore_mem>>) src(%dma_wait3A_93 : memref<8x128xf32, #tpu.memory_space<vmem>>) dst(%dma_wait3A_89 : memref<8x128xf32, #tpu.memory_space<vmem_shared>>)
        tpu.yield
      }) : () -> ()
    } else {
    }
    %mul3A_15 = arith.constant 320 : i32
    %mul3A_16 = arith.muli %arg1, %mul3A_15 : i32
    %add3A_17 = arith.addi %mul3A_0, %mul3A_16 : i32
    %mul3A_18 = arith.constant 320 : i32
    %mul3A_19 = arith.muli %arg1, %mul3A_18 : i32
    "tpu.region"() ({
      %run_scoped3A_65 = tpu.sem_alloc : memref<!tpu.dma_semaphore, #tpu.memory_space<semaphore_mem>>
      %dma_start3A_66 = arith.constant 0 : i32
      %dma_start3A_67 = tpu.memref_slice %arg9[%mul3A_19, %dma_start3A_66] : memref<5128x128xf32, #tpu.memory_space<vmem_shared>> -> memref<320x128xf32, #tpu.memory_space<vmem_shared>>
      %dma_start3A_68 = arith.constant 0 : i32
      %dma_start3A_69 = tpu.memref_slice %arg2[%add3A_17, %dma_start3A_68] : memref<10240x128xf32, #tpu.memory_space<hbm>> -> memref<320x128xf32, #tpu.memory_space<hbm>>
      tpu.enqueue_dma source(%dma_start3A_69 : memref<320x128xf32, #tpu.memory_space<hbm>>) target(%dma_start3A_67 : memref<320x128xf32, #tpu.memory_space<vmem_shared>>) target_semaphore(%run_scoped3A_65 : memref<!tpu.dma_semaphore, #tpu.memory_space<semaphore_mem>>)
      %dma_wait3A = arith.constant 0 : i32
      %dma_wait3A_70 = tpu.memref_slice %arg9[%mul3A_19, %dma_wait3A] : memref<5128x128xf32, #tpu.memory_space<vmem_shared>> -> memref<320x128xf32, #tpu.memory_space<vmem_shared>>
      %dma_wait3A_71 = arith.constant 0 : i32
      %dma_wait3A_72 = tpu.memref_slice %arg2[%add3A_17, %dma_wait3A_71] : memref<10240x128xf32, #tpu.memory_space<hbm>> -> memref<320x128xf32, #tpu.memory_space<hbm>>
      tpu.wait_dma2 semaphore(%run_scoped3A_65 : memref<!tpu.dma_semaphore, #tpu.memory_space<semaphore_mem>>) src(%dma_wait3A_72 : memref<320x128xf32, #tpu.memory_space<hbm>>) dst(%dma_wait3A_70 : memref<320x128xf32, #tpu.memory_space<vmem_shared>>)
      tpu.yield
    }) : () -> ()
    %mul3A_20 = arith.constant 640 : i32
    %mul3A_21 = arith.muli %arg1, %mul3A_20 : i32
    %add3A_22 = arith.constant 0 : i32
    %add3A_23 = arith.addi %mul3A_21, %add3A_22 : i32
    "tpu.region"() ({
      %run_scoped3A_65 = tpu.sem_alloc : memref<!tpu.dma_semaphore, #tpu.memory_space<semaphore_mem>>
      %dma_start3A_66 = arith.constant 0 : i32
      %dma_start3A_67 = arith.constant 0 : i32
      %dma_start3A_68 = arith.constant 0 : i32
      %dma_start3A_69 = tpu.memref_slice %arg6[%dma_start3A_66, %dma_start3A_67, %dma_start3A_68] : memref<3x1x32xi32, #tpu.memory_space<vmem>> -> memref<1x1x32xi32, #tpu.memory_space<vmem>>
      %dma_start3A_70 = arith.constant 0 : i32
      %dma_start3A_71 = arith.constant 0 : i32
      %dma_start3A_72 = tpu.memref_slice %arg3[%add3A_23, %dma_start3A_70, %dma_start3A_71] : memref<10240x1x32xi32, #tpu.memory_space<hbm>> -> memref<1x1x32xi32, #tpu.memory_space<hbm>>
      %dma_start3A_73 = arith.constant 0 : i32
      %dma_start3A_74 = arith.constant 0 : i32
      %dma_start3A_75 = arith.constant 0 : i32
      %dma_start3A_76 = tpu.memref_slice %arg6[%dma_start3A_73, %dma_start3A_74, %dma_start3A_75] : memref<3x1x32xi32, #tpu.memory_space<vmem>> -> memref<1x1x32xi32, #tpu.memory_space<vmem>>
      %dma_start3A_77 = arith.constant 0 : i32
      %dma_start3A_78 = arith.constant 0 : i32
      %dma_start3A_79 = tpu.memref_slice %arg3[%add3A_23, %dma_start3A_77, %dma_start3A_78] : memref<10240x1x32xi32, #tpu.memory_space<hbm>> -> memref<1x1x32xi32, #tpu.memory_space<hbm>>
      tpu.enqueue_dma source(%dma_start3A_79 : memref<1x1x32xi32, #tpu.memory_space<hbm>>) target(%dma_start3A_76 : memref<1x1x32xi32, #tpu.memory_space<vmem>>) target_semaphore(%run_scoped3A_65 : memref<!tpu.dma_semaphore, #tpu.memory_space<semaphore_mem>>)
      %dma_wait3A = arith.constant 0 : i32
      %dma_wait3A_80 = arith.constant 0 : i32
      %dma_wait3A_81 = arith.constant 0 : i32
      %dma_wait3A_82 = tpu.memref_slice %arg6[%dma_wait3A, %dma_wait3A_80, %dma_wait3A_81] : memref<3x1x32xi32, #tpu.memory_space<vmem>> -> memref<1x1x32xi32, #tpu.memory_space<vmem>>
      %dma_wait3A_83 = arith.constant 0 : i32
      %dma_wait3A_84 = arith.constant 0 : i32
      %dma_wait3A_85 = tpu.memref_slice %arg3[%add3A_23, %dma_wait3A_83, %dma_wait3A_84] : memref<10240x1x32xi32, #tpu.memory_space<hbm>> -> memref<1x1x32xi32, #tpu.memory_space<hbm>>
      %dma_wait3A_86 = arith.constant 0 : i32
      %dma_wait3A_87 = arith.constant 0 : i32
      %dma_wait3A_88 = arith.constant 0 : i32
      %dma_wait3A_89 = tpu.memref_slice %arg6[%dma_wait3A_86, %dma_wait3A_87, %dma_wait3A_88] : memref<3x1x32xi32, #tpu.memory_space<vmem>> -> memref<1x1x32xi32, #tpu.memory_space<vmem>>
      %dma_wait3A_90 = arith.constant 0 : i32
      %dma_wait3A_91 = arith.constant 0 : i32
      %dma_wait3A_92 = tpu.memref_slice %arg3[%add3A_23, %dma_wait3A_90, %dma_wait3A_91] : memref<10240x1x32xi32, #tpu.memory_space<hbm>> -> memref<1x1x32xi32, #tpu.memory_space<hbm>>
      tpu.wait_dma2 semaphore(%run_scoped3A_65 : memref<!tpu.dma_semaphore, #tpu.memory_space<semaphore_mem>>) src(%dma_wait3A_92 : memref<1x1x32xi32, #tpu.memory_space<hbm>>) dst(%dma_wait3A_89 : memref<1x1x32xi32, #tpu.memory_space<vmem>>)
      tpu.yield
    }) : () -> ()
    %add3A_24 = arith.constant 0 : i32
    %add3A_25 = arith.addi %mul3A_21, %add3A_24 : i32
    "tpu.region"() ({
      %run_scoped3A_65 = tpu.sem_alloc : memref<!tpu.dma_semaphore, #tpu.memory_space<semaphore_mem>>
      %dma_start3A_66 = arith.constant 0 : i32
      %dma_start3A_67 = arith.constant 0 : i32
      %dma_start3A_68 = arith.constant 0 : i32
      %dma_start3A_69 = tpu.memref_slice %arg7[%dma_start3A_66, %dma_start3A_67, %dma_start3A_68] : memref<3x1x32xi32, #tpu.memory_space<vmem>> -> memref<1x1x32xi32, #tpu.memory_space<vmem>>
      %dma_start3A_70 = arith.constant 0 : i32
      %dma_start3A_71 = arith.constant 0 : i32
      %dma_start3A_72 = tpu.memref_slice %arg4[%add3A_25, %dma_start3A_70, %dma_start3A_71] : memref<10240x1x32xi32, #tpu.memory_space<hbm>> -> memref<1x1x32xi32, #tpu.memory_space<hbm>>
      %dma_start3A_73 = arith.constant 0 : i32
      %dma_start3A_74 = arith.constant 0 : i32
      %dma_start3A_75 = arith.constant 0 : i32
      %dma_start3A_76 = tpu.memref_slice %arg7[%dma_start3A_73, %dma_start3A_74, %dma_start3A_75] : memref<3x1x32xi32, #tpu.memory_space<vmem>> -> memref<1x1x32xi32, #tpu.memory_space<vmem>>
      %dma_start3A_77 = arith.constant 0 : i32
      %dma_start3A_78 = arith.constant 0 : i32
      %dma_start3A_79 = tpu.memref_slice %arg4[%add3A_25, %dma_start3A_77, %dma_start3A_78] : memref<10240x1x32xi32, #tpu.memory_space<hbm>> -> memref<1x1x32xi32, #tpu.memory_space<hbm>>
      tpu.enqueue_dma source(%dma_start3A_79 : memref<1x1x32xi32, #tpu.memory_space<hbm>>) target(%dma_start3A_76 : memref<1x1x32xi32, #tpu.memory_space<vmem>>) target_semaphore(%run_scoped3A_65 : memref<!tpu.dma_semaphore, #tpu.memory_space<semaphore_mem>>)
      %dma_wait3A = arith.constant 0 : i32
      %dma_wait3A_80 = arith.constant 0 : i32
      %dma_wait3A_81 = arith.constant 0 : i32
      %dma_wait3A_82 = tpu.memref_slice %arg7[%dma_wait3A, %dma_wait3A_80, %dma_wait3A_81] : memref<3x1x32xi32, #tpu.memory_space<vmem>> -> memref<1x1x32xi32, #tpu.memory_space<vmem>>
      %dma_wait3A_83 = arith.constant 0 : i32
      %dma_wait3A_84 = arith.constant 0 : i32
      %dma_wait3A_85 = tpu.memref_slice %arg4[%add3A_25, %dma_wait3A_83, %dma_wait3A_84] : memref<10240x1x32xi32, #tpu.memory_space<hbm>> -> memref<1x1x32xi32, #tpu.memory_space<hbm>>
      %dma_wait3A_86 = arith.constant 0 : i32
      %dma_wait3A_87 = arith.constant 0 : i32
      %dma_wait3A_88 = arith.constant 0 : i32
      %dma_wait3A_89 = tpu.memref_slice %arg7[%dma_wait3A_86, %dma_wait3A_87, %dma_wait3A_88] : memref<3x1x32xi32, #tpu.memory_space<vmem>> -> memref<1x1x32xi32, #tpu.memory_space<vmem>>
      %dma_wait3A_90 = arith.constant 0 : i32
      %dma_wait3A_91 = arith.constant 0 : i32
      %dma_wait3A_92 = tpu.memref_slice %arg4[%add3A_25, %dma_wait3A_90, %dma_wait3A_91] : memref<10240x1x32xi32, #tpu.memory_space<hbm>> -> memref<1x1x32xi32, #tpu.memory_space<hbm>>
      tpu.wait_dma2 semaphore(%run_scoped3A_65 : memref<!tpu.dma_semaphore, #tpu.memory_space<semaphore_mem>>) src(%dma_wait3A_92 : memref<1x1x32xi32, #tpu.memory_space<hbm>>) dst(%dma_wait3A_89 : memref<1x1x32xi32, #tpu.memory_space<vmem>>)
      tpu.yield
    }) : () -> ()
    %add3A_26 = arith.constant 1 : i32
    %add3A_27 = arith.addi %mul3A_21, %add3A_26 : i32
    "tpu.region"() ({
      %run_scoped3A_65 = tpu.sem_alloc : memref<!tpu.dma_semaphore, #tpu.memory_space<semaphore_mem>>
      %dma_start3A_66 = arith.constant 1 : i32
      %dma_start3A_67 = arith.constant 0 : i32
      %dma_start3A_68 = arith.constant 0 : i32
      %dma_start3A_69 = tpu.memref_slice %arg6[%dma_start3A_66, %dma_start3A_67, %dma_start3A_68] : memref<3x1x32xi32, #tpu.memory_space<vmem>> -> memref<1x1x32xi32, #tpu.memory_space<vmem>>
      %dma_start3A_70 = arith.constant 0 : i32
      %dma_start3A_71 = arith.constant 0 : i32
      %dma_start3A_72 = tpu.memref_slice %arg3[%add3A_27, %dma_start3A_70, %dma_start3A_71] : memref<10240x1x32xi32, #tpu.memory_space<hbm>> -> memref<1x1x32xi32, #tpu.memory_space<hbm>>
      %dma_start3A_73 = arith.constant 1 : i32
      %dma_start3A_74 = arith.constant 0 : i32
      %dma_start3A_75 = arith.constant 0 : i32
      %dma_start3A_76 = tpu.memref_slice %arg6[%dma_start3A_73, %dma_start3A_74, %dma_start3A_75] : memref<3x1x32xi32, #tpu.memory_space<vmem>> -> memref<1x1x32xi32, #tpu.memory_space<vmem>>
      %dma_start3A_77 = arith.constant 0 : i32
      %dma_start3A_78 = arith.constant 0 : i32
      %dma_start3A_79 = tpu.memref_slice %arg3[%add3A_27, %dma_start3A_77, %dma_start3A_78] : memref<10240x1x32xi32, #tpu.memory_space<hbm>> -> memref<1x1x32xi32, #tpu.memory_space<hbm>>
      tpu.enqueue_dma source(%dma_start3A_79 : memref<1x1x32xi32, #tpu.memory_space<hbm>>) target(%dma_start3A_76 : memref<1x1x32xi32, #tpu.memory_space<vmem>>) target_semaphore(%run_scoped3A_65 : memref<!tpu.dma_semaphore, #tpu.memory_space<semaphore_mem>>)
      %dma_wait3A = arith.constant 1 : i32
      %dma_wait3A_80 = arith.constant 0 : i32
      %dma_wait3A_81 = arith.constant 0 : i32
      %dma_wait3A_82 = tpu.memref_slice %arg6[%dma_wait3A, %dma_wait3A_80, %dma_wait3A_81] : memref<3x1x32xi32, #tpu.memory_space<vmem>> -> memref<1x1x32xi32, #tpu.memory_space<vmem>>
      %dma_wait3A_83 = arith.constant 0 : i32
      %dma_wait3A_84 = arith.constant 0 : i32
      %dma_wait3A_85 = tpu.memref_slice %arg3[%add3A_27, %dma_wait3A_83, %dma_wait3A_84] : memref<10240x1x32xi32, #tpu.memory_space<hbm>> -> memref<1x1x32xi32, #tpu.memory_space<hbm>>
      %dma_wait3A_86 = arith.constant 1 : i32
      %dma_wait3A_87 = arith.constant 0 : i32
      %dma_wait3A_88 = arith.constant 0 : i32
      %dma_wait3A_89 = tpu.memref_slice %arg6[%dma_wait3A_86, %dma_wait3A_87, %dma_wait3A_88] : memref<3x1x32xi32, #tpu.memory_space<vmem>> -> memref<1x1x32xi32, #tpu.memory_space<vmem>>
      %dma_wait3A_90 = arith.constant 0 : i32
      %dma_wait3A_91 = arith.constant 0 : i32
      %dma_wait3A_92 = tpu.memref_slice %arg3[%add3A_27, %dma_wait3A_90, %dma_wait3A_91] : memref<10240x1x32xi32, #tpu.memory_space<hbm>> -> memref<1x1x32xi32, #tpu.memory_space<hbm>>
      tpu.wait_dma2 semaphore(%run_scoped3A_65 : memref<!tpu.dma_semaphore, #tpu.memory_space<semaphore_mem>>) src(%dma_wait3A_92 : memref<1x1x32xi32, #tpu.memory_space<hbm>>) dst(%dma_wait3A_89 : memref<1x1x32xi32, #tpu.memory_space<vmem>>)
      tpu.yield
    }) : () -> ()
    %add3A_28 = arith.constant 1 : i32
    %add3A_29 = arith.addi %mul3A_21, %add3A_28 : i32
    "tpu.region"() ({
      %run_scoped3A_65 = tpu.sem_alloc : memref<!tpu.dma_semaphore, #tpu.memory_space<semaphore_mem>>
      %dma_start3A_66 = arith.constant 1 : i32
      %dma_start3A_67 = arith.constant 0 : i32
      %dma_start3A_68 = arith.constant 0 : i32
      %dma_start3A_69 = tpu.memref_slice %arg7[%dma_start3A_66, %dma_start3A_67, %dma_start3A_68] : memref<3x1x32xi32, #tpu.memory_space<vmem>> -> memref<1x1x32xi32, #tpu.memory_space<vmem>>
      %dma_start3A_70 = arith.constant 0 : i32
      %dma_start3A_71 = arith.constant 0 : i32
      %dma_start3A_72 = tpu.memref_slice %arg4[%add3A_29, %dma_start3A_70, %dma_start3A_71] : memref<10240x1x32xi32, #tpu.memory_space<hbm>> -> memref<1x1x32xi32, #tpu.memory_space<hbm>>
      %dma_start3A_73 = arith.constant 1 : i32
      %dma_start3A_74 = arith.constant 0 : i32
      %dma_start3A_75 = arith.constant 0 : i32
      %dma_start3A_76 = tpu.memref_slice %arg7[%dma_start3A_73, %dma_start3A_74, %dma_start3A_75] : memref<3x1x32xi32, #tpu.memory_space<vmem>> -> memref<1x1x32xi32, #tpu.memory_space<vmem>>
      %dma_start3A_77 = arith.constant 0 : i32
      %dma_start3A_78 = arith.constant 0 : i32
      %dma_start3A_79 = tpu.memref_slice %arg4[%add3A_29, %dma_start3A_77, %dma_start3A_78] : memref<10240x1x32xi32, #tpu.memory_space<hbm>> -> memref<1x1x32xi32, #tpu.memory_space<hbm>>
      tpu.enqueue_dma source(%dma_start3A_79 : memref<1x1x32xi32, #tpu.memory_space<hbm>>) target(%dma_start3A_76 : memref<1x1x32xi32, #tpu.memory_space<vmem>>) target_semaphore(%run_scoped3A_65 : memref<!tpu.dma_semaphore, #tpu.memory_space<semaphore_mem>>)
      %dma_wait3A = arith.constant 1 : i32
      %dma_wait3A_80 = arith.constant 0 : i32
      %dma_wait3A_81 = arith.constant 0 : i32
      %dma_wait3A_82 = tpu.memref_slice %arg7[%dma_wait3A, %dma_wait3A_80, %dma_wait3A_81] : memref<3x1x32xi32, #tpu.memory_space<vmem>> -> memref<1x1x32xi32, #tpu.memory_space<vmem>>
      %dma_wait3A_83 = arith.constant 0 : i32
      %dma_wait3A_84 = arith.constant 0 : i32
      %dma_wait3A_85 = tpu.memref_slice %arg4[%add3A_29, %dma_wait3A_83, %dma_wait3A_84] : memref<10240x1x32xi32, #tpu.memory_space<hbm>> -> memref<1x1x32xi32, #tpu.memory_space<hbm>>
      %dma_wait3A_86 = arith.constant 1 : i32
      %dma_wait3A_87 = arith.constant 0 : i32
      %dma_wait3A_88 = arith.constant 0 : i32
      %dma_wait3A_89 = tpu.memref_slice %arg7[%dma_wait3A_86, %dma_wait3A_87, %dma_wait3A_88] : memref<3x1x32xi32, #tpu.memory_space<vmem>> -> memref<1x1x32xi32, #tpu.memory_space<vmem>>
      %dma_wait3A_90 = arith.constant 0 : i32
      %dma_wait3A_91 = arith.constant 0 : i32
      %dma_wait3A_92 = tpu.memref_slice %arg4[%add3A_29, %dma_wait3A_90, %dma_wait3A_91] : memref<10240x1x32xi32, #tpu.memory_space<hbm>> -> memref<1x1x32xi32, #tpu.memory_space<hbm>>
      tpu.wait_dma2 semaphore(%run_scoped3A_65 : memref<!tpu.dma_semaphore, #tpu.memory_space<semaphore_mem>>) src(%dma_wait3A_92 : memref<1x1x32xi32, #tpu.memory_space<hbm>>) dst(%dma_wait3A_89 : memref<1x1x32xi32, #tpu.memory_space<vmem>>)
      tpu.yield
    }) : () -> ()
    %barrier3A = arith.constant 0 : index
    tpu.barrier barrier_id(%barrier3A)
    %iota3A = tpu.iota {dimensions = array<i32: 0>} : vector<16xi32>
    %and3A = arith.constant 7 : i32
    %and3A_30 = vector.broadcast %and3A : i32 to vector<16xi32>
    %and3A_31 = arith.andi %iota3A, %and3A_30 : vector<16xi32>
    %add3A_32 = arith.constant 5120 : i32
    %add3A_33 = vector.broadcast %add3A_32 : i32 to vector<16xi32>
    %add3A_34 = arith.addi %add3A_33, %and3A_31 : vector<16xi32>
    %scan3A_35 = arith.constant 0 : i32
    %scan3A_36 = arith.constant 2 : i32
    %scan3A_37 = arith.addi %scan3A_35, %scan3A_36 : i32
    %scan3A_38 = arith.constant 1 : i32
    scf.for %scan3A_65 = %scan3A_35 to %scan3A_37 step %scan3A_38  : i32 {
      %mul3A_66 = arith.constant 1 : i32
      %mul3A_67 = arith.muli %scan3A_65, %mul3A_66 : i32
      %add3A_68 = arith.constant 0 : i32
      %add3A_69 = arith.addi %add3A_68, %mul3A_67 : i32
      %mul3A_70 = arith.constant 16 : i32
      %mul3A_71 = arith.muli %add3A_69, %mul3A_70 : i32
      %get3A = arith.constant 0 : i32
      %get3A_72 = arith.constant 0 : i32
      %get3A_73 = arith.index_cast %get3A : i32 to index
      %get3A_74 = arith.index_cast %get3A_72 : i32 to index
      %get3A_75 = arith.index_cast %mul3A_71 : i32 to index
      %get3A_76 = tpu.vector_load %arg6[%get3A_73, %get3A_74, %get3A_75] {strides = array<i32>} : memref<3x1x32xi32, #tpu.memory_space<vmem>>, vector<1x1x16xi32>,
      %get3A_77 = vector.shape_cast %get3A_76 : vector<1x1x16xi32> to vector<16xi32>
      %sub3A = vector.broadcast %mul3A_0 : i32 to vector<16xi32>
      %sub3A_78 = arith.subi %get3A_77, %sub3A : vector<16xi32>
      %lt3A = arith.constant 5120 : i32
      %lt3A_79 = vector.broadcast %lt3A : i32 to vector<16xi32>
      %lt3A_80 = arith.cmpi ult, %sub3A_78, %lt3A_79 : vector<16xi32>
      %select_n3A = arith.select %lt3A_80, %sub3A_78, %add3A_34 : vector<16xi1>, vector<16xi32>
      %mul3A_81 = arith.constant 16 : i32
      %mul3A_82 = arith.muli %add3A_69, %mul3A_81 : i32
      %swap3A = arith.constant 0 : i32
      %swap3A_83 = arith.constant 0 : i32
      %swap3A_84 = arith.index_cast %swap3A : i32 to index
      %swap3A_85 = arith.index_cast %swap3A_83 : i32 to index
      %swap3A_86 = arith.index_cast %mul3A_82 : i32 to index
      %swap3A_87 = tpu.vector_load %arg6[%swap3A_84, %swap3A_85, %swap3A_86] {strides = array<i32>} : memref<3x1x32xi32, #tpu.memory_space<vmem>>, vector<1x1x16xi32>,
      %swap3A_88 = vector.shape_cast %swap3A_87 : vector<1x1x16xi32> to vector<16xi32>
      %swap3A_89 = vector.shape_cast %select_n3A : vector<16xi32> to vector<1x1x16xi32>
      tpu.vector_store %arg6[%swap3A_84, %swap3A_85, %swap3A_86], %swap3A_89 {strides = array<i32>} : memref<3x1x32xi32, #tpu.memory_space<vmem>>, vector<1x1x16xi32>,
    }
    %scan3A_39 = arith.constant 2 : i32
    %dma_start3A = arith.constant 0 : i32
    %dma_start3A_40 = arith.constant 0 : i32
    %dma_start3A_41 = arith.constant 0 : i32
    %dma_start3A_42 = arith.constant 0 : i32
    %dma_start3A_43 = arith.constant 0 : i32
    %dma_start3A_44 = tpu.memref_slice %arg8[%dma_start3A_41, %dma_start3A_42, %dma_start3A_43] : memref<2x32x128xf32, #tpu.memory_space<vmem>> -> memref<1x32x128xf32, #tpu.memory_space<vmem>>
    %dma_start3A_45 = tpu.memref_squeeze %dma_start3A_44 : memref<1x32x128xf32, #tpu.memory_space<vmem>> -> memref<32x128xf32, #tpu.memory_space<vmem>>
    %dma_start3A_46 = arith.constant 0 : i32
    %dma_start3A_47 = tpu.memref_slice %arg6[%dma_start3A, %dma_start3A_40, %dma_start3A_46] : memref<3x1x32xi32, #tpu.memory_space<vmem>> -> memref<1x1x32xi32, #tpu.memory_space<vmem>>
    %dma_start3A_48 = tpu.memref_squeeze %dma_start3A_47 : memref<1x1x32xi32, #tpu.memory_space<vmem>> -> memref<32xi32, #tpu.memory_space<vmem>>
    %dma_start3A_49 = arith.constant 0 : i32
    %dma_start3A_50 = arith.constant 0 : i32
    %dma_start3A_51 = tpu.memref_slice %arg9[%dma_start3A_49, %dma_start3A_50] : memref<5128x128xf32, #tpu.memory_space<vmem_shared>> -> memref<5128x128xf32, #tpu.memory_space<vmem_shared>>
    tpu.enqueue_indirect_dma source(%dma_start3A_51 : memref<5128x128xf32, #tpu.memory_space<vmem_shared>>) target(%dma_start3A_45 : memref<32x128xf32, #tpu.memory_space<vmem>>) offsets(%dma_start3A_48 : memref<32xi32, #tpu.memory_space<vmem>>) semaphore(%arg14 : memref<!tpu.dma_semaphore, #tpu.memory_space<semaphore_mem>>)
    %scan3A_52 = arith.constant 0 : i32
    %scan3A_53 = arith.constant 640 : i32
    %scan3A_54 = arith.addi %scan3A_52, %scan3A_53 : i32
    %scan3A_55 = arith.constant 1 : i32
    scf.for %scan3A_65 = %scan3A_52 to %scan3A_54 step %scan3A_55  : i32 {
      %mul3A_66 = arith.constant 1 : i32
      %mul3A_67 = arith.muli %scan3A_65, %mul3A_66 : i32
      %add3A_68 = arith.constant 0 : i32
      %add3A_69 = arith.addi %add3A_68, %mul3A_67 : i32
      %jit3A = arith.constant 6 : i32
      %eq3A_70 = arith.constant 0 : i32
      %eq3A_71 = arith.cmpi eq, %jit3A, %eq3A_70 : i32
      %jit3A_72 = arith.constant 1 : i32
      %select_n3A = arith.select %eq3A_71, %jit3A_72, %jit3A : i32
      %rem3A = arith.remsi %add3A_69, %select_n3A : i32
      %ne3A = arith.constant 0 : i32
      %ne3A_73 = arith.cmpi ne, %rem3A, %ne3A : i32
      %lt3A = arith.constant 0 : i32
      %lt3A_74 = arith.cmpi slt, %rem3A, %lt3A : i32
      %lt3A_75 = arith.constant 0 : i32
      %lt3A_76 = arith.cmpi slt, %select_n3A, %lt3A_75 : i32
      %ne3A_77 = arith.xori %lt3A_74, %lt3A_76 : i1
      %and3A_78 = arith.andi %ne3A_77, %ne3A_73 : i1
      %add3A_79 = arith.addi %rem3A, %select_n3A : i32
      %select_n3A_80 = arith.select %and3A_78, %add3A_79, %rem3A : i32
      %eq3A_81 = arith.constant 0 : i32
      %eq3A_82 = arith.cmpi eq, %select_n3A_80, %eq3A_81 : i32
      %convert_element_type3A_83 = arith.extui %eq3A_82 : i1 to i32
      %cond3A_84 = arith.constant 0 : i32
      %cond3A_85 = arith.cmpi ne, %convert_element_type3A_83, %cond3A_84 : i32
      scf.if %cond3A_85 {
        %ge3A = arith.constant 1 : i32
        %ge3A_191 = arith.cmpi sge, %add3A_69, %ge3A : i32
        %add3A_192 = arith.constant 1 : i32
        %add3A_193 = arith.addi %add3A_69, %add3A_192 : i32
        %le3A = arith.constant 639 : i32
        %le3A_194 = arith.cmpi sle, %add3A_193, %le3A : i32
        %and3A_195 = arith.andi %ge3A_191, %le3A_194 : i1
        %convert_element_type3A_196 = arith.extui %and3A_195 : i1 to i32
        %cond3A_197 = arith.constant 0 : i32
        %cond3A_198 = arith.cmpi ne, %convert_element_type3A_196, %cond3A_197 : i32
        scf.if %cond3A_198 {
          %dma_wait3A_228 = arith.constant 1 : i32
          %dma_wait3A_229 = arith.constant 0 : i32
          %dma_wait3A_230 = arith.constant 0 : i32
          %dma_wait3A_231 = tpu.memref_slice %arg6[%dma_wait3A_228, %dma_wait3A_229, %dma_wait3A_230] : memref<3x1x32xi32, #tpu.memory_space<vmem>> -> memref<1x1x32xi32, #tpu.memory_space<vmem>>
          %dma_wait3A_232 = arith.constant 0 : i32
          %dma_wait3A_233 = arith.constant 0 : i32
          %dma_wait3A_234 = tpu.memref_slice %arg3[%mul3A_21, %dma_wait3A_232, %dma_wait3A_233] : memref<10240x1x32xi32, #tpu.memory_space<hbm>> -> memref<1x1x32xi32, #tpu.memory_space<hbm>>
          %dma_wait3A_235 = arith.constant 1 : i32
          %dma_wait3A_236 = arith.constant 0 : i32
          %dma_wait3A_237 = arith.constant 0 : i32
          %dma_wait3A_238 = tpu.memref_slice %arg6[%dma_wait3A_235, %dma_wait3A_236, %dma_wait3A_237] : memref<3x1x32xi32, #tpu.memory_space<vmem>> -> memref<1x1x32xi32, #tpu.memory_space<vmem>>
          %dma_wait3A_239 = arith.constant 0 : i32
          %dma_wait3A_240 = arith.constant 0 : i32
          %dma_wait3A_241 = tpu.memref_slice %arg3[%mul3A_21, %dma_wait3A_239, %dma_wait3A_240] : memref<10240x1x32xi32, #tpu.memory_space<hbm>> -> memref<1x1x32xi32, #tpu.memory_space<hbm>>
          tpu.wait_dma2 semaphore(%arg12 : memref<!tpu.dma_semaphore, #tpu.memory_space<semaphore_mem>>) src(%dma_wait3A_241 : memref<1x1x32xi32, #tpu.memory_space<hbm>>) dst(%dma_wait3A_238 : memref<1x1x32xi32, #tpu.memory_space<vmem>>)
          %dma_wait3A_242 = arith.constant 1 : i32
          %dma_wait3A_243 = arith.constant 0 : i32
          %dma_wait3A_244 = arith.constant 0 : i32
          %dma_wait3A_245 = tpu.memref_slice %arg7[%dma_wait3A_242, %dma_wait3A_243, %dma_wait3A_244] : memref<3x1x32xi32, #tpu.memory_space<vmem>> -> memref<1x1x32xi32, #tpu.memory_space<vmem>>
          %dma_wait3A_246 = arith.constant 0 : i32
          %dma_wait3A_247 = arith.constant 0 : i32
          %dma_wait3A_248 = tpu.memref_slice %arg4[%mul3A_21, %dma_wait3A_246, %dma_wait3A_247] : memref<10240x1x32xi32, #tpu.memory_space<hbm>> -> memref<1x1x32xi32, #tpu.memory_space<hbm>>
          %dma_wait3A_249 = arith.constant 1 : i32
          %dma_wait3A_250 = arith.constant 0 : i32
          %dma_wait3A_251 = arith.constant 0 : i32
          %dma_wait3A_252 = tpu.memref_slice %arg7[%dma_wait3A_249, %dma_wait3A_250, %dma_wait3A_251] : memref<3x1x32xi32, #tpu.memory_space<vmem>> -> memref<1x1x32xi32, #tpu.memory_space<vmem>>
          %dma_wait3A_253 = arith.constant 0 : i32
          %dma_wait3A_254 = arith.constant 0 : i32
          %dma_wait3A_255 = tpu.memref_slice %arg4[%mul3A_21, %dma_wait3A_253, %dma_wait3A_254] : memref<10240x1x32xi32, #tpu.memory_space<hbm>> -> memref<1x1x32xi32, #tpu.memory_space<hbm>>
          tpu.wait_dma2 semaphore(%arg12 : memref<!tpu.dma_semaphore, #tpu.memory_space<semaphore_mem>>) src(%dma_wait3A_255 : memref<1x1x32xi32, #tpu.memory_space<hbm>>) dst(%dma_wait3A_252 : memref<1x1x32xi32, #tpu.memory_space<vmem>>)
        } else {
        }
        %add3A_199 = arith.constant 1 : i32
        %add3A_200 = arith.addi %add3A_69, %add3A_199 : i32
        %le3A_201 = arith.constant 639 : i32
        %le3A_202 = arith.cmpi sle, %add3A_200, %le3A_201 : i32
        %convert_element_type3A_203 = arith.extui %le3A_202 : i1 to i32
        %cond3A_204 = arith.constant 0 : i32
        %cond3A_205 = arith.cmpi ne, %convert_element_type3A_203, %cond3A_204 : i32
        scf.if %cond3A_205 {
          %scan3A_228 = arith.constant 0 : i32
          %scan3A_229 = arith.constant 2 : i32
          %scan3A_230 = arith.addi %scan3A_228, %scan3A_229 : i32
          %scan3A_231 = arith.constant 1 : i32
          scf.for %scan3A_246 = %scan3A_228 to %scan3A_230 step %scan3A_231  : i32 {
            %mul3A_247 = arith.constant 1 : i32
            %mul3A_248 = arith.muli %scan3A_246, %mul3A_247 : i32
            %add3A_249 = arith.constant 0 : i32
            %add3A_250 = arith.addi %add3A_249, %mul3A_248 : i32
            %mul3A_251 = arith.constant 16 : i32
            %mul3A_252 = arith.muli %add3A_250, %mul3A_251 : i32
            %get3A = arith.constant 1 : i32
            %get3A_253 = arith.constant 0 : i32
            %get3A_254 = arith.index_cast %get3A : i32 to index
            %get3A_255 = arith.index_cast %get3A_253 : i32 to index
            %get3A_256 = arith.index_cast %mul3A_252 : i32 to index
            %get3A_257 = tpu.vector_load %arg6[%get3A_254, %get3A_255, %get3A_256] {strides = array<i32>} : memref<3x1x32xi32, #tpu.memory_space<vmem>>, vector<1x1x16xi32>,
            %get3A_258 = vector.shape_cast %get3A_257 : vector<1x1x16xi32> to vector<16xi32>
            %sub3A = vector.broadcast %mul3A_0 : i32 to vector<16xi32>
            %sub3A_259 = arith.subi %get3A_258, %sub3A : vector<16xi32>
            %lt3A_260 = arith.constant 5120 : i32
            %lt3A_261 = vector.broadcast %lt3A_260 : i32 to vector<16xi32>
            %lt3A_262 = arith.cmpi ult, %sub3A_259, %lt3A_261 : vector<16xi32>
            %select_n3A_263 = arith.select %lt3A_262, %sub3A_259, %add3A_34 : vector<16xi1>, vector<16xi32>
            %mul3A_264 = arith.constant 16 : i32
            %mul3A_265 = arith.muli %add3A_250, %mul3A_264 : i32
            %swap3A = arith.constant 1 : i32
            %swap3A_266 = arith.constant 0 : i32
            %swap3A_267 = arith.index_cast %swap3A : i32 to index
            %swap3A_268 = arith.index_cast %swap3A_266 : i32 to index
            %swap3A_269 = arith.index_cast %mul3A_265 : i32 to index
            %swap3A_270 = tpu.vector_load %arg6[%swap3A_267, %swap3A_268, %swap3A_269] {strides = array<i32>} : memref<3x1x32xi32, #tpu.memory_space<vmem>>, vector<1x1x16xi32>,
            %swap3A_271 = vector.shape_cast %swap3A_270 : vector<1x1x16xi32> to vector<16xi32>
            %swap3A_272 = vector.shape_cast %select_n3A_263 : vector<16xi32> to vector<1x1x16xi32>
            tpu.vector_store %arg6[%swap3A_267, %swap3A_268, %swap3A_269], %swap3A_272 {strides = array<i32>} : memref<3x1x32xi32, #tpu.memory_space<vmem>>, vector<1x1x16xi32>,
          }
          %scan3A_232 = arith.constant 2 : i32
          %dma_start3A_233 = arith.constant 1 : i32
          %dma_start3A_234 = arith.constant 0 : i32
          %dma_start3A_235 = arith.constant 1 : i32
          %dma_start3A_236 = arith.constant 0 : i32
          %dma_start3A_237 = arith.constant 0 : i32
          %dma_start3A_238 = tpu.memref_slice %arg8[%dma_start3A_235, %dma_start3A_236, %dma_start3A_237] : memref<2x32x128xf32, #tpu.memory_space<vmem>> -> memref<1x32x128xf32, #tpu.memory_space<vmem>>
          %dma_start3A_239 = tpu.memref_squeeze %dma_start3A_238 : memref<1x32x128xf32, #tpu.memory_space<vmem>> -> memref<32x128xf32, #tpu.memory_space<vmem>>
          %dma_start3A_240 = arith.constant 0 : i32
          %dma_start3A_241 = tpu.memref_slice %arg6[%dma_start3A_233, %dma_start3A_234, %dma_start3A_240] : memref<3x1x32xi32, #tpu.memory_space<vmem>> -> memref<1x1x32xi32, #tpu.memory_space<vmem>>
          %dma_start3A_242 = tpu.memref_squeeze %dma_start3A_241 : memref<1x1x32xi32, #tpu.memory_space<vmem>> -> memref<32xi32, #tpu.memory_space<vmem>>
          %dma_start3A_243 = arith.constant 0 : i32
          %dma_start3A_244 = arith.constant 0 : i32
          %dma_start3A_245 = tpu.memref_slice %arg9[%dma_start3A_243, %dma_start3A_244] : memref<5128x128xf32, #tpu.memory_space<vmem_shared>> -> memref<5128x128xf32, #tpu.memory_space<vmem_shared>>
          tpu.enqueue_indirect_dma source(%dma_start3A_245 : memref<5128x128xf32, #tpu.memory_space<vmem_shared>>) target(%dma_start3A_239 : memref<32x128xf32, #tpu.memory_space<vmem>>) offsets(%dma_start3A_242 : memref<32xi32, #tpu.memory_space<vmem>>) semaphore(%arg15 : memref<!tpu.dma_semaphore, #tpu.memory_space<semaphore_mem>>)
        } else {
        }
        %add3A_206 = arith.constant 2 : i32
        %add3A_207 = arith.addi %add3A_69, %add3A_206 : i32
        %le3A_208 = arith.constant 639 : i32
        %le3A_209 = arith.cmpi sle, %add3A_207, %le3A_208 : i32
        %convert_element_type3A_210 = arith.extui %le3A_209 : i1 to i32
        %cond3A_211 = arith.constant 0 : i32
        %cond3A_212 = arith.cmpi ne, %convert_element_type3A_210, %cond3A_211 : i32
        scf.if %cond3A_212 {
          %add3A_228 = arith.addi %mul3A_21, %add3A_69 : i32
          %add3A_229 = arith.constant 2 : i32
          %add3A_230 = arith.addi %add3A_228, %add3A_229 : i32
          %dma_start3A_231 = arith.constant 2 : i32
          %dma_start3A_232 = arith.constant 0 : i32
          %dma_start3A_233 = arith.constant 0 : i32
          %dma_start3A_234 = tpu.memref_slice %arg6[%dma_start3A_231, %dma_start3A_232, %dma_start3A_233] : memref<3x1x32xi32, #tpu.memory_space<vmem>> -> memref<1x1x32xi32, #tpu.memory_space<vmem>>
          %dma_start3A_235 = arith.constant 0 : i32
          %dma_start3A_236 = arith.constant 0 : i32
          %dma_start3A_237 = tpu.memref_slice %arg3[%add3A_230, %dma_start3A_235, %dma_start3A_236] : memref<10240x1x32xi32, #tpu.memory_space<hbm>> -> memref<1x1x32xi32, #tpu.memory_space<hbm>>
          %dma_start3A_238 = arith.constant 2 : i32
          %dma_start3A_239 = arith.constant 0 : i32
          %dma_start3A_240 = arith.constant 0 : i32
          %dma_start3A_241 = tpu.memref_slice %arg6[%dma_start3A_238, %dma_start3A_239, %dma_start3A_240] : memref<3x1x32xi32, #tpu.memory_space<vmem>> -> memref<1x1x32xi32, #tpu.memory_space<vmem>>
          %dma_start3A_242 = arith.constant 0 : i32
          %dma_start3A_243 = arith.constant 0 : i32
          %dma_start3A_244 = tpu.memref_slice %arg3[%add3A_230, %dma_start3A_242, %dma_start3A_243] : memref<10240x1x32xi32, #tpu.memory_space<hbm>> -> memref<1x1x32xi32, #tpu.memory_space<hbm>>
          tpu.enqueue_dma source(%dma_start3A_244 : memref<1x1x32xi32, #tpu.memory_space<hbm>>) target(%dma_start3A_241 : memref<1x1x32xi32, #tpu.memory_space<vmem>>) target_semaphore(%arg13 : memref<!tpu.dma_semaphore, #tpu.memory_space<semaphore_mem>>)
          %add3A_245 = arith.addi %mul3A_21, %add3A_69 : i32
          %add3A_246 = arith.constant 2 : i32
          %add3A_247 = arith.addi %add3A_245, %add3A_246 : i32
          %dma_start3A_248 = arith.constant 2 : i32
          %dma_start3A_249 = arith.constant 0 : i32
          %dma_start3A_250 = arith.constant 0 : i32
          %dma_start3A_251 = tpu.memref_slice %arg7[%dma_start3A_248, %dma_start3A_249, %dma_start3A_250] : memref<3x1x32xi32, #tpu.memory_space<vmem>> -> memref<1x1x32xi32, #tpu.memory_space<vmem>>
          %dma_start3A_252 = arith.constant 0 : i32
          %dma_start3A_253 = arith.constant 0 : i32
          %dma_start3A_254 = tpu.memref_slice %arg4[%add3A_247, %dma_start3A_252, %dma_start3A_253] : memref<10240x1x32xi32, #tpu.memory_space<hbm>> -> memref<1x1x32xi32, #tpu.memory_space<hbm>>
          %dma_start3A_255 = arith.constant 2 : i32
          %dma_start3A_256 = arith.constant 0 : i32
          %dma_start3A_257 = arith.constant 0 : i32
          %dma_start3A_258 = tpu.memref_slice %arg7[%dma_start3A_255, %dma_start3A_256, %dma_start3A_257] : memref<3x1x32xi32, #tpu.memory_space<vmem>> -> memref<1x1x32xi32, #tpu.memory_space<vmem>>
          %dma_start3A_259 = arith.constant 0 : i32
          %dma_start3A_260 = arith.constant 0 : i32
          %dma_start3A_261 = tpu.memref_slice %arg4[%add3A_247, %dma_start3A_259, %dma_start3A_260] : memref<10240x1x32xi32, #tpu.memory_space<hbm>> -> memref<1x1x32xi32, #tpu.memory_space<hbm>>
          tpu.enqueue_dma source(%dma_start3A_261 : memref<1x1x32xi32, #tpu.memory_space<hbm>>) target(%dma_start3A_258 : memref<1x1x32xi32, #tpu.memory_space<vmem>>) target_semaphore(%arg13 : memref<!tpu.dma_semaphore, #tpu.memory_space<semaphore_mem>>)
        } else {
        }
        %dma_wait3A = arith.constant 0 : i32
        %dma_wait3A_213 = arith.constant 0 : i32
        %dma_wait3A_214 = arith.constant 0 : i32
        %dma_wait3A_215 = arith.constant 0 : i32
        %dma_wait3A_216 = arith.constant 0 : i32
        %dma_wait3A_217 = tpu.memref_slice %arg8[%dma_wait3A_214, %dma_wait3A_215, %dma_wait3A_216] : memref<2x32x128xf32, #tpu.memory_space<vmem>> -> memref<1x32x128xf32, #tpu.memory_space<vmem>>
        %dma_wait3A_218 = tpu.memref_squeeze %dma_wait3A_217 : memref<1x32x128xf32, #tpu.memory_space<vmem>> -> memref<32x128xf32, #tpu.memory_space<vmem>>
        %dma_wait3A_219 = arith.constant 0 : i32
        %dma_wait3A_220 = tpu.memref_slice %arg6[%dma_wait3A, %dma_wait3A_213, %dma_wait3A_219] : memref<3x1x32xi32, #tpu.memory_space<vmem>> -> memref<1x1x32xi32, #tpu.memory_space<vmem>>
        %dma_wait3A_221 = tpu.memref_squeeze %dma_wait3A_220 : memref<1x1x32xi32, #tpu.memory_space<vmem>> -> memref<32xi32, #tpu.memory_space<vmem>>
        %dma_wait3A_222 = arith.constant 0 : i32
        %dma_wait3A_223 = arith.constant 0 : i32
        %dma_wait3A_224 = tpu.memref_slice %arg9[%dma_wait3A_222, %dma_wait3A_223] : memref<5128x128xf32, #tpu.memory_space<vmem_shared>> -> memref<5128x128xf32, #tpu.memory_space<vmem_shared>>
        tpu.wait_indirect_dma semaphore(%arg14 : memref<!tpu.dma_semaphore, #tpu.memory_space<semaphore_mem>>) src(%dma_wait3A_224 : memref<5128x128xf32, #tpu.memory_space<vmem_shared>>) dst(%dma_wait3A_218 : memref<32x128xf32, #tpu.memory_space<vmem>>)
        %run_scoped3A_225 = arith.constant 0 : i32
        %run_scoped3A_226 = arith.constant 0 : i32
        %run_scoped3A_227 = arith.constant 0 : i32
        "tpu.region"() ({
          %run_scoped3A_228 = tpu.sem_alloc : memref<!tpu.dma_semaphore, #tpu.memory_space<semaphore_mem>>
          %dma_start3A_229 = arith.constant 0 : i32
          %dma_start3A_230 = arith.constant 0 : i32
          %dma_start3A_231 = tpu.memref_slice %arg8[%run_scoped3A_225, %dma_start3A_229, %dma_start3A_230] : memref<2x32x128xf32, #tpu.memory_space<vmem>> -> memref<1x32x128xf32, #tpu.memory_space<vmem>>
          %dma_start3A_232 = tpu.memref_squeeze %dma_start3A_231 : memref<1x32x128xf32, #tpu.memory_space<vmem>> -> memref<32x128xf32, #tpu.memory_space<vmem>>
          %dma_start3A_233 = arith.constant 0 : i32
          %dma_start3A_234 = tpu.memref_slice %arg7[%run_scoped3A_226, %run_scoped3A_227, %dma_start3A_233] : memref<3x1x32xi32, #tpu.memory_space<vmem>> -> memref<1x1x32xi32, #tpu.memory_space<vmem>>
          %dma_start3A_235 = tpu.memref_squeeze %dma_start3A_234 : memref<1x1x32xi32, #tpu.memory_space<vmem>> -> memref<32xi32, #tpu.memory_space<vmem>>
          %dma_start3A_236 = arith.constant 0 : i32
          %dma_start3A_237 = arith.constant 0 : i32
          %dma_start3A_238 = tpu.memref_slice %arg10[%dma_start3A_236, %dma_start3A_237] : memref<10112x128xf32, #tpu.memory_space<vmem_shared>> -> memref<10112x128xf32, #tpu.memory_space<vmem_shared>>
          tpu.enqueue_indirect_dma source(%dma_start3A_232 : memref<32x128xf32, #tpu.memory_space<vmem>>) target(%dma_start3A_238 : memref<10112x128xf32, #tpu.memory_space<vmem_shared>>) offsets(%dma_start3A_235 : memref<32xi32, #tpu.memory_space<vmem>>) semaphore(%run_scoped3A_228 : memref<!tpu.dma_semaphore, #tpu.memory_space<semaphore_mem>>) {add = true}
          %dma_wait3A_239 = arith.constant 0 : i32
          %dma_wait3A_240 = arith.constant 0 : i32
          %dma_wait3A_241 = tpu.memref_slice %arg8[%run_scoped3A_225, %dma_wait3A_239, %dma_wait3A_240] : memref<2x32x128xf32, #tpu.memory_space<vmem>> -> memref<1x32x128xf32, #tpu.memory_space<vmem>>
          %dma_wait3A_242 = tpu.memref_squeeze %dma_wait3A_241 : memref<1x32x128xf32, #tpu.memory_space<vmem>> -> memref<32x128xf32, #tpu.memory_space<vmem>>
          %dma_wait3A_243 = arith.constant 0 : i32
          %dma_wait3A_244 = tpu.memref_slice %arg7[%run_scoped3A_226, %run_scoped3A_227, %dma_wait3A_243] : memref<3x1x32xi32, #tpu.memory_space<vmem>> -> memref<1x1x32xi32, #tpu.memory_space<vmem>>
          %dma_wait3A_245 = tpu.memref_squeeze %dma_wait3A_244 : memref<1x1x32xi32, #tpu.memory_space<vmem>> -> memref<32xi32, #tpu.memory_space<vmem>>
          %dma_wait3A_246 = arith.constant 0 : i32
          %dma_wait3A_247 = arith.constant 0 : i32
          %dma_wait3A_248 = tpu.memref_slice %arg10[%dma_wait3A_246, %dma_wait3A_247] : memref<10112x128xf32, #tpu.memory_space<vmem_shared>> -> memref<10112x128xf32, #tpu.memory_space<vmem_shared>>
          tpu.wait_indirect_dma semaphore(%run_scoped3A_228 : memref<!tpu.dma_semaphore, #tpu.memory_space<semaphore_mem>>) src(%dma_wait3A_242 : memref<32x128xf32, #tpu.memory_space<vmem>>) dst(%dma_wait3A_248 : memref<10112x128xf32, #tpu.memory_space<vmem_shared>>)
          tpu.yield
        }) : () -> ()
      } else {
      }
      %jit3A_86 = arith.constant 6 : i32
      %eq3A_87 = arith.constant 0 : i32
      %eq3A_88 = arith.cmpi eq, %jit3A_86, %eq3A_87 : i32
      %jit3A_89 = arith.constant 1 : i32
      %select_n3A_90 = arith.select %eq3A_88, %jit3A_89, %jit3A_86 : i32
      %rem3A_91 = arith.remsi %add3A_69, %select_n3A_90 : i32
      %ne3A_92 = arith.constant 0 : i32
      %ne3A_93 = arith.cmpi ne, %rem3A_91, %ne3A_92 : i32
      %lt3A_94 = arith.constant 0 : i32
      %lt3A_95 = arith.cmpi slt, %rem3A_91, %lt3A_94 : i32
      %lt3A_96 = arith.constant 0 : i32
      %lt3A_97 = arith.cmpi slt, %select_n3A_90, %lt3A_96 : i32
      %ne3A_98 = arith.xori %lt3A_95, %lt3A_97 : i1
      %and3A_99 = arith.andi %ne3A_98, %ne3A_93 : i1
      %add3A_100 = arith.addi %rem3A_91, %select_n3A_90 : i32
      %select_n3A_101 = arith.select %and3A_99, %add3A_100, %rem3A_91 : i32
      %eq3A_102 = arith.constant 1 : i32
      %eq3A_103 = arith.cmpi eq, %select_n3A_101, %eq3A_102 : i32
      %convert_element_type3A_104 = arith.extui %eq3A_103 : i1 to i32
      %cond3A_105 = arith.constant 0 : i32
      %cond3A_106 = arith.cmpi ne, %convert_element_type3A_104, %cond3A_105 : i32
      scf.if %cond3A_106 {
        %ge3A = arith.constant 1 : i32
        %ge3A_191 = arith.cmpi sge, %add3A_69, %ge3A : i32
        %add3A_192 = arith.constant 1 : i32
        %add3A_193 = arith.addi %add3A_69, %add3A_192 : i32
        %le3A = arith.constant 639 : i32
        %le3A_194 = arith.cmpi sle, %add3A_193, %le3A : i32
        %and3A_195 = arith.andi %ge3A_191, %le3A_194 : i1
        %convert_element_type3A_196 = arith.extui %and3A_195 : i1 to i32
        %cond3A_197 = arith.constant 0 : i32
        %cond3A_198 = arith.cmpi ne, %convert_element_type3A_196, %cond3A_197 : i32
        scf.if %cond3A_198 {
          %dma_wait3A_228 = arith.constant 2 : i32
          %dma_wait3A_229 = arith.constant 0 : i32
          %dma_wait3A_230 = arith.constant 0 : i32
          %dma_wait3A_231 = tpu.memref_slice %arg6[%dma_wait3A_228, %dma_wait3A_229, %dma_wait3A_230] : memref<3x1x32xi32, #tpu.memory_space<vmem>> -> memref<1x1x32xi32, #tpu.memory_space<vmem>>
          %dma_wait3A_232 = arith.constant 0 : i32
          %dma_wait3A_233 = arith.constant 0 : i32
          %dma_wait3A_234 = tpu.memref_slice %arg3[%mul3A_21, %dma_wait3A_232, %dma_wait3A_233] : memref<10240x1x32xi32, #tpu.memory_space<hbm>> -> memref<1x1x32xi32, #tpu.memory_space<hbm>>
          %dma_wait3A_235 = arith.constant 2 : i32
          %dma_wait3A_236 = arith.constant 0 : i32
          %dma_wait3A_237 = arith.constant 0 : i32
          %dma_wait3A_238 = tpu.memref_slice %arg6[%dma_wait3A_235, %dma_wait3A_236, %dma_wait3A_237] : memref<3x1x32xi32, #tpu.memory_space<vmem>> -> memref<1x1x32xi32, #tpu.memory_space<vmem>>
          %dma_wait3A_239 = arith.constant 0 : i32
          %dma_wait3A_240 = arith.constant 0 : i32
          %dma_wait3A_241 = tpu.memref_slice %arg3[%mul3A_21, %dma_wait3A_239, %dma_wait3A_240] : memref<10240x1x32xi32, #tpu.memory_space<hbm>> -> memref<1x1x32xi32, #tpu.memory_space<hbm>>
          tpu.wait_dma2 semaphore(%arg13 : memref<!tpu.dma_semaphore, #tpu.memory_space<semaphore_mem>>) src(%dma_wait3A_241 : memref<1x1x32xi32, #tpu.memory_space<hbm>>) dst(%dma_wait3A_238 : memref<1x1x32xi32, #tpu.memory_space<vmem>>)
          %dma_wait3A_242 = arith.constant 2 : i32
          %dma_wait3A_243 = arith.constant 0 : i32
          %dma_wait3A_244 = arith.constant 0 : i32
          %dma_wait3A_245 = tpu.memref_slice %arg7[%dma_wait3A_242, %dma_wait3A_243, %dma_wait3A_244] : memref<3x1x32xi32, #tpu.memory_space<vmem>> -> memref<1x1x32xi32, #tpu.memory_space<vmem>>
          %dma_wait3A_246 = arith.constant 0 : i32
          %dma_wait3A_247 = arith.constant 0 : i32
          %dma_wait3A_248 = tpu.memref_slice %arg4[%mul3A_21, %dma_wait3A_246, %dma_wait3A_247] : memref<10240x1x32xi32, #tpu.memory_space<hbm>> -> memref<1x1x32xi32, #tpu.memory_space<hbm>>
          %dma_wait3A_249 = arith.constant 2 : i32
          %dma_wait3A_250 = arith.constant 0 : i32
          %dma_wait3A_251 = arith.constant 0 : i32
          %dma_wait3A_252 = tpu.memref_slice %arg7[%dma_wait3A_249, %dma_wait3A_250, %dma_wait3A_251] : memref<3x1x32xi32, #tpu.memory_space<vmem>> -> memref<1x1x32xi32, #tpu.memory_space<vmem>>
          %dma_wait3A_253 = arith.constant 0 : i32
          %dma_wait3A_254 = arith.constant 0 : i32
          %dma_wait3A_255 = tpu.memref_slice %arg4[%mul3A_21, %dma_wait3A_253, %dma_wait3A_254] : memref<10240x1x32xi32, #tpu.memory_space<hbm>> -> memref<1x1x32xi32, #tpu.memory_space<hbm>>
          tpu.wait_dma2 semaphore(%arg13 : memref<!tpu.dma_semaphore, #tpu.memory_space<semaphore_mem>>) src(%dma_wait3A_255 : memref<1x1x32xi32, #tpu.memory_space<hbm>>) dst(%dma_wait3A_252 : memref<1x1x32xi32, #tpu.memory_space<vmem>>)
        } else {
        }
        %add3A_199 = arith.constant 1 : i32
        %add3A_200 = arith.addi %add3A_69, %add3A_199 : i32
        %le3A_201 = arith.constant 639 : i32
        %le3A_202 = arith.cmpi sle, %add3A_200, %le3A_201 : i32
        %convert_element_type3A_203 = arith.extui %le3A_202 : i1 to i32
        %cond3A_204 = arith.constant 0 : i32
        %cond3A_205 = arith.cmpi ne, %convert_element_type3A_203, %cond3A_204 : i32
        scf.if %cond3A_205 {
          %scan3A_228 = arith.constant 0 : i32
          %scan3A_229 = arith.constant 2 : i32
          %scan3A_230 = arith.addi %scan3A_228, %scan3A_229 : i32
          %scan3A_231 = arith.constant 1 : i32
          scf.for %scan3A_246 = %scan3A_228 to %scan3A_230 step %scan3A_231  : i32 {
            %mul3A_247 = arith.constant 1 : i32
            %mul3A_248 = arith.muli %scan3A_246, %mul3A_247 : i32
            %add3A_249 = arith.constant 0 : i32
            %add3A_250 = arith.addi %add3A_249, %mul3A_248 : i32
            %mul3A_251 = arith.constant 16 : i32
            %mul3A_252 = arith.muli %add3A_250, %mul3A_251 : i32
            %get3A = arith.constant 2 : i32
            %get3A_253 = arith.constant 0 : i32
            %get3A_254 = arith.index_cast %get3A : i32 to index
            %get3A_255 = arith.index_cast %get3A_253 : i32 to index
            %get3A_256 = arith.index_cast %mul3A_252 : i32 to index
            %get3A_257 = tpu.vector_load %arg6[%get3A_254, %get3A_255, %get3A_256] {strides = array<i32>} : memref<3x1x32xi32, #tpu.memory_space<vmem>>, vector<1x1x16xi32>,
            %get3A_258 = vector.shape_cast %get3A_257 : vector<1x1x16xi32> to vector<16xi32>
            %sub3A = vector.broadcast %mul3A_0 : i32 to vector<16xi32>
            %sub3A_259 = arith.subi %get3A_258, %sub3A : vector<16xi32>
            %lt3A_260 = arith.constant 5120 : i32
            %lt3A_261 = vector.broadcast %lt3A_260 : i32 to vector<16xi32>
            %lt3A_262 = arith.cmpi ult, %sub3A_259, %lt3A_261 : vector<16xi32>
            %select_n3A_263 = arith.select %lt3A_262, %sub3A_259, %add3A_34 : vector<16xi1>, vector<16xi32>
            %mul3A_264 = arith.constant 16 : i32
            %mul3A_265 = arith.muli %add3A_250, %mul3A_264 : i32
            %swap3A = arith.constant 2 : i32
            %swap3A_266 = arith.constant 0 : i32
            %swap3A_267 = arith.index_cast %swap3A : i32 to index
            %swap3A_268 = arith.index_cast %swap3A_266 : i32 to index
            %swap3A_269 = arith.index_cast %mul3A_265 : i32 to index
            %swap3A_270 = tpu.vector_load %arg6[%swap3A_267, %swap3A_268, %swap3A_269] {strides = array<i32>} : memref<3x1x32xi32, #tpu.memory_space<vmem>>, vector<1x1x16xi32>,
            %swap3A_271 = vector.shape_cast %swap3A_270 : vector<1x1x16xi32> to vector<16xi32>
            %swap3A_272 = vector.shape_cast %select_n3A_263 : vector<16xi32> to vector<1x1x16xi32>
            tpu.vector_store %arg6[%swap3A_267, %swap3A_268, %swap3A_269], %swap3A_272 {strides = array<i32>} : memref<3x1x32xi32, #tpu.memory_space<vmem>>, vector<1x1x16xi32>,
          }
          %scan3A_232 = arith.constant 2 : i32
          %dma_start3A_233 = arith.constant 2 : i32
          %dma_start3A_234 = arith.constant 0 : i32
          %dma_start3A_235 = arith.constant 0 : i32
          %dma_start3A_236 = arith.constant 0 : i32
          %dma_start3A_237 = arith.constant 0 : i32
          %dma_start3A_238 = tpu.memref_slice %arg8[%dma_start3A_235, %dma_start3A_236, %dma_start3A_237] : memref<2x32x128xf32, #tpu.memory_space<vmem>> -> memref<1x32x128xf32, #tpu.memory_space<vmem>>
          %dma_start3A_239 = tpu.memref_squeeze %dma_start3A_238 : memref<1x32x128xf32, #tpu.memory_space<vmem>> -> memref<32x128xf32, #tpu.memory_space<vmem>>
          %dma_start3A_240 = arith.constant 0 : i32
          %dma_start3A_241 = tpu.memref_slice %arg6[%dma_start3A_233, %dma_start3A_234, %dma_start3A_240] : memref<3x1x32xi32, #tpu.memory_space<vmem>> -> memref<1x1x32xi32, #tpu.memory_space<vmem>>
          %dma_start3A_242 = tpu.memref_squeeze %dma_start3A_241 : memref<1x1x32xi32, #tpu.memory_space<vmem>> -> memref<32xi32, #tpu.memory_space<vmem>>
          %dma_start3A_243 = arith.constant 0 : i32
          %dma_start3A_244 = arith.constant 0 : i32
          %dma_start3A_245 = tpu.memref_slice %arg9[%dma_start3A_243, %dma_start3A_244] : memref<5128x128xf32, #tpu.memory_space<vmem_shared>> -> memref<5128x128xf32, #tpu.memory_space<vmem_shared>>
          tpu.enqueue_indirect_dma source(%dma_start3A_245 : memref<5128x128xf32, #tpu.memory_space<vmem_shared>>) target(%dma_start3A_239 : memref<32x128xf32, #tpu.memory_space<vmem>>) offsets(%dma_start3A_242 : memref<32xi32, #tpu.memory_space<vmem>>) semaphore(%arg14 : memref<!tpu.dma_semaphore, #tpu.memory_space<semaphore_mem>>)
        } else {
        }
        %add3A_206 = arith.constant 2 : i32
        %add3A_207 = arith.addi %add3A_69, %add3A_206 : i32
        %le3A_208 = arith.constant 639 : i32
        %le3A_209 = arith.cmpi sle, %add3A_207, %le3A_208 : i32
        %convert_element_type3A_210 = arith.extui %le3A_209 : i1 to i32
        %cond3A_211 = arith.constant 0 : i32
        %cond3A_212 = arith.cmpi ne, %convert_element_type3A_210, %cond3A_211 : i32
        scf.if %cond3A_212 {
          %add3A_228 = arith.addi %mul3A_21, %add3A_69 : i32
          %add3A_229 = arith.constant 2 : i32
          %add3A_230 = arith.addi %add3A_228, %add3A_229 : i32
          %dma_start3A_231 = arith.constant 0 : i32
          %dma_start3A_232 = arith.constant 0 : i32
          %dma_start3A_233 = arith.constant 0 : i32
          %dma_start3A_234 = tpu.memref_slice %arg6[%dma_start3A_231, %dma_start3A_232, %dma_start3A_233] : memref<3x1x32xi32, #tpu.memory_space<vmem>> -> memref<1x1x32xi32, #tpu.memory_space<vmem>>
          %dma_start3A_235 = arith.constant 0 : i32
          %dma_start3A_236 = arith.constant 0 : i32
          %dma_start3A_237 = tpu.memref_slice %arg3[%add3A_230, %dma_start3A_235, %dma_start3A_236] : memref<10240x1x32xi32, #tpu.memory_space<hbm>> -> memref<1x1x32xi32, #tpu.memory_space<hbm>>
          %dma_start3A_238 = arith.constant 0 : i32
          %dma_start3A_239 = arith.constant 0 : i32
          %dma_start3A_240 = arith.constant 0 : i32
          %dma_start3A_241 = tpu.memref_slice %arg6[%dma_start3A_238, %dma_start3A_239, %dma_start3A_240] : memref<3x1x32xi32, #tpu.memory_space<vmem>> -> memref<1x1x32xi32, #tpu.memory_space<vmem>>
          %dma_start3A_242 = arith.constant 0 : i32
          %dma_start3A_243 = arith.constant 0 : i32
          %dma_start3A_244 = tpu.memref_slice %arg3[%add3A_230, %dma_start3A_242, %dma_start3A_243] : memref<10240x1x32xi32, #tpu.memory_space<hbm>> -> memref<1x1x32xi32, #tpu.memory_space<hbm>>
          tpu.enqueue_dma source(%dma_start3A_244 : memref<1x1x32xi32, #tpu.memory_space<hbm>>) target(%dma_start3A_241 : memref<1x1x32xi32, #tpu.memory_space<vmem>>) target_semaphore(%arg11 : memref<!tpu.dma_semaphore, #tpu.memory_space<semaphore_mem>>)
          %add3A_245 = arith.addi %mul3A_21, %add3A_69 : i32
          %add3A_246 = arith.constant 2 : i32
          %add3A_247 = arith.addi %add3A_245, %add3A_246 : i32
          %dma_start3A_248 = arith.constant 0 : i32
          %dma_start3A_249 = arith.constant 0 : i32
          %dma_start3A_250 = arith.constant 0 : i32
          %dma_start3A_251 = tpu.memref_slice %arg7[%dma_start3A_248, %dma_start3A_249, %dma_start3A_250] : memref<3x1x32xi32, #tpu.memory_space<vmem>> -> memref<1x1x32xi32, #tpu.memory_space<vmem>>
          %dma_start3A_252 = arith.constant 0 : i32
          %dma_start3A_253 = arith.constant 0 : i32
          %dma_start3A_254 = tpu.memref_slice %arg4[%add3A_247, %dma_start3A_252, %dma_start3A_253] : memref<10240x1x32xi32, #tpu.memory_space<hbm>> -> memref<1x1x32xi32, #tpu.memory_space<hbm>>
          %dma_start3A_255 = arith.constant 0 : i32
          %dma_start3A_256 = arith.constant 0 : i32
          %dma_start3A_257 = arith.constant 0 : i32
          %dma_start3A_258 = tpu.memref_slice %arg7[%dma_start3A_255, %dma_start3A_256, %dma_start3A_257] : memref<3x1x32xi32, #tpu.memory_space<vmem>> -> memref<1x1x32xi32, #tpu.memory_space<vmem>>
          %dma_start3A_259 = arith.constant 0 : i32
          %dma_start3A_260 = arith.constant 0 : i32
          %dma_start3A_261 = tpu.memref_slice %arg4[%add3A_247, %dma_start3A_259, %dma_start3A_260] : memref<10240x1x32xi32, #tpu.memory_space<hbm>> -> memref<1x1x32xi32, #tpu.memory_space<hbm>>
          tpu.enqueue_dma source(%dma_start3A_261 : memref<1x1x32xi32, #tpu.memory_space<hbm>>) target(%dma_start3A_258 : memref<1x1x32xi32, #tpu.memory_space<vmem>>) target_semaphore(%arg11 : memref<!tpu.dma_semaphore, #tpu.memory_space<semaphore_mem>>)
        } else {
        }
        %dma_wait3A = arith.constant 1 : i32
        %dma_wait3A_213 = arith.constant 0 : i32
        %dma_wait3A_214 = arith.constant 1 : i32
        %dma_wait3A_215 = arith.constant 0 : i32
        %dma_wait3A_216 = arith.constant 0 : i32
        %dma_wait3A_217 = tpu.memref_slice %arg8[%dma_wait3A_214, %dma_wait3A_215, %dma_wait3A_216] : memref<2x32x128xf32, #tpu.memory_space<vmem>> -> memref<1x32x128xf32, #tpu.memory_space<vmem>>
        %dma_wait3A_218 = tpu.memref_squeeze %dma_wait3A_217 : memref<1x32x128xf32, #tpu.memory_space<vmem>> -> memref<32x128xf32, #tpu.memory_space<vmem>>
        %dma_wait3A_219 = arith.constant 0 : i32
        %dma_wait3A_220 = tpu.memref_slice %arg6[%dma_wait3A, %dma_wait3A_213, %dma_wait3A_219] : memref<3x1x32xi32, #tpu.memory_space<vmem>> -> memref<1x1x32xi32, #tpu.memory_space<vmem>>
        %dma_wait3A_221 = tpu.memref_squeeze %dma_wait3A_220 : memref<1x1x32xi32, #tpu.memory_space<vmem>> -> memref<32xi32, #tpu.memory_space<vmem>>
        %dma_wait3A_222 = arith.constant 0 : i32
        %dma_wait3A_223 = arith.constant 0 : i32
        %dma_wait3A_224 = tpu.memref_slice %arg9[%dma_wait3A_222, %dma_wait3A_223] : memref<5128x128xf32, #tpu.memory_space<vmem_shared>> -> memref<5128x128xf32, #tpu.memory_space<vmem_shared>>
        tpu.wait_indirect_dma semaphore(%arg15 : memref<!tpu.dma_semaphore, #tpu.memory_space<semaphore_mem>>) src(%dma_wait3A_224 : memref<5128x128xf32, #tpu.memory_space<vmem_shared>>) dst(%dma_wait3A_218 : memref<32x128xf32, #tpu.memory_space<vmem>>)
        %run_scoped3A_225 = arith.constant 1 : i32
        %run_scoped3A_226 = arith.constant 1 : i32
        %run_scoped3A_227 = arith.constant 0 : i32
        "tpu.region"() ({
          %run_scoped3A_228 = tpu.sem_alloc : memref<!tpu.dma_semaphore, #tpu.memory_space<semaphore_mem>>
          %dma_start3A_229 = arith.constant 0 : i32
          %dma_start3A_230 = arith.constant 0 : i32
          %dma_start3A_231 = tpu.memref_slice %arg8[%run_scoped3A_225, %dma_start3A_229, %dma_start3A_230] : memref<2x32x128xf32, #tpu.memory_space<vmem>> -> memref<1x32x128xf32, #tpu.memory_space<vmem>>
          %dma_start3A_232 = tpu.memref_squeeze %dma_start3A_231 : memref<1x32x128xf32, #tpu.memory_space<vmem>> -> memref<32x128xf32, #tpu.memory_space<vmem>>
          %dma_start3A_233 = arith.constant 0 : i32
          %dma_start3A_234 = tpu.memref_slice %arg7[%run_scoped3A_226, %run_scoped3A_227, %dma_start3A_233] : memref<3x1x32xi32, #tpu.memory_space<vmem>> -> memref<1x1x32xi32, #tpu.memory_space<vmem>>
          %dma_start3A_235 = tpu.memref_squeeze %dma_start3A_234 : memref<1x1x32xi32, #tpu.memory_space<vmem>> -> memref<32xi32, #tpu.memory_space<vmem>>
          %dma_start3A_236 = arith.constant 0 : i32
          %dma_start3A_237 = arith.constant 0 : i32
          %dma_start3A_238 = tpu.memref_slice %arg10[%dma_start3A_236, %dma_start3A_237] : memref<10112x128xf32, #tpu.memory_space<vmem_shared>> -> memref<10112x128xf32, #tpu.memory_space<vmem_shared>>
          tpu.enqueue_indirect_dma source(%dma_start3A_232 : memref<32x128xf32, #tpu.memory_space<vmem>>) target(%dma_start3A_238 : memref<10112x128xf32, #tpu.memory_space<vmem_shared>>) offsets(%dma_start3A_235 : memref<32xi32, #tpu.memory_space<vmem>>) semaphore(%run_scoped3A_228 : memref<!tpu.dma_semaphore, #tpu.memory_space<semaphore_mem>>) {add = true}
          %dma_wait3A_239 = arith.constant 0 : i32
          %dma_wait3A_240 = arith.constant 0 : i32
          %dma_wait3A_241 = tpu.memref_slice %arg8[%run_scoped3A_225, %dma_wait3A_239, %dma_wait3A_240] : memref<2x32x128xf32, #tpu.memory_space<vmem>> -> memref<1x32x128xf32, #tpu.memory_space<vmem>>
          %dma_wait3A_242 = tpu.memref_squeeze %dma_wait3A_241 : memref<1x32x128xf32, #tpu.memory_space<vmem>> -> memref<32x128xf32, #tpu.memory_space<vmem>>
          %dma_wait3A_243 = arith.constant 0 : i32
          %dma_wait3A_244 = tpu.memref_slice %arg7[%run_scoped3A_226, %run_scoped3A_227, %dma_wait3A_243] : memref<3x1x32xi32, #tpu.memory_space<vmem>> -> memref<1x1x32xi32, #tpu.memory_space<vmem>>
          %dma_wait3A_245 = tpu.memref_squeeze %dma_wait3A_244 : memref<1x1x32xi32, #tpu.memory_space<vmem>> -> memref<32xi32, #tpu.memory_space<vmem>>
          %dma_wait3A_246 = arith.constant 0 : i32
          %dma_wait3A_247 = arith.constant 0 : i32
          %dma_wait3A_248 = tpu.memref_slice %arg10[%dma_wait3A_246, %dma_wait3A_247] : memref<10112x128xf32, #tpu.memory_space<vmem_shared>> -> memref<10112x128xf32, #tpu.memory_space<vmem_shared>>
          tpu.wait_indirect_dma semaphore(%run_scoped3A_228 : memref<!tpu.dma_semaphore, #tpu.memory_space<semaphore_mem>>) src(%dma_wait3A_242 : memref<32x128xf32, #tpu.memory_space<vmem>>) dst(%dma_wait3A_248 : memref<10112x128xf32, #tpu.memory_space<vmem_shared>>)
          tpu.yield
        }) : () -> ()
      } else {
      }
      %jit3A_107 = arith.constant 6 : i32
      %eq3A_108 = arith.constant 0 : i32
      %eq3A_109 = arith.cmpi eq, %jit3A_107, %eq3A_108 : i32
      %jit3A_110 = arith.constant 1 : i32
      %select_n3A_111 = arith.select %eq3A_109, %jit3A_110, %jit3A_107 : i32
      %rem3A_112 = arith.remsi %add3A_69, %select_n3A_111 : i32
      %ne3A_113 = arith.constant 0 : i32
      %ne3A_114 = arith.cmpi ne, %rem3A_112, %ne3A_113 : i32
      %lt3A_115 = arith.constant 0 : i32
      %lt3A_116 = arith.cmpi slt, %rem3A_112, %lt3A_115 : i32
      %lt3A_117 = arith.constant 0 : i32
      %lt3A_118 = arith.cmpi slt, %select_n3A_111, %lt3A_117 : i32
      %ne3A_119 = arith.xori %lt3A_116, %lt3A_118 : i1
      %and3A_120 = arith.andi %ne3A_119, %ne3A_114 : i1
      %add3A_121 = arith.addi %rem3A_112, %select_n3A_111 : i32
      %select_n3A_122 = arith.select %and3A_120, %add3A_121, %rem3A_112 : i32
      %eq3A_123 = arith.constant 2 : i32
      %eq3A_124 = arith.cmpi eq, %select_n3A_122, %eq3A_123 : i32
      %convert_element_type3A_125 = arith.extui %eq3A_124 : i1 to i32
      %cond3A_126 = arith.constant 0 : i32
      %cond3A_127 = arith.cmpi ne, %convert_element_type3A_125, %cond3A_126 : i32
      scf.if %cond3A_127 {
        %ge3A = arith.constant 1 : i32
        %ge3A_191 = arith.cmpi sge, %add3A_69, %ge3A : i32
        %add3A_192 = arith.constant 1 : i32
        %add3A_193 = arith.addi %add3A_69, %add3A_192 : i32
        %le3A = arith.constant 639 : i32
        %le3A_194 = arith.cmpi sle, %add3A_193, %le3A : i32
        %and3A_195 = arith.andi %ge3A_191, %le3A_194 : i1
        %convert_element_type3A_196 = arith.extui %and3A_195 : i1 to i32
        %cond3A_197 = arith.constant 0 : i32
        %cond3A_198 = arith.cmpi ne, %convert_element_type3A_196, %cond3A_197 : i32
        scf.if %cond3A_198 {
          %dma_wait3A_228 = arith.constant 0 : i32
          %dma_wait3A_229 = arith.constant 0 : i32
          %dma_wait3A_230 = arith.constant 0 : i32
          %dma_wait3A_231 = tpu.memref_slice %arg6[%dma_wait3A_228, %dma_wait3A_229, %dma_wait3A_230] : memref<3x1x32xi32, #tpu.memory_space<vmem>> -> memref<1x1x32xi32, #tpu.memory_space<vmem>>
          %dma_wait3A_232 = arith.constant 0 : i32
          %dma_wait3A_233 = arith.constant 0 : i32
          %dma_wait3A_234 = tpu.memref_slice %arg3[%mul3A_21, %dma_wait3A_232, %dma_wait3A_233] : memref<10240x1x32xi32, #tpu.memory_space<hbm>> -> memref<1x1x32xi32, #tpu.memory_space<hbm>>
          %dma_wait3A_235 = arith.constant 0 : i32
          %dma_wait3A_236 = arith.constant 0 : i32
          %dma_wait3A_237 = arith.constant 0 : i32
          %dma_wait3A_238 = tpu.memref_slice %arg6[%dma_wait3A_235, %dma_wait3A_236, %dma_wait3A_237] : memref<3x1x32xi32, #tpu.memory_space<vmem>> -> memref<1x1x32xi32, #tpu.memory_space<vmem>>
          %dma_wait3A_239 = arith.constant 0 : i32
          %dma_wait3A_240 = arith.constant 0 : i32
          %dma_wait3A_241 = tpu.memref_slice %arg3[%mul3A_21, %dma_wait3A_239, %dma_wait3A_240] : memref<10240x1x32xi32, #tpu.memory_space<hbm>> -> memref<1x1x32xi32, #tpu.memory_space<hbm>>
          tpu.wait_dma2 semaphore(%arg11 : memref<!tpu.dma_semaphore, #tpu.memory_space<semaphore_mem>>) src(%dma_wait3A_241 : memref<1x1x32xi32, #tpu.memory_space<hbm>>) dst(%dma_wait3A_238 : memref<1x1x32xi32, #tpu.memory_space<vmem>>)
          %dma_wait3A_242 = arith.constant 0 : i32
          %dma_wait3A_243 = arith.constant 0 : i32
          %dma_wait3A_244 = arith.constant 0 : i32
          %dma_wait3A_245 = tpu.memref_slice %arg7[%dma_wait3A_242, %dma_wait3A_243, %dma_wait3A_244] : memref<3x1x32xi32, #tpu.memory_space<vmem>> -> memref<1x1x32xi32, #tpu.memory_space<vmem>>
          %dma_wait3A_246 = arith.constant 0 : i32
          %dma_wait3A_247 = arith.constant 0 : i32
          %dma_wait3A_248 = tpu.memref_slice %arg4[%mul3A_21, %dma_wait3A_246, %dma_wait3A_247] : memref<10240x1x32xi32, #tpu.memory_space<hbm>> -> memref<1x1x32xi32, #tpu.memory_space<hbm>>
          %dma_wait3A_249 = arith.constant 0 : i32
          %dma_wait3A_250 = arith.constant 0 : i32
          %dma_wait3A_251 = arith.constant 0 : i32
          %dma_wait3A_252 = tpu.memref_slice %arg7[%dma_wait3A_249, %dma_wait3A_250, %dma_wait3A_251] : memref<3x1x32xi32, #tpu.memory_space<vmem>> -> memref<1x1x32xi32, #tpu.memory_space<vmem>>
          %dma_wait3A_253 = arith.constant 0 : i32
          %dma_wait3A_254 = arith.constant 0 : i32
          %dma_wait3A_255 = tpu.memref_slice %arg4[%mul3A_21, %dma_wait3A_253, %dma_wait3A_254] : memref<10240x1x32xi32, #tpu.memory_space<hbm>> -> memref<1x1x32xi32, #tpu.memory_space<hbm>>
          tpu.wait_dma2 semaphore(%arg11 : memref<!tpu.dma_semaphore, #tpu.memory_space<semaphore_mem>>) src(%dma_wait3A_255 : memref<1x1x32xi32, #tpu.memory_space<hbm>>) dst(%dma_wait3A_252 : memref<1x1x32xi32, #tpu.memory_space<vmem>>)
        } else {
        }
        %add3A_199 = arith.constant 1 : i32
        %add3A_200 = arith.addi %add3A_69, %add3A_199 : i32
        %le3A_201 = arith.constant 639 : i32
        %le3A_202 = arith.cmpi sle, %add3A_200, %le3A_201 : i32
        %convert_element_type3A_203 = arith.extui %le3A_202 : i1 to i32
        %cond3A_204 = arith.constant 0 : i32
        %cond3A_205 = arith.cmpi ne, %convert_element_type3A_203, %cond3A_204 : i32
        scf.if %cond3A_205 {
          %scan3A_228 = arith.constant 0 : i32
          %scan3A_229 = arith.constant 2 : i32
          %scan3A_230 = arith.addi %scan3A_228, %scan3A_229 : i32
          %scan3A_231 = arith.constant 1 : i32
          scf.for %scan3A_246 = %scan3A_228 to %scan3A_230 step %scan3A_231  : i32 {
            %mul3A_247 = arith.constant 1 : i32
            %mul3A_248 = arith.muli %scan3A_246, %mul3A_247 : i32
            %add3A_249 = arith.constant 0 : i32
            %add3A_250 = arith.addi %add3A_249, %mul3A_248 : i32
            %mul3A_251 = arith.constant 16 : i32
            %mul3A_252 = arith.muli %add3A_250, %mul3A_251 : i32
            %get3A = arith.constant 0 : i32
            %get3A_253 = arith.constant 0 : i32
            %get3A_254 = arith.index_cast %get3A : i32 to index
            %get3A_255 = arith.index_cast %get3A_253 : i32 to index
            %get3A_256 = arith.index_cast %mul3A_252 : i32 to index
            %get3A_257 = tpu.vector_load %arg6[%get3A_254, %get3A_255, %get3A_256] {strides = array<i32>} : memref<3x1x32xi32, #tpu.memory_space<vmem>>, vector<1x1x16xi32>,
            %get3A_258 = vector.shape_cast %get3A_257 : vector<1x1x16xi32> to vector<16xi32>
            %sub3A = vector.broadcast %mul3A_0 : i32 to vector<16xi32>
            %sub3A_259 = arith.subi %get3A_258, %sub3A : vector<16xi32>
            %lt3A_260 = arith.constant 5120 : i32
            %lt3A_261 = vector.broadcast %lt3A_260 : i32 to vector<16xi32>
            %lt3A_262 = arith.cmpi ult, %sub3A_259, %lt3A_261 : vector<16xi32>
            %select_n3A_263 = arith.select %lt3A_262, %sub3A_259, %add3A_34 : vector<16xi1>, vector<16xi32>
            %mul3A_264 = arith.constant 16 : i32
            %mul3A_265 = arith.muli %add3A_250, %mul3A_264 : i32
            %swap3A = arith.constant 0 : i32
            %swap3A_266 = arith.constant 0 : i32
            %swap3A_267 = arith.index_cast %swap3A : i32 to index
            %swap3A_268 = arith.index_cast %swap3A_266 : i32 to index
            %swap3A_269 = arith.index_cast %mul3A_265 : i32 to index
            %swap3A_270 = tpu.vector_load %arg6[%swap3A_267, %swap3A_268, %swap3A_269] {strides = array<i32>} : memref<3x1x32xi32, #tpu.memory_space<vmem>>, vector<1x1x16xi32>,
            %swap3A_271 = vector.shape_cast %swap3A_270 : vector<1x1x16xi32> to vector<16xi32>
            %swap3A_272 = vector.shape_cast %select_n3A_263 : vector<16xi32> to vector<1x1x16xi32>
            tpu.vector_store %arg6[%swap3A_267, %swap3A_268, %swap3A_269], %swap3A_272 {strides = array<i32>} : memref<3x1x32xi32, #tpu.memory_space<vmem>>, vector<1x1x16xi32>,
          }
          %scan3A_232 = arith.constant 2 : i32
          %dma_start3A_233 = arith.constant 0 : i32
          %dma_start3A_234 = arith.constant 0 : i32
          %dma_start3A_235 = arith.constant 1 : i32
          %dma_start3A_236 = arith.constant 0 : i32
          %dma_start3A_237 = arith.constant 0 : i32
          %dma_start3A_238 = tpu.memref_slice %arg8[%dma_start3A_235, %dma_start3A_236, %dma_start3A_237] : memref<2x32x128xf32, #tpu.memory_space<vmem>> -> memref<1x32x128xf32, #tpu.memory_space<vmem>>
          %dma_start3A_239 = tpu.memref_squeeze %dma_start3A_238 : memref<1x32x128xf32, #tpu.memory_space<vmem>> -> memref<32x128xf32, #tpu.memory_space<vmem>>
          %dma_start3A_240 = arith.constant 0 : i32
          %dma_start3A_241 = tpu.memref_slice %arg6[%dma_start3A_233, %dma_start3A_234, %dma_start3A_240] : memref<3x1x32xi32, #tpu.memory_space<vmem>> -> memref<1x1x32xi32, #tpu.memory_space<vmem>>
          %dma_start3A_242 = tpu.memref_squeeze %dma_start3A_241 : memref<1x1x32xi32, #tpu.memory_space<vmem>> -> memref<32xi32, #tpu.memory_space<vmem>>
          %dma_start3A_243 = arith.constant 0 : i32
          %dma_start3A_244 = arith.constant 0 : i32
          %dma_start3A_245 = tpu.memref_slice %arg9[%dma_start3A_243, %dma_start3A_244] : memref<5128x128xf32, #tpu.memory_space<vmem_shared>> -> memref<5128x128xf32, #tpu.memory_space<vmem_shared>>
          tpu.enqueue_indirect_dma source(%dma_start3A_245 : memref<5128x128xf32, #tpu.memory_space<vmem_shared>>) target(%dma_start3A_239 : memref<32x128xf32, #tpu.memory_space<vmem>>) offsets(%dma_start3A_242 : memref<32xi32, #tpu.memory_space<vmem>>) semaphore(%arg15 : memref<!tpu.dma_semaphore, #tpu.memory_space<semaphore_mem>>)
        } else {
        }
        %add3A_206 = arith.constant 2 : i32
        %add3A_207 = arith.addi %add3A_69, %add3A_206 : i32
        %le3A_208 = arith.constant 639 : i32
        %le3A_209 = arith.cmpi sle, %add3A_207, %le3A_208 : i32
        %convert_element_type3A_210 = arith.extui %le3A_209 : i1 to i32
        %cond3A_211 = arith.constant 0 : i32
        %cond3A_212 = arith.cmpi ne, %convert_element_type3A_210, %cond3A_211 : i32
        scf.if %cond3A_212 {
          %add3A_228 = arith.addi %mul3A_21, %add3A_69 : i32
          %add3A_229 = arith.constant 2 : i32
          %add3A_230 = arith.addi %add3A_228, %add3A_229 : i32
          %dma_start3A_231 = arith.constant 1 : i32
          %dma_start3A_232 = arith.constant 0 : i32
          %dma_start3A_233 = arith.constant 0 : i32
          %dma_start3A_234 = tpu.memref_slice %arg6[%dma_start3A_231, %dma_start3A_232, %dma_start3A_233] : memref<3x1x32xi32, #tpu.memory_space<vmem>> -> memref<1x1x32xi32, #tpu.memory_space<vmem>>
          %dma_start3A_235 = arith.constant 0 : i32
          %dma_start3A_236 = arith.constant 0 : i32
          %dma_start3A_237 = tpu.memref_slice %arg3[%add3A_230, %dma_start3A_235, %dma_start3A_236] : memref<10240x1x32xi32, #tpu.memory_space<hbm>> -> memref<1x1x32xi32, #tpu.memory_space<hbm>>
          %dma_start3A_238 = arith.constant 1 : i32
          %dma_start3A_239 = arith.constant 0 : i32
          %dma_start3A_240 = arith.constant 0 : i32
          %dma_start3A_241 = tpu.memref_slice %arg6[%dma_start3A_238, %dma_start3A_239, %dma_start3A_240] : memref<3x1x32xi32, #tpu.memory_space<vmem>> -> memref<1x1x32xi32, #tpu.memory_space<vmem>>
          %dma_start3A_242 = arith.constant 0 : i32
          %dma_start3A_243 = arith.constant 0 : i32
          %dma_start3A_244 = tpu.memref_slice %arg3[%add3A_230, %dma_start3A_242, %dma_start3A_243] : memref<10240x1x32xi32, #tpu.memory_space<hbm>> -> memref<1x1x32xi32, #tpu.memory_space<hbm>>
          tpu.enqueue_dma source(%dma_start3A_244 : memref<1x1x32xi32, #tpu.memory_space<hbm>>) target(%dma_start3A_241 : memref<1x1x32xi32, #tpu.memory_space<vmem>>) target_semaphore(%arg12 : memref<!tpu.dma_semaphore, #tpu.memory_space<semaphore_mem>>)
          %add3A_245 = arith.addi %mul3A_21, %add3A_69 : i32
          %add3A_246 = arith.constant 2 : i32
          %add3A_247 = arith.addi %add3A_245, %add3A_246 : i32
          %dma_start3A_248 = arith.constant 1 : i32
          %dma_start3A_249 = arith.constant 0 : i32
          %dma_start3A_250 = arith.constant 0 : i32
          %dma_start3A_251 = tpu.memref_slice %arg7[%dma_start3A_248, %dma_start3A_249, %dma_start3A_250] : memref<3x1x32xi32, #tpu.memory_space<vmem>> -> memref<1x1x32xi32, #tpu.memory_space<vmem>>
          %dma_start3A_252 = arith.constant 0 : i32
          %dma_start3A_253 = arith.constant 0 : i32
          %dma_start3A_254 = tpu.memref_slice %arg4[%add3A_247, %dma_start3A_252, %dma_start3A_253] : memref<10240x1x32xi32, #tpu.memory_space<hbm>> -> memref<1x1x32xi32, #tpu.memory_space<hbm>>
          %dma_start3A_255 = arith.constant 1 : i32
          %dma_start3A_256 = arith.constant 0 : i32
          %dma_start3A_257 = arith.constant 0 : i32
          %dma_start3A_258 = tpu.memref_slice %arg7[%dma_start3A_255, %dma_start3A_256, %dma_start3A_257] : memref<3x1x32xi32, #tpu.memory_space<vmem>> -> memref<1x1x32xi32, #tpu.memory_space<vmem>>
          %dma_start3A_259 = arith.constant 0 : i32
          %dma_start3A_260 = arith.constant 0 : i32
          %dma_start3A_261 = tpu.memref_slice %arg4[%add3A_247, %dma_start3A_259, %dma_start3A_260] : memref<10240x1x32xi32, #tpu.memory_space<hbm>> -> memref<1x1x32xi32, #tpu.memory_space<hbm>>
          tpu.enqueue_dma source(%dma_start3A_261 : memref<1x1x32xi32, #tpu.memory_space<hbm>>) target(%dma_start3A_258 : memref<1x1x32xi32, #tpu.memory_space<vmem>>) target_semaphore(%arg12 : memref<!tpu.dma_semaphore, #tpu.memory_space<semaphore_mem>>)
        } else {
        }
        %dma_wait3A = arith.constant 2 : i32
        %dma_wait3A_213 = arith.constant 0 : i32
        %dma_wait3A_214 = arith.constant 0 : i32
        %dma_wait3A_215 = arith.constant 0 : i32
        %dma_wait3A_216 = arith.constant 0 : i32
        %dma_wait3A_217 = tpu.memref_slice %arg8[%dma_wait3A_214, %dma_wait3A_215, %dma_wait3A_216] : memref<2x32x128xf32, #tpu.memory_space<vmem>> -> memref<1x32x128xf32, #tpu.memory_space<vmem>>
        %dma_wait3A_218 = tpu.memref_squeeze %dma_wait3A_217 : memref<1x32x128xf32, #tpu.memory_space<vmem>> -> memref<32x128xf32, #tpu.memory_space<vmem>>
        %dma_wait3A_219 = arith.constant 0 : i32
        %dma_wait3A_220 = tpu.memref_slice %arg6[%dma_wait3A, %dma_wait3A_213, %dma_wait3A_219] : memref<3x1x32xi32, #tpu.memory_space<vmem>> -> memref<1x1x32xi32, #tpu.memory_space<vmem>>
        %dma_wait3A_221 = tpu.memref_squeeze %dma_wait3A_220 : memref<1x1x32xi32, #tpu.memory_space<vmem>> -> memref<32xi32, #tpu.memory_space<vmem>>
        %dma_wait3A_222 = arith.constant 0 : i32
        %dma_wait3A_223 = arith.constant 0 : i32
        %dma_wait3A_224 = tpu.memref_slice %arg9[%dma_wait3A_222, %dma_wait3A_223] : memref<5128x128xf32, #tpu.memory_space<vmem_shared>> -> memref<5128x128xf32, #tpu.memory_space<vmem_shared>>
        tpu.wait_indirect_dma semaphore(%arg14 : memref<!tpu.dma_semaphore, #tpu.memory_space<semaphore_mem>>) src(%dma_wait3A_224 : memref<5128x128xf32, #tpu.memory_space<vmem_shared>>) dst(%dma_wait3A_218 : memref<32x128xf32, #tpu.memory_space<vmem>>)
        %run_scoped3A_225 = arith.constant 0 : i32
        %run_scoped3A_226 = arith.constant 2 : i32
        %run_scoped3A_227 = arith.constant 0 : i32
        "tpu.region"() ({
          %run_scoped3A_228 = tpu.sem_alloc : memref<!tpu.dma_semaphore, #tpu.memory_space<semaphore_mem>>
          %dma_start3A_229 = arith.constant 0 : i32
          %dma_start3A_230 = arith.constant 0 : i32
          %dma_start3A_231 = tpu.memref_slice %arg8[%run_scoped3A_225, %dma_start3A_229, %dma_start3A_230] : memref<2x32x128xf32, #tpu.memory_space<vmem>> -> memref<1x32x128xf32, #tpu.memory_space<vmem>>
          %dma_start3A_232 = tpu.memref_squeeze %dma_start3A_231 : memref<1x32x128xf32, #tpu.memory_space<vmem>> -> memref<32x128xf32, #tpu.memory_space<vmem>>
          %dma_start3A_233 = arith.constant 0 : i32
          %dma_start3A_234 = tpu.memref_slice %arg7[%run_scoped3A_226, %run_scoped3A_227, %dma_start3A_233] : memref<3x1x32xi32, #tpu.memory_space<vmem>> -> memref<1x1x32xi32, #tpu.memory_space<vmem>>
          %dma_start3A_235 = tpu.memref_squeeze %dma_start3A_234 : memref<1x1x32xi32, #tpu.memory_space<vmem>> -> memref<32xi32, #tpu.memory_space<vmem>>
          %dma_start3A_236 = arith.constant 0 : i32
          %dma_start3A_237 = arith.constant 0 : i32
          %dma_start3A_238 = tpu.memref_slice %arg10[%dma_start3A_236, %dma_start3A_237] : memref<10112x128xf32, #tpu.memory_space<vmem_shared>> -> memref<10112x128xf32, #tpu.memory_space<vmem_shared>>
          tpu.enqueue_indirect_dma source(%dma_start3A_232 : memref<32x128xf32, #tpu.memory_space<vmem>>) target(%dma_start3A_238 : memref<10112x128xf32, #tpu.memory_space<vmem_shared>>) offsets(%dma_start3A_235 : memref<32xi32, #tpu.memory_space<vmem>>) semaphore(%run_scoped3A_228 : memref<!tpu.dma_semaphore, #tpu.memory_space<semaphore_mem>>) {add = true}
          %dma_wait3A_239 = arith.constant 0 : i32
          %dma_wait3A_240 = arith.constant 0 : i32
          %dma_wait3A_241 = tpu.memref_slice %arg8[%run_scoped3A_225, %dma_wait3A_239, %dma_wait3A_240] : memref<2x32x128xf32, #tpu.memory_space<vmem>> -> memref<1x32x128xf32, #tpu.memory_space<vmem>>
          %dma_wait3A_242 = tpu.memref_squeeze %dma_wait3A_241 : memref<1x32x128xf32, #tpu.memory_space<vmem>> -> memref<32x128xf32, #tpu.memory_space<vmem>>
          %dma_wait3A_243 = arith.constant 0 : i32
          %dma_wait3A_244 = tpu.memref_slice %arg7[%run_scoped3A_226, %run_scoped3A_227, %dma_wait3A_243] : memref<3x1x32xi32, #tpu.memory_space<vmem>> -> memref<1x1x32xi32, #tpu.memory_space<vmem>>
          %dma_wait3A_245 = tpu.memref_squeeze %dma_wait3A_244 : memref<1x1x32xi32, #tpu.memory_space<vmem>> -> memref<32xi32, #tpu.memory_space<vmem>>
          %dma_wait3A_246 = arith.constant 0 : i32
          %dma_wait3A_247 = arith.constant 0 : i32
          %dma_wait3A_248 = tpu.memref_slice %arg10[%dma_wait3A_246, %dma_wait3A_247] : memref<10112x128xf32, #tpu.memory_space<vmem_shared>> -> memref<10112x128xf32, #tpu.memory_space<vmem_shared>>
          tpu.wait_indirect_dma semaphore(%run_scoped3A_228 : memref<!tpu.dma_semaphore, #tpu.memory_space<semaphore_mem>>) src(%dma_wait3A_242 : memref<32x128xf32, #tpu.memory_space<vmem>>) dst(%dma_wait3A_248 : memref<10112x128xf32, #tpu.memory_space<vmem_shared>>)
          tpu.yield
        }) : () -> ()
      } else {
      }
      %jit3A_128 = arith.constant 6 : i32
      %eq3A_129 = arith.constant 0 : i32
      %eq3A_130 = arith.cmpi eq, %jit3A_128, %eq3A_129 : i32
      %jit3A_131 = arith.constant 1 : i32
      %select_n3A_132 = arith.select %eq3A_130, %jit3A_131, %jit3A_128 : i32
      %rem3A_133 = arith.remsi %add3A_69, %select_n3A_132 : i32
      %ne3A_134 = arith.constant 0 : i32
      %ne3A_135 = arith.cmpi ne, %rem3A_133, %ne3A_134 : i32
      %lt3A_136 = arith.constant 0 : i32
      %lt3A_137 = arith.cmpi slt, %rem3A_133, %lt3A_136 : i32
      %lt3A_138 = arith.constant 0 : i32
      %lt3A_139 = arith.cmpi slt, %select_n3A_132, %lt3A_138 : i32
      %ne3A_140 = arith.xori %lt3A_137, %lt3A_139 : i1
      %and3A_141 = arith.andi %ne3A_140, %ne3A_135 : i1
      %add3A_142 = arith.addi %rem3A_133, %select_n3A_132 : i32
      %select_n3A_143 = arith.select %and3A_141, %add3A_142, %rem3A_133 : i32
      %eq3A_144 = arith.constant 3 : i32
      %eq3A_145 = arith.cmpi eq, %select_n3A_143, %eq3A_144 : i32
      %convert_element_type3A_146 = arith.extui %eq3A_145 : i1 to i32
      %cond3A_147 = arith.constant 0 : i32
      %cond3A_148 = arith.cmpi ne, %convert_element_type3A_146, %cond3A_147 : i32
      scf.if %cond3A_148 {
        %ge3A = arith.constant 1 : i32
        %ge3A_191 = arith.cmpi sge, %add3A_69, %ge3A : i32
        %add3A_192 = arith.constant 1 : i32
        %add3A_193 = arith.addi %add3A_69, %add3A_192 : i32
        %le3A = arith.constant 639 : i32
        %le3A_194 = arith.cmpi sle, %add3A_193, %le3A : i32
        %and3A_195 = arith.andi %ge3A_191, %le3A_194 : i1
        %convert_element_type3A_196 = arith.extui %and3A_195 : i1 to i32
        %cond3A_197 = arith.constant 0 : i32
        %cond3A_198 = arith.cmpi ne, %convert_element_type3A_196, %cond3A_197 : i32
        scf.if %cond3A_198 {
          %dma_wait3A_228 = arith.constant 1 : i32
          %dma_wait3A_229 = arith.constant 0 : i32
          %dma_wait3A_230 = arith.constant 0 : i32
          %dma_wait3A_231 = tpu.memref_slice %arg6[%dma_wait3A_228, %dma_wait3A_229, %dma_wait3A_230] : memref<3x1x32xi32, #tpu.memory_space<vmem>> -> memref<1x1x32xi32, #tpu.memory_space<vmem>>
          %dma_wait3A_232 = arith.constant 0 : i32
          %dma_wait3A_233 = arith.constant 0 : i32
          %dma_wait3A_234 = tpu.memref_slice %arg3[%mul3A_21, %dma_wait3A_232, %dma_wait3A_233] : memref<10240x1x32xi32, #tpu.memory_space<hbm>> -> memref<1x1x32xi32, #tpu.memory_space<hbm>>
          %dma_wait3A_235 = arith.constant 1 : i32
          %dma_wait3A_236 = arith.constant 0 : i32
          %dma_wait3A_237 = arith.constant 0 : i32
          %dma_wait3A_238 = tpu.memref_slice %arg6[%dma_wait3A_235, %dma_wait3A_236, %dma_wait3A_237] : memref<3x1x32xi32, #tpu.memory_space<vmem>> -> memref<1x1x32xi32, #tpu.memory_space<vmem>>
          %dma_wait3A_239 = arith.constant 0 : i32
          %dma_wait3A_240 = arith.constant 0 : i32
          %dma_wait3A_241 = tpu.memref_slice %arg3[%mul3A_21, %dma_wait3A_239, %dma_wait3A_240] : memref<10240x1x32xi32, #tpu.memory_space<hbm>> -> memref<1x1x32xi32, #tpu.memory_space<hbm>>
          tpu.wait_dma2 semaphore(%arg12 : memref<!tpu.dma_semaphore, #tpu.memory_space<semaphore_mem>>) src(%dma_wait3A_241 : memref<1x1x32xi32, #tpu.memory_space<hbm>>) dst(%dma_wait3A_238 : memref<1x1x32xi32, #tpu.memory_space<vmem>>)
          %dma_wait3A_242 = arith.constant 1 : i32
          %dma_wait3A_243 = arith.constant 0 : i32
          %dma_wait3A_244 = arith.constant 0 : i32
          %dma_wait3A_245 = tpu.memref_slice %arg7[%dma_wait3A_242, %dma_wait3A_243, %dma_wait3A_244] : memref<3x1x32xi32, #tpu.memory_space<vmem>> -> memref<1x1x32xi32, #tpu.memory_space<vmem>>
          %dma_wait3A_246 = arith.constant 0 : i32
          %dma_wait3A_247 = arith.constant 0 : i32
          %dma_wait3A_248 = tpu.memref_slice %arg4[%mul3A_21, %dma_wait3A_246, %dma_wait3A_247] : memref<10240x1x32xi32, #tpu.memory_space<hbm>> -> memref<1x1x32xi32, #tpu.memory_space<hbm>>
          %dma_wait3A_249 = arith.constant 1 : i32
          %dma_wait3A_250 = arith.constant 0 : i32
          %dma_wait3A_251 = arith.constant 0 : i32
          %dma_wait3A_252 = tpu.memref_slice %arg7[%dma_wait3A_249, %dma_wait3A_250, %dma_wait3A_251] : memref<3x1x32xi32, #tpu.memory_space<vmem>> -> memref<1x1x32xi32, #tpu.memory_space<vmem>>
          %dma_wait3A_253 = arith.constant 0 : i32
          %dma_wait3A_254 = arith.constant 0 : i32
          %dma_wait3A_255 = tpu.memref_slice %arg4[%mul3A_21, %dma_wait3A_253, %dma_wait3A_254] : memref<10240x1x32xi32, #tpu.memory_space<hbm>> -> memref<1x1x32xi32, #tpu.memory_space<hbm>>
          tpu.wait_dma2 semaphore(%arg12 : memref<!tpu.dma_semaphore, #tpu.memory_space<semaphore_mem>>) src(%dma_wait3A_255 : memref<1x1x32xi32, #tpu.memory_space<hbm>>) dst(%dma_wait3A_252 : memref<1x1x32xi32, #tpu.memory_space<vmem>>)
        } else {
        }
        %add3A_199 = arith.constant 1 : i32
        %add3A_200 = arith.addi %add3A_69, %add3A_199 : i32
        %le3A_201 = arith.constant 639 : i32
        %le3A_202 = arith.cmpi sle, %add3A_200, %le3A_201 : i32
        %convert_element_type3A_203 = arith.extui %le3A_202 : i1 to i32
        %cond3A_204 = arith.constant 0 : i32
        %cond3A_205 = arith.cmpi ne, %convert_element_type3A_203, %cond3A_204 : i32
        scf.if %cond3A_205 {
          %scan3A_228 = arith.constant 0 : i32
          %scan3A_229 = arith.constant 2 : i32
          %scan3A_230 = arith.addi %scan3A_228, %scan3A_229 : i32
          %scan3A_231 = arith.constant 1 : i32
          scf.for %scan3A_246 = %scan3A_228 to %scan3A_230 step %scan3A_231  : i32 {
            %mul3A_247 = arith.constant 1 : i32
            %mul3A_248 = arith.muli %scan3A_246, %mul3A_247 : i32
            %add3A_249 = arith.constant 0 : i32
            %add3A_250 = arith.addi %add3A_249, %mul3A_248 : i32
            %mul3A_251 = arith.constant 16 : i32
            %mul3A_252 = arith.muli %add3A_250, %mul3A_251 : i32
            %get3A = arith.constant 1 : i32
            %get3A_253 = arith.constant 0 : i32
            %get3A_254 = arith.index_cast %get3A : i32 to index
            %get3A_255 = arith.index_cast %get3A_253 : i32 to index
            %get3A_256 = arith.index_cast %mul3A_252 : i32 to index
            %get3A_257 = tpu.vector_load %arg6[%get3A_254, %get3A_255, %get3A_256] {strides = array<i32>} : memref<3x1x32xi32, #tpu.memory_space<vmem>>, vector<1x1x16xi32>,
            %get3A_258 = vector.shape_cast %get3A_257 : vector<1x1x16xi32> to vector<16xi32>
            %sub3A = vector.broadcast %mul3A_0 : i32 to vector<16xi32>
            %sub3A_259 = arith.subi %get3A_258, %sub3A : vector<16xi32>
            %lt3A_260 = arith.constant 5120 : i32
            %lt3A_261 = vector.broadcast %lt3A_260 : i32 to vector<16xi32>
            %lt3A_262 = arith.cmpi ult, %sub3A_259, %lt3A_261 : vector<16xi32>
            %select_n3A_263 = arith.select %lt3A_262, %sub3A_259, %add3A_34 : vector<16xi1>, vector<16xi32>
            %mul3A_264 = arith.constant 16 : i32
            %mul3A_265 = arith.muli %add3A_250, %mul3A_264 : i32
            %swap3A = arith.constant 1 : i32
            %swap3A_266 = arith.constant 0 : i32
            %swap3A_267 = arith.index_cast %swap3A : i32 to index
            %swap3A_268 = arith.index_cast %swap3A_266 : i32 to index
            %swap3A_269 = arith.index_cast %mul3A_265 : i32 to index
            %swap3A_270 = tpu.vector_load %arg6[%swap3A_267, %swap3A_268, %swap3A_269] {strides = array<i32>} : memref<3x1x32xi32, #tpu.memory_space<vmem>>, vector<1x1x16xi32>,
            %swap3A_271 = vector.shape_cast %swap3A_270 : vector<1x1x16xi32> to vector<16xi32>
            %swap3A_272 = vector.shape_cast %select_n3A_263 : vector<16xi32> to vector<1x1x16xi32>
            tpu.vector_store %arg6[%swap3A_267, %swap3A_268, %swap3A_269], %swap3A_272 {strides = array<i32>} : memref<3x1x32xi32, #tpu.memory_space<vmem>>, vector<1x1x16xi32>,
          }
          %scan3A_232 = arith.constant 2 : i32
          %dma_start3A_233 = arith.constant 1 : i32
          %dma_start3A_234 = arith.constant 0 : i32
          %dma_start3A_235 = arith.constant 0 : i32
          %dma_start3A_236 = arith.constant 0 : i32
          %dma_start3A_237 = arith.constant 0 : i32
          %dma_start3A_238 = tpu.memref_slice %arg8[%dma_start3A_235, %dma_start3A_236, %dma_start3A_237] : memref<2x32x128xf32, #tpu.memory_space<vmem>> -> memref<1x32x128xf32, #tpu.memory_space<vmem>>
          %dma_start3A_239 = tpu.memref_squeeze %dma_start3A_238 : memref<1x32x128xf32, #tpu.memory_space<vmem>> -> memref<32x128xf32, #tpu.memory_space<vmem>>
          %dma_start3A_240 = arith.constant 0 : i32
          %dma_start3A_241 = tpu.memref_slice %arg6[%dma_start3A_233, %dma_start3A_234, %dma_start3A_240] : memref<3x1x32xi32, #tpu.memory_space<vmem>> -> memref<1x1x32xi32, #tpu.memory_space<vmem>>
          %dma_start3A_242 = tpu.memref_squeeze %dma_start3A_241 : memref<1x1x32xi32, #tpu.memory_space<vmem>> -> memref<32xi32, #tpu.memory_space<vmem>>
          %dma_start3A_243 = arith.constant 0 : i32
          %dma_start3A_244 = arith.constant 0 : i32
          %dma_start3A_245 = tpu.memref_slice %arg9[%dma_start3A_243, %dma_start3A_244] : memref<5128x128xf32, #tpu.memory_space<vmem_shared>> -> memref<5128x128xf32, #tpu.memory_space<vmem_shared>>
          tpu.enqueue_indirect_dma source(%dma_start3A_245 : memref<5128x128xf32, #tpu.memory_space<vmem_shared>>) target(%dma_start3A_239 : memref<32x128xf32, #tpu.memory_space<vmem>>) offsets(%dma_start3A_242 : memref<32xi32, #tpu.memory_space<vmem>>) semaphore(%arg14 : memref<!tpu.dma_semaphore, #tpu.memory_space<semaphore_mem>>)
        } else {
        }
        %add3A_206 = arith.constant 2 : i32
        %add3A_207 = arith.addi %add3A_69, %add3A_206 : i32
        %le3A_208 = arith.constant 639 : i32
        %le3A_209 = arith.cmpi sle, %add3A_207, %le3A_208 : i32
        %convert_element_type3A_210 = arith.extui %le3A_209 : i1 to i32
        %cond3A_211 = arith.constant 0 : i32
        %cond3A_212 = arith.cmpi ne, %convert_element_type3A_210, %cond3A_211 : i32
        scf.if %cond3A_212 {
          %add3A_228 = arith.addi %mul3A_21, %add3A_69 : i32
          %add3A_229 = arith.constant 2 : i32
          %add3A_230 = arith.addi %add3A_228, %add3A_229 : i32
          %dma_start3A_231 = arith.constant 2 : i32
          %dma_start3A_232 = arith.constant 0 : i32
          %dma_start3A_233 = arith.constant 0 : i32
          %dma_start3A_234 = tpu.memref_slice %arg6[%dma_start3A_231, %dma_start3A_232, %dma_start3A_233] : memref<3x1x32xi32, #tpu.memory_space<vmem>> -> memref<1x1x32xi32, #tpu.memory_space<vmem>>
          %dma_start3A_235 = arith.constant 0 : i32
          %dma_start3A_236 = arith.constant 0 : i32
          %dma_start3A_237 = tpu.memref_slice %arg3[%add3A_230, %dma_start3A_235, %dma_start3A_236] : memref<10240x1x32xi32, #tpu.memory_space<hbm>> -> memref<1x1x32xi32, #tpu.memory_space<hbm>>
          %dma_start3A_238 = arith.constant 2 : i32
          %dma_start3A_239 = arith.constant 0 : i32
          %dma_start3A_240 = arith.constant 0 : i32
          %dma_start3A_241 = tpu.memref_slice %arg6[%dma_start3A_238, %dma_start3A_239, %dma_start3A_240] : memref<3x1x32xi32, #tpu.memory_space<vmem>> -> memref<1x1x32xi32, #tpu.memory_space<vmem>>
          %dma_start3A_242 = arith.constant 0 : i32
          %dma_start3A_243 = arith.constant 0 : i32
          %dma_start3A_244 = tpu.memref_slice %arg3[%add3A_230, %dma_start3A_242, %dma_start3A_243] : memref<10240x1x32xi32, #tpu.memory_space<hbm>> -> memref<1x1x32xi32, #tpu.memory_space<hbm>>
          tpu.enqueue_dma source(%dma_start3A_244 : memref<1x1x32xi32, #tpu.memory_space<hbm>>) target(%dma_start3A_241 : memref<1x1x32xi32, #tpu.memory_space<vmem>>) target_semaphore(%arg13 : memref<!tpu.dma_semaphore, #tpu.memory_space<semaphore_mem>>)
          %add3A_245 = arith.addi %mul3A_21, %add3A_69 : i32
          %add3A_246 = arith.constant 2 : i32
          %add3A_247 = arith.addi %add3A_245, %add3A_246 : i32
          %dma_start3A_248 = arith.constant 2 : i32
          %dma_start3A_249 = arith.constant 0 : i32
          %dma_start3A_250 = arith.constant 0 : i32
          %dma_start3A_251 = tpu.memref_slice %arg7[%dma_start3A_248, %dma_start3A_249, %dma_start3A_250] : memref<3x1x32xi32, #tpu.memory_space<vmem>> -> memref<1x1x32xi32, #tpu.memory_space<vmem>>
          %dma_start3A_252 = arith.constant 0 : i32
          %dma_start3A_253 = arith.constant 0 : i32
          %dma_start3A_254 = tpu.memref_slice %arg4[%add3A_247, %dma_start3A_252, %dma_start3A_253] : memref<10240x1x32xi32, #tpu.memory_space<hbm>> -> memref<1x1x32xi32, #tpu.memory_space<hbm>>
          %dma_start3A_255 = arith.constant 2 : i32
          %dma_start3A_256 = arith.constant 0 : i32
          %dma_start3A_257 = arith.constant 0 : i32
          %dma_start3A_258 = tpu.memref_slice %arg7[%dma_start3A_255, %dma_start3A_256, %dma_start3A_257] : memref<3x1x32xi32, #tpu.memory_space<vmem>> -> memref<1x1x32xi32, #tpu.memory_space<vmem>>
          %dma_start3A_259 = arith.constant 0 : i32
          %dma_start3A_260 = arith.constant 0 : i32
          %dma_start3A_261 = tpu.memref_slice %arg4[%add3A_247, %dma_start3A_259, %dma_start3A_260] : memref<10240x1x32xi32, #tpu.memory_space<hbm>> -> memref<1x1x32xi32, #tpu.memory_space<hbm>>
          tpu.enqueue_dma source(%dma_start3A_261 : memref<1x1x32xi32, #tpu.memory_space<hbm>>) target(%dma_start3A_258 : memref<1x1x32xi32, #tpu.memory_space<vmem>>) target_semaphore(%arg13 : memref<!tpu.dma_semaphore, #tpu.memory_space<semaphore_mem>>)
        } else {
        }
        %dma_wait3A = arith.constant 0 : i32
        %dma_wait3A_213 = arith.constant 0 : i32
        %dma_wait3A_214 = arith.constant 1 : i32
        %dma_wait3A_215 = arith.constant 0 : i32
        %dma_wait3A_216 = arith.constant 0 : i32
        %dma_wait3A_217 = tpu.memref_slice %arg8[%dma_wait3A_214, %dma_wait3A_215, %dma_wait3A_216] : memref<2x32x128xf32, #tpu.memory_space<vmem>> -> memref<1x32x128xf32, #tpu.memory_space<vmem>>
        %dma_wait3A_218 = tpu.memref_squeeze %dma_wait3A_217 : memref<1x32x128xf32, #tpu.memory_space<vmem>> -> memref<32x128xf32, #tpu.memory_space<vmem>>
        %dma_wait3A_219 = arith.constant 0 : i32
        %dma_wait3A_220 = tpu.memref_slice %arg6[%dma_wait3A, %dma_wait3A_213, %dma_wait3A_219] : memref<3x1x32xi32, #tpu.memory_space<vmem>> -> memref<1x1x32xi32, #tpu.memory_space<vmem>>
        %dma_wait3A_221 = tpu.memref_squeeze %dma_wait3A_220 : memref<1x1x32xi32, #tpu.memory_space<vmem>> -> memref<32xi32, #tpu.memory_space<vmem>>
        %dma_wait3A_222 = arith.constant 0 : i32
        %dma_wait3A_223 = arith.constant 0 : i32
        %dma_wait3A_224 = tpu.memref_slice %arg9[%dma_wait3A_222, %dma_wait3A_223] : memref<5128x128xf32, #tpu.memory_space<vmem_shared>> -> memref<5128x128xf32, #tpu.memory_space<vmem_shared>>
        tpu.wait_indirect_dma semaphore(%arg15 : memref<!tpu.dma_semaphore, #tpu.memory_space<semaphore_mem>>) src(%dma_wait3A_224 : memref<5128x128xf32, #tpu.memory_space<vmem_shared>>) dst(%dma_wait3A_218 : memref<32x128xf32, #tpu.memory_space<vmem>>)
        %run_scoped3A_225 = arith.constant 1 : i32
        %run_scoped3A_226 = arith.constant 0 : i32
        %run_scoped3A_227 = arith.constant 0 : i32
        "tpu.region"() ({
          %run_scoped3A_228 = tpu.sem_alloc : memref<!tpu.dma_semaphore, #tpu.memory_space<semaphore_mem>>
          %dma_start3A_229 = arith.constant 0 : i32
          %dma_start3A_230 = arith.constant 0 : i32
          %dma_start3A_231 = tpu.memref_slice %arg8[%run_scoped3A_225, %dma_start3A_229, %dma_start3A_230] : memref<2x32x128xf32, #tpu.memory_space<vmem>> -> memref<1x32x128xf32, #tpu.memory_space<vmem>>
          %dma_start3A_232 = tpu.memref_squeeze %dma_start3A_231 : memref<1x32x128xf32, #tpu.memory_space<vmem>> -> memref<32x128xf32, #tpu.memory_space<vmem>>
          %dma_start3A_233 = arith.constant 0 : i32
          %dma_start3A_234 = tpu.memref_slice %arg7[%run_scoped3A_226, %run_scoped3A_227, %dma_start3A_233] : memref<3x1x32xi32, #tpu.memory_space<vmem>> -> memref<1x1x32xi32, #tpu.memory_space<vmem>>
          %dma_start3A_235 = tpu.memref_squeeze %dma_start3A_234 : memref<1x1x32xi32, #tpu.memory_space<vmem>> -> memref<32xi32, #tpu.memory_space<vmem>>
          %dma_start3A_236 = arith.constant 0 : i32
          %dma_start3A_237 = arith.constant 0 : i32
          %dma_start3A_238 = tpu.memref_slice %arg10[%dma_start3A_236, %dma_start3A_237] : memref<10112x128xf32, #tpu.memory_space<vmem_shared>> -> memref<10112x128xf32, #tpu.memory_space<vmem_shared>>
          tpu.enqueue_indirect_dma source(%dma_start3A_232 : memref<32x128xf32, #tpu.memory_space<vmem>>) target(%dma_start3A_238 : memref<10112x128xf32, #tpu.memory_space<vmem_shared>>) offsets(%dma_start3A_235 : memref<32xi32, #tpu.memory_space<vmem>>) semaphore(%run_scoped3A_228 : memref<!tpu.dma_semaphore, #tpu.memory_space<semaphore_mem>>) {add = true}
          %dma_wait3A_239 = arith.constant 0 : i32
          %dma_wait3A_240 = arith.constant 0 : i32
          %dma_wait3A_241 = tpu.memref_slice %arg8[%run_scoped3A_225, %dma_wait3A_239, %dma_wait3A_240] : memref<2x32x128xf32, #tpu.memory_space<vmem>> -> memref<1x32x128xf32, #tpu.memory_space<vmem>>
          %dma_wait3A_242 = tpu.memref_squeeze %dma_wait3A_241 : memref<1x32x128xf32, #tpu.memory_space<vmem>> -> memref<32x128xf32, #tpu.memory_space<vmem>>
          %dma_wait3A_243 = arith.constant 0 : i32
          %dma_wait3A_244 = tpu.memref_slice %arg7[%run_scoped3A_226, %run_scoped3A_227, %dma_wait3A_243] : memref<3x1x32xi32, #tpu.memory_space<vmem>> -> memref<1x1x32xi32, #tpu.memory_space<vmem>>
          %dma_wait3A_245 = tpu.memref_squeeze %dma_wait3A_244 : memref<1x1x32xi32, #tpu.memory_space<vmem>> -> memref<32xi32, #tpu.memory_space<vmem>>
          %dma_wait3A_246 = arith.constant 0 : i32
          %dma_wait3A_247 = arith.constant 0 : i32
          %dma_wait3A_248 = tpu.memref_slice %arg10[%dma_wait3A_246, %dma_wait3A_247] : memref<10112x128xf32, #tpu.memory_space<vmem_shared>> -> memref<10112x128xf32, #tpu.memory_space<vmem_shared>>
          tpu.wait_indirect_dma semaphore(%run_scoped3A_228 : memref<!tpu.dma_semaphore, #tpu.memory_space<semaphore_mem>>) src(%dma_wait3A_242 : memref<32x128xf32, #tpu.memory_space<vmem>>) dst(%dma_wait3A_248 : memref<10112x128xf32, #tpu.memory_space<vmem_shared>>)
          tpu.yield
        }) : () -> ()
      } else {
      }
      %jit3A_149 = arith.constant 6 : i32
      %eq3A_150 = arith.constant 0 : i32
      %eq3A_151 = arith.cmpi eq, %jit3A_149, %eq3A_150 : i32
      %jit3A_152 = arith.constant 1 : i32
      %select_n3A_153 = arith.select %eq3A_151, %jit3A_152, %jit3A_149 : i32
      %rem3A_154 = arith.remsi %add3A_69, %select_n3A_153 : i32
      %ne3A_155 = arith.constant 0 : i32
      %ne3A_156 = arith.cmpi ne, %rem3A_154, %ne3A_155 : i32
      %lt3A_157 = arith.constant 0 : i32
      %lt3A_158 = arith.cmpi slt, %rem3A_154, %lt3A_157 : i32
      %lt3A_159 = arith.constant 0 : i32
      %lt3A_160 = arith.cmpi slt, %select_n3A_153, %lt3A_159 : i32
      %ne3A_161 = arith.xori %lt3A_158, %lt3A_160 : i1
      %and3A_162 = arith.andi %ne3A_161, %ne3A_156 : i1
      %add3A_163 = arith.addi %rem3A_154, %select_n3A_153 : i32
      %select_n3A_164 = arith.select %and3A_162, %add3A_163, %rem3A_154 : i32
      %eq3A_165 = arith.constant 4 : i32
      %eq3A_166 = arith.cmpi eq, %select_n3A_164, %eq3A_165 : i32
      %convert_element_type3A_167 = arith.extui %eq3A_166 : i1 to i32
      %cond3A_168 = arith.constant 0 : i32
      %cond3A_169 = arith.cmpi ne, %convert_element_type3A_167, %cond3A_168 : i32
      scf.if %cond3A_169 {
        %ge3A = arith.constant 1 : i32
        %ge3A_191 = arith.cmpi sge, %add3A_69, %ge3A : i32
        %add3A_192 = arith.constant 1 : i32
        %add3A_193 = arith.addi %add3A_69, %add3A_192 : i32
        %le3A = arith.constant 639 : i32
        %le3A_194 = arith.cmpi sle, %add3A_193, %le3A : i32
        %and3A_195 = arith.andi %ge3A_191, %le3A_194 : i1
        %convert_element_type3A_196 = arith.extui %and3A_195 : i1 to i32
        %cond3A_197 = arith.constant 0 : i32
        %cond3A_198 = arith.cmpi ne, %convert_element_type3A_196, %cond3A_197 : i32
        scf.if %cond3A_198 {
          %dma_wait3A_228 = arith.constant 2 : i32
          %dma_wait3A_229 = arith.constant 0 : i32
          %dma_wait3A_230 = arith.constant 0 : i32
          %dma_wait3A_231 = tpu.memref_slice %arg6[%dma_wait3A_228, %dma_wait3A_229, %dma_wait3A_230] : memref<3x1x32xi32, #tpu.memory_space<vmem>> -> memref<1x1x32xi32, #tpu.memory_space<vmem>>
          %dma_wait3A_232 = arith.constant 0 : i32
          %dma_wait3A_233 = arith.constant 0 : i32
          %dma_wait3A_234 = tpu.memref_slice %arg3[%mul3A_21, %dma_wait3A_232, %dma_wait3A_233] : memref<10240x1x32xi32, #tpu.memory_space<hbm>> -> memref<1x1x32xi32, #tpu.memory_space<hbm>>
          %dma_wait3A_235 = arith.constant 2 : i32
          %dma_wait3A_236 = arith.constant 0 : i32
          %dma_wait3A_237 = arith.constant 0 : i32
          %dma_wait3A_238 = tpu.memref_slice %arg6[%dma_wait3A_235, %dma_wait3A_236, %dma_wait3A_237] : memref<3x1x32xi32, #tpu.memory_space<vmem>> -> memref<1x1x32xi32, #tpu.memory_space<vmem>>
          %dma_wait3A_239 = arith.constant 0 : i32
          %dma_wait3A_240 = arith.constant 0 : i32
          %dma_wait3A_241 = tpu.memref_slice %arg3[%mul3A_21, %dma_wait3A_239, %dma_wait3A_240] : memref<10240x1x32xi32, #tpu.memory_space<hbm>> -> memref<1x1x32xi32, #tpu.memory_space<hbm>>
          tpu.wait_dma2 semaphore(%arg13 : memref<!tpu.dma_semaphore, #tpu.memory_space<semaphore_mem>>) src(%dma_wait3A_241 : memref<1x1x32xi32, #tpu.memory_space<hbm>>) dst(%dma_wait3A_238 : memref<1x1x32xi32, #tpu.memory_space<vmem>>)
          %dma_wait3A_242 = arith.constant 2 : i32
          %dma_wait3A_243 = arith.constant 0 : i32
          %dma_wait3A_244 = arith.constant 0 : i32
          %dma_wait3A_245 = tpu.memref_slice %arg7[%dma_wait3A_242, %dma_wait3A_243, %dma_wait3A_244] : memref<3x1x32xi32, #tpu.memory_space<vmem>> -> memref<1x1x32xi32, #tpu.memory_space<vmem>>
          %dma_wait3A_246 = arith.constant 0 : i32
          %dma_wait3A_247 = arith.constant 0 : i32
          %dma_wait3A_248 = tpu.memref_slice %arg4[%mul3A_21, %dma_wait3A_246, %dma_wait3A_247] : memref<10240x1x32xi32, #tpu.memory_space<hbm>> -> memref<1x1x32xi32, #tpu.memory_space<hbm>>
          %dma_wait3A_249 = arith.constant 2 : i32
          %dma_wait3A_250 = arith.constant 0 : i32
          %dma_wait3A_251 = arith.constant 0 : i32
          %dma_wait3A_252 = tpu.memref_slice %arg7[%dma_wait3A_249, %dma_wait3A_250, %dma_wait3A_251] : memref<3x1x32xi32, #tpu.memory_space<vmem>> -> memref<1x1x32xi32, #tpu.memory_space<vmem>>
          %dma_wait3A_253 = arith.constant 0 : i32
          %dma_wait3A_254 = arith.constant 0 : i32
          %dma_wait3A_255 = tpu.memref_slice %arg4[%mul3A_21, %dma_wait3A_253, %dma_wait3A_254] : memref<10240x1x32xi32, #tpu.memory_space<hbm>> -> memref<1x1x32xi32, #tpu.memory_space<hbm>>
          tpu.wait_dma2 semaphore(%arg13 : memref<!tpu.dma_semaphore, #tpu.memory_space<semaphore_mem>>) src(%dma_wait3A_255 : memref<1x1x32xi32, #tpu.memory_space<hbm>>) dst(%dma_wait3A_252 : memref<1x1x32xi32, #tpu.memory_space<vmem>>)
        } else {
        }
        %add3A_199 = arith.constant 1 : i32
        %add3A_200 = arith.addi %add3A_69, %add3A_199 : i32
        %le3A_201 = arith.constant 639 : i32
        %le3A_202 = arith.cmpi sle, %add3A_200, %le3A_201 : i32
        %convert_element_type3A_203 = arith.extui %le3A_202 : i1 to i32
        %cond3A_204 = arith.constant 0 : i32
        %cond3A_205 = arith.cmpi ne, %convert_element_type3A_203, %cond3A_204 : i32
        scf.if %cond3A_205 {
          %scan3A_228 = arith.constant 0 : i32
          %scan3A_229 = arith.constant 2 : i32
          %scan3A_230 = arith.addi %scan3A_228, %scan3A_229 : i32
          %scan3A_231 = arith.constant 1 : i32
          scf.for %scan3A_246 = %scan3A_228 to %scan3A_230 step %scan3A_231  : i32 {
            %mul3A_247 = arith.constant 1 : i32
            %mul3A_248 = arith.muli %scan3A_246, %mul3A_247 : i32
            %add3A_249 = arith.constant 0 : i32
            %add3A_250 = arith.addi %add3A_249, %mul3A_248 : i32
            %mul3A_251 = arith.constant 16 : i32
            %mul3A_252 = arith.muli %add3A_250, %mul3A_251 : i32
            %get3A = arith.constant 2 : i32
            %get3A_253 = arith.constant 0 : i32
            %get3A_254 = arith.index_cast %get3A : i32 to index
            %get3A_255 = arith.index_cast %get3A_253 : i32 to index
            %get3A_256 = arith.index_cast %mul3A_252 : i32 to index
            %get3A_257 = tpu.vector_load %arg6[%get3A_254, %get3A_255, %get3A_256] {strides = array<i32>} : memref<3x1x32xi32, #tpu.memory_space<vmem>>, vector<1x1x16xi32>,
            %get3A_258 = vector.shape_cast %get3A_257 : vector<1x1x16xi32> to vector<16xi32>
            %sub3A = vector.broadcast %mul3A_0 : i32 to vector<16xi32>
            %sub3A_259 = arith.subi %get3A_258, %sub3A : vector<16xi32>
            %lt3A_260 = arith.constant 5120 : i32
            %lt3A_261 = vector.broadcast %lt3A_260 : i32 to vector<16xi32>
            %lt3A_262 = arith.cmpi ult, %sub3A_259, %lt3A_261 : vector<16xi32>
            %select_n3A_263 = arith.select %lt3A_262, %sub3A_259, %add3A_34 : vector<16xi1>, vector<16xi32>
            %mul3A_264 = arith.constant 16 : i32
            %mul3A_265 = arith.muli %add3A_250, %mul3A_264 : i32
            %swap3A = arith.constant 2 : i32
            %swap3A_266 = arith.constant 0 : i32
            %swap3A_267 = arith.index_cast %swap3A : i32 to index
            %swap3A_268 = arith.index_cast %swap3A_266 : i32 to index
            %swap3A_269 = arith.index_cast %mul3A_265 : i32 to index
            %swap3A_270 = tpu.vector_load %arg6[%swap3A_267, %swap3A_268, %swap3A_269] {strides = array<i32>} : memref<3x1x32xi32, #tpu.memory_space<vmem>>, vector<1x1x16xi32>,
            %swap3A_271 = vector.shape_cast %swap3A_270 : vector<1x1x16xi32> to vector<16xi32>
            %swap3A_272 = vector.shape_cast %select_n3A_263 : vector<16xi32> to vector<1x1x16xi32>
            tpu.vector_store %arg6[%swap3A_267, %swap3A_268, %swap3A_269], %swap3A_272 {strides = array<i32>} : memref<3x1x32xi32, #tpu.memory_space<vmem>>, vector<1x1x16xi32>,
          }
          %scan3A_232 = arith.constant 2 : i32
          %dma_start3A_233 = arith.constant 2 : i32
          %dma_start3A_234 = arith.constant 0 : i32
          %dma_start3A_235 = arith.constant 1 : i32
          %dma_start3A_236 = arith.constant 0 : i32
          %dma_start3A_237 = arith.constant 0 : i32
          %dma_start3A_238 = tpu.memref_slice %arg8[%dma_start3A_235, %dma_start3A_236, %dma_start3A_237] : memref<2x32x128xf32, #tpu.memory_space<vmem>> -> memref<1x32x128xf32, #tpu.memory_space<vmem>>
          %dma_start3A_239 = tpu.memref_squeeze %dma_start3A_238 : memref<1x32x128xf32, #tpu.memory_space<vmem>> -> memref<32x128xf32, #tpu.memory_space<vmem>>
          %dma_start3A_240 = arith.constant 0 : i32
          %dma_start3A_241 = tpu.memref_slice %arg6[%dma_start3A_233, %dma_start3A_234, %dma_start3A_240] : memref<3x1x32xi32, #tpu.memory_space<vmem>> -> memref<1x1x32xi32, #tpu.memory_space<vmem>>
          %dma_start3A_242 = tpu.memref_squeeze %dma_start3A_241 : memref<1x1x32xi32, #tpu.memory_space<vmem>> -> memref<32xi32, #tpu.memory_space<vmem>>
          %dma_start3A_243 = arith.constant 0 : i32
          %dma_start3A_244 = arith.constant 0 : i32
          %dma_start3A_245 = tpu.memref_slice %arg9[%dma_start3A_243, %dma_start3A_244] : memref<5128x128xf32, #tpu.memory_space<vmem_shared>> -> memref<5128x128xf32, #tpu.memory_space<vmem_shared>>
          tpu.enqueue_indirect_dma source(%dma_start3A_245 : memref<5128x128xf32, #tpu.memory_space<vmem_shared>>) target(%dma_start3A_239 : memref<32x128xf32, #tpu.memory_space<vmem>>) offsets(%dma_start3A_242 : memref<32xi32, #tpu.memory_space<vmem>>) semaphore(%arg15 : memref<!tpu.dma_semaphore, #tpu.memory_space<semaphore_mem>>)
        } else {
        }
        %add3A_206 = arith.constant 2 : i32
        %add3A_207 = arith.addi %add3A_69, %add3A_206 : i32
        %le3A_208 = arith.constant 639 : i32
        %le3A_209 = arith.cmpi sle, %add3A_207, %le3A_208 : i32
        %convert_element_type3A_210 = arith.extui %le3A_209 : i1 to i32
        %cond3A_211 = arith.constant 0 : i32
        %cond3A_212 = arith.cmpi ne, %convert_element_type3A_210, %cond3A_211 : i32
        scf.if %cond3A_212 {
          %add3A_228 = arith.addi %mul3A_21, %add3A_69 : i32
          %add3A_229 = arith.constant 2 : i32
          %add3A_230 = arith.addi %add3A_228, %add3A_229 : i32
          %dma_start3A_231 = arith.constant 0 : i32
          %dma_start3A_232 = arith.constant 0 : i32
          %dma_start3A_233 = arith.constant 0 : i32
          %dma_start3A_234 = tpu.memref_slice %arg6[%dma_start3A_231, %dma_start3A_232, %dma_start3A_233] : memref<3x1x32xi32, #tpu.memory_space<vmem>> -> memref<1x1x32xi32, #tpu.memory_space<vmem>>
          %dma_start3A_235 = arith.constant 0 : i32
          %dma_start3A_236 = arith.constant 0 : i32
          %dma_start3A_237 = tpu.memref_slice %arg3[%add3A_230, %dma_start3A_235, %dma_start3A_236] : memref<10240x1x32xi32, #tpu.memory_space<hbm>> -> memref<1x1x32xi32, #tpu.memory_space<hbm>>
          %dma_start3A_238 = arith.constant 0 : i32
          %dma_start3A_239 = arith.constant 0 : i32
          %dma_start3A_240 = arith.constant 0 : i32
          %dma_start3A_241 = tpu.memref_slice %arg6[%dma_start3A_238, %dma_start3A_239, %dma_start3A_240] : memref<3x1x32xi32, #tpu.memory_space<vmem>> -> memref<1x1x32xi32, #tpu.memory_space<vmem>>
          %dma_start3A_242 = arith.constant 0 : i32
          %dma_start3A_243 = arith.constant 0 : i32
          %dma_start3A_244 = tpu.memref_slice %arg3[%add3A_230, %dma_start3A_242, %dma_start3A_243] : memref<10240x1x32xi32, #tpu.memory_space<hbm>> -> memref<1x1x32xi32, #tpu.memory_space<hbm>>
          tpu.enqueue_dma source(%dma_start3A_244 : memref<1x1x32xi32, #tpu.memory_space<hbm>>) target(%dma_start3A_241 : memref<1x1x32xi32, #tpu.memory_space<vmem>>) target_semaphore(%arg11 : memref<!tpu.dma_semaphore, #tpu.memory_space<semaphore_mem>>)
          %add3A_245 = arith.addi %mul3A_21, %add3A_69 : i32
          %add3A_246 = arith.constant 2 : i32
          %add3A_247 = arith.addi %add3A_245, %add3A_246 : i32
          %dma_start3A_248 = arith.constant 0 : i32
          %dma_start3A_249 = arith.constant 0 : i32
          %dma_start3A_250 = arith.constant 0 : i32
          %dma_start3A_251 = tpu.memref_slice %arg7[%dma_start3A_248, %dma_start3A_249, %dma_start3A_250] : memref<3x1x32xi32, #tpu.memory_space<vmem>> -> memref<1x1x32xi32, #tpu.memory_space<vmem>>
          %dma_start3A_252 = arith.constant 0 : i32
          %dma_start3A_253 = arith.constant 0 : i32
          %dma_start3A_254 = tpu.memref_slice %arg4[%add3A_247, %dma_start3A_252, %dma_start3A_253] : memref<10240x1x32xi32, #tpu.memory_space<hbm>> -> memref<1x1x32xi32, #tpu.memory_space<hbm>>
          %dma_start3A_255 = arith.constant 0 : i32
          %dma_start3A_256 = arith.constant 0 : i32
          %dma_start3A_257 = arith.constant 0 : i32
          %dma_start3A_258 = tpu.memref_slice %arg7[%dma_start3A_255, %dma_start3A_256, %dma_start3A_257] : memref<3x1x32xi32, #tpu.memory_space<vmem>> -> memref<1x1x32xi32, #tpu.memory_space<vmem>>
          %dma_start3A_259 = arith.constant 0 : i32
          %dma_start3A_260 = arith.constant 0 : i32
          %dma_start3A_261 = tpu.memref_slice %arg4[%add3A_247, %dma_start3A_259, %dma_start3A_260] : memref<10240x1x32xi32, #tpu.memory_space<hbm>> -> memref<1x1x32xi32, #tpu.memory_space<hbm>>
          tpu.enqueue_dma source(%dma_start3A_261 : memref<1x1x32xi32, #tpu.memory_space<hbm>>) target(%dma_start3A_258 : memref<1x1x32xi32, #tpu.memory_space<vmem>>) target_semaphore(%arg11 : memref<!tpu.dma_semaphore, #tpu.memory_space<semaphore_mem>>)
        } else {
        }
        %dma_wait3A = arith.constant 1 : i32
        %dma_wait3A_213 = arith.constant 0 : i32
        %dma_wait3A_214 = arith.constant 0 : i32
        %dma_wait3A_215 = arith.constant 0 : i32
        %dma_wait3A_216 = arith.constant 0 : i32
        %dma_wait3A_217 = tpu.memref_slice %arg8[%dma_wait3A_214, %dma_wait3A_215, %dma_wait3A_216] : memref<2x32x128xf32, #tpu.memory_space<vmem>> -> memref<1x32x128xf32, #tpu.memory_space<vmem>>
        %dma_wait3A_218 = tpu.memref_squeeze %dma_wait3A_217 : memref<1x32x128xf32, #tpu.memory_space<vmem>> -> memref<32x128xf32, #tpu.memory_space<vmem>>
        %dma_wait3A_219 = arith.constant 0 : i32
        %dma_wait3A_220 = tpu.memref_slice %arg6[%dma_wait3A, %dma_wait3A_213, %dma_wait3A_219] : memref<3x1x32xi32, #tpu.memory_space<vmem>> -> memref<1x1x32xi32, #tpu.memory_space<vmem>>
        %dma_wait3A_221 = tpu.memref_squeeze %dma_wait3A_220 : memref<1x1x32xi32, #tpu.memory_space<vmem>> -> memref<32xi32, #tpu.memory_space<vmem>>
        %dma_wait3A_222 = arith.constant 0 : i32
        %dma_wait3A_223 = arith.constant 0 : i32
        %dma_wait3A_224 = tpu.memref_slice %arg9[%dma_wait3A_222, %dma_wait3A_223] : memref<5128x128xf32, #tpu.memory_space<vmem_shared>> -> memref<5128x128xf32, #tpu.memory_space<vmem_shared>>
        tpu.wait_indirect_dma semaphore(%arg14 : memref<!tpu.dma_semaphore, #tpu.memory_space<semaphore_mem>>) src(%dma_wait3A_224 : memref<5128x128xf32, #tpu.memory_space<vmem_shared>>) dst(%dma_wait3A_218 : memref<32x128xf32, #tpu.memory_space<vmem>>)
        %run_scoped3A_225 = arith.constant 0 : i32
        %run_scoped3A_226 = arith.constant 1 : i32
        %run_scoped3A_227 = arith.constant 0 : i32
        "tpu.region"() ({
          %run_scoped3A_228 = tpu.sem_alloc : memref<!tpu.dma_semaphore, #tpu.memory_space<semaphore_mem>>
          %dma_start3A_229 = arith.constant 0 : i32
          %dma_start3A_230 = arith.constant 0 : i32
          %dma_start3A_231 = tpu.memref_slice %arg8[%run_scoped3A_225, %dma_start3A_229, %dma_start3A_230] : memref<2x32x128xf32, #tpu.memory_space<vmem>> -> memref<1x32x128xf32, #tpu.memory_space<vmem>>
          %dma_start3A_232 = tpu.memref_squeeze %dma_start3A_231 : memref<1x32x128xf32, #tpu.memory_space<vmem>> -> memref<32x128xf32, #tpu.memory_space<vmem>>
          %dma_start3A_233 = arith.constant 0 : i32
          %dma_start3A_234 = tpu.memref_slice %arg7[%run_scoped3A_226, %run_scoped3A_227, %dma_start3A_233] : memref<3x1x32xi32, #tpu.memory_space<vmem>> -> memref<1x1x32xi32, #tpu.memory_space<vmem>>
          %dma_start3A_235 = tpu.memref_squeeze %dma_start3A_234 : memref<1x1x32xi32, #tpu.memory_space<vmem>> -> memref<32xi32, #tpu.memory_space<vmem>>
          %dma_start3A_236 = arith.constant 0 : i32
          %dma_start3A_237 = arith.constant 0 : i32
          %dma_start3A_238 = tpu.memref_slice %arg10[%dma_start3A_236, %dma_start3A_237] : memref<10112x128xf32, #tpu.memory_space<vmem_shared>> -> memref<10112x128xf32, #tpu.memory_space<vmem_shared>>
          tpu.enqueue_indirect_dma source(%dma_start3A_232 : memref<32x128xf32, #tpu.memory_space<vmem>>) target(%dma_start3A_238 : memref<10112x128xf32, #tpu.memory_space<vmem_shared>>) offsets(%dma_start3A_235 : memref<32xi32, #tpu.memory_space<vmem>>) semaphore(%run_scoped3A_228 : memref<!tpu.dma_semaphore, #tpu.memory_space<semaphore_mem>>) {add = true}
          %dma_wait3A_239 = arith.constant 0 : i32
          %dma_wait3A_240 = arith.constant 0 : i32
          %dma_wait3A_241 = tpu.memref_slice %arg8[%run_scoped3A_225, %dma_wait3A_239, %dma_wait3A_240] : memref<2x32x128xf32, #tpu.memory_space<vmem>> -> memref<1x32x128xf32, #tpu.memory_space<vmem>>
          %dma_wait3A_242 = tpu.memref_squeeze %dma_wait3A_241 : memref<1x32x128xf32, #tpu.memory_space<vmem>> -> memref<32x128xf32, #tpu.memory_space<vmem>>
          %dma_wait3A_243 = arith.constant 0 : i32
          %dma_wait3A_244 = tpu.memref_slice %arg7[%run_scoped3A_226, %run_scoped3A_227, %dma_wait3A_243] : memref<3x1x32xi32, #tpu.memory_space<vmem>> -> memref<1x1x32xi32, #tpu.memory_space<vmem>>
          %dma_wait3A_245 = tpu.memref_squeeze %dma_wait3A_244 : memref<1x1x32xi32, #tpu.memory_space<vmem>> -> memref<32xi32, #tpu.memory_space<vmem>>
          %dma_wait3A_246 = arith.constant 0 : i32
          %dma_wait3A_247 = arith.constant 0 : i32
          %dma_wait3A_248 = tpu.memref_slice %arg10[%dma_wait3A_246, %dma_wait3A_247] : memref<10112x128xf32, #tpu.memory_space<vmem_shared>> -> memref<10112x128xf32, #tpu.memory_space<vmem_shared>>
          tpu.wait_indirect_dma semaphore(%run_scoped3A_228 : memref<!tpu.dma_semaphore, #tpu.memory_space<semaphore_mem>>) src(%dma_wait3A_242 : memref<32x128xf32, #tpu.memory_space<vmem>>) dst(%dma_wait3A_248 : memref<10112x128xf32, #tpu.memory_space<vmem_shared>>)
          tpu.yield
        }) : () -> ()
      } else {
      }
      %jit3A_170 = arith.constant 6 : i32
      %eq3A_171 = arith.constant 0 : i32
      %eq3A_172 = arith.cmpi eq, %jit3A_170, %eq3A_171 : i32
      %jit3A_173 = arith.constant 1 : i32
      %select_n3A_174 = arith.select %eq3A_172, %jit3A_173, %jit3A_170 : i32
      %rem3A_175 = arith.remsi %add3A_69, %select_n3A_174 : i32
      %ne3A_176 = arith.constant 0 : i32
      %ne3A_177 = arith.cmpi ne, %rem3A_175, %ne3A_176 : i32
      %lt3A_178 = arith.constant 0 : i32
      %lt3A_179 = arith.cmpi slt, %rem3A_175, %lt3A_178 : i32
      %lt3A_180 = arith.constant 0 : i32
      %lt3A_181 = arith.cmpi slt, %select_n3A_174, %lt3A_180 : i32
      %ne3A_182 = arith.xori %lt3A_179, %lt3A_181 : i1
      %and3A_183 = arith.andi %ne3A_182, %ne3A_177 : i1
      %add3A_184 = arith.addi %rem3A_175, %select_n3A_174 : i32
      %select_n3A_185 = arith.select %and3A_183, %add3A_184, %rem3A_175 : i32
      %eq3A_186 = arith.constant 5 : i32
      %eq3A_187 = arith.cmpi eq, %select_n3A_185, %eq3A_186 : i32
      %convert_element_type3A_188 = arith.extui %eq3A_187 : i1 to i32
      %cond3A_189 = arith.constant 0 : i32
      %cond3A_190 = arith.cmpi ne, %convert_element_type3A_188, %cond3A_189 : i32
      scf.if %cond3A_190 {
        %ge3A = arith.constant 1 : i32
        %ge3A_191 = arith.cmpi sge, %add3A_69, %ge3A : i32
        %add3A_192 = arith.constant 1 : i32
        %add3A_193 = arith.addi %add3A_69, %add3A_192 : i32
        %le3A = arith.constant 639 : i32
        %le3A_194 = arith.cmpi sle, %add3A_193, %le3A : i32
        %and3A_195 = arith.andi %ge3A_191, %le3A_194 : i1
        %convert_element_type3A_196 = arith.extui %and3A_195 : i1 to i32
        %cond3A_197 = arith.constant 0 : i32
        %cond3A_198 = arith.cmpi ne, %convert_element_type3A_196, %cond3A_197 : i32
        scf.if %cond3A_198 {
          %dma_wait3A_228 = arith.constant 0 : i32
          %dma_wait3A_229 = arith.constant 0 : i32
          %dma_wait3A_230 = arith.constant 0 : i32
          %dma_wait3A_231 = tpu.memref_slice %arg6[%dma_wait3A_228, %dma_wait3A_229, %dma_wait3A_230] : memref<3x1x32xi32, #tpu.memory_space<vmem>> -> memref<1x1x32xi32, #tpu.memory_space<vmem>>
          %dma_wait3A_232 = arith.constant 0 : i32
          %dma_wait3A_233 = arith.constant 0 : i32
          %dma_wait3A_234 = tpu.memref_slice %arg3[%mul3A_21, %dma_wait3A_232, %dma_wait3A_233] : memref<10240x1x32xi32, #tpu.memory_space<hbm>> -> memref<1x1x32xi32, #tpu.memory_space<hbm>>
          %dma_wait3A_235 = arith.constant 0 : i32
          %dma_wait3A_236 = arith.constant 0 : i32
          %dma_wait3A_237 = arith.constant 0 : i32
          %dma_wait3A_238 = tpu.memref_slice %arg6[%dma_wait3A_235, %dma_wait3A_236, %dma_wait3A_237] : memref<3x1x32xi32, #tpu.memory_space<vmem>> -> memref<1x1x32xi32, #tpu.memory_space<vmem>>
          %dma_wait3A_239 = arith.constant 0 : i32
          %dma_wait3A_240 = arith.constant 0 : i32
          %dma_wait3A_241 = tpu.memref_slice %arg3[%mul3A_21, %dma_wait3A_239, %dma_wait3A_240] : memref<10240x1x32xi32, #tpu.memory_space<hbm>> -> memref<1x1x32xi32, #tpu.memory_space<hbm>>
          tpu.wait_dma2 semaphore(%arg11 : memref<!tpu.dma_semaphore, #tpu.memory_space<semaphore_mem>>) src(%dma_wait3A_241 : memref<1x1x32xi32, #tpu.memory_space<hbm>>) dst(%dma_wait3A_238 : memref<1x1x32xi32, #tpu.memory_space<vmem>>)
          %dma_wait3A_242 = arith.constant 0 : i32
          %dma_wait3A_243 = arith.constant 0 : i32
          %dma_wait3A_244 = arith.constant 0 : i32
          %dma_wait3A_245 = tpu.memref_slice %arg7[%dma_wait3A_242, %dma_wait3A_243, %dma_wait3A_244] : memref<3x1x32xi32, #tpu.memory_space<vmem>> -> memref<1x1x32xi32, #tpu.memory_space<vmem>>
          %dma_wait3A_246 = arith.constant 0 : i32
          %dma_wait3A_247 = arith.constant 0 : i32
          %dma_wait3A_248 = tpu.memref_slice %arg4[%mul3A_21, %dma_wait3A_246, %dma_wait3A_247] : memref<10240x1x32xi32, #tpu.memory_space<hbm>> -> memref<1x1x32xi32, #tpu.memory_space<hbm>>
          %dma_wait3A_249 = arith.constant 0 : i32
          %dma_wait3A_250 = arith.constant 0 : i32
          %dma_wait3A_251 = arith.constant 0 : i32
          %dma_wait3A_252 = tpu.memref_slice %arg7[%dma_wait3A_249, %dma_wait3A_250, %dma_wait3A_251] : memref<3x1x32xi32, #tpu.memory_space<vmem>> -> memref<1x1x32xi32, #tpu.memory_space<vmem>>
          %dma_wait3A_253 = arith.constant 0 : i32
          %dma_wait3A_254 = arith.constant 0 : i32
          %dma_wait3A_255 = tpu.memref_slice %arg4[%mul3A_21, %dma_wait3A_253, %dma_wait3A_254] : memref<10240x1x32xi32, #tpu.memory_space<hbm>> -> memref<1x1x32xi32, #tpu.memory_space<hbm>>
          tpu.wait_dma2 semaphore(%arg11 : memref<!tpu.dma_semaphore, #tpu.memory_space<semaphore_mem>>) src(%dma_wait3A_255 : memref<1x1x32xi32, #tpu.memory_space<hbm>>) dst(%dma_wait3A_252 : memref<1x1x32xi32, #tpu.memory_space<vmem>>)
        } else {
        }
        %add3A_199 = arith.constant 1 : i32
        %add3A_200 = arith.addi %add3A_69, %add3A_199 : i32
        %le3A_201 = arith.constant 639 : i32
        %le3A_202 = arith.cmpi sle, %add3A_200, %le3A_201 : i32
        %convert_element_type3A_203 = arith.extui %le3A_202 : i1 to i32
        %cond3A_204 = arith.constant 0 : i32
        %cond3A_205 = arith.cmpi ne, %convert_element_type3A_203, %cond3A_204 : i32
        scf.if %cond3A_205 {
          %scan3A_228 = arith.constant 0 : i32
          %scan3A_229 = arith.constant 2 : i32
          %scan3A_230 = arith.addi %scan3A_228, %scan3A_229 : i32
          %scan3A_231 = arith.constant 1 : i32
          scf.for %scan3A_246 = %scan3A_228 to %scan3A_230 step %scan3A_231  : i32 {
            %mul3A_247 = arith.constant 1 : i32
            %mul3A_248 = arith.muli %scan3A_246, %mul3A_247 : i32
            %add3A_249 = arith.constant 0 : i32
            %add3A_250 = arith.addi %add3A_249, %mul3A_248 : i32
            %mul3A_251 = arith.constant 16 : i32
            %mul3A_252 = arith.muli %add3A_250, %mul3A_251 : i32
            %get3A = arith.constant 0 : i32
            %get3A_253 = arith.constant 0 : i32
            %get3A_254 = arith.index_cast %get3A : i32 to index
            %get3A_255 = arith.index_cast %get3A_253 : i32 to index
            %get3A_256 = arith.index_cast %mul3A_252 : i32 to index
            %get3A_257 = tpu.vector_load %arg6[%get3A_254, %get3A_255, %get3A_256] {strides = array<i32>} : memref<3x1x32xi32, #tpu.memory_space<vmem>>, vector<1x1x16xi32>,
            %get3A_258 = vector.shape_cast %get3A_257 : vector<1x1x16xi32> to vector<16xi32>
            %sub3A = vector.broadcast %mul3A_0 : i32 to vector<16xi32>
            %sub3A_259 = arith.subi %get3A_258, %sub3A : vector<16xi32>
            %lt3A_260 = arith.constant 5120 : i32
            %lt3A_261 = vector.broadcast %lt3A_260 : i32 to vector<16xi32>
            %lt3A_262 = arith.cmpi ult, %sub3A_259, %lt3A_261 : vector<16xi32>
            %select_n3A_263 = arith.select %lt3A_262, %sub3A_259, %add3A_34 : vector<16xi1>, vector<16xi32>
            %mul3A_264 = arith.constant 16 : i32
            %mul3A_265 = arith.muli %add3A_250, %mul3A_264 : i32
            %swap3A = arith.constant 0 : i32
            %swap3A_266 = arith.constant 0 : i32
            %swap3A_267 = arith.index_cast %swap3A : i32 to index
            %swap3A_268 = arith.index_cast %swap3A_266 : i32 to index
            %swap3A_269 = arith.index_cast %mul3A_265 : i32 to index
            %swap3A_270 = tpu.vector_load %arg6[%swap3A_267, %swap3A_268, %swap3A_269] {strides = array<i32>} : memref<3x1x32xi32, #tpu.memory_space<vmem>>, vector<1x1x16xi32>,
            %swap3A_271 = vector.shape_cast %swap3A_270 : vector<1x1x16xi32> to vector<16xi32>
            %swap3A_272 = vector.shape_cast %select_n3A_263 : vector<16xi32> to vector<1x1x16xi32>
            tpu.vector_store %arg6[%swap3A_267, %swap3A_268, %swap3A_269], %swap3A_272 {strides = array<i32>} : memref<3x1x32xi32, #tpu.memory_space<vmem>>, vector<1x1x16xi32>,
          }
          %scan3A_232 = arith.constant 2 : i32
          %dma_start3A_233 = arith.constant 0 : i32
          %dma_start3A_234 = arith.constant 0 : i32
          %dma_start3A_235 = arith.constant 0 : i32
          %dma_start3A_236 = arith.constant 0 : i32
          %dma_start3A_237 = arith.constant 0 : i32
          %dma_start3A_238 = tpu.memref_slice %arg8[%dma_start3A_235, %dma_start3A_236, %dma_start3A_237] : memref<2x32x128xf32, #tpu.memory_space<vmem>> -> memref<1x32x128xf32, #tpu.memory_space<vmem>>
          %dma_start3A_239 = tpu.memref_squeeze %dma_start3A_238 : memref<1x32x128xf32, #tpu.memory_space<vmem>> -> memref<32x128xf32, #tpu.memory_space<vmem>>
          %dma_start3A_240 = arith.constant 0 : i32
          %dma_start3A_241 = tpu.memref_slice %arg6[%dma_start3A_233, %dma_start3A_234, %dma_start3A_240] : memref<3x1x32xi32, #tpu.memory_space<vmem>> -> memref<1x1x32xi32, #tpu.memory_space<vmem>>
          %dma_start3A_242 = tpu.memref_squeeze %dma_start3A_241 : memref<1x1x32xi32, #tpu.memory_space<vmem>> -> memref<32xi32, #tpu.memory_space<vmem>>
          %dma_start3A_243 = arith.constant 0 : i32
          %dma_start3A_244 = arith.constant 0 : i32
          %dma_start3A_245 = tpu.memref_slice %arg9[%dma_start3A_243, %dma_start3A_244] : memref<5128x128xf32, #tpu.memory_space<vmem_shared>> -> memref<5128x128xf32, #tpu.memory_space<vmem_shared>>
          tpu.enqueue_indirect_dma source(%dma_start3A_245 : memref<5128x128xf32, #tpu.memory_space<vmem_shared>>) target(%dma_start3A_239 : memref<32x128xf32, #tpu.memory_space<vmem>>) offsets(%dma_start3A_242 : memref<32xi32, #tpu.memory_space<vmem>>) semaphore(%arg14 : memref<!tpu.dma_semaphore, #tpu.memory_space<semaphore_mem>>)
        } else {
        }
        %add3A_206 = arith.constant 2 : i32
        %add3A_207 = arith.addi %add3A_69, %add3A_206 : i32
        %le3A_208 = arith.constant 639 : i32
        %le3A_209 = arith.cmpi sle, %add3A_207, %le3A_208 : i32
        %convert_element_type3A_210 = arith.extui %le3A_209 : i1 to i32
        %cond3A_211 = arith.constant 0 : i32
        %cond3A_212 = arith.cmpi ne, %convert_element_type3A_210, %cond3A_211 : i32
        scf.if %cond3A_212 {
          %add3A_228 = arith.addi %mul3A_21, %add3A_69 : i32
          %add3A_229 = arith.constant 2 : i32
          %add3A_230 = arith.addi %add3A_228, %add3A_229 : i32
          %dma_start3A_231 = arith.constant 1 : i32
          %dma_start3A_232 = arith.constant 0 : i32
          %dma_start3A_233 = arith.constant 0 : i32
          %dma_start3A_234 = tpu.memref_slice %arg6[%dma_start3A_231, %dma_start3A_232, %dma_start3A_233] : memref<3x1x32xi32, #tpu.memory_space<vmem>> -> memref<1x1x32xi32, #tpu.memory_space<vmem>>
          %dma_start3A_235 = arith.constant 0 : i32
          %dma_start3A_236 = arith.constant 0 : i32
          %dma_start3A_237 = tpu.memref_slice %arg3[%add3A_230, %dma_start3A_235, %dma_start3A_236] : memref<10240x1x32xi32, #tpu.memory_space<hbm>> -> memref<1x1x32xi32, #tpu.memory_space<hbm>>
          %dma_start3A_238 = arith.constant 1 : i32
          %dma_start3A_239 = arith.constant 0 : i32
          %dma_start3A_240 = arith.constant 0 : i32
          %dma_start3A_241 = tpu.memref_slice %arg6[%dma_start3A_238, %dma_start3A_239, %dma_start3A_240] : memref<3x1x32xi32, #tpu.memory_space<vmem>> -> memref<1x1x32xi32, #tpu.memory_space<vmem>>
          %dma_start3A_242 = arith.constant 0 : i32
          %dma_start3A_243 = arith.constant 0 : i32
          %dma_start3A_244 = tpu.memref_slice %arg3[%add3A_230, %dma_start3A_242, %dma_start3A_243] : memref<10240x1x32xi32, #tpu.memory_space<hbm>> -> memref<1x1x32xi32, #tpu.memory_space<hbm>>
          tpu.enqueue_dma source(%dma_start3A_244 : memref<1x1x32xi32, #tpu.memory_space<hbm>>) target(%dma_start3A_241 : memref<1x1x32xi32, #tpu.memory_space<vmem>>) target_semaphore(%arg12 : memref<!tpu.dma_semaphore, #tpu.memory_space<semaphore_mem>>)
          %add3A_245 = arith.addi %mul3A_21, %add3A_69 : i32
          %add3A_246 = arith.constant 2 : i32
          %add3A_247 = arith.addi %add3A_245, %add3A_246 : i32
          %dma_start3A_248 = arith.constant 1 : i32
          %dma_start3A_249 = arith.constant 0 : i32
          %dma_start3A_250 = arith.constant 0 : i32
          %dma_start3A_251 = tpu.memref_slice %arg7[%dma_start3A_248, %dma_start3A_249, %dma_start3A_250] : memref<3x1x32xi32, #tpu.memory_space<vmem>> -> memref<1x1x32xi32, #tpu.memory_space<vmem>>
          %dma_start3A_252 = arith.constant 0 : i32
          %dma_start3A_253 = arith.constant 0 : i32
          %dma_start3A_254 = tpu.memref_slice %arg4[%add3A_247, %dma_start3A_252, %dma_start3A_253] : memref<10240x1x32xi32, #tpu.memory_space<hbm>> -> memref<1x1x32xi32, #tpu.memory_space<hbm>>
          %dma_start3A_255 = arith.constant 1 : i32
          %dma_start3A_256 = arith.constant 0 : i32
          %dma_start3A_257 = arith.constant 0 : i32
          %dma_start3A_258 = tpu.memref_slice %arg7[%dma_start3A_255, %dma_start3A_256, %dma_start3A_257] : memref<3x1x32xi32, #tpu.memory_space<vmem>> -> memref<1x1x32xi32, #tpu.memory_space<vmem>>
          %dma_start3A_259 = arith.constant 0 : i32
          %dma_start3A_260 = arith.constant 0 : i32
          %dma_start3A_261 = tpu.memref_slice %arg4[%add3A_247, %dma_start3A_259, %dma_start3A_260] : memref<10240x1x32xi32, #tpu.memory_space<hbm>> -> memref<1x1x32xi32, #tpu.memory_space<hbm>>
          tpu.enqueue_dma source(%dma_start3A_261 : memref<1x1x32xi32, #tpu.memory_space<hbm>>) target(%dma_start3A_258 : memref<1x1x32xi32, #tpu.memory_space<vmem>>) target_semaphore(%arg12 : memref<!tpu.dma_semaphore, #tpu.memory_space<semaphore_mem>>)
        } else {
        }
        %dma_wait3A = arith.constant 2 : i32
        %dma_wait3A_213 = arith.constant 0 : i32
        %dma_wait3A_214 = arith.constant 1 : i32
        %dma_wait3A_215 = arith.constant 0 : i32
        %dma_wait3A_216 = arith.constant 0 : i32
        %dma_wait3A_217 = tpu.memref_slice %arg8[%dma_wait3A_214, %dma_wait3A_215, %dma_wait3A_216] : memref<2x32x128xf32, #tpu.memory_space<vmem>> -> memref<1x32x128xf32, #tpu.memory_space<vmem>>
        %dma_wait3A_218 = tpu.memref_squeeze %dma_wait3A_217 : memref<1x32x128xf32, #tpu.memory_space<vmem>> -> memref<32x128xf32, #tpu.memory_space<vmem>>
        %dma_wait3A_219 = arith.constant 0 : i32
        %dma_wait3A_220 = tpu.memref_slice %arg6[%dma_wait3A, %dma_wait3A_213, %dma_wait3A_219] : memref<3x1x32xi32, #tpu.memory_space<vmem>> -> memref<1x1x32xi32, #tpu.memory_space<vmem>>
        %dma_wait3A_221 = tpu.memref_squeeze %dma_wait3A_220 : memref<1x1x32xi32, #tpu.memory_space<vmem>> -> memref<32xi32, #tpu.memory_space<vmem>>
        %dma_wait3A_222 = arith.constant 0 : i32
        %dma_wait3A_223 = arith.constant 0 : i32
        %dma_wait3A_224 = tpu.memref_slice %arg9[%dma_wait3A_222, %dma_wait3A_223] : memref<5128x128xf32, #tpu.memory_space<vmem_shared>> -> memref<5128x128xf32, #tpu.memory_space<vmem_shared>>
        tpu.wait_indirect_dma semaphore(%arg15 : memref<!tpu.dma_semaphore, #tpu.memory_space<semaphore_mem>>) src(%dma_wait3A_224 : memref<5128x128xf32, #tpu.memory_space<vmem_shared>>) dst(%dma_wait3A_218 : memref<32x128xf32, #tpu.memory_space<vmem>>)
        %run_scoped3A_225 = arith.constant 1 : i32
        %run_scoped3A_226 = arith.constant 2 : i32
        %run_scoped3A_227 = arith.constant 0 : i32
        "tpu.region"() ({
          %run_scoped3A_228 = tpu.sem_alloc : memref<!tpu.dma_semaphore, #tpu.memory_space<semaphore_mem>>
          %dma_start3A_229 = arith.constant 0 : i32
          %dma_start3A_230 = arith.constant 0 : i32
          %dma_start3A_231 = tpu.memref_slice %arg8[%run_scoped3A_225, %dma_start3A_229, %dma_start3A_230] : memref<2x32x128xf32, #tpu.memory_space<vmem>> -> memref<1x32x128xf32, #tpu.memory_space<vmem>>
          %dma_start3A_232 = tpu.memref_squeeze %dma_start3A_231 : memref<1x32x128xf32, #tpu.memory_space<vmem>> -> memref<32x128xf32, #tpu.memory_space<vmem>>
          %dma_start3A_233 = arith.constant 0 : i32
          %dma_start3A_234 = tpu.memref_slice %arg7[%run_scoped3A_226, %run_scoped3A_227, %dma_start3A_233] : memref<3x1x32xi32, #tpu.memory_space<vmem>> -> memref<1x1x32xi32, #tpu.memory_space<vmem>>
          %dma_start3A_235 = tpu.memref_squeeze %dma_start3A_234 : memref<1x1x32xi32, #tpu.memory_space<vmem>> -> memref<32xi32, #tpu.memory_space<vmem>>
          %dma_start3A_236 = arith.constant 0 : i32
          %dma_start3A_237 = arith.constant 0 : i32
          %dma_start3A_238 = tpu.memref_slice %arg10[%dma_start3A_236, %dma_start3A_237] : memref<10112x128xf32, #tpu.memory_space<vmem_shared>> -> memref<10112x128xf32, #tpu.memory_space<vmem_shared>>
          tpu.enqueue_indirect_dma source(%dma_start3A_232 : memref<32x128xf32, #tpu.memory_space<vmem>>) target(%dma_start3A_238 : memref<10112x128xf32, #tpu.memory_space<vmem_shared>>) offsets(%dma_start3A_235 : memref<32xi32, #tpu.memory_space<vmem>>) semaphore(%run_scoped3A_228 : memref<!tpu.dma_semaphore, #tpu.memory_space<semaphore_mem>>) {add = true}
          %dma_wait3A_239 = arith.constant 0 : i32
          %dma_wait3A_240 = arith.constant 0 : i32
          %dma_wait3A_241 = tpu.memref_slice %arg8[%run_scoped3A_225, %dma_wait3A_239, %dma_wait3A_240] : memref<2x32x128xf32, #tpu.memory_space<vmem>> -> memref<1x32x128xf32, #tpu.memory_space<vmem>>
          %dma_wait3A_242 = tpu.memref_squeeze %dma_wait3A_241 : memref<1x32x128xf32, #tpu.memory_space<vmem>> -> memref<32x128xf32, #tpu.memory_space<vmem>>
          %dma_wait3A_243 = arith.constant 0 : i32
          %dma_wait3A_244 = tpu.memref_slice %arg7[%run_scoped3A_226, %run_scoped3A_227, %dma_wait3A_243] : memref<3x1x32xi32, #tpu.memory_space<vmem>> -> memref<1x1x32xi32, #tpu.memory_space<vmem>>
          %dma_wait3A_245 = tpu.memref_squeeze %dma_wait3A_244 : memref<1x1x32xi32, #tpu.memory_space<vmem>> -> memref<32xi32, #tpu.memory_space<vmem>>
          %dma_wait3A_246 = arith.constant 0 : i32
          %dma_wait3A_247 = arith.constant 0 : i32
          %dma_wait3A_248 = tpu.memref_slice %arg10[%dma_wait3A_246, %dma_wait3A_247] : memref<10112x128xf32, #tpu.memory_space<vmem_shared>> -> memref<10112x128xf32, #tpu.memory_space<vmem_shared>>
          tpu.wait_indirect_dma semaphore(%run_scoped3A_228 : memref<!tpu.dma_semaphore, #tpu.memory_space<semaphore_mem>>) src(%dma_wait3A_242 : memref<32x128xf32, #tpu.memory_space<vmem>>) dst(%dma_wait3A_248 : memref<10112x128xf32, #tpu.memory_space<vmem_shared>>)
          tpu.yield
        }) : () -> ()
      } else {
      }
    }
    %scan3A_56 = arith.constant 640 : i32
    %barrier3A_57 = arith.constant 0 : index
    tpu.barrier barrier_id(%barrier3A_57)
    %mul3A_58 = arith.constant 632 : i32
    %mul3A_59 = arith.muli %arg1, %mul3A_58 : i32
    %mul3A_60 = arith.constant 10240 : i32
    %mul3A_61 = arith.muli %arg0, %mul3A_60 : i32
    %mul3A_62 = arith.constant 632 : i32
    %mul3A_63 = arith.muli %arg1, %mul3A_62 : i32
    %add3A_64 = arith.addi %mul3A_61, %mul3A_63 : i32
    "tpu.region"() ({
      %run_scoped3A_65 = tpu.sem_alloc : memref<!tpu.dma_semaphore, #tpu.memory_space<semaphore_mem>>
      %dma_start3A_66 = arith.constant 0 : i32
      %dma_start3A_67 = tpu.memref_slice %arg5[%add3A_64, %dma_start3A_66] : memref<20480x128xf32, #tpu.memory_space<hbm>> -> memref<632x128xf32, #tpu.memory_space<hbm>>
      %dma_start3A_68 = arith.constant 0 : i32
      %dma_start3A_69 = tpu.memref_slice %arg10[%mul3A_59, %dma_start3A_68] : memref<10112x128xf32, #tpu.memory_space<vmem_shared>> -> memref<632x128xf32, #tpu.memory_space<vmem_shared>>
      tpu.enqueue_dma source(%dma_start3A_69 : memref<632x128xf32, #tpu.memory_space<vmem_shared>>) target(%dma_start3A_67 : memref<632x128xf32, #tpu.memory_space<hbm>>) target_semaphore(%run_scoped3A_65 : memref<!tpu.dma_semaphore, #tpu.memory_space<semaphore_mem>>)
      %dma_wait3A = arith.constant 0 : i32
      %dma_wait3A_70 = tpu.memref_slice %arg5[%add3A_64, %dma_wait3A] : memref<20480x128xf32, #tpu.memory_space<hbm>> -> memref<632x128xf32, #tpu.memory_space<hbm>>
      %dma_wait3A_71 = arith.constant 0 : i32
      %dma_wait3A_72 = tpu.memref_slice %arg10[%mul3A_59, %dma_wait3A_71] : memref<10112x128xf32, #tpu.memory_space<vmem_shared>> -> memref<632x128xf32, #tpu.memory_space<vmem_shared>>
      tpu.wait_dma2 semaphore(%run_scoped3A_65 : memref<!tpu.dma_semaphore, #tpu.memory_space<semaphore_mem>>) src(%dma_wait3A_72 : memref<632x128xf32, #tpu.memory_space<vmem_shared>>) dst(%dma_wait3A_70 : memref<632x128xf32, #tpu.memory_space<hbm>>)
      tpu.yield
    }) : () -> ()
    return
  }
}

#map = affine_map<(d0, d1) -> (0, 0)>
#map1 = affine_map<(d0, d1) -> (0, 0, 0)>
module attributes {stable_mosaic.version = 14 : i64} {
  func.func @_sc_segsum(%arg0: i32, %arg1: i32, %arg2: memref<10240x128xf32, #tpu.memory_space<hbm>>, %arg3: memref<10240x1x32xi32, #tpu.memory_space<hbm>>, %arg4: memref<10240x1x32xi32, #tpu.memory_space<hbm>>, %arg5: memref<20480x128xf32, #tpu.memory_space<hbm>>, %arg6: memref<3x1x32xi32, #tpu.memory_space<vmem>>, %arg7: memref<3x1x32xi32, #tpu.memory_space<vmem>>, %arg8: memref<2x32x128xf32, #tpu.memory_space<vmem>>, %arg9: memref<5128x128xf32, #tpu.memory_space<vmem_shared>>, %arg10: memref<10112x128xf32, #tpu.memory_space<vmem_shared>>, %arg11: memref<!tpu.dma_semaphore, #tpu.memory_space<semaphore_mem>>, %arg12: memref<!tpu.dma_semaphore, #tpu.memory_space<semaphore_mem>>, %arg13: memref<!tpu.dma_semaphore, #tpu.memory_space<semaphore_mem>>, %arg14: memref<!tpu.dma_semaphore, #tpu.memory_space<semaphore_mem>>, %arg15: memref<!tpu.dma_semaphore, #tpu.memory_space<semaphore_mem>>) attributes {dimension_semantics = [#tpu.dimension_semantics<core_parallel>, #tpu.dimension_semantics<subcore_parallel>], iteration_bounds = array<i64: 2, 16>, scalar_prefetch = 0 : i64, scratch_operands = 10 : i64, tpu.core_type = #tpu.core_type<sc_vector_subcore>, window_params = [{transform_indices = #map}, {transform_indices = #map1}, {transform_indices = #map1}, {transform_indices = #map}]} {
    %mul3A = arith.constant 5120 : i32
    %mul3A_0 = arith.muli %arg0, %mul3A : i32
    %scan3A = arith.constant 0 : i32
    %scan3A_1 = arith.constant 32 : i32
    %scan3A_2 = arith.addi %scan3A, %scan3A_1 : i32
    %scan3A_3 = arith.constant 1 : i32
    scf.for %scan3A_65 = %scan3A to %scan3A_2 step %scan3A_3  : i32 {
      %mul3A_66 = arith.constant 1 : i32
      %mul3A_67 = arith.muli %scan3A_65, %mul3A_66 : i32
      %add3A_68 = arith.constant 0 : i32
      %add3A_69 = arith.addi %add3A_68, %mul3A_67 : i32
      %scan3A_70 = arith.constant 0 : i32
      %scan3A_71 = arith.constant 8 : i32
      %scan3A_72 = arith.addi %scan3A_70, %scan3A_71 : i32
      %scan3A_73 = arith.constant 1 : i32
      scf.for %scan3A_75 = %scan3A_70 to %scan3A_72 step %scan3A_73  : i32 {
        %mul3A_76 = arith.constant 1 : i32
        %mul3A_77 = arith.muli %scan3A_75, %mul3A_76 : i32
        %add3A_78 = arith.constant 0 : i32
        %add3A_79 = arith.addi %add3A_78, %mul3A_77 : i32
        %broadcast_in_dim3A = arith.constant 0.000000e+00 : f32
        %broadcast_in_dim3A_80 = vector.broadcast %broadcast_in_dim3A : f32 to vector<16xf32>
        %mul3A_81 = arith.constant 16 : i32
        %mul3A_82 = arith.muli %add3A_79, %mul3A_81 : i32
        %swap3A = arith.constant 0 : i32
        %swap3A_83 = arith.index_cast %swap3A : i32 to index
        %swap3A_84 = arith.index_cast %add3A_69 : i32 to index
        %swap3A_85 = arith.index_cast %mul3A_82 : i32 to index
        %swap3A_86 = tpu.vector_load %arg8[%swap3A_83, %swap3A_84, %swap3A_85] {strides = array<i32>} : memref<2x32x128xf32, #tpu.memory_space<vmem>>, vector<1x1x16xf32>,
        %swap3A_87 = vector.shape_cast %swap3A_86 : vector<1x1x16xf32> to vector<16xf32>
        %swap3A_88 = vector.shape_cast %broadcast_in_dim3A_80 : vector<16xf32> to vector<1x1x16xf32>
        tpu.vector_store %arg8[%swap3A_83, %swap3A_84, %swap3A_85], %swap3A_88 {strides = array<i32>} : memref<2x32x128xf32, #tpu.memory_space<vmem>>, vector<1x1x16xf32>,
      }
      %scan3A_74 = arith.constant 8 : i32
    }
    %scan3A_4 = arith.constant 32 : i32
    %scan3A_5 = arith.constant 0 : i32
    %scan3A_6 = arith.constant 19 : i32
    %scan3A_7 = arith.addi %scan3A_5, %scan3A_6 : i32
    %scan3A_8 = arith.constant 1 : i32
    scf.for %scan3A_65 = %scan3A_5 to %scan3A_7 step %scan3A_8  : i32 {
      %mul3A_66 = arith.constant 1 : i32
      %mul3A_67 = arith.muli %scan3A_65, %mul3A_66 : i32
      %add3A_68 = arith.constant 0 : i32
      %add3A_69 = arith.addi %add3A_68, %mul3A_67 : i32
      %mul3A_70 = arith.constant 632 : i32
      %mul3A_71 = arith.muli %arg1, %mul3A_70 : i32
      %mul3A_72 = arith.constant 32 : i32
      %mul3A_73 = arith.muli %add3A_69, %mul3A_72 : i32
      %add3A_74 = arith.addi %mul3A_71, %mul3A_73 : i32
      %run_scoped3A_75 = arith.constant 0 : i32
      "tpu.region"() ({
        %run_scoped3A_76 = tpu.sem_alloc : memref<!tpu.dma_semaphore, #tpu.memory_space<semaphore_mem>>
        %dma_start3A_77 = arith.constant 0 : i32
        %dma_start3A_78 = arith.constant 0 : i32
        %dma_start3A_79 = tpu.memref_slice %arg8[%run_scoped3A_75, %dma_start3A_77, %dma_start3A_78] : memref<2x32x128xf32, #tpu.memory_space<vmem>> -> memref<1x32x128xf32, #tpu.memory_space<vmem>>
        %dma_start3A_80 = tpu.memref_squeeze %dma_start3A_79 : memref<1x32x128xf32, #tpu.memory_space<vmem>> -> memref<32x128xf32, #tpu.memory_space<vmem>>
        %dma_start3A_81 = arith.constant 0 : i32
        %dma_start3A_82 = tpu.memref_slice %arg10[%add3A_74, %dma_start3A_81] : memref<10112x128xf32, #tpu.memory_space<vmem_shared>> -> memref<32x128xf32, #tpu.memory_space<vmem_shared>>
        %dma_start3A_83 = arith.constant 0 : i32
        %dma_start3A_84 = tpu.memref_slice %arg10[%add3A_74, %dma_start3A_83] : memref<10112x128xf32, #tpu.memory_space<vmem_shared>> -> memref<32x128xf32, #tpu.memory_space<vmem_shared>>
        %dma_start3A_85 = arith.constant 0 : i32
        %dma_start3A_86 = arith.constant 0 : i32
        %dma_start3A_87 = tpu.memref_slice %arg8[%run_scoped3A_75, %dma_start3A_85, %dma_start3A_86] : memref<2x32x128xf32, #tpu.memory_space<vmem>> -> memref<1x32x128xf32, #tpu.memory_space<vmem>>
        %dma_start3A_88 = tpu.memref_squeeze %dma_start3A_87 : memref<1x32x128xf32, #tpu.memory_space<vmem>> -> memref<32x128xf32, #tpu.memory_space<vmem>>
        tpu.enqueue_dma source(%dma_start3A_88 : memref<32x128xf32, #tpu.memory_space<vmem>>) target(%dma_start3A_84 : memref<32x128xf32, #tpu.memory_space<vmem_shared>>) target_semaphore(%run_scoped3A_76 : memref<!tpu.dma_semaphore, #tpu.memory_space<semaphore_mem>>)
        %dma_wait3A = arith.constant 0 : i32
        %dma_wait3A_89 = arith.constant 0 : i32
        %dma_wait3A_90 = tpu.memref_slice %arg8[%run_scoped3A_75, %dma_wait3A, %dma_wait3A_89] : memref<2x32x128xf32, #tpu.memory_space<vmem>> -> memref<1x32x128xf32, #tpu.memory_space<vmem>>
        %dma_wait3A_91 = tpu.memref_squeeze %dma_wait3A_90 : memref<1x32x128xf32, #tpu.memory_space<vmem>> -> memref<32x128xf32, #tpu.memory_space<vmem>>
        %dma_wait3A_92 = arith.constant 0 : i32
        %dma_wait3A_93 = tpu.memref_slice %arg10[%add3A_74, %dma_wait3A_92] : memref<10112x128xf32, #tpu.memory_space<vmem_shared>> -> memref<32x128xf32, #tpu.memory_space<vmem_shared>>
        %dma_wait3A_94 = arith.constant 0 : i32
        %dma_wait3A_95 = tpu.memref_slice %arg10[%add3A_74, %dma_wait3A_94] : memref<10112x128xf32, #tpu.memory_space<vmem_shared>> -> memref<32x128xf32, #tpu.memory_space<vmem_shared>>
        %dma_wait3A_96 = arith.constant 0 : i32
        %dma_wait3A_97 = arith.constant 0 : i32
        %dma_wait3A_98 = tpu.memref_slice %arg8[%run_scoped3A_75, %dma_wait3A_96, %dma_wait3A_97] : memref<2x32x128xf32, #tpu.memory_space<vmem>> -> memref<1x32x128xf32, #tpu.memory_space<vmem>>
        %dma_wait3A_99 = tpu.memref_squeeze %dma_wait3A_98 : memref<1x32x128xf32, #tpu.memory_space<vmem>> -> memref<32x128xf32, #tpu.memory_space<vmem>>
        tpu.wait_dma2 semaphore(%run_scoped3A_76 : memref<!tpu.dma_semaphore, #tpu.memory_space<semaphore_mem>>) src(%dma_wait3A_99 : memref<32x128xf32, #tpu.memory_space<vmem>>) dst(%dma_wait3A_95 : memref<32x128xf32, #tpu.memory_space<vmem_shared>>)
        tpu.yield
      }) : () -> ()
    }
    %scan3A_9 = arith.constant 19 : i32
    %mul3A_10 = arith.constant 632 : i32
    %mul3A_11 = arith.muli %arg1, %mul3A_10 : i32
    %add3A = arith.constant 600 : i32
    %add3A_12 = arith.addi %mul3A_11, %add3A : i32
    %run_scoped3A = arith.constant 0 : i32
    "tpu.region"() ({
      %run_scoped3A_65 = tpu.sem_alloc : memref<!tpu.dma_semaphore, #tpu.memory_space<semaphore_mem>>
      %dma_start3A_66 = arith.constant 0 : i32
      %dma_start3A_67 = arith.constant 0 : i32
      %dma_start3A_68 = tpu.memref_slice %arg8[%run_scoped3A, %dma_start3A_66, %dma_start3A_67] : memref<2x32x128xf32, #tpu.memory_space<vmem>> -> memref<1x32x128xf32, #tpu.memory_space<vmem>>
      %dma_start3A_69 = tpu.memref_squeeze %dma_start3A_68 : memref<1x32x128xf32, #tpu.memory_space<vmem>> -> memref<32x128xf32, #tpu.memory_space<vmem>>
      %dma_start3A_70 = arith.constant 0 : i32
      %dma_start3A_71 = tpu.memref_slice %arg10[%add3A_12, %dma_start3A_70] : memref<10112x128xf32, #tpu.memory_space<vmem_shared>> -> memref<32x128xf32, #tpu.memory_space<vmem_shared>>
      %dma_start3A_72 = arith.constant 0 : i32
      %dma_start3A_73 = tpu.memref_slice %arg10[%add3A_12, %dma_start3A_72] : memref<10112x128xf32, #tpu.memory_space<vmem_shared>> -> memref<32x128xf32, #tpu.memory_space<vmem_shared>>
      %dma_start3A_74 = arith.constant 0 : i32
      %dma_start3A_75 = arith.constant 0 : i32
      %dma_start3A_76 = tpu.memref_slice %arg8[%run_scoped3A, %dma_start3A_74, %dma_start3A_75] : memref<2x32x128xf32, #tpu.memory_space<vmem>> -> memref<1x32x128xf32, #tpu.memory_space<vmem>>
      %dma_start3A_77 = tpu.memref_squeeze %dma_start3A_76 : memref<1x32x128xf32, #tpu.memory_space<vmem>> -> memref<32x128xf32, #tpu.memory_space<vmem>>
      tpu.enqueue_dma source(%dma_start3A_77 : memref<32x128xf32, #tpu.memory_space<vmem>>) target(%dma_start3A_73 : memref<32x128xf32, #tpu.memory_space<vmem_shared>>) target_semaphore(%run_scoped3A_65 : memref<!tpu.dma_semaphore, #tpu.memory_space<semaphore_mem>>)
      %dma_wait3A = arith.constant 0 : i32
      %dma_wait3A_78 = arith.constant 0 : i32
      %dma_wait3A_79 = tpu.memref_slice %arg8[%run_scoped3A, %dma_wait3A, %dma_wait3A_78] : memref<2x32x128xf32, #tpu.memory_space<vmem>> -> memref<1x32x128xf32, #tpu.memory_space<vmem>>
      %dma_wait3A_80 = tpu.memref_squeeze %dma_wait3A_79 : memref<1x32x128xf32, #tpu.memory_space<vmem>> -> memref<32x128xf32, #tpu.memory_space<vmem>>
      %dma_wait3A_81 = arith.constant 0 : i32
      %dma_wait3A_82 = tpu.memref_slice %arg10[%add3A_12, %dma_wait3A_81] : memref<10112x128xf32, #tpu.memory_space<vmem_shared>> -> memref<32x128xf32, #tpu.memory_space<vmem_shared>>
      %dma_wait3A_83 = arith.constant 0 : i32
      %dma_wait3A_84 = tpu.memref_slice %arg10[%add3A_12, %dma_wait3A_83] : memref<10112x128xf32, #tpu.memory_space<vmem_shared>> -> memref<32x128xf32, #tpu.memory_space<vmem_shared>>
      %dma_wait3A_85 = arith.constant 0 : i32
      %dma_wait3A_86 = arith.constant 0 : i32
      %dma_wait3A_87 = tpu.memref_slice %arg8[%run_scoped3A, %dma_wait3A_85, %dma_wait3A_86] : memref<2x32x128xf32, #tpu.memory_space<vmem>> -> memref<1x32x128xf32, #tpu.memory_space<vmem>>
      %dma_wait3A_88 = tpu.memref_squeeze %dma_wait3A_87 : memref<1x32x128xf32, #tpu.memory_space<vmem>> -> memref<32x128xf32, #tpu.memory_space<vmem>>
      tpu.wait_dma2 semaphore(%run_scoped3A_65 : memref<!tpu.dma_semaphore, #tpu.memory_space<semaphore_mem>>) src(%dma_wait3A_88 : memref<32x128xf32, #tpu.memory_space<vmem>>) dst(%dma_wait3A_84 : memref<32x128xf32, #tpu.memory_space<vmem_shared>>)
      tpu.yield
    }) : () -> ()
    %eq3A = arith.constant 0 : i32
    %eq3A_13 = arith.cmpi eq, %arg1, %eq3A : i32
    %convert_element_type3A = arith.extui %eq3A_13 : i1 to i32
    %cond3A = arith.constant 0 : i32
    %cond3A_14 = arith.cmpi ne, %convert_element_type3A, %cond3A : i32
    scf.if %cond3A_14 {
      %run_scoped3A_65 = arith.constant 0 : i32
      "tpu.region"() ({
        %run_scoped3A_66 = tpu.sem_alloc : memref<!tpu.dma_semaphore, #tpu.memory_space<semaphore_mem>>
        %dma_start3A_67 = arith.constant 0 : i32
        %dma_start3A_68 = arith.constant 0 : i32
        %dma_start3A_69 = tpu.memref_slice %arg8[%run_scoped3A_65, %dma_start3A_67, %dma_start3A_68] : memref<2x32x128xf32, #tpu.memory_space<vmem>> -> memref<1x8x128xf32, #tpu.memory_space<vmem>>
        %dma_start3A_70 = tpu.memref_squeeze %dma_start3A_69 : memref<1x8x128xf32, #tpu.memory_space<vmem>> -> memref<8x128xf32, #tpu.memory_space<vmem>>
        %dma_start3A_71 = arith.constant 5120 : i32
        %dma_start3A_72 = arith.constant 0 : i32
        %dma_start3A_73 = tpu.memref_slice %arg9[%dma_start3A_71, %dma_start3A_72] : memref<5128x128xf32, #tpu.memory_space<vmem_shared>> -> memref<8x128xf32, #tpu.memory_space<vmem_shared>>
        %dma_start3A_74 = arith.constant 5120 : i32
        %dma_start3A_75 = arith.constant 0 : i32
        %dma_start3A_76 = tpu.memref_slice %arg9[%dma_start3A_74, %dma_start3A_75] : memref<5128x128xf32, #tpu.memory_space<vmem_shared>> -> memref<8x128xf32, #tpu.memory_space<vmem_shared>>
        %dma_start3A_77 = arith.constant 0 : i32
        %dma_start3A_78 = arith.constant 0 : i32
        %dma_start3A_79 = tpu.memref_slice %arg8[%run_scoped3A_65, %dma_start3A_77, %dma_start3A_78] : memref<2x32x128xf32, #tpu.memory_space<vmem>> -> memref<1x8x128xf32, #tpu.memory_space<vmem>>
        %dma_start3A_80 = tpu.memref_squeeze %dma_start3A_79 : memref<1x8x128xf32, #tpu.memory_space<vmem>> -> memref<8x128xf32, #tpu.memory_space<vmem>>
        tpu.enqueue_dma source(%dma_start3A_80 : memref<8x128xf32, #tpu.memory_space<vmem>>) target(%dma_start3A_76 : memref<8x128xf32, #tpu.memory_space<vmem_shared>>) target_semaphore(%run_scoped3A_66 : memref<!tpu.dma_semaphore, #tpu.memory_space<semaphore_mem>>)
        %dma_wait3A = arith.constant 0 : i32
        %dma_wait3A_81 = arith.constant 0 : i32
        %dma_wait3A_82 = tpu.memref_slice %arg8[%run_scoped3A_65, %dma_wait3A, %dma_wait3A_81] : memref<2x32x128xf32, #tpu.memory_space<vmem>> -> memref<1x8x128xf32, #tpu.memory_space<vmem>>
        %dma_wait3A_83 = tpu.memref_squeeze %dma_wait3A_82 : memref<1x8x128xf32, #tpu.memory_space<vmem>> -> memref<8x128xf32, #tpu.memory_space<vmem>>
        %dma_wait3A_84 = arith.constant 5120 : i32
        %dma_wait3A_85 = arith.constant 0 : i32
        %dma_wait3A_86 = tpu.memref_slice %arg9[%dma_wait3A_84, %dma_wait3A_85] : memref<5128x128xf32, #tpu.memory_space<vmem_shared>> -> memref<8x128xf32, #tpu.memory_space<vmem_shared>>
        %dma_wait3A_87 = arith.constant 5120 : i32
        %dma_wait3A_88 = arith.constant 0 : i32
        %dma_wait3A_89 = tpu.memref_slice %arg9[%dma_wait3A_87, %dma_wait3A_88] : memref<5128x128xf32, #tpu.memory_space<vmem_shared>> -> memref<8x128xf32, #tpu.memory_space<vmem_shared>>
        %dma_wait3A_90 = arith.constant 0 : i32
        %dma_wait3A_91 = arith.constant 0 : i32
        %dma_wait3A_92 = tpu.memref_slice %arg8[%run_scoped3A_65, %dma_wait3A_90, %dma_wait3A_91] : memref<2x32x128xf32, #tpu.memory_space<vmem>> -> memref<1x8x128xf32, #tpu.memory_space<vmem>>
        %dma_wait3A_93 = tpu.memref_squeeze %dma_wait3A_92 : memref<1x8x128xf32, #tpu.memory_space<vmem>> -> memref<8x128xf32, #tpu.memory_space<vmem>>
        tpu.wait_dma2 semaphore(%run_scoped3A_66 : memref<!tpu.dma_semaphore, #tpu.memory_space<semaphore_mem>>) src(%dma_wait3A_93 : memref<8x128xf32, #tpu.memory_space<vmem>>) dst(%dma_wait3A_89 : memref<8x128xf32, #tpu.memory_space<vmem_shared>>)
        tpu.yield
      }) : () -> ()
    } else {
    }
    %mul3A_15 = arith.constant 320 : i32
    %mul3A_16 = arith.muli %arg1, %mul3A_15 : i32
    %add3A_17 = arith.addi %mul3A_0, %mul3A_16 : i32
    %mul3A_18 = arith.constant 320 : i32
    %mul3A_19 = arith.muli %arg1, %mul3A_18 : i32
    "tpu.region"() ({
      %run_scoped3A_65 = tpu.sem_alloc : memref<!tpu.dma_semaphore, #tpu.memory_space<semaphore_mem>>
      %dma_start3A_66 = arith.constant 0 : i32
      %dma_start3A_67 = tpu.memref_slice %arg9[%mul3A_19, %dma_start3A_66] : memref<5128x128xf32, #tpu.memory_space<vmem_shared>> -> memref<320x128xf32, #tpu.memory_space<vmem_shared>>
      %dma_start3A_68 = arith.constant 0 : i32
      %dma_start3A_69 = tpu.memref_slice %arg2[%add3A_17, %dma_start3A_68] : memref<10240x128xf32, #tpu.memory_space<hbm>> -> memref<320x128xf32, #tpu.memory_space<hbm>>
      tpu.enqueue_dma source(%dma_start3A_69 : memref<320x128xf32, #tpu.memory_space<hbm>>) target(%dma_start3A_67 : memref<320x128xf32, #tpu.memory_space<vmem_shared>>) target_semaphore(%run_scoped3A_65 : memref<!tpu.dma_semaphore, #tpu.memory_space<semaphore_mem>>)
      %dma_wait3A = arith.constant 0 : i32
      %dma_wait3A_70 = tpu.memref_slice %arg9[%mul3A_19, %dma_wait3A] : memref<5128x128xf32, #tpu.memory_space<vmem_shared>> -> memref<320x128xf32, #tpu.memory_space<vmem_shared>>
      %dma_wait3A_71 = arith.constant 0 : i32
      %dma_wait3A_72 = tpu.memref_slice %arg2[%add3A_17, %dma_wait3A_71] : memref<10240x128xf32, #tpu.memory_space<hbm>> -> memref<320x128xf32, #tpu.memory_space<hbm>>
      tpu.wait_dma2 semaphore(%run_scoped3A_65 : memref<!tpu.dma_semaphore, #tpu.memory_space<semaphore_mem>>) src(%dma_wait3A_72 : memref<320x128xf32, #tpu.memory_space<hbm>>) dst(%dma_wait3A_70 : memref<320x128xf32, #tpu.memory_space<vmem_shared>>)
      tpu.yield
    }) : () -> ()
    %mul3A_20 = arith.constant 640 : i32
    %mul3A_21 = arith.muli %arg1, %mul3A_20 : i32
    %add3A_22 = arith.constant 0 : i32
    %add3A_23 = arith.addi %mul3A_21, %add3A_22 : i32
    "tpu.region"() ({
      %run_scoped3A_65 = tpu.sem_alloc : memref<!tpu.dma_semaphore, #tpu.memory_space<semaphore_mem>>
      %dma_start3A_66 = arith.constant 0 : i32
      %dma_start3A_67 = arith.constant 0 : i32
      %dma_start3A_68 = arith.constant 0 : i32
      %dma_start3A_69 = tpu.memref_slice %arg6[%dma_start3A_66, %dma_start3A_67, %dma_start3A_68] : memref<3x1x32xi32, #tpu.memory_space<vmem>> -> memref<1x1x32xi32, #tpu.memory_space<vmem>>
      %dma_start3A_70 = arith.constant 0 : i32
      %dma_start3A_71 = arith.constant 0 : i32
      %dma_start3A_72 = tpu.memref_slice %arg3[%add3A_23, %dma_start3A_70, %dma_start3A_71] : memref<10240x1x32xi32, #tpu.memory_space<hbm>> -> memref<1x1x32xi32, #tpu.memory_space<hbm>>
      %dma_start3A_73 = arith.constant 0 : i32
      %dma_start3A_74 = arith.constant 0 : i32
      %dma_start3A_75 = arith.constant 0 : i32
      %dma_start3A_76 = tpu.memref_slice %arg6[%dma_start3A_73, %dma_start3A_74, %dma_start3A_75] : memref<3x1x32xi32, #tpu.memory_space<vmem>> -> memref<1x1x32xi32, #tpu.memory_space<vmem>>
      %dma_start3A_77 = arith.constant 0 : i32
      %dma_start3A_78 = arith.constant 0 : i32
      %dma_start3A_79 = tpu.memref_slice %arg3[%add3A_23, %dma_start3A_77, %dma_start3A_78] : memref<10240x1x32xi32, #tpu.memory_space<hbm>> -> memref<1x1x32xi32, #tpu.memory_space<hbm>>
      tpu.enqueue_dma source(%dma_start3A_79 : memref<1x1x32xi32, #tpu.memory_space<hbm>>) target(%dma_start3A_76 : memref<1x1x32xi32, #tpu.memory_space<vmem>>) target_semaphore(%run_scoped3A_65 : memref<!tpu.dma_semaphore, #tpu.memory_space<semaphore_mem>>)
      %dma_wait3A = arith.constant 0 : i32
      %dma_wait3A_80 = arith.constant 0 : i32
      %dma_wait3A_81 = arith.constant 0 : i32
      %dma_wait3A_82 = tpu.memref_slice %arg6[%dma_wait3A, %dma_wait3A_80, %dma_wait3A_81] : memref<3x1x32xi32, #tpu.memory_space<vmem>> -> memref<1x1x32xi32, #tpu.memory_space<vmem>>
      %dma_wait3A_83 = arith.constant 0 : i32
      %dma_wait3A_84 = arith.constant 0 : i32
      %dma_wait3A_85 = tpu.memref_slice %arg3[%add3A_23, %dma_wait3A_83, %dma_wait3A_84] : memref<10240x1x32xi32, #tpu.memory_space<hbm>> -> memref<1x1x32xi32, #tpu.memory_space<hbm>>
      %dma_wait3A_86 = arith.constant 0 : i32
      %dma_wait3A_87 = arith.constant 0 : i32
      %dma_wait3A_88 = arith.constant 0 : i32
      %dma_wait3A_89 = tpu.memref_slice %arg6[%dma_wait3A_86, %dma_wait3A_87, %dma_wait3A_88] : memref<3x1x32xi32, #tpu.memory_space<vmem>> -> memref<1x1x32xi32, #tpu.memory_space<vmem>>
      %dma_wait3A_90 = arith.constant 0 : i32
      %dma_wait3A_91 = arith.constant 0 : i32
      %dma_wait3A_92 = tpu.memref_slice %arg3[%add3A_23, %dma_wait3A_90, %dma_wait3A_91] : memref<10240x1x32xi32, #tpu.memory_space<hbm>> -> memref<1x1x32xi32, #tpu.memory_space<hbm>>
      tpu.wait_dma2 semaphore(%run_scoped3A_65 : memref<!tpu.dma_semaphore, #tpu.memory_space<semaphore_mem>>) src(%dma_wait3A_92 : memref<1x1x32xi32, #tpu.memory_space<hbm>>) dst(%dma_wait3A_89 : memref<1x1x32xi32, #tpu.memory_space<vmem>>)
      tpu.yield
    }) : () -> ()
    %add3A_24 = arith.constant 0 : i32
    %add3A_25 = arith.addi %mul3A_21, %add3A_24 : i32
    "tpu.region"() ({
      %run_scoped3A_65 = tpu.sem_alloc : memref<!tpu.dma_semaphore, #tpu.memory_space<semaphore_mem>>
      %dma_start3A_66 = arith.constant 0 : i32
      %dma_start3A_67 = arith.constant 0 : i32
      %dma_start3A_68 = arith.constant 0 : i32
      %dma_start3A_69 = tpu.memref_slice %arg7[%dma_start3A_66, %dma_start3A_67, %dma_start3A_68] : memref<3x1x32xi32, #tpu.memory_space<vmem>> -> memref<1x1x32xi32, #tpu.memory_space<vmem>>
      %dma_start3A_70 = arith.constant 0 : i32
      %dma_start3A_71 = arith.constant 0 : i32
      %dma_start3A_72 = tpu.memref_slice %arg4[%add3A_25, %dma_start3A_70, %dma_start3A_71] : memref<10240x1x32xi32, #tpu.memory_space<hbm>> -> memref<1x1x32xi32, #tpu.memory_space<hbm>>
      %dma_start3A_73 = arith.constant 0 : i32
      %dma_start3A_74 = arith.constant 0 : i32
      %dma_start3A_75 = arith.constant 0 : i32
      %dma_start3A_76 = tpu.memref_slice %arg7[%dma_start3A_73, %dma_start3A_74, %dma_start3A_75] : memref<3x1x32xi32, #tpu.memory_space<vmem>> -> memref<1x1x32xi32, #tpu.memory_space<vmem>>
      %dma_start3A_77 = arith.constant 0 : i32
      %dma_start3A_78 = arith.constant 0 : i32
      %dma_start3A_79 = tpu.memref_slice %arg4[%add3A_25, %dma_start3A_77, %dma_start3A_78] : memref<10240x1x32xi32, #tpu.memory_space<hbm>> -> memref<1x1x32xi32, #tpu.memory_space<hbm>>
      tpu.enqueue_dma source(%dma_start3A_79 : memref<1x1x32xi32, #tpu.memory_space<hbm>>) target(%dma_start3A_76 : memref<1x1x32xi32, #tpu.memory_space<vmem>>) target_semaphore(%run_scoped3A_65 : memref<!tpu.dma_semaphore, #tpu.memory_space<semaphore_mem>>)
      %dma_wait3A = arith.constant 0 : i32
      %dma_wait3A_80 = arith.constant 0 : i32
      %dma_wait3A_81 = arith.constant 0 : i32
      %dma_wait3A_82 = tpu.memref_slice %arg7[%dma_wait3A, %dma_wait3A_80, %dma_wait3A_81] : memref<3x1x32xi32, #tpu.memory_space<vmem>> -> memref<1x1x32xi32, #tpu.memory_space<vmem>>
      %dma_wait3A_83 = arith.constant 0 : i32
      %dma_wait3A_84 = arith.constant 0 : i32
      %dma_wait3A_85 = tpu.memref_slice %arg4[%add3A_25, %dma_wait3A_83, %dma_wait3A_84] : memref<10240x1x32xi32, #tpu.memory_space<hbm>> -> memref<1x1x32xi32, #tpu.memory_space<hbm>>
      %dma_wait3A_86 = arith.constant 0 : i32
      %dma_wait3A_87 = arith.constant 0 : i32
      %dma_wait3A_88 = arith.constant 0 : i32
      %dma_wait3A_89 = tpu.memref_slice %arg7[%dma_wait3A_86, %dma_wait3A_87, %dma_wait3A_88] : memref<3x1x32xi32, #tpu.memory_space<vmem>> -> memref<1x1x32xi32, #tpu.memory_space<vmem>>
      %dma_wait3A_90 = arith.constant 0 : i32
      %dma_wait3A_91 = arith.constant 0 : i32
      %dma_wait3A_92 = tpu.memref_slice %arg4[%add3A_25, %dma_wait3A_90, %dma_wait3A_91] : memref<10240x1x32xi32, #tpu.memory_space<hbm>> -> memref<1x1x32xi32, #tpu.memory_space<hbm>>
      tpu.wait_dma2 semaphore(%run_scoped3A_65 : memref<!tpu.dma_semaphore, #tpu.memory_space<semaphore_mem>>) src(%dma_wait3A_92 : memref<1x1x32xi32, #tpu.memory_space<hbm>>) dst(%dma_wait3A_89 : memref<1x1x32xi32, #tpu.memory_space<vmem>>)
      tpu.yield
    }) : () -> ()
    %add3A_26 = arith.constant 1 : i32
    %add3A_27 = arith.addi %mul3A_21, %add3A_26 : i32
    "tpu.region"() ({
      %run_scoped3A_65 = tpu.sem_alloc : memref<!tpu.dma_semaphore, #tpu.memory_space<semaphore_mem>>
      %dma_start3A_66 = arith.constant 1 : i32
      %dma_start3A_67 = arith.constant 0 : i32
      %dma_start3A_68 = arith.constant 0 : i32
      %dma_start3A_69 = tpu.memref_slice %arg6[%dma_start3A_66, %dma_start3A_67, %dma_start3A_68] : memref<3x1x32xi32, #tpu.memory_space<vmem>> -> memref<1x1x32xi32, #tpu.memory_space<vmem>>
      %dma_start3A_70 = arith.constant 0 : i32
      %dma_start3A_71 = arith.constant 0 : i32
      %dma_start3A_72 = tpu.memref_slice %arg3[%add3A_27, %dma_start3A_70, %dma_start3A_71] : memref<10240x1x32xi32, #tpu.memory_space<hbm>> -> memref<1x1x32xi32, #tpu.memory_space<hbm>>
      %dma_start3A_73 = arith.constant 1 : i32
      %dma_start3A_74 = arith.constant 0 : i32
      %dma_start3A_75 = arith.constant 0 : i32
      %dma_start3A_76 = tpu.memref_slice %arg6[%dma_start3A_73, %dma_start3A_74, %dma_start3A_75] : memref<3x1x32xi32, #tpu.memory_space<vmem>> -> memref<1x1x32xi32, #tpu.memory_space<vmem>>
      %dma_start3A_77 = arith.constant 0 : i32
      %dma_start3A_78 = arith.constant 0 : i32
      %dma_start3A_79 = tpu.memref_slice %arg3[%add3A_27, %dma_start3A_77, %dma_start3A_78] : memref<10240x1x32xi32, #tpu.memory_space<hbm>> -> memref<1x1x32xi32, #tpu.memory_space<hbm>>
      tpu.enqueue_dma source(%dma_start3A_79 : memref<1x1x32xi32, #tpu.memory_space<hbm>>) target(%dma_start3A_76 : memref<1x1x32xi32, #tpu.memory_space<vmem>>) target_semaphore(%run_scoped3A_65 : memref<!tpu.dma_semaphore, #tpu.memory_space<semaphore_mem>>)
      %dma_wait3A = arith.constant 1 : i32
      %dma_wait3A_80 = arith.constant 0 : i32
      %dma_wait3A_81 = arith.constant 0 : i32
      %dma_wait3A_82 = tpu.memref_slice %arg6[%dma_wait3A, %dma_wait3A_80, %dma_wait3A_81] : memref<3x1x32xi32, #tpu.memory_space<vmem>> -> memref<1x1x32xi32, #tpu.memory_space<vmem>>
      %dma_wait3A_83 = arith.constant 0 : i32
      %dma_wait3A_84 = arith.constant 0 : i32
      %dma_wait3A_85 = tpu.memref_slice %arg3[%add3A_27, %dma_wait3A_83, %dma_wait3A_84] : memref<10240x1x32xi32, #tpu.memory_space<hbm>> -> memref<1x1x32xi32, #tpu.memory_space<hbm>>
      %dma_wait3A_86 = arith.constant 1 : i32
      %dma_wait3A_87 = arith.constant 0 : i32
      %dma_wait3A_88 = arith.constant 0 : i32
      %dma_wait3A_89 = tpu.memref_slice %arg6[%dma_wait3A_86, %dma_wait3A_87, %dma_wait3A_88] : memref<3x1x32xi32, #tpu.memory_space<vmem>> -> memref<1x1x32xi32, #tpu.memory_space<vmem>>
      %dma_wait3A_90 = arith.constant 0 : i32
      %dma_wait3A_91 = arith.constant 0 : i32
      %dma_wait3A_92 = tpu.memref_slice %arg3[%add3A_27, %dma_wait3A_90, %dma_wait3A_91] : memref<10240x1x32xi32, #tpu.memory_space<hbm>> -> memref<1x1x32xi32, #tpu.memory_space<hbm>>
      tpu.wait_dma2 semaphore(%run_scoped3A_65 : memref<!tpu.dma_semaphore, #tpu.memory_space<semaphore_mem>>) src(%dma_wait3A_92 : memref<1x1x32xi32, #tpu.memory_space<hbm>>) dst(%dma_wait3A_89 : memref<1x1x32xi32, #tpu.memory_space<vmem>>)
      tpu.yield
    }) : () -> ()
    %add3A_28 = arith.constant 1 : i32
    %add3A_29 = arith.addi %mul3A_21, %add3A_28 : i32
    "tpu.region"() ({
      %run_scoped3A_65 = tpu.sem_alloc : memref<!tpu.dma_semaphore, #tpu.memory_space<semaphore_mem>>
      %dma_start3A_66 = arith.constant 1 : i32
      %dma_start3A_67 = arith.constant 0 : i32
      %dma_start3A_68 = arith.constant 0 : i32
      %dma_start3A_69 = tpu.memref_slice %arg7[%dma_start3A_66, %dma_start3A_67, %dma_start3A_68] : memref<3x1x32xi32, #tpu.memory_space<vmem>> -> memref<1x1x32xi32, #tpu.memory_space<vmem>>
      %dma_start3A_70 = arith.constant 0 : i32
      %dma_start3A_71 = arith.constant 0 : i32
      %dma_start3A_72 = tpu.memref_slice %arg4[%add3A_29, %dma_start3A_70, %dma_start3A_71] : memref<10240x1x32xi32, #tpu.memory_space<hbm>> -> memref<1x1x32xi32, #tpu.memory_space<hbm>>
      %dma_start3A_73 = arith.constant 1 : i32
      %dma_start3A_74 = arith.constant 0 : i32
      %dma_start3A_75 = arith.constant 0 : i32
      %dma_start3A_76 = tpu.memref_slice %arg7[%dma_start3A_73, %dma_start3A_74, %dma_start3A_75] : memref<3x1x32xi32, #tpu.memory_space<vmem>> -> memref<1x1x32xi32, #tpu.memory_space<vmem>>
      %dma_start3A_77 = arith.constant 0 : i32
      %dma_start3A_78 = arith.constant 0 : i32
      %dma_start3A_79 = tpu.memref_slice %arg4[%add3A_29, %dma_start3A_77, %dma_start3A_78] : memref<10240x1x32xi32, #tpu.memory_space<hbm>> -> memref<1x1x32xi32, #tpu.memory_space<hbm>>
      tpu.enqueue_dma source(%dma_start3A_79 : memref<1x1x32xi32, #tpu.memory_space<hbm>>) target(%dma_start3A_76 : memref<1x1x32xi32, #tpu.memory_space<vmem>>) target_semaphore(%run_scoped3A_65 : memref<!tpu.dma_semaphore, #tpu.memory_space<semaphore_mem>>)
      %dma_wait3A = arith.constant 1 : i32
      %dma_wait3A_80 = arith.constant 0 : i32
      %dma_wait3A_81 = arith.constant 0 : i32
      %dma_wait3A_82 = tpu.memref_slice %arg7[%dma_wait3A, %dma_wait3A_80, %dma_wait3A_81] : memref<3x1x32xi32, #tpu.memory_space<vmem>> -> memref<1x1x32xi32, #tpu.memory_space<vmem>>
      %dma_wait3A_83 = arith.constant 0 : i32
      %dma_wait3A_84 = arith.constant 0 : i32
      %dma_wait3A_85 = tpu.memref_slice %arg4[%add3A_29, %dma_wait3A_83, %dma_wait3A_84] : memref<10240x1x32xi32, #tpu.memory_space<hbm>> -> memref<1x1x32xi32, #tpu.memory_space<hbm>>
      %dma_wait3A_86 = arith.constant 1 : i32
      %dma_wait3A_87 = arith.constant 0 : i32
      %dma_wait3A_88 = arith.constant 0 : i32
      %dma_wait3A_89 = tpu.memref_slice %arg7[%dma_wait3A_86, %dma_wait3A_87, %dma_wait3A_88] : memref<3x1x32xi32, #tpu.memory_space<vmem>> -> memref<1x1x32xi32, #tpu.memory_space<vmem>>
      %dma_wait3A_90 = arith.constant 0 : i32
      %dma_wait3A_91 = arith.constant 0 : i32
      %dma_wait3A_92 = tpu.memref_slice %arg4[%add3A_29, %dma_wait3A_90, %dma_wait3A_91] : memref<10240x1x32xi32, #tpu.memory_space<hbm>> -> memref<1x1x32xi32, #tpu.memory_space<hbm>>
      tpu.wait_dma2 semaphore(%run_scoped3A_65 : memref<!tpu.dma_semaphore, #tpu.memory_space<semaphore_mem>>) src(%dma_wait3A_92 : memref<1x1x32xi32, #tpu.memory_space<hbm>>) dst(%dma_wait3A_89 : memref<1x1x32xi32, #tpu.memory_space<vmem>>)
      tpu.yield
    }) : () -> ()
    %barrier3A = arith.constant 0 : index
    tpu.barrier barrier_id(%barrier3A)
    %iota3A = tpu.iota {dimensions = array<i32: 0>} : vector<16xi32>
    %and3A = arith.constant 7 : i32
    %and3A_30 = vector.broadcast %and3A : i32 to vector<16xi32>
    %and3A_31 = arith.andi %iota3A, %and3A_30 : vector<16xi32>
    %add3A_32 = arith.constant 5120 : i32
    %add3A_33 = vector.broadcast %add3A_32 : i32 to vector<16xi32>
    %add3A_34 = arith.addi %add3A_33, %and3A_31 : vector<16xi32>
    %scan3A_35 = arith.constant 0 : i32
    %scan3A_36 = arith.constant 2 : i32
    %scan3A_37 = arith.addi %scan3A_35, %scan3A_36 : i32
    %scan3A_38 = arith.constant 1 : i32
    scf.for %scan3A_65 = %scan3A_35 to %scan3A_37 step %scan3A_38  : i32 {
      %mul3A_66 = arith.constant 1 : i32
      %mul3A_67 = arith.muli %scan3A_65, %mul3A_66 : i32
      %add3A_68 = arith.constant 0 : i32
      %add3A_69 = arith.addi %add3A_68, %mul3A_67 : i32
      %mul3A_70 = arith.constant 16 : i32
      %mul3A_71 = arith.muli %add3A_69, %mul3A_70 : i32
      %get3A = arith.constant 0 : i32
      %get3A_72 = arith.constant 0 : i32
      %get3A_73 = arith.index_cast %get3A : i32 to index
      %get3A_74 = arith.index_cast %get3A_72 : i32 to index
      %get3A_75 = arith.index_cast %mul3A_71 : i32 to index
      %get3A_76 = tpu.vector_load %arg6[%get3A_73, %get3A_74, %get3A_75] {strides = array<i32>} : memref<3x1x32xi32, #tpu.memory_space<vmem>>, vector<1x1x16xi32>,
      %get3A_77 = vector.shape_cast %get3A_76 : vector<1x1x16xi32> to vector<16xi32>
      %sub3A = vector.broadcast %mul3A_0 : i32 to vector<16xi32>
      %sub3A_78 = arith.subi %get3A_77, %sub3A : vector<16xi32>
      %lt3A = arith.constant 5120 : i32
      %lt3A_79 = vector.broadcast %lt3A : i32 to vector<16xi32>
      %lt3A_80 = arith.cmpi ult, %sub3A_78, %lt3A_79 : vector<16xi32>
      %select_n3A = arith.select %lt3A_80, %sub3A_78, %add3A_34 : vector<16xi1>, vector<16xi32>
      %mul3A_81 = arith.constant 16 : i32
      %mul3A_82 = arith.muli %add3A_69, %mul3A_81 : i32
      %swap3A = arith.constant 0 : i32
      %swap3A_83 = arith.constant 0 : i32
      %swap3A_84 = arith.index_cast %swap3A : i32 to index
      %swap3A_85 = arith.index_cast %swap3A_83 : i32 to index
      %swap3A_86 = arith.index_cast %mul3A_82 : i32 to index
      %swap3A_87 = tpu.vector_load %arg6[%swap3A_84, %swap3A_85, %swap3A_86] {strides = array<i32>} : memref<3x1x32xi32, #tpu.memory_space<vmem>>, vector<1x1x16xi32>,
      %swap3A_88 = vector.shape_cast %swap3A_87 : vector<1x1x16xi32> to vector<16xi32>
      %swap3A_89 = vector.shape_cast %select_n3A : vector<16xi32> to vector<1x1x16xi32>
      tpu.vector_store %arg6[%swap3A_84, %swap3A_85, %swap3A_86], %swap3A_89 {strides = array<i32>} : memref<3x1x32xi32, #tpu.memory_space<vmem>>, vector<1x1x16xi32>,
    }
    %scan3A_39 = arith.constant 2 : i32
    %dma_start3A = arith.constant 0 : i32
    %dma_start3A_40 = arith.constant 0 : i32
    %dma_start3A_41 = arith.constant 0 : i32
    %dma_start3A_42 = arith.constant 0 : i32
    %dma_start3A_43 = arith.constant 0 : i32
    %dma_start3A_44 = tpu.memref_slice %arg8[%dma_start3A_41, %dma_start3A_42, %dma_start3A_43] : memref<2x32x128xf32, #tpu.memory_space<vmem>> -> memref<1x32x128xf32, #tpu.memory_space<vmem>>
    %dma_start3A_45 = tpu.memref_squeeze %dma_start3A_44 : memref<1x32x128xf32, #tpu.memory_space<vmem>> -> memref<32x128xf32, #tpu.memory_space<vmem>>
    %dma_start3A_46 = arith.constant 0 : i32
    %dma_start3A_47 = tpu.memref_slice %arg6[%dma_start3A, %dma_start3A_40, %dma_start3A_46] : memref<3x1x32xi32, #tpu.memory_space<vmem>> -> memref<1x1x32xi32, #tpu.memory_space<vmem>>
    %dma_start3A_48 = tpu.memref_squeeze %dma_start3A_47 : memref<1x1x32xi32, #tpu.memory_space<vmem>> -> memref<32xi32, #tpu.memory_space<vmem>>
    %dma_start3A_49 = arith.constant 0 : i32
    %dma_start3A_50 = arith.constant 0 : i32
    %dma_start3A_51 = tpu.memref_slice %arg9[%dma_start3A_49, %dma_start3A_50] : memref<5128x128xf32, #tpu.memory_space<vmem_shared>> -> memref<5128x128xf32, #tpu.memory_space<vmem_shared>>
    tpu.enqueue_indirect_dma source(%dma_start3A_51 : memref<5128x128xf32, #tpu.memory_space<vmem_shared>>) target(%dma_start3A_45 : memref<32x128xf32, #tpu.memory_space<vmem>>) offsets(%dma_start3A_48 : memref<32xi32, #tpu.memory_space<vmem>>) semaphore(%arg14 : memref<!tpu.dma_semaphore, #tpu.memory_space<semaphore_mem>>)
    %scan3A_52 = arith.constant 0 : i32
    %scan3A_53 = arith.constant 640 : i32
    %scan3A_54 = arith.addi %scan3A_52, %scan3A_53 : i32
    %scan3A_55 = arith.constant 1 : i32
    scf.for %scan3A_65 = %scan3A_52 to %scan3A_54 step %scan3A_55  : i32 {
      %mul3A_66 = arith.constant 1 : i32
      %mul3A_67 = arith.muli %scan3A_65, %mul3A_66 : i32
      %add3A_68 = arith.constant 0 : i32
      %add3A_69 = arith.addi %add3A_68, %mul3A_67 : i32
      %jit3A = arith.constant 6 : i32
      %eq3A_70 = arith.constant 0 : i32
      %eq3A_71 = arith.cmpi eq, %jit3A, %eq3A_70 : i32
      %jit3A_72 = arith.constant 1 : i32
      %select_n3A = arith.select %eq3A_71, %jit3A_72, %jit3A : i32
      %rem3A = arith.remsi %add3A_69, %select_n3A : i32
      %ne3A = arith.constant 0 : i32
      %ne3A_73 = arith.cmpi ne, %rem3A, %ne3A : i32
      %lt3A = arith.constant 0 : i32
      %lt3A_74 = arith.cmpi slt, %rem3A, %lt3A : i32
      %lt3A_75 = arith.constant 0 : i32
      %lt3A_76 = arith.cmpi slt, %select_n3A, %lt3A_75 : i32
      %ne3A_77 = arith.xori %lt3A_74, %lt3A_76 : i1
      %and3A_78 = arith.andi %ne3A_77, %ne3A_73 : i1
      %add3A_79 = arith.addi %rem3A, %select_n3A : i32
      %select_n3A_80 = arith.select %and3A_78, %add3A_79, %rem3A : i32
      %eq3A_81 = arith.constant 0 : i32
      %eq3A_82 = arith.cmpi eq, %select_n3A_80, %eq3A_81 : i32
      %convert_element_type3A_83 = arith.extui %eq3A_82 : i1 to i32
      %cond3A_84 = arith.constant 0 : i32
      %cond3A_85 = arith.cmpi ne, %convert_element_type3A_83, %cond3A_84 : i32
      scf.if %cond3A_85 {
        %ge3A = arith.constant 1 : i32
        %ge3A_191 = arith.cmpi sge, %add3A_69, %ge3A : i32
        %add3A_192 = arith.constant 1 : i32
        %add3A_193 = arith.addi %add3A_69, %add3A_192 : i32
        %le3A = arith.constant 639 : i32
        %le3A_194 = arith.cmpi sle, %add3A_193, %le3A : i32
        %and3A_195 = arith.andi %ge3A_191, %le3A_194 : i1
        %convert_element_type3A_196 = arith.extui %and3A_195 : i1 to i32
        %cond3A_197 = arith.constant 0 : i32
        %cond3A_198 = arith.cmpi ne, %convert_element_type3A_196, %cond3A_197 : i32
        scf.if %cond3A_198 {
          %dma_wait3A_228 = arith.constant 1 : i32
          %dma_wait3A_229 = arith.constant 0 : i32
          %dma_wait3A_230 = arith.constant 0 : i32
          %dma_wait3A_231 = tpu.memref_slice %arg6[%dma_wait3A_228, %dma_wait3A_229, %dma_wait3A_230] : memref<3x1x32xi32, #tpu.memory_space<vmem>> -> memref<1x1x32xi32, #tpu.memory_space<vmem>>
          %dma_wait3A_232 = arith.constant 0 : i32
          %dma_wait3A_233 = arith.constant 0 : i32
          %dma_wait3A_234 = tpu.memref_slice %arg3[%mul3A_21, %dma_wait3A_232, %dma_wait3A_233] : memref<10240x1x32xi32, #tpu.memory_space<hbm>> -> memref<1x1x32xi32, #tpu.memory_space<hbm>>
          %dma_wait3A_235 = arith.constant 1 : i32
          %dma_wait3A_236 = arith.constant 0 : i32
          %dma_wait3A_237 = arith.constant 0 : i32
          %dma_wait3A_238 = tpu.memref_slice %arg6[%dma_wait3A_235, %dma_wait3A_236, %dma_wait3A_237] : memref<3x1x32xi32, #tpu.memory_space<vmem>> -> memref<1x1x32xi32, #tpu.memory_space<vmem>>
          %dma_wait3A_239 = arith.constant 0 : i32
          %dma_wait3A_240 = arith.constant 0 : i32
          %dma_wait3A_241 = tpu.memref_slice %arg3[%mul3A_21, %dma_wait3A_239, %dma_wait3A_240] : memref<10240x1x32xi32, #tpu.memory_space<hbm>> -> memref<1x1x32xi32, #tpu.memory_space<hbm>>
          tpu.wait_dma2 semaphore(%arg12 : memref<!tpu.dma_semaphore, #tpu.memory_space<semaphore_mem>>) src(%dma_wait3A_241 : memref<1x1x32xi32, #tpu.memory_space<hbm>>) dst(%dma_wait3A_238 : memref<1x1x32xi32, #tpu.memory_space<vmem>>)
          %dma_wait3A_242 = arith.constant 1 : i32
          %dma_wait3A_243 = arith.constant 0 : i32
          %dma_wait3A_244 = arith.constant 0 : i32
          %dma_wait3A_245 = tpu.memref_slice %arg7[%dma_wait3A_242, %dma_wait3A_243, %dma_wait3A_244] : memref<3x1x32xi32, #tpu.memory_space<vmem>> -> memref<1x1x32xi32, #tpu.memory_space<vmem>>
          %dma_wait3A_246 = arith.constant 0 : i32
          %dma_wait3A_247 = arith.constant 0 : i32
          %dma_wait3A_248 = tpu.memref_slice %arg4[%mul3A_21, %dma_wait3A_246, %dma_wait3A_247] : memref<10240x1x32xi32, #tpu.memory_space<hbm>> -> memref<1x1x32xi32, #tpu.memory_space<hbm>>
          %dma_wait3A_249 = arith.constant 1 : i32
          %dma_wait3A_250 = arith.constant 0 : i32
          %dma_wait3A_251 = arith.constant 0 : i32
          %dma_wait3A_252 = tpu.memref_slice %arg7[%dma_wait3A_249, %dma_wait3A_250, %dma_wait3A_251] : memref<3x1x32xi32, #tpu.memory_space<vmem>> -> memref<1x1x32xi32, #tpu.memory_space<vmem>>
          %dma_wait3A_253 = arith.constant 0 : i32
          %dma_wait3A_254 = arith.constant 0 : i32
          %dma_wait3A_255 = tpu.memref_slice %arg4[%mul3A_21, %dma_wait3A_253, %dma_wait3A_254] : memref<10240x1x32xi32, #tpu.memory_space<hbm>> -> memref<1x1x32xi32, #tpu.memory_space<hbm>>
          tpu.wait_dma2 semaphore(%arg12 : memref<!tpu.dma_semaphore, #tpu.memory_space<semaphore_mem>>) src(%dma_wait3A_255 : memref<1x1x32xi32, #tpu.memory_space<hbm>>) dst(%dma_wait3A_252 : memref<1x1x32xi32, #tpu.memory_space<vmem>>)
        } else {
        }
        %add3A_199 = arith.constant 1 : i32
        %add3A_200 = arith.addi %add3A_69, %add3A_199 : i32
        %le3A_201 = arith.constant 639 : i32
        %le3A_202 = arith.cmpi sle, %add3A_200, %le3A_201 : i32
        %convert_element_type3A_203 = arith.extui %le3A_202 : i1 to i32
        %cond3A_204 = arith.constant 0 : i32
        %cond3A_205 = arith.cmpi ne, %convert_element_type3A_203, %cond3A_204 : i32
        scf.if %cond3A_205 {
          %scan3A_228 = arith.constant 0 : i32
          %scan3A_229 = arith.constant 2 : i32
          %scan3A_230 = arith.addi %scan3A_228, %scan3A_229 : i32
          %scan3A_231 = arith.constant 1 : i32
          scf.for %scan3A_246 = %scan3A_228 to %scan3A_230 step %scan3A_231  : i32 {
            %mul3A_247 = arith.constant 1 : i32
            %mul3A_248 = arith.muli %scan3A_246, %mul3A_247 : i32
            %add3A_249 = arith.constant 0 : i32
            %add3A_250 = arith.addi %add3A_249, %mul3A_248 : i32
            %mul3A_251 = arith.constant 16 : i32
            %mul3A_252 = arith.muli %add3A_250, %mul3A_251 : i32
            %get3A = arith.constant 1 : i32
            %get3A_253 = arith.constant 0 : i32
            %get3A_254 = arith.index_cast %get3A : i32 to index
            %get3A_255 = arith.index_cast %get3A_253 : i32 to index
            %get3A_256 = arith.index_cast %mul3A_252 : i32 to index
            %get3A_257 = tpu.vector_load %arg6[%get3A_254, %get3A_255, %get3A_256] {strides = array<i32>} : memref<3x1x32xi32, #tpu.memory_space<vmem>>, vector<1x1x16xi32>,
            %get3A_258 = vector.shape_cast %get3A_257 : vector<1x1x16xi32> to vector<16xi32>
            %sub3A = vector.broadcast %mul3A_0 : i32 to vector<16xi32>
            %sub3A_259 = arith.subi %get3A_258, %sub3A : vector<16xi32>
            %lt3A_260 = arith.constant 5120 : i32
            %lt3A_261 = vector.broadcast %lt3A_260 : i32 to vector<16xi32>
            %lt3A_262 = arith.cmpi ult, %sub3A_259, %lt3A_261 : vector<16xi32>
            %select_n3A_263 = arith.select %lt3A_262, %sub3A_259, %add3A_34 : vector<16xi1>, vector<16xi32>
            %mul3A_264 = arith.constant 16 : i32
            %mul3A_265 = arith.muli %add3A_250, %mul3A_264 : i32
            %swap3A = arith.constant 1 : i32
            %swap3A_266 = arith.constant 0 : i32
            %swap3A_267 = arith.index_cast %swap3A : i32 to index
            %swap3A_268 = arith.index_cast %swap3A_266 : i32 to index
            %swap3A_269 = arith.index_cast %mul3A_265 : i32 to index
            %swap3A_270 = tpu.vector_load %arg6[%swap3A_267, %swap3A_268, %swap3A_269] {strides = array<i32>} : memref<3x1x32xi32, #tpu.memory_space<vmem>>, vector<1x1x16xi32>,
            %swap3A_271 = vector.shape_cast %swap3A_270 : vector<1x1x16xi32> to vector<16xi32>
            %swap3A_272 = vector.shape_cast %select_n3A_263 : vector<16xi32> to vector<1x1x16xi32>
            tpu.vector_store %arg6[%swap3A_267, %swap3A_268, %swap3A_269], %swap3A_272 {strides = array<i32>} : memref<3x1x32xi32, #tpu.memory_space<vmem>>, vector<1x1x16xi32>,
          }
          %scan3A_232 = arith.constant 2 : i32
          %dma_start3A_233 = arith.constant 1 : i32
          %dma_start3A_234 = arith.constant 0 : i32
          %dma_start3A_235 = arith.constant 1 : i32
          %dma_start3A_236 = arith.constant 0 : i32
          %dma_start3A_237 = arith.constant 0 : i32
          %dma_start3A_238 = tpu.memref_slice %arg8[%dma_start3A_235, %dma_start3A_236, %dma_start3A_237] : memref<2x32x128xf32, #tpu.memory_space<vmem>> -> memref<1x32x128xf32, #tpu.memory_space<vmem>>
          %dma_start3A_239 = tpu.memref_squeeze %dma_start3A_238 : memref<1x32x128xf32, #tpu.memory_space<vmem>> -> memref<32x128xf32, #tpu.memory_space<vmem>>
          %dma_start3A_240 = arith.constant 0 : i32
          %dma_start3A_241 = tpu.memref_slice %arg6[%dma_start3A_233, %dma_start3A_234, %dma_start3A_240] : memref<3x1x32xi32, #tpu.memory_space<vmem>> -> memref<1x1x32xi32, #tpu.memory_space<vmem>>
          %dma_start3A_242 = tpu.memref_squeeze %dma_start3A_241 : memref<1x1x32xi32, #tpu.memory_space<vmem>> -> memref<32xi32, #tpu.memory_space<vmem>>
          %dma_start3A_243 = arith.constant 0 : i32
          %dma_start3A_244 = arith.constant 0 : i32
          %dma_start3A_245 = tpu.memref_slice %arg9[%dma_start3A_243, %dma_start3A_244] : memref<5128x128xf32, #tpu.memory_space<vmem_shared>> -> memref<5128x128xf32, #tpu.memory_space<vmem_shared>>
          tpu.enqueue_indirect_dma source(%dma_start3A_245 : memref<5128x128xf32, #tpu.memory_space<vmem_shared>>) target(%dma_start3A_239 : memref<32x128xf32, #tpu.memory_space<vmem>>) offsets(%dma_start3A_242 : memref<32xi32, #tpu.memory_space<vmem>>) semaphore(%arg15 : memref<!tpu.dma_semaphore, #tpu.memory_space<semaphore_mem>>)
        } else {
        }
        %add3A_206 = arith.constant 2 : i32
        %add3A_207 = arith.addi %add3A_69, %add3A_206 : i32
        %le3A_208 = arith.constant 639 : i32
        %le3A_209 = arith.cmpi sle, %add3A_207, %le3A_208 : i32
        %convert_element_type3A_210 = arith.extui %le3A_209 : i1 to i32
        %cond3A_211 = arith.constant 0 : i32
        %cond3A_212 = arith.cmpi ne, %convert_element_type3A_210, %cond3A_211 : i32
        scf.if %cond3A_212 {
          %add3A_228 = arith.addi %mul3A_21, %add3A_69 : i32
          %add3A_229 = arith.constant 2 : i32
          %add3A_230 = arith.addi %add3A_228, %add3A_229 : i32
          %dma_start3A_231 = arith.constant 2 : i32
          %dma_start3A_232 = arith.constant 0 : i32
          %dma_start3A_233 = arith.constant 0 : i32
          %dma_start3A_234 = tpu.memref_slice %arg6[%dma_start3A_231, %dma_start3A_232, %dma_start3A_233] : memref<3x1x32xi32, #tpu.memory_space<vmem>> -> memref<1x1x32xi32, #tpu.memory_space<vmem>>
          %dma_start3A_235 = arith.constant 0 : i32
          %dma_start3A_236 = arith.constant 0 : i32
          %dma_start3A_237 = tpu.memref_slice %arg3[%add3A_230, %dma_start3A_235, %dma_start3A_236] : memref<10240x1x32xi32, #tpu.memory_space<hbm>> -> memref<1x1x32xi32, #tpu.memory_space<hbm>>
          %dma_start3A_238 = arith.constant 2 : i32
          %dma_start3A_239 = arith.constant 0 : i32
          %dma_start3A_240 = arith.constant 0 : i32
          %dma_start3A_241 = tpu.memref_slice %arg6[%dma_start3A_238, %dma_start3A_239, %dma_start3A_240] : memref<3x1x32xi32, #tpu.memory_space<vmem>> -> memref<1x1x32xi32, #tpu.memory_space<vmem>>
          %dma_start3A_242 = arith.constant 0 : i32
          %dma_start3A_243 = arith.constant 0 : i32
          %dma_start3A_244 = tpu.memref_slice %arg3[%add3A_230, %dma_start3A_242, %dma_start3A_243] : memref<10240x1x32xi32, #tpu.memory_space<hbm>> -> memref<1x1x32xi32, #tpu.memory_space<hbm>>
          tpu.enqueue_dma source(%dma_start3A_244 : memref<1x1x32xi32, #tpu.memory_space<hbm>>) target(%dma_start3A_241 : memref<1x1x32xi32, #tpu.memory_space<vmem>>) target_semaphore(%arg13 : memref<!tpu.dma_semaphore, #tpu.memory_space<semaphore_mem>>)
          %add3A_245 = arith.addi %mul3A_21, %add3A_69 : i32
          %add3A_246 = arith.constant 2 : i32
          %add3A_247 = arith.addi %add3A_245, %add3A_246 : i32
          %dma_start3A_248 = arith.constant 2 : i32
          %dma_start3A_249 = arith.constant 0 : i32
          %dma_start3A_250 = arith.constant 0 : i32
          %dma_start3A_251 = tpu.memref_slice %arg7[%dma_start3A_248, %dma_start3A_249, %dma_start3A_250] : memref<3x1x32xi32, #tpu.memory_space<vmem>> -> memref<1x1x32xi32, #tpu.memory_space<vmem>>
          %dma_start3A_252 = arith.constant 0 : i32
          %dma_start3A_253 = arith.constant 0 : i32
          %dma_start3A_254 = tpu.memref_slice %arg4[%add3A_247, %dma_start3A_252, %dma_start3A_253] : memref<10240x1x32xi32, #tpu.memory_space<hbm>> -> memref<1x1x32xi32, #tpu.memory_space<hbm>>
          %dma_start3A_255 = arith.constant 2 : i32
          %dma_start3A_256 = arith.constant 0 : i32
          %dma_start3A_257 = arith.constant 0 : i32
          %dma_start3A_258 = tpu.memref_slice %arg7[%dma_start3A_255, %dma_start3A_256, %dma_start3A_257] : memref<3x1x32xi32, #tpu.memory_space<vmem>> -> memref<1x1x32xi32, #tpu.memory_space<vmem>>
          %dma_start3A_259 = arith.constant 0 : i32
          %dma_start3A_260 = arith.constant 0 : i32
          %dma_start3A_261 = tpu.memref_slice %arg4[%add3A_247, %dma_start3A_259, %dma_start3A_260] : memref<10240x1x32xi32, #tpu.memory_space<hbm>> -> memref<1x1x32xi32, #tpu.memory_space<hbm>>
          tpu.enqueue_dma source(%dma_start3A_261 : memref<1x1x32xi32, #tpu.memory_space<hbm>>) target(%dma_start3A_258 : memref<1x1x32xi32, #tpu.memory_space<vmem>>) target_semaphore(%arg13 : memref<!tpu.dma_semaphore, #tpu.memory_space<semaphore_mem>>)
        } else {
        }
        %dma_wait3A = arith.constant 0 : i32
        %dma_wait3A_213 = arith.constant 0 : i32
        %dma_wait3A_214 = arith.constant 0 : i32
        %dma_wait3A_215 = arith.constant 0 : i32
        %dma_wait3A_216 = arith.constant 0 : i32
        %dma_wait3A_217 = tpu.memref_slice %arg8[%dma_wait3A_214, %dma_wait3A_215, %dma_wait3A_216] : memref<2x32x128xf32, #tpu.memory_space<vmem>> -> memref<1x32x128xf32, #tpu.memory_space<vmem>>
        %dma_wait3A_218 = tpu.memref_squeeze %dma_wait3A_217 : memref<1x32x128xf32, #tpu.memory_space<vmem>> -> memref<32x128xf32, #tpu.memory_space<vmem>>
        %dma_wait3A_219 = arith.constant 0 : i32
        %dma_wait3A_220 = tpu.memref_slice %arg6[%dma_wait3A, %dma_wait3A_213, %dma_wait3A_219] : memref<3x1x32xi32, #tpu.memory_space<vmem>> -> memref<1x1x32xi32, #tpu.memory_space<vmem>>
        %dma_wait3A_221 = tpu.memref_squeeze %dma_wait3A_220 : memref<1x1x32xi32, #tpu.memory_space<vmem>> -> memref<32xi32, #tpu.memory_space<vmem>>
        %dma_wait3A_222 = arith.constant 0 : i32
        %dma_wait3A_223 = arith.constant 0 : i32
        %dma_wait3A_224 = tpu.memref_slice %arg9[%dma_wait3A_222, %dma_wait3A_223] : memref<5128x128xf32, #tpu.memory_space<vmem_shared>> -> memref<5128x128xf32, #tpu.memory_space<vmem_shared>>
        tpu.wait_indirect_dma semaphore(%arg14 : memref<!tpu.dma_semaphore, #tpu.memory_space<semaphore_mem>>) src(%dma_wait3A_224 : memref<5128x128xf32, #tpu.memory_space<vmem_shared>>) dst(%dma_wait3A_218 : memref<32x128xf32, #tpu.memory_space<vmem>>)
        %run_scoped3A_225 = arith.constant 0 : i32
        %run_scoped3A_226 = arith.constant 0 : i32
        %run_scoped3A_227 = arith.constant 0 : i32
        "tpu.region"() ({
          %run_scoped3A_228 = tpu.sem_alloc : memref<!tpu.dma_semaphore, #tpu.memory_space<semaphore_mem>>
          %dma_start3A_229 = arith.constant 0 : i32
          %dma_start3A_230 = arith.constant 0 : i32
          %dma_start3A_231 = tpu.memref_slice %arg8[%run_scoped3A_225, %dma_start3A_229, %dma_start3A_230] : memref<2x32x128xf32, #tpu.memory_space<vmem>> -> memref<1x32x128xf32, #tpu.memory_space<vmem>>
          %dma_start3A_232 = tpu.memref_squeeze %dma_start3A_231 : memref<1x32x128xf32, #tpu.memory_space<vmem>> -> memref<32x128xf32, #tpu.memory_space<vmem>>
          %dma_start3A_233 = arith.constant 0 : i32
          %dma_start3A_234 = tpu.memref_slice %arg7[%run_scoped3A_226, %run_scoped3A_227, %dma_start3A_233] : memref<3x1x32xi32, #tpu.memory_space<vmem>> -> memref<1x1x32xi32, #tpu.memory_space<vmem>>
          %dma_start3A_235 = tpu.memref_squeeze %dma_start3A_234 : memref<1x1x32xi32, #tpu.memory_space<vmem>> -> memref<32xi32, #tpu.memory_space<vmem>>
          %dma_start3A_236 = arith.constant 0 : i32
          %dma_start3A_237 = arith.constant 0 : i32
          %dma_start3A_238 = tpu.memref_slice %arg10[%dma_start3A_236, %dma_start3A_237] : memref<10112x128xf32, #tpu.memory_space<vmem_shared>> -> memref<10112x128xf32, #tpu.memory_space<vmem_shared>>
          tpu.enqueue_indirect_dma source(%dma_start3A_232 : memref<32x128xf32, #tpu.memory_space<vmem>>) target(%dma_start3A_238 : memref<10112x128xf32, #tpu.memory_space<vmem_shared>>) offsets(%dma_start3A_235 : memref<32xi32, #tpu.memory_space<vmem>>) semaphore(%run_scoped3A_228 : memref<!tpu.dma_semaphore, #tpu.memory_space<semaphore_mem>>) {add = true}
          %dma_wait3A_239 = arith.constant 0 : i32
          %dma_wait3A_240 = arith.constant 0 : i32
          %dma_wait3A_241 = tpu.memref_slice %arg8[%run_scoped3A_225, %dma_wait3A_239, %dma_wait3A_240] : memref<2x32x128xf32, #tpu.memory_space<vmem>> -> memref<1x32x128xf32, #tpu.memory_space<vmem>>
          %dma_wait3A_242 = tpu.memref_squeeze %dma_wait3A_241 : memref<1x32x128xf32, #tpu.memory_space<vmem>> -> memref<32x128xf32, #tpu.memory_space<vmem>>
          %dma_wait3A_243 = arith.constant 0 : i32
          %dma_wait3A_244 = tpu.memref_slice %arg7[%run_scoped3A_226, %run_scoped3A_227, %dma_wait3A_243] : memref<3x1x32xi32, #tpu.memory_space<vmem>> -> memref<1x1x32xi32, #tpu.memory_space<vmem>>
          %dma_wait3A_245 = tpu.memref_squeeze %dma_wait3A_244 : memref<1x1x32xi32, #tpu.memory_space<vmem>> -> memref<32xi32, #tpu.memory_space<vmem>>
          %dma_wait3A_246 = arith.constant 0 : i32
          %dma_wait3A_247 = arith.constant 0 : i32
          %dma_wait3A_248 = tpu.memref_slice %arg10[%dma_wait3A_246, %dma_wait3A_247] : memref<10112x128xf32, #tpu.memory_space<vmem_shared>> -> memref<10112x128xf32, #tpu.memory_space<vmem_shared>>
          tpu.wait_indirect_dma semaphore(%run_scoped3A_228 : memref<!tpu.dma_semaphore, #tpu.memory_space<semaphore_mem>>) src(%dma_wait3A_242 : memref<32x128xf32, #tpu.memory_space<vmem>>) dst(%dma_wait3A_248 : memref<10112x128xf32, #tpu.memory_space<vmem_shared>>)
          tpu.yield
        }) : () -> ()
      } else {
      }
      %jit3A_86 = arith.constant 6 : i32
      %eq3A_87 = arith.constant 0 : i32
      %eq3A_88 = arith.cmpi eq, %jit3A_86, %eq3A_87 : i32
      %jit3A_89 = arith.constant 1 : i32
      %select_n3A_90 = arith.select %eq3A_88, %jit3A_89, %jit3A_86 : i32
      %rem3A_91 = arith.remsi %add3A_69, %select_n3A_90 : i32
      %ne3A_92 = arith.constant 0 : i32
      %ne3A_93 = arith.cmpi ne, %rem3A_91, %ne3A_92 : i32
      %lt3A_94 = arith.constant 0 : i32
      %lt3A_95 = arith.cmpi slt, %rem3A_91, %lt3A_94 : i32
      %lt3A_96 = arith.constant 0 : i32
      %lt3A_97 = arith.cmpi slt, %select_n3A_90, %lt3A_96 : i32
      %ne3A_98 = arith.xori %lt3A_95, %lt3A_97 : i1
      %and3A_99 = arith.andi %ne3A_98, %ne3A_93 : i1
      %add3A_100 = arith.addi %rem3A_91, %select_n3A_90 : i32
      %select_n3A_101 = arith.select %and3A_99, %add3A_100, %rem3A_91 : i32
      %eq3A_102 = arith.constant 1 : i32
      %eq3A_103 = arith.cmpi eq, %select_n3A_101, %eq3A_102 : i32
      %convert_element_type3A_104 = arith.extui %eq3A_103 : i1 to i32
      %cond3A_105 = arith.constant 0 : i32
      %cond3A_106 = arith.cmpi ne, %convert_element_type3A_104, %cond3A_105 : i32
      scf.if %cond3A_106 {
        %ge3A = arith.constant 1 : i32
        %ge3A_191 = arith.cmpi sge, %add3A_69, %ge3A : i32
        %add3A_192 = arith.constant 1 : i32
        %add3A_193 = arith.addi %add3A_69, %add3A_192 : i32
        %le3A = arith.constant 639 : i32
        %le3A_194 = arith.cmpi sle, %add3A_193, %le3A : i32
        %and3A_195 = arith.andi %ge3A_191, %le3A_194 : i1
        %convert_element_type3A_196 = arith.extui %and3A_195 : i1 to i32
        %cond3A_197 = arith.constant 0 : i32
        %cond3A_198 = arith.cmpi ne, %convert_element_type3A_196, %cond3A_197 : i32
        scf.if %cond3A_198 {
          %dma_wait3A_228 = arith.constant 2 : i32
          %dma_wait3A_229 = arith.constant 0 : i32
          %dma_wait3A_230 = arith.constant 0 : i32
          %dma_wait3A_231 = tpu.memref_slice %arg6[%dma_wait3A_228, %dma_wait3A_229, %dma_wait3A_230] : memref<3x1x32xi32, #tpu.memory_space<vmem>> -> memref<1x1x32xi32, #tpu.memory_space<vmem>>
          %dma_wait3A_232 = arith.constant 0 : i32
          %dma_wait3A_233 = arith.constant 0 : i32
          %dma_wait3A_234 = tpu.memref_slice %arg3[%mul3A_21, %dma_wait3A_232, %dma_wait3A_233] : memref<10240x1x32xi32, #tpu.memory_space<hbm>> -> memref<1x1x32xi32, #tpu.memory_space<hbm>>
          %dma_wait3A_235 = arith.constant 2 : i32
          %dma_wait3A_236 = arith.constant 0 : i32
          %dma_wait3A_237 = arith.constant 0 : i32
          %dma_wait3A_238 = tpu.memref_slice %arg6[%dma_wait3A_235, %dma_wait3A_236, %dma_wait3A_237] : memref<3x1x32xi32, #tpu.memory_space<vmem>> -> memref<1x1x32xi32, #tpu.memory_space<vmem>>
          %dma_wait3A_239 = arith.constant 0 : i32
          %dma_wait3A_240 = arith.constant 0 : i32
          %dma_wait3A_241 = tpu.memref_slice %arg3[%mul3A_21, %dma_wait3A_239, %dma_wait3A_240] : memref<10240x1x32xi32, #tpu.memory_space<hbm>> -> memref<1x1x32xi32, #tpu.memory_space<hbm>>
          tpu.wait_dma2 semaphore(%arg13 : memref<!tpu.dma_semaphore, #tpu.memory_space<semaphore_mem>>) src(%dma_wait3A_241 : memref<1x1x32xi32, #tpu.memory_space<hbm>>) dst(%dma_wait3A_238 : memref<1x1x32xi32, #tpu.memory_space<vmem>>)
          %dma_wait3A_242 = arith.constant 2 : i32
          %dma_wait3A_243 = arith.constant 0 : i32
          %dma_wait3A_244 = arith.constant 0 : i32
          %dma_wait3A_245 = tpu.memref_slice %arg7[%dma_wait3A_242, %dma_wait3A_243, %dma_wait3A_244] : memref<3x1x32xi32, #tpu.memory_space<vmem>> -> memref<1x1x32xi32, #tpu.memory_space<vmem>>
          %dma_wait3A_246 = arith.constant 0 : i32
          %dma_wait3A_247 = arith.constant 0 : i32
          %dma_wait3A_248 = tpu.memref_slice %arg4[%mul3A_21, %dma_wait3A_246, %dma_wait3A_247] : memref<10240x1x32xi32, #tpu.memory_space<hbm>> -> memref<1x1x32xi32, #tpu.memory_space<hbm>>
          %dma_wait3A_249 = arith.constant 2 : i32
          %dma_wait3A_250 = arith.constant 0 : i32
          %dma_wait3A_251 = arith.constant 0 : i32
          %dma_wait3A_252 = tpu.memref_slice %arg7[%dma_wait3A_249, %dma_wait3A_250, %dma_wait3A_251] : memref<3x1x32xi32, #tpu.memory_space<vmem>> -> memref<1x1x32xi32, #tpu.memory_space<vmem>>
          %dma_wait3A_253 = arith.constant 0 : i32
          %dma_wait3A_254 = arith.constant 0 : i32
          %dma_wait3A_255 = tpu.memref_slice %arg4[%mul3A_21, %dma_wait3A_253, %dma_wait3A_254] : memref<10240x1x32xi32, #tpu.memory_space<hbm>> -> memref<1x1x32xi32, #tpu.memory_space<hbm>>
          tpu.wait_dma2 semaphore(%arg13 : memref<!tpu.dma_semaphore, #tpu.memory_space<semaphore_mem>>) src(%dma_wait3A_255 : memref<1x1x32xi32, #tpu.memory_space<hbm>>) dst(%dma_wait3A_252 : memref<1x1x32xi32, #tpu.memory_space<vmem>>)
        } else {
        }
        %add3A_199 = arith.constant 1 : i32
        %add3A_200 = arith.addi %add3A_69, %add3A_199 : i32
        %le3A_201 = arith.constant 639 : i32
        %le3A_202 = arith.cmpi sle, %add3A_200, %le3A_201 : i32
        %convert_element_type3A_203 = arith.extui %le3A_202 : i1 to i32
        %cond3A_204 = arith.constant 0 : i32
        %cond3A_205 = arith.cmpi ne, %convert_element_type3A_203, %cond3A_204 : i32
        scf.if %cond3A_205 {
          %scan3A_228 = arith.constant 0 : i32
          %scan3A_229 = arith.constant 2 : i32
          %scan3A_230 = arith.addi %scan3A_228, %scan3A_229 : i32
          %scan3A_231 = arith.constant 1 : i32
          scf.for %scan3A_246 = %scan3A_228 to %scan3A_230 step %scan3A_231  : i32 {
            %mul3A_247 = arith.constant 1 : i32
            %mul3A_248 = arith.muli %scan3A_246, %mul3A_247 : i32
            %add3A_249 = arith.constant 0 : i32
            %add3A_250 = arith.addi %add3A_249, %mul3A_248 : i32
            %mul3A_251 = arith.constant 16 : i32
            %mul3A_252 = arith.muli %add3A_250, %mul3A_251 : i32
            %get3A = arith.constant 2 : i32
            %get3A_253 = arith.constant 0 : i32
            %get3A_254 = arith.index_cast %get3A : i32 to index
            %get3A_255 = arith.index_cast %get3A_253 : i32 to index
            %get3A_256 = arith.index_cast %mul3A_252 : i32 to index
            %get3A_257 = tpu.vector_load %arg6[%get3A_254, %get3A_255, %get3A_256] {strides = array<i32>} : memref<3x1x32xi32, #tpu.memory_space<vmem>>, vector<1x1x16xi32>,
            %get3A_258 = vector.shape_cast %get3A_257 : vector<1x1x16xi32> to vector<16xi32>
            %sub3A = vector.broadcast %mul3A_0 : i32 to vector<16xi32>
            %sub3A_259 = arith.subi %get3A_258, %sub3A : vector<16xi32>
            %lt3A_260 = arith.constant 5120 : i32
            %lt3A_261 = vector.broadcast %lt3A_260 : i32 to vector<16xi32>
            %lt3A_262 = arith.cmpi ult, %sub3A_259, %lt3A_261 : vector<16xi32>
            %select_n3A_263 = arith.select %lt3A_262, %sub3A_259, %add3A_34 : vector<16xi1>, vector<16xi32>
            %mul3A_264 = arith.constant 16 : i32
            %mul3A_265 = arith.muli %add3A_250, %mul3A_264 : i32
            %swap3A = arith.constant 2 : i32
            %swap3A_266 = arith.constant 0 : i32
            %swap3A_267 = arith.index_cast %swap3A : i32 to index
            %swap3A_268 = arith.index_cast %swap3A_266 : i32 to index
            %swap3A_269 = arith.index_cast %mul3A_265 : i32 to index
            %swap3A_270 = tpu.vector_load %arg6[%swap3A_267, %swap3A_268, %swap3A_269] {strides = array<i32>} : memref<3x1x32xi32, #tpu.memory_space<vmem>>, vector<1x1x16xi32>,
            %swap3A_271 = vector.shape_cast %swap3A_270 : vector<1x1x16xi32> to vector<16xi32>
            %swap3A_272 = vector.shape_cast %select_n3A_263 : vector<16xi32> to vector<1x1x16xi32>
            tpu.vector_store %arg6[%swap3A_267, %swap3A_268, %swap3A_269], %swap3A_272 {strides = array<i32>} : memref<3x1x32xi32, #tpu.memory_space<vmem>>, vector<1x1x16xi32>,
          }
          %scan3A_232 = arith.constant 2 : i32
          %dma_start3A_233 = arith.constant 2 : i32
          %dma_start3A_234 = arith.constant 0 : i32
          %dma_start3A_235 = arith.constant 0 : i32
          %dma_start3A_236 = arith.constant 0 : i32
          %dma_start3A_237 = arith.constant 0 : i32
          %dma_start3A_238 = tpu.memref_slice %arg8[%dma_start3A_235, %dma_start3A_236, %dma_start3A_237] : memref<2x32x128xf32, #tpu.memory_space<vmem>> -> memref<1x32x128xf32, #tpu.memory_space<vmem>>
          %dma_start3A_239 = tpu.memref_squeeze %dma_start3A_238 : memref<1x32x128xf32, #tpu.memory_space<vmem>> -> memref<32x128xf32, #tpu.memory_space<vmem>>
          %dma_start3A_240 = arith.constant 0 : i32
          %dma_start3A_241 = tpu.memref_slice %arg6[%dma_start3A_233, %dma_start3A_234, %dma_start3A_240] : memref<3x1x32xi32, #tpu.memory_space<vmem>> -> memref<1x1x32xi32, #tpu.memory_space<vmem>>
          %dma_start3A_242 = tpu.memref_squeeze %dma_start3A_241 : memref<1x1x32xi32, #tpu.memory_space<vmem>> -> memref<32xi32, #tpu.memory_space<vmem>>
          %dma_start3A_243 = arith.constant 0 : i32
          %dma_start3A_244 = arith.constant 0 : i32
          %dma_start3A_245 = tpu.memref_slice %arg9[%dma_start3A_243, %dma_start3A_244] : memref<5128x128xf32, #tpu.memory_space<vmem_shared>> -> memref<5128x128xf32, #tpu.memory_space<vmem_shared>>
          tpu.enqueue_indirect_dma source(%dma_start3A_245 : memref<5128x128xf32, #tpu.memory_space<vmem_shared>>) target(%dma_start3A_239 : memref<32x128xf32, #tpu.memory_space<vmem>>) offsets(%dma_start3A_242 : memref<32xi32, #tpu.memory_space<vmem>>) semaphore(%arg14 : memref<!tpu.dma_semaphore, #tpu.memory_space<semaphore_mem>>)
        } else {
        }
        %add3A_206 = arith.constant 2 : i32
        %add3A_207 = arith.addi %add3A_69, %add3A_206 : i32
        %le3A_208 = arith.constant 639 : i32
        %le3A_209 = arith.cmpi sle, %add3A_207, %le3A_208 : i32
        %convert_element_type3A_210 = arith.extui %le3A_209 : i1 to i32
        %cond3A_211 = arith.constant 0 : i32
        %cond3A_212 = arith.cmpi ne, %convert_element_type3A_210, %cond3A_211 : i32
        scf.if %cond3A_212 {
          %add3A_228 = arith.addi %mul3A_21, %add3A_69 : i32
          %add3A_229 = arith.constant 2 : i32
          %add3A_230 = arith.addi %add3A_228, %add3A_229 : i32
          %dma_start3A_231 = arith.constant 0 : i32
          %dma_start3A_232 = arith.constant 0 : i32
          %dma_start3A_233 = arith.constant 0 : i32
          %dma_start3A_234 = tpu.memref_slice %arg6[%dma_start3A_231, %dma_start3A_232, %dma_start3A_233] : memref<3x1x32xi32, #tpu.memory_space<vmem>> -> memref<1x1x32xi32, #tpu.memory_space<vmem>>
          %dma_start3A_235 = arith.constant 0 : i32
          %dma_start3A_236 = arith.constant 0 : i32
          %dma_start3A_237 = tpu.memref_slice %arg3[%add3A_230, %dma_start3A_235, %dma_start3A_236] : memref<10240x1x32xi32, #tpu.memory_space<hbm>> -> memref<1x1x32xi32, #tpu.memory_space<hbm>>
          %dma_start3A_238 = arith.constant 0 : i32
          %dma_start3A_239 = arith.constant 0 : i32
          %dma_start3A_240 = arith.constant 0 : i32
          %dma_start3A_241 = tpu.memref_slice %arg6[%dma_start3A_238, %dma_start3A_239, %dma_start3A_240] : memref<3x1x32xi32, #tpu.memory_space<vmem>> -> memref<1x1x32xi32, #tpu.memory_space<vmem>>
          %dma_start3A_242 = arith.constant 0 : i32
          %dma_start3A_243 = arith.constant 0 : i32
          %dma_start3A_244 = tpu.memref_slice %arg3[%add3A_230, %dma_start3A_242, %dma_start3A_243] : memref<10240x1x32xi32, #tpu.memory_space<hbm>> -> memref<1x1x32xi32, #tpu.memory_space<hbm>>
          tpu.enqueue_dma source(%dma_start3A_244 : memref<1x1x32xi32, #tpu.memory_space<hbm>>) target(%dma_start3A_241 : memref<1x1x32xi32, #tpu.memory_space<vmem>>) target_semaphore(%arg11 : memref<!tpu.dma_semaphore, #tpu.memory_space<semaphore_mem>>)
          %add3A_245 = arith.addi %mul3A_21, %add3A_69 : i32
          %add3A_246 = arith.constant 2 : i32
          %add3A_247 = arith.addi %add3A_245, %add3A_246 : i32
          %dma_start3A_248 = arith.constant 0 : i32
          %dma_start3A_249 = arith.constant 0 : i32
          %dma_start3A_250 = arith.constant 0 : i32
          %dma_start3A_251 = tpu.memref_slice %arg7[%dma_start3A_248, %dma_start3A_249, %dma_start3A_250] : memref<3x1x32xi32, #tpu.memory_space<vmem>> -> memref<1x1x32xi32, #tpu.memory_space<vmem>>
          %dma_start3A_252 = arith.constant 0 : i32
          %dma_start3A_253 = arith.constant 0 : i32
          %dma_start3A_254 = tpu.memref_slice %arg4[%add3A_247, %dma_start3A_252, %dma_start3A_253] : memref<10240x1x32xi32, #tpu.memory_space<hbm>> -> memref<1x1x32xi32, #tpu.memory_space<hbm>>
          %dma_start3A_255 = arith.constant 0 : i32
          %dma_start3A_256 = arith.constant 0 : i32
          %dma_start3A_257 = arith.constant 0 : i32
          %dma_start3A_258 = tpu.memref_slice %arg7[%dma_start3A_255, %dma_start3A_256, %dma_start3A_257] : memref<3x1x32xi32, #tpu.memory_space<vmem>> -> memref<1x1x32xi32, #tpu.memory_space<vmem>>
          %dma_start3A_259 = arith.constant 0 : i32
          %dma_start3A_260 = arith.constant 0 : i32
          %dma_start3A_261 = tpu.memref_slice %arg4[%add3A_247, %dma_start3A_259, %dma_start3A_260] : memref<10240x1x32xi32, #tpu.memory_space<hbm>> -> memref<1x1x32xi32, #tpu.memory_space<hbm>>
          tpu.enqueue_dma source(%dma_start3A_261 : memref<1x1x32xi32, #tpu.memory_space<hbm>>) target(%dma_start3A_258 : memref<1x1x32xi32, #tpu.memory_space<vmem>>) target_semaphore(%arg11 : memref<!tpu.dma_semaphore, #tpu.memory_space<semaphore_mem>>)
        } else {
        }
        %dma_wait3A = arith.constant 1 : i32
        %dma_wait3A_213 = arith.constant 0 : i32
        %dma_wait3A_214 = arith.constant 1 : i32
        %dma_wait3A_215 = arith.constant 0 : i32
        %dma_wait3A_216 = arith.constant 0 : i32
        %dma_wait3A_217 = tpu.memref_slice %arg8[%dma_wait3A_214, %dma_wait3A_215, %dma_wait3A_216] : memref<2x32x128xf32, #tpu.memory_space<vmem>> -> memref<1x32x128xf32, #tpu.memory_space<vmem>>
        %dma_wait3A_218 = tpu.memref_squeeze %dma_wait3A_217 : memref<1x32x128xf32, #tpu.memory_space<vmem>> -> memref<32x128xf32, #tpu.memory_space<vmem>>
        %dma_wait3A_219 = arith.constant 0 : i32
        %dma_wait3A_220 = tpu.memref_slice %arg6[%dma_wait3A, %dma_wait3A_213, %dma_wait3A_219] : memref<3x1x32xi32, #tpu.memory_space<vmem>> -> memref<1x1x32xi32, #tpu.memory_space<vmem>>
        %dma_wait3A_221 = tpu.memref_squeeze %dma_wait3A_220 : memref<1x1x32xi32, #tpu.memory_space<vmem>> -> memref<32xi32, #tpu.memory_space<vmem>>
        %dma_wait3A_222 = arith.constant 0 : i32
        %dma_wait3A_223 = arith.constant 0 : i32
        %dma_wait3A_224 = tpu.memref_slice %arg9[%dma_wait3A_222, %dma_wait3A_223] : memref<5128x128xf32, #tpu.memory_space<vmem_shared>> -> memref<5128x128xf32, #tpu.memory_space<vmem_shared>>
        tpu.wait_indirect_dma semaphore(%arg15 : memref<!tpu.dma_semaphore, #tpu.memory_space<semaphore_mem>>) src(%dma_wait3A_224 : memref<5128x128xf32, #tpu.memory_space<vmem_shared>>) dst(%dma_wait3A_218 : memref<32x128xf32, #tpu.memory_space<vmem>>)
        %run_scoped3A_225 = arith.constant 1 : i32
        %run_scoped3A_226 = arith.constant 1 : i32
        %run_scoped3A_227 = arith.constant 0 : i32
        "tpu.region"() ({
          %run_scoped3A_228 = tpu.sem_alloc : memref<!tpu.dma_semaphore, #tpu.memory_space<semaphore_mem>>
          %dma_start3A_229 = arith.constant 0 : i32
          %dma_start3A_230 = arith.constant 0 : i32
          %dma_start3A_231 = tpu.memref_slice %arg8[%run_scoped3A_225, %dma_start3A_229, %dma_start3A_230] : memref<2x32x128xf32, #tpu.memory_space<vmem>> -> memref<1x32x128xf32, #tpu.memory_space<vmem>>
          %dma_start3A_232 = tpu.memref_squeeze %dma_start3A_231 : memref<1x32x128xf32, #tpu.memory_space<vmem>> -> memref<32x128xf32, #tpu.memory_space<vmem>>
          %dma_start3A_233 = arith.constant 0 : i32
          %dma_start3A_234 = tpu.memref_slice %arg7[%run_scoped3A_226, %run_scoped3A_227, %dma_start3A_233] : memref<3x1x32xi32, #tpu.memory_space<vmem>> -> memref<1x1x32xi32, #tpu.memory_space<vmem>>
          %dma_start3A_235 = tpu.memref_squeeze %dma_start3A_234 : memref<1x1x32xi32, #tpu.memory_space<vmem>> -> memref<32xi32, #tpu.memory_space<vmem>>
          %dma_start3A_236 = arith.constant 0 : i32
          %dma_start3A_237 = arith.constant 0 : i32
          %dma_start3A_238 = tpu.memref_slice %arg10[%dma_start3A_236, %dma_start3A_237] : memref<10112x128xf32, #tpu.memory_space<vmem_shared>> -> memref<10112x128xf32, #tpu.memory_space<vmem_shared>>
          tpu.enqueue_indirect_dma source(%dma_start3A_232 : memref<32x128xf32, #tpu.memory_space<vmem>>) target(%dma_start3A_238 : memref<10112x128xf32, #tpu.memory_space<vmem_shared>>) offsets(%dma_start3A_235 : memref<32xi32, #tpu.memory_space<vmem>>) semaphore(%run_scoped3A_228 : memref<!tpu.dma_semaphore, #tpu.memory_space<semaphore_mem>>) {add = true}
          %dma_wait3A_239 = arith.constant 0 : i32
          %dma_wait3A_240 = arith.constant 0 : i32
          %dma_wait3A_241 = tpu.memref_slice %arg8[%run_scoped3A_225, %dma_wait3A_239, %dma_wait3A_240] : memref<2x32x128xf32, #tpu.memory_space<vmem>> -> memref<1x32x128xf32, #tpu.memory_space<vmem>>
          %dma_wait3A_242 = tpu.memref_squeeze %dma_wait3A_241 : memref<1x32x128xf32, #tpu.memory_space<vmem>> -> memref<32x128xf32, #tpu.memory_space<vmem>>
          %dma_wait3A_243 = arith.constant 0 : i32
          %dma_wait3A_244 = tpu.memref_slice %arg7[%run_scoped3A_226, %run_scoped3A_227, %dma_wait3A_243] : memref<3x1x32xi32, #tpu.memory_space<vmem>> -> memref<1x1x32xi32, #tpu.memory_space<vmem>>
          %dma_wait3A_245 = tpu.memref_squeeze %dma_wait3A_244 : memref<1x1x32xi32, #tpu.memory_space<vmem>> -> memref<32xi32, #tpu.memory_space<vmem>>
          %dma_wait3A_246 = arith.constant 0 : i32
          %dma_wait3A_247 = arith.constant 0 : i32
          %dma_wait3A_248 = tpu.memref_slice %arg10[%dma_wait3A_246, %dma_wait3A_247] : memref<10112x128xf32, #tpu.memory_space<vmem_shared>> -> memref<10112x128xf32, #tpu.memory_space<vmem_shared>>
          tpu.wait_indirect_dma semaphore(%run_scoped3A_228 : memref<!tpu.dma_semaphore, #tpu.memory_space<semaphore_mem>>) src(%dma_wait3A_242 : memref<32x128xf32, #tpu.memory_space<vmem>>) dst(%dma_wait3A_248 : memref<10112x128xf32, #tpu.memory_space<vmem_shared>>)
          tpu.yield
        }) : () -> ()
      } else {
      }
      %jit3A_107 = arith.constant 6 : i32
      %eq3A_108 = arith.constant 0 : i32
      %eq3A_109 = arith.cmpi eq, %jit3A_107, %eq3A_108 : i32
      %jit3A_110 = arith.constant 1 : i32
      %select_n3A_111 = arith.select %eq3A_109, %jit3A_110, %jit3A_107 : i32
      %rem3A_112 = arith.remsi %add3A_69, %select_n3A_111 : i32
      %ne3A_113 = arith.constant 0 : i32
      %ne3A_114 = arith.cmpi ne, %rem3A_112, %ne3A_113 : i32
      %lt3A_115 = arith.constant 0 : i32
      %lt3A_116 = arith.cmpi slt, %rem3A_112, %lt3A_115 : i32
      %lt3A_117 = arith.constant 0 : i32
      %lt3A_118 = arith.cmpi slt, %select_n3A_111, %lt3A_117 : i32
      %ne3A_119 = arith.xori %lt3A_116, %lt3A_118 : i1
      %and3A_120 = arith.andi %ne3A_119, %ne3A_114 : i1
      %add3A_121 = arith.addi %rem3A_112, %select_n3A_111 : i32
      %select_n3A_122 = arith.select %and3A_120, %add3A_121, %rem3A_112 : i32
      %eq3A_123 = arith.constant 2 : i32
      %eq3A_124 = arith.cmpi eq, %select_n3A_122, %eq3A_123 : i32
      %convert_element_type3A_125 = arith.extui %eq3A_124 : i1 to i32
      %cond3A_126 = arith.constant 0 : i32
      %cond3A_127 = arith.cmpi ne, %convert_element_type3A_125, %cond3A_126 : i32
      scf.if %cond3A_127 {
        %ge3A = arith.constant 1 : i32
        %ge3A_191 = arith.cmpi sge, %add3A_69, %ge3A : i32
        %add3A_192 = arith.constant 1 : i32
        %add3A_193 = arith.addi %add3A_69, %add3A_192 : i32
        %le3A = arith.constant 639 : i32
        %le3A_194 = arith.cmpi sle, %add3A_193, %le3A : i32
        %and3A_195 = arith.andi %ge3A_191, %le3A_194 : i1
        %convert_element_type3A_196 = arith.extui %and3A_195 : i1 to i32
        %cond3A_197 = arith.constant 0 : i32
        %cond3A_198 = arith.cmpi ne, %convert_element_type3A_196, %cond3A_197 : i32
        scf.if %cond3A_198 {
          %dma_wait3A_228 = arith.constant 0 : i32
          %dma_wait3A_229 = arith.constant 0 : i32
          %dma_wait3A_230 = arith.constant 0 : i32
          %dma_wait3A_231 = tpu.memref_slice %arg6[%dma_wait3A_228, %dma_wait3A_229, %dma_wait3A_230] : memref<3x1x32xi32, #tpu.memory_space<vmem>> -> memref<1x1x32xi32, #tpu.memory_space<vmem>>
          %dma_wait3A_232 = arith.constant 0 : i32
          %dma_wait3A_233 = arith.constant 0 : i32
          %dma_wait3A_234 = tpu.memref_slice %arg3[%mul3A_21, %dma_wait3A_232, %dma_wait3A_233] : memref<10240x1x32xi32, #tpu.memory_space<hbm>> -> memref<1x1x32xi32, #tpu.memory_space<hbm>>
          %dma_wait3A_235 = arith.constant 0 : i32
          %dma_wait3A_236 = arith.constant 0 : i32
          %dma_wait3A_237 = arith.constant 0 : i32
          %dma_wait3A_238 = tpu.memref_slice %arg6[%dma_wait3A_235, %dma_wait3A_236, %dma_wait3A_237] : memref<3x1x32xi32, #tpu.memory_space<vmem>> -> memref<1x1x32xi32, #tpu.memory_space<vmem>>
          %dma_wait3A_239 = arith.constant 0 : i32
          %dma_wait3A_240 = arith.constant 0 : i32
          %dma_wait3A_241 = tpu.memref_slice %arg3[%mul3A_21, %dma_wait3A_239, %dma_wait3A_240] : memref<10240x1x32xi32, #tpu.memory_space<hbm>> -> memref<1x1x32xi32, #tpu.memory_space<hbm>>
          tpu.wait_dma2 semaphore(%arg11 : memref<!tpu.dma_semaphore, #tpu.memory_space<semaphore_mem>>) src(%dma_wait3A_241 : memref<1x1x32xi32, #tpu.memory_space<hbm>>) dst(%dma_wait3A_238 : memref<1x1x32xi32, #tpu.memory_space<vmem>>)
          %dma_wait3A_242 = arith.constant 0 : i32
          %dma_wait3A_243 = arith.constant 0 : i32
          %dma_wait3A_244 = arith.constant 0 : i32
          %dma_wait3A_245 = tpu.memref_slice %arg7[%dma_wait3A_242, %dma_wait3A_243, %dma_wait3A_244] : memref<3x1x32xi32, #tpu.memory_space<vmem>> -> memref<1x1x32xi32, #tpu.memory_space<vmem>>
          %dma_wait3A_246 = arith.constant 0 : i32
          %dma_wait3A_247 = arith.constant 0 : i32
          %dma_wait3A_248 = tpu.memref_slice %arg4[%mul3A_21, %dma_wait3A_246, %dma_wait3A_247] : memref<10240x1x32xi32, #tpu.memory_space<hbm>> -> memref<1x1x32xi32, #tpu.memory_space<hbm>>
          %dma_wait3A_249 = arith.constant 0 : i32
          %dma_wait3A_250 = arith.constant 0 : i32
          %dma_wait3A_251 = arith.constant 0 : i32
          %dma_wait3A_252 = tpu.memref_slice %arg7[%dma_wait3A_249, %dma_wait3A_250, %dma_wait3A_251] : memref<3x1x32xi32, #tpu.memory_space<vmem>> -> memref<1x1x32xi32, #tpu.memory_space<vmem>>
          %dma_wait3A_253 = arith.constant 0 : i32
          %dma_wait3A_254 = arith.constant 0 : i32
          %dma_wait3A_255 = tpu.memref_slice %arg4[%mul3A_21, %dma_wait3A_253, %dma_wait3A_254] : memref<10240x1x32xi32, #tpu.memory_space<hbm>> -> memref<1x1x32xi32, #tpu.memory_space<hbm>>
          tpu.wait_dma2 semaphore(%arg11 : memref<!tpu.dma_semaphore, #tpu.memory_space<semaphore_mem>>) src(%dma_wait3A_255 : memref<1x1x32xi32, #tpu.memory_space<hbm>>) dst(%dma_wait3A_252 : memref<1x1x32xi32, #tpu.memory_space<vmem>>)
        } else {
        }
        %add3A_199 = arith.constant 1 : i32
        %add3A_200 = arith.addi %add3A_69, %add3A_199 : i32
        %le3A_201 = arith.constant 639 : i32
        %le3A_202 = arith.cmpi sle, %add3A_200, %le3A_201 : i32
        %convert_element_type3A_203 = arith.extui %le3A_202 : i1 to i32
        %cond3A_204 = arith.constant 0 : i32
        %cond3A_205 = arith.cmpi ne, %convert_element_type3A_203, %cond3A_204 : i32
        scf.if %cond3A_205 {
          %scan3A_228 = arith.constant 0 : i32
          %scan3A_229 = arith.constant 2 : i32
          %scan3A_230 = arith.addi %scan3A_228, %scan3A_229 : i32
          %scan3A_231 = arith.constant 1 : i32
          scf.for %scan3A_246 = %scan3A_228 to %scan3A_230 step %scan3A_231  : i32 {
            %mul3A_247 = arith.constant 1 : i32
            %mul3A_248 = arith.muli %scan3A_246, %mul3A_247 : i32
            %add3A_249 = arith.constant 0 : i32
            %add3A_250 = arith.addi %add3A_249, %mul3A_248 : i32
            %mul3A_251 = arith.constant 16 : i32
            %mul3A_252 = arith.muli %add3A_250, %mul3A_251 : i32
            %get3A = arith.constant 0 : i32
            %get3A_253 = arith.constant 0 : i32
            %get3A_254 = arith.index_cast %get3A : i32 to index
            %get3A_255 = arith.index_cast %get3A_253 : i32 to index
            %get3A_256 = arith.index_cast %mul3A_252 : i32 to index
            %get3A_257 = tpu.vector_load %arg6[%get3A_254, %get3A_255, %get3A_256] {strides = array<i32>} : memref<3x1x32xi32, #tpu.memory_space<vmem>>, vector<1x1x16xi32>,
            %get3A_258 = vector.shape_cast %get3A_257 : vector<1x1x16xi32> to vector<16xi32>
            %sub3A = vector.broadcast %mul3A_0 : i32 to vector<16xi32>
            %sub3A_259 = arith.subi %get3A_258, %sub3A : vector<16xi32>
            %lt3A_260 = arith.constant 5120 : i32
            %lt3A_261 = vector.broadcast %lt3A_260 : i32 to vector<16xi32>
            %lt3A_262 = arith.cmpi ult, %sub3A_259, %lt3A_261 : vector<16xi32>
            %select_n3A_263 = arith.select %lt3A_262, %sub3A_259, %add3A_34 : vector<16xi1>, vector<16xi32>
            %mul3A_264 = arith.constant 16 : i32
            %mul3A_265 = arith.muli %add3A_250, %mul3A_264 : i32
            %swap3A = arith.constant 0 : i32
            %swap3A_266 = arith.constant 0 : i32
            %swap3A_267 = arith.index_cast %swap3A : i32 to index
            %swap3A_268 = arith.index_cast %swap3A_266 : i32 to index
            %swap3A_269 = arith.index_cast %mul3A_265 : i32 to index
            %swap3A_270 = tpu.vector_load %arg6[%swap3A_267, %swap3A_268, %swap3A_269] {strides = array<i32>} : memref<3x1x32xi32, #tpu.memory_space<vmem>>, vector<1x1x16xi32>,
            %swap3A_271 = vector.shape_cast %swap3A_270 : vector<1x1x16xi32> to vector<16xi32>
            %swap3A_272 = vector.shape_cast %select_n3A_263 : vector<16xi32> to vector<1x1x16xi32>
            tpu.vector_store %arg6[%swap3A_267, %swap3A_268, %swap3A_269], %swap3A_272 {strides = array<i32>} : memref<3x1x32xi32, #tpu.memory_space<vmem>>, vector<1x1x16xi32>,
          }
          %scan3A_232 = arith.constant 2 : i32
          %dma_start3A_233 = arith.constant 0 : i32
          %dma_start3A_234 = arith.constant 0 : i32
          %dma_start3A_235 = arith.constant 1 : i32
          %dma_start3A_236 = arith.constant 0 : i32
          %dma_start3A_237 = arith.constant 0 : i32
          %dma_start3A_238 = tpu.memref_slice %arg8[%dma_start3A_235, %dma_start3A_236, %dma_start3A_237] : memref<2x32x128xf32, #tpu.memory_space<vmem>> -> memref<1x32x128xf32, #tpu.memory_space<vmem>>
          %dma_start3A_239 = tpu.memref_squeeze %dma_start3A_238 : memref<1x32x128xf32, #tpu.memory_space<vmem>> -> memref<32x128xf32, #tpu.memory_space<vmem>>
          %dma_start3A_240 = arith.constant 0 : i32
          %dma_start3A_241 = tpu.memref_slice %arg6[%dma_start3A_233, %dma_start3A_234, %dma_start3A_240] : memref<3x1x32xi32, #tpu.memory_space<vmem>> -> memref<1x1x32xi32, #tpu.memory_space<vmem>>
          %dma_start3A_242 = tpu.memref_squeeze %dma_start3A_241 : memref<1x1x32xi32, #tpu.memory_space<vmem>> -> memref<32xi32, #tpu.memory_space<vmem>>
          %dma_start3A_243 = arith.constant 0 : i32
          %dma_start3A_244 = arith.constant 0 : i32
          %dma_start3A_245 = tpu.memref_slice %arg9[%dma_start3A_243, %dma_start3A_244] : memref<5128x128xf32, #tpu.memory_space<vmem_shared>> -> memref<5128x128xf32, #tpu.memory_space<vmem_shared>>
          tpu.enqueue_indirect_dma source(%dma_start3A_245 : memref<5128x128xf32, #tpu.memory_space<vmem_shared>>) target(%dma_start3A_239 : memref<32x128xf32, #tpu.memory_space<vmem>>) offsets(%dma_start3A_242 : memref<32xi32, #tpu.memory_space<vmem>>) semaphore(%arg15 : memref<!tpu.dma_semaphore, #tpu.memory_space<semaphore_mem>>)
        } else {
        }
        %add3A_206 = arith.constant 2 : i32
        %add3A_207 = arith.addi %add3A_69, %add3A_206 : i32
        %le3A_208 = arith.constant 639 : i32
        %le3A_209 = arith.cmpi sle, %add3A_207, %le3A_208 : i32
        %convert_element_type3A_210 = arith.extui %le3A_209 : i1 to i32
        %cond3A_211 = arith.constant 0 : i32
        %cond3A_212 = arith.cmpi ne, %convert_element_type3A_210, %cond3A_211 : i32
        scf.if %cond3A_212 {
          %add3A_228 = arith.addi %mul3A_21, %add3A_69 : i32
          %add3A_229 = arith.constant 2 : i32
          %add3A_230 = arith.addi %add3A_228, %add3A_229 : i32
          %dma_start3A_231 = arith.constant 1 : i32
          %dma_start3A_232 = arith.constant 0 : i32
          %dma_start3A_233 = arith.constant 0 : i32
          %dma_start3A_234 = tpu.memref_slice %arg6[%dma_start3A_231, %dma_start3A_232, %dma_start3A_233] : memref<3x1x32xi32, #tpu.memory_space<vmem>> -> memref<1x1x32xi32, #tpu.memory_space<vmem>>
          %dma_start3A_235 = arith.constant 0 : i32
          %dma_start3A_236 = arith.constant 0 : i32
          %dma_start3A_237 = tpu.memref_slice %arg3[%add3A_230, %dma_start3A_235, %dma_start3A_236] : memref<10240x1x32xi32, #tpu.memory_space<hbm>> -> memref<1x1x32xi32, #tpu.memory_space<hbm>>
          %dma_start3A_238 = arith.constant 1 : i32
          %dma_start3A_239 = arith.constant 0 : i32
          %dma_start3A_240 = arith.constant 0 : i32
          %dma_start3A_241 = tpu.memref_slice %arg6[%dma_start3A_238, %dma_start3A_239, %dma_start3A_240] : memref<3x1x32xi32, #tpu.memory_space<vmem>> -> memref<1x1x32xi32, #tpu.memory_space<vmem>>
          %dma_start3A_242 = arith.constant 0 : i32
          %dma_start3A_243 = arith.constant 0 : i32
          %dma_start3A_244 = tpu.memref_slice %arg3[%add3A_230, %dma_start3A_242, %dma_start3A_243] : memref<10240x1x32xi32, #tpu.memory_space<hbm>> -> memref<1x1x32xi32, #tpu.memory_space<hbm>>
          tpu.enqueue_dma source(%dma_start3A_244 : memref<1x1x32xi32, #tpu.memory_space<hbm>>) target(%dma_start3A_241 : memref<1x1x32xi32, #tpu.memory_space<vmem>>) target_semaphore(%arg12 : memref<!tpu.dma_semaphore, #tpu.memory_space<semaphore_mem>>)
          %add3A_245 = arith.addi %mul3A_21, %add3A_69 : i32
          %add3A_246 = arith.constant 2 : i32
          %add3A_247 = arith.addi %add3A_245, %add3A_246 : i32
          %dma_start3A_248 = arith.constant 1 : i32
          %dma_start3A_249 = arith.constant 0 : i32
          %dma_start3A_250 = arith.constant 0 : i32
          %dma_start3A_251 = tpu.memref_slice %arg7[%dma_start3A_248, %dma_start3A_249, %dma_start3A_250] : memref<3x1x32xi32, #tpu.memory_space<vmem>> -> memref<1x1x32xi32, #tpu.memory_space<vmem>>
          %dma_start3A_252 = arith.constant 0 : i32
          %dma_start3A_253 = arith.constant 0 : i32
          %dma_start3A_254 = tpu.memref_slice %arg4[%add3A_247, %dma_start3A_252, %dma_start3A_253] : memref<10240x1x32xi32, #tpu.memory_space<hbm>> -> memref<1x1x32xi32, #tpu.memory_space<hbm>>
          %dma_start3A_255 = arith.constant 1 : i32
          %dma_start3A_256 = arith.constant 0 : i32
          %dma_start3A_257 = arith.constant 0 : i32
          %dma_start3A_258 = tpu.memref_slice %arg7[%dma_start3A_255, %dma_start3A_256, %dma_start3A_257] : memref<3x1x32xi32, #tpu.memory_space<vmem>> -> memref<1x1x32xi32, #tpu.memory_space<vmem>>
          %dma_start3A_259 = arith.constant 0 : i32
          %dma_start3A_260 = arith.constant 0 : i32
          %dma_start3A_261 = tpu.memref_slice %arg4[%add3A_247, %dma_start3A_259, %dma_start3A_260] : memref<10240x1x32xi32, #tpu.memory_space<hbm>> -> memref<1x1x32xi32, #tpu.memory_space<hbm>>
          tpu.enqueue_dma source(%dma_start3A_261 : memref<1x1x32xi32, #tpu.memory_space<hbm>>) target(%dma_start3A_258 : memref<1x1x32xi32, #tpu.memory_space<vmem>>) target_semaphore(%arg12 : memref<!tpu.dma_semaphore, #tpu.memory_space<semaphore_mem>>)
        } else {
        }
        %dma_wait3A = arith.constant 2 : i32
        %dma_wait3A_213 = arith.constant 0 : i32
        %dma_wait3A_214 = arith.constant 0 : i32
        %dma_wait3A_215 = arith.constant 0 : i32
        %dma_wait3A_216 = arith.constant 0 : i32
        %dma_wait3A_217 = tpu.memref_slice %arg8[%dma_wait3A_214, %dma_wait3A_215, %dma_wait3A_216] : memref<2x32x128xf32, #tpu.memory_space<vmem>> -> memref<1x32x128xf32, #tpu.memory_space<vmem>>
        %dma_wait3A_218 = tpu.memref_squeeze %dma_wait3A_217 : memref<1x32x128xf32, #tpu.memory_space<vmem>> -> memref<32x128xf32, #tpu.memory_space<vmem>>
        %dma_wait3A_219 = arith.constant 0 : i32
        %dma_wait3A_220 = tpu.memref_slice %arg6[%dma_wait3A, %dma_wait3A_213, %dma_wait3A_219] : memref<3x1x32xi32, #tpu.memory_space<vmem>> -> memref<1x1x32xi32, #tpu.memory_space<vmem>>
        %dma_wait3A_221 = tpu.memref_squeeze %dma_wait3A_220 : memref<1x1x32xi32, #tpu.memory_space<vmem>> -> memref<32xi32, #tpu.memory_space<vmem>>
        %dma_wait3A_222 = arith.constant 0 : i32
        %dma_wait3A_223 = arith.constant 0 : i32
        %dma_wait3A_224 = tpu.memref_slice %arg9[%dma_wait3A_222, %dma_wait3A_223] : memref<5128x128xf32, #tpu.memory_space<vmem_shared>> -> memref<5128x128xf32, #tpu.memory_space<vmem_shared>>
        tpu.wait_indirect_dma semaphore(%arg14 : memref<!tpu.dma_semaphore, #tpu.memory_space<semaphore_mem>>) src(%dma_wait3A_224 : memref<5128x128xf32, #tpu.memory_space<vmem_shared>>) dst(%dma_wait3A_218 : memref<32x128xf32, #tpu.memory_space<vmem>>)
        %run_scoped3A_225 = arith.constant 0 : i32
        %run_scoped3A_226 = arith.constant 2 : i32
        %run_scoped3A_227 = arith.constant 0 : i32
        "tpu.region"() ({
          %run_scoped3A_228 = tpu.sem_alloc : memref<!tpu.dma_semaphore, #tpu.memory_space<semaphore_mem>>
          %dma_start3A_229 = arith.constant 0 : i32
          %dma_start3A_230 = arith.constant 0 : i32
          %dma_start3A_231 = tpu.memref_slice %arg8[%run_scoped3A_225, %dma_start3A_229, %dma_start3A_230] : memref<2x32x128xf32, #tpu.memory_space<vmem>> -> memref<1x32x128xf32, #tpu.memory_space<vmem>>
          %dma_start3A_232 = tpu.memref_squeeze %dma_start3A_231 : memref<1x32x128xf32, #tpu.memory_space<vmem>> -> memref<32x128xf32, #tpu.memory_space<vmem>>
          %dma_start3A_233 = arith.constant 0 : i32
          %dma_start3A_234 = tpu.memref_slice %arg7[%run_scoped3A_226, %run_scoped3A_227, %dma_start3A_233] : memref<3x1x32xi32, #tpu.memory_space<vmem>> -> memref<1x1x32xi32, #tpu.memory_space<vmem>>
          %dma_start3A_235 = tpu.memref_squeeze %dma_start3A_234 : memref<1x1x32xi32, #tpu.memory_space<vmem>> -> memref<32xi32, #tpu.memory_space<vmem>>
          %dma_start3A_236 = arith.constant 0 : i32
          %dma_start3A_237 = arith.constant 0 : i32
          %dma_start3A_238 = tpu.memref_slice %arg10[%dma_start3A_236, %dma_start3A_237] : memref<10112x128xf32, #tpu.memory_space<vmem_shared>> -> memref<10112x128xf32, #tpu.memory_space<vmem_shared>>
          tpu.enqueue_indirect_dma source(%dma_start3A_232 : memref<32x128xf32, #tpu.memory_space<vmem>>) target(%dma_start3A_238 : memref<10112x128xf32, #tpu.memory_space<vmem_shared>>) offsets(%dma_start3A_235 : memref<32xi32, #tpu.memory_space<vmem>>) semaphore(%run_scoped3A_228 : memref<!tpu.dma_semaphore, #tpu.memory_space<semaphore_mem>>) {add = true}
          %dma_wait3A_239 = arith.constant 0 : i32
          %dma_wait3A_240 = arith.constant 0 : i32
          %dma_wait3A_241 = tpu.memref_slice %arg8[%run_scoped3A_225, %dma_wait3A_239, %dma_wait3A_240] : memref<2x32x128xf32, #tpu.memory_space<vmem>> -> memref<1x32x128xf32, #tpu.memory_space<vmem>>
          %dma_wait3A_242 = tpu.memref_squeeze %dma_wait3A_241 : memref<1x32x128xf32, #tpu.memory_space<vmem>> -> memref<32x128xf32, #tpu.memory_space<vmem>>
          %dma_wait3A_243 = arith.constant 0 : i32
          %dma_wait3A_244 = tpu.memref_slice %arg7[%run_scoped3A_226, %run_scoped3A_227, %dma_wait3A_243] : memref<3x1x32xi32, #tpu.memory_space<vmem>> -> memref<1x1x32xi32, #tpu.memory_space<vmem>>
          %dma_wait3A_245 = tpu.memref_squeeze %dma_wait3A_244 : memref<1x1x32xi32, #tpu.memory_space<vmem>> -> memref<32xi32, #tpu.memory_space<vmem>>
          %dma_wait3A_246 = arith.constant 0 : i32
          %dma_wait3A_247 = arith.constant 0 : i32
          %dma_wait3A_248 = tpu.memref_slice %arg10[%dma_wait3A_246, %dma_wait3A_247] : memref<10112x128xf32, #tpu.memory_space<vmem_shared>> -> memref<10112x128xf32, #tpu.memory_space<vmem_shared>>
          tpu.wait_indirect_dma semaphore(%run_scoped3A_228 : memref<!tpu.dma_semaphore, #tpu.memory_space<semaphore_mem>>) src(%dma_wait3A_242 : memref<32x128xf32, #tpu.memory_space<vmem>>) dst(%dma_wait3A_248 : memref<10112x128xf32, #tpu.memory_space<vmem_shared>>)
          tpu.yield
        }) : () -> ()
      } else {
      }
      %jit3A_128 = arith.constant 6 : i32
      %eq3A_129 = arith.constant 0 : i32
      %eq3A_130 = arith.cmpi eq, %jit3A_128, %eq3A_129 : i32
      %jit3A_131 = arith.constant 1 : i32
      %select_n3A_132 = arith.select %eq3A_130, %jit3A_131, %jit3A_128 : i32
      %rem3A_133 = arith.remsi %add3A_69, %select_n3A_132 : i32
      %ne3A_134 = arith.constant 0 : i32
      %ne3A_135 = arith.cmpi ne, %rem3A_133, %ne3A_134 : i32
      %lt3A_136 = arith.constant 0 : i32
      %lt3A_137 = arith.cmpi slt, %rem3A_133, %lt3A_136 : i32
      %lt3A_138 = arith.constant 0 : i32
      %lt3A_139 = arith.cmpi slt, %select_n3A_132, %lt3A_138 : i32
      %ne3A_140 = arith.xori %lt3A_137, %lt3A_139 : i1
      %and3A_141 = arith.andi %ne3A_140, %ne3A_135 : i1
      %add3A_142 = arith.addi %rem3A_133, %select_n3A_132 : i32
      %select_n3A_143 = arith.select %and3A_141, %add3A_142, %rem3A_133 : i32
      %eq3A_144 = arith.constant 3 : i32
      %eq3A_145 = arith.cmpi eq, %select_n3A_143, %eq3A_144 : i32
      %convert_element_type3A_146 = arith.extui %eq3A_145 : i1 to i32
      %cond3A_147 = arith.constant 0 : i32
      %cond3A_148 = arith.cmpi ne, %convert_element_type3A_146, %cond3A_147 : i32
      scf.if %cond3A_148 {
        %ge3A = arith.constant 1 : i32
        %ge3A_191 = arith.cmpi sge, %add3A_69, %ge3A : i32
        %add3A_192 = arith.constant 1 : i32
        %add3A_193 = arith.addi %add3A_69, %add3A_192 : i32
        %le3A = arith.constant 639 : i32
        %le3A_194 = arith.cmpi sle, %add3A_193, %le3A : i32
        %and3A_195 = arith.andi %ge3A_191, %le3A_194 : i1
        %convert_element_type3A_196 = arith.extui %and3A_195 : i1 to i32
        %cond3A_197 = arith.constant 0 : i32
        %cond3A_198 = arith.cmpi ne, %convert_element_type3A_196, %cond3A_197 : i32
        scf.if %cond3A_198 {
          %dma_wait3A_228 = arith.constant 1 : i32
          %dma_wait3A_229 = arith.constant 0 : i32
          %dma_wait3A_230 = arith.constant 0 : i32
          %dma_wait3A_231 = tpu.memref_slice %arg6[%dma_wait3A_228, %dma_wait3A_229, %dma_wait3A_230] : memref<3x1x32xi32, #tpu.memory_space<vmem>> -> memref<1x1x32xi32, #tpu.memory_space<vmem>>
          %dma_wait3A_232 = arith.constant 0 : i32
          %dma_wait3A_233 = arith.constant 0 : i32
          %dma_wait3A_234 = tpu.memref_slice %arg3[%mul3A_21, %dma_wait3A_232, %dma_wait3A_233] : memref<10240x1x32xi32, #tpu.memory_space<hbm>> -> memref<1x1x32xi32, #tpu.memory_space<hbm>>
          %dma_wait3A_235 = arith.constant 1 : i32
          %dma_wait3A_236 = arith.constant 0 : i32
          %dma_wait3A_237 = arith.constant 0 : i32
          %dma_wait3A_238 = tpu.memref_slice %arg6[%dma_wait3A_235, %dma_wait3A_236, %dma_wait3A_237] : memref<3x1x32xi32, #tpu.memory_space<vmem>> -> memref<1x1x32xi32, #tpu.memory_space<vmem>>
          %dma_wait3A_239 = arith.constant 0 : i32
          %dma_wait3A_240 = arith.constant 0 : i32
          %dma_wait3A_241 = tpu.memref_slice %arg3[%mul3A_21, %dma_wait3A_239, %dma_wait3A_240] : memref<10240x1x32xi32, #tpu.memory_space<hbm>> -> memref<1x1x32xi32, #tpu.memory_space<hbm>>
          tpu.wait_dma2 semaphore(%arg12 : memref<!tpu.dma_semaphore, #tpu.memory_space<semaphore_mem>>) src(%dma_wait3A_241 : memref<1x1x32xi32, #tpu.memory_space<hbm>>) dst(%dma_wait3A_238 : memref<1x1x32xi32, #tpu.memory_space<vmem>>)
          %dma_wait3A_242 = arith.constant 1 : i32
          %dma_wait3A_243 = arith.constant 0 : i32
          %dma_wait3A_244 = arith.constant 0 : i32
          %dma_wait3A_245 = tpu.memref_slice %arg7[%dma_wait3A_242, %dma_wait3A_243, %dma_wait3A_244] : memref<3x1x32xi32, #tpu.memory_space<vmem>> -> memref<1x1x32xi32, #tpu.memory_space<vmem>>
          %dma_wait3A_246 = arith.constant 0 : i32
          %dma_wait3A_247 = arith.constant 0 : i32
          %dma_wait3A_248 = tpu.memref_slice %arg4[%mul3A_21, %dma_wait3A_246, %dma_wait3A_247] : memref<10240x1x32xi32, #tpu.memory_space<hbm>> -> memref<1x1x32xi32, #tpu.memory_space<hbm>>
          %dma_wait3A_249 = arith.constant 1 : i32
          %dma_wait3A_250 = arith.constant 0 : i32
          %dma_wait3A_251 = arith.constant 0 : i32
          %dma_wait3A_252 = tpu.memref_slice %arg7[%dma_wait3A_249, %dma_wait3A_250, %dma_wait3A_251] : memref<3x1x32xi32, #tpu.memory_space<vmem>> -> memref<1x1x32xi32, #tpu.memory_space<vmem>>
          %dma_wait3A_253 = arith.constant 0 : i32
          %dma_wait3A_254 = arith.constant 0 : i32
          %dma_wait3A_255 = tpu.memref_slice %arg4[%mul3A_21, %dma_wait3A_253, %dma_wait3A_254] : memref<10240x1x32xi32, #tpu.memory_space<hbm>> -> memref<1x1x32xi32, #tpu.memory_space<hbm>>
          tpu.wait_dma2 semaphore(%arg12 : memref<!tpu.dma_semaphore, #tpu.memory_space<semaphore_mem>>) src(%dma_wait3A_255 : memref<1x1x32xi32, #tpu.memory_space<hbm>>) dst(%dma_wait3A_252 : memref<1x1x32xi32, #tpu.memory_space<vmem>>)
        } else {
        }
        %add3A_199 = arith.constant 1 : i32
        %add3A_200 = arith.addi %add3A_69, %add3A_199 : i32
        %le3A_201 = arith.constant 639 : i32
        %le3A_202 = arith.cmpi sle, %add3A_200, %le3A_201 : i32
        %convert_element_type3A_203 = arith.extui %le3A_202 : i1 to i32
        %cond3A_204 = arith.constant 0 : i32
        %cond3A_205 = arith.cmpi ne, %convert_element_type3A_203, %cond3A_204 : i32
        scf.if %cond3A_205 {
          %scan3A_228 = arith.constant 0 : i32
          %scan3A_229 = arith.constant 2 : i32
          %scan3A_230 = arith.addi %scan3A_228, %scan3A_229 : i32
          %scan3A_231 = arith.constant 1 : i32
          scf.for %scan3A_246 = %scan3A_228 to %scan3A_230 step %scan3A_231  : i32 {
            %mul3A_247 = arith.constant 1 : i32
            %mul3A_248 = arith.muli %scan3A_246, %mul3A_247 : i32
            %add3A_249 = arith.constant 0 : i32
            %add3A_250 = arith.addi %add3A_249, %mul3A_248 : i32
            %mul3A_251 = arith.constant 16 : i32
            %mul3A_252 = arith.muli %add3A_250, %mul3A_251 : i32
            %get3A = arith.constant 1 : i32
            %get3A_253 = arith.constant 0 : i32
            %get3A_254 = arith.index_cast %get3A : i32 to index
            %get3A_255 = arith.index_cast %get3A_253 : i32 to index
            %get3A_256 = arith.index_cast %mul3A_252 : i32 to index
            %get3A_257 = tpu.vector_load %arg6[%get3A_254, %get3A_255, %get3A_256] {strides = array<i32>} : memref<3x1x32xi32, #tpu.memory_space<vmem>>, vector<1x1x16xi32>,
            %get3A_258 = vector.shape_cast %get3A_257 : vector<1x1x16xi32> to vector<16xi32>
            %sub3A = vector.broadcast %mul3A_0 : i32 to vector<16xi32>
            %sub3A_259 = arith.subi %get3A_258, %sub3A : vector<16xi32>
            %lt3A_260 = arith.constant 5120 : i32
            %lt3A_261 = vector.broadcast %lt3A_260 : i32 to vector<16xi32>
            %lt3A_262 = arith.cmpi ult, %sub3A_259, %lt3A_261 : vector<16xi32>
            %select_n3A_263 = arith.select %lt3A_262, %sub3A_259, %add3A_34 : vector<16xi1>, vector<16xi32>
            %mul3A_264 = arith.constant 16 : i32
            %mul3A_265 = arith.muli %add3A_250, %mul3A_264 : i32
            %swap3A = arith.constant 1 : i32
            %swap3A_266 = arith.constant 0 : i32
            %swap3A_267 = arith.index_cast %swap3A : i32 to index
            %swap3A_268 = arith.index_cast %swap3A_266 : i32 to index
            %swap3A_269 = arith.index_cast %mul3A_265 : i32 to index
            %swap3A_270 = tpu.vector_load %arg6[%swap3A_267, %swap3A_268, %swap3A_269] {strides = array<i32>} : memref<3x1x32xi32, #tpu.memory_space<vmem>>, vector<1x1x16xi32>,
            %swap3A_271 = vector.shape_cast %swap3A_270 : vector<1x1x16xi32> to vector<16xi32>
            %swap3A_272 = vector.shape_cast %select_n3A_263 : vector<16xi32> to vector<1x1x16xi32>
            tpu.vector_store %arg6[%swap3A_267, %swap3A_268, %swap3A_269], %swap3A_272 {strides = array<i32>} : memref<3x1x32xi32, #tpu.memory_space<vmem>>, vector<1x1x16xi32>,
          }
          %scan3A_232 = arith.constant 2 : i32
          %dma_start3A_233 = arith.constant 1 : i32
          %dma_start3A_234 = arith.constant 0 : i32
          %dma_start3A_235 = arith.constant 0 : i32
          %dma_start3A_236 = arith.constant 0 : i32
          %dma_start3A_237 = arith.constant 0 : i32
          %dma_start3A_238 = tpu.memref_slice %arg8[%dma_start3A_235, %dma_start3A_236, %dma_start3A_237] : memref<2x32x128xf32, #tpu.memory_space<vmem>> -> memref<1x32x128xf32, #tpu.memory_space<vmem>>
          %dma_start3A_239 = tpu.memref_squeeze %dma_start3A_238 : memref<1x32x128xf32, #tpu.memory_space<vmem>> -> memref<32x128xf32, #tpu.memory_space<vmem>>
          %dma_start3A_240 = arith.constant 0 : i32
          %dma_start3A_241 = tpu.memref_slice %arg6[%dma_start3A_233, %dma_start3A_234, %dma_start3A_240] : memref<3x1x32xi32, #tpu.memory_space<vmem>> -> memref<1x1x32xi32, #tpu.memory_space<vmem>>
          %dma_start3A_242 = tpu.memref_squeeze %dma_start3A_241 : memref<1x1x32xi32, #tpu.memory_space<vmem>> -> memref<32xi32, #tpu.memory_space<vmem>>
          %dma_start3A_243 = arith.constant 0 : i32
          %dma_start3A_244 = arith.constant 0 : i32
          %dma_start3A_245 = tpu.memref_slice %arg9[%dma_start3A_243, %dma_start3A_244] : memref<5128x128xf32, #tpu.memory_space<vmem_shared>> -> memref<5128x128xf32, #tpu.memory_space<vmem_shared>>
          tpu.enqueue_indirect_dma source(%dma_start3A_245 : memref<5128x128xf32, #tpu.memory_space<vmem_shared>>) target(%dma_start3A_239 : memref<32x128xf32, #tpu.memory_space<vmem>>) offsets(%dma_start3A_242 : memref<32xi32, #tpu.memory_space<vmem>>) semaphore(%arg14 : memref<!tpu.dma_semaphore, #tpu.memory_space<semaphore_mem>>)
        } else {
        }
        %add3A_206 = arith.constant 2 : i32
        %add3A_207 = arith.addi %add3A_69, %add3A_206 : i32
        %le3A_208 = arith.constant 639 : i32
        %le3A_209 = arith.cmpi sle, %add3A_207, %le3A_208 : i32
        %convert_element_type3A_210 = arith.extui %le3A_209 : i1 to i32
        %cond3A_211 = arith.constant 0 : i32
        %cond3A_212 = arith.cmpi ne, %convert_element_type3A_210, %cond3A_211 : i32
        scf.if %cond3A_212 {
          %add3A_228 = arith.addi %mul3A_21, %add3A_69 : i32
          %add3A_229 = arith.constant 2 : i32
          %add3A_230 = arith.addi %add3A_228, %add3A_229 : i32
          %dma_start3A_231 = arith.constant 2 : i32
          %dma_start3A_232 = arith.constant 0 : i32
          %dma_start3A_233 = arith.constant 0 : i32
          %dma_start3A_234 = tpu.memref_slice %arg6[%dma_start3A_231, %dma_start3A_232, %dma_start3A_233] : memref<3x1x32xi32, #tpu.memory_space<vmem>> -> memref<1x1x32xi32, #tpu.memory_space<vmem>>
          %dma_start3A_235 = arith.constant 0 : i32
          %dma_start3A_236 = arith.constant 0 : i32
          %dma_start3A_237 = tpu.memref_slice %arg3[%add3A_230, %dma_start3A_235, %dma_start3A_236] : memref<10240x1x32xi32, #tpu.memory_space<hbm>> -> memref<1x1x32xi32, #tpu.memory_space<hbm>>
          %dma_start3A_238 = arith.constant 2 : i32
          %dma_start3A_239 = arith.constant 0 : i32
          %dma_start3A_240 = arith.constant 0 : i32
          %dma_start3A_241 = tpu.memref_slice %arg6[%dma_start3A_238, %dma_start3A_239, %dma_start3A_240] : memref<3x1x32xi32, #tpu.memory_space<vmem>> -> memref<1x1x32xi32, #tpu.memory_space<vmem>>
          %dma_start3A_242 = arith.constant 0 : i32
          %dma_start3A_243 = arith.constant 0 : i32
          %dma_start3A_244 = tpu.memref_slice %arg3[%add3A_230, %dma_start3A_242, %dma_start3A_243] : memref<10240x1x32xi32, #tpu.memory_space<hbm>> -> memref<1x1x32xi32, #tpu.memory_space<hbm>>
          tpu.enqueue_dma source(%dma_start3A_244 : memref<1x1x32xi32, #tpu.memory_space<hbm>>) target(%dma_start3A_241 : memref<1x1x32xi32, #tpu.memory_space<vmem>>) target_semaphore(%arg13 : memref<!tpu.dma_semaphore, #tpu.memory_space<semaphore_mem>>)
          %add3A_245 = arith.addi %mul3A_21, %add3A_69 : i32
          %add3A_246 = arith.constant 2 : i32
          %add3A_247 = arith.addi %add3A_245, %add3A_246 : i32
          %dma_start3A_248 = arith.constant 2 : i32
          %dma_start3A_249 = arith.constant 0 : i32
          %dma_start3A_250 = arith.constant 0 : i32
          %dma_start3A_251 = tpu.memref_slice %arg7[%dma_start3A_248, %dma_start3A_249, %dma_start3A_250] : memref<3x1x32xi32, #tpu.memory_space<vmem>> -> memref<1x1x32xi32, #tpu.memory_space<vmem>>
          %dma_start3A_252 = arith.constant 0 : i32
          %dma_start3A_253 = arith.constant 0 : i32
          %dma_start3A_254 = tpu.memref_slice %arg4[%add3A_247, %dma_start3A_252, %dma_start3A_253] : memref<10240x1x32xi32, #tpu.memory_space<hbm>> -> memref<1x1x32xi32, #tpu.memory_space<hbm>>
          %dma_start3A_255 = arith.constant 2 : i32
          %dma_start3A_256 = arith.constant 0 : i32
          %dma_start3A_257 = arith.constant 0 : i32
          %dma_start3A_258 = tpu.memref_slice %arg7[%dma_start3A_255, %dma_start3A_256, %dma_start3A_257] : memref<3x1x32xi32, #tpu.memory_space<vmem>> -> memref<1x1x32xi32, #tpu.memory_space<vmem>>
          %dma_start3A_259 = arith.constant 0 : i32
          %dma_start3A_260 = arith.constant 0 : i32
          %dma_start3A_261 = tpu.memref_slice %arg4[%add3A_247, %dma_start3A_259, %dma_start3A_260] : memref<10240x1x32xi32, #tpu.memory_space<hbm>> -> memref<1x1x32xi32, #tpu.memory_space<hbm>>
          tpu.enqueue_dma source(%dma_start3A_261 : memref<1x1x32xi32, #tpu.memory_space<hbm>>) target(%dma_start3A_258 : memref<1x1x32xi32, #tpu.memory_space<vmem>>) target_semaphore(%arg13 : memref<!tpu.dma_semaphore, #tpu.memory_space<semaphore_mem>>)
        } else {
        }
        %dma_wait3A = arith.constant 0 : i32
        %dma_wait3A_213 = arith.constant 0 : i32
        %dma_wait3A_214 = arith.constant 1 : i32
        %dma_wait3A_215 = arith.constant 0 : i32
        %dma_wait3A_216 = arith.constant 0 : i32
        %dma_wait3A_217 = tpu.memref_slice %arg8[%dma_wait3A_214, %dma_wait3A_215, %dma_wait3A_216] : memref<2x32x128xf32, #tpu.memory_space<vmem>> -> memref<1x32x128xf32, #tpu.memory_space<vmem>>
        %dma_wait3A_218 = tpu.memref_squeeze %dma_wait3A_217 : memref<1x32x128xf32, #tpu.memory_space<vmem>> -> memref<32x128xf32, #tpu.memory_space<vmem>>
        %dma_wait3A_219 = arith.constant 0 : i32
        %dma_wait3A_220 = tpu.memref_slice %arg6[%dma_wait3A, %dma_wait3A_213, %dma_wait3A_219] : memref<3x1x32xi32, #tpu.memory_space<vmem>> -> memref<1x1x32xi32, #tpu.memory_space<vmem>>
        %dma_wait3A_221 = tpu.memref_squeeze %dma_wait3A_220 : memref<1x1x32xi32, #tpu.memory_space<vmem>> -> memref<32xi32, #tpu.memory_space<vmem>>
        %dma_wait3A_222 = arith.constant 0 : i32
        %dma_wait3A_223 = arith.constant 0 : i32
        %dma_wait3A_224 = tpu.memref_slice %arg9[%dma_wait3A_222, %dma_wait3A_223] : memref<5128x128xf32, #tpu.memory_space<vmem_shared>> -> memref<5128x128xf32, #tpu.memory_space<vmem_shared>>
        tpu.wait_indirect_dma semaphore(%arg15 : memref<!tpu.dma_semaphore, #tpu.memory_space<semaphore_mem>>) src(%dma_wait3A_224 : memref<5128x128xf32, #tpu.memory_space<vmem_shared>>) dst(%dma_wait3A_218 : memref<32x128xf32, #tpu.memory_space<vmem>>)
        %run_scoped3A_225 = arith.constant 1 : i32
        %run_scoped3A_226 = arith.constant 0 : i32
        %run_scoped3A_227 = arith.constant 0 : i32
        "tpu.region"() ({
          %run_scoped3A_228 = tpu.sem_alloc : memref<!tpu.dma_semaphore, #tpu.memory_space<semaphore_mem>>
          %dma_start3A_229 = arith.constant 0 : i32
          %dma_start3A_230 = arith.constant 0 : i32
          %dma_start3A_231 = tpu.memref_slice %arg8[%run_scoped3A_225, %dma_start3A_229, %dma_start3A_230] : memref<2x32x128xf32, #tpu.memory_space<vmem>> -> memref<1x32x128xf32, #tpu.memory_space<vmem>>
          %dma_start3A_232 = tpu.memref_squeeze %dma_start3A_231 : memref<1x32x128xf32, #tpu.memory_space<vmem>> -> memref<32x128xf32, #tpu.memory_space<vmem>>
          %dma_start3A_233 = arith.constant 0 : i32
          %dma_start3A_234 = tpu.memref_slice %arg7[%run_scoped3A_226, %run_scoped3A_227, %dma_start3A_233] : memref<3x1x32xi32, #tpu.memory_space<vmem>> -> memref<1x1x32xi32, #tpu.memory_space<vmem>>
          %dma_start3A_235 = tpu.memref_squeeze %dma_start3A_234 : memref<1x1x32xi32, #tpu.memory_space<vmem>> -> memref<32xi32, #tpu.memory_space<vmem>>
          %dma_start3A_236 = arith.constant 0 : i32
          %dma_start3A_237 = arith.constant 0 : i32
          %dma_start3A_238 = tpu.memref_slice %arg10[%dma_start3A_236, %dma_start3A_237] : memref<10112x128xf32, #tpu.memory_space<vmem_shared>> -> memref<10112x128xf32, #tpu.memory_space<vmem_shared>>
          tpu.enqueue_indirect_dma source(%dma_start3A_232 : memref<32x128xf32, #tpu.memory_space<vmem>>) target(%dma_start3A_238 : memref<10112x128xf32, #tpu.memory_space<vmem_shared>>) offsets(%dma_start3A_235 : memref<32xi32, #tpu.memory_space<vmem>>) semaphore(%run_scoped3A_228 : memref<!tpu.dma_semaphore, #tpu.memory_space<semaphore_mem>>) {add = true}
          %dma_wait3A_239 = arith.constant 0 : i32
          %dma_wait3A_240 = arith.constant 0 : i32
          %dma_wait3A_241 = tpu.memref_slice %arg8[%run_scoped3A_225, %dma_wait3A_239, %dma_wait3A_240] : memref<2x32x128xf32, #tpu.memory_space<vmem>> -> memref<1x32x128xf32, #tpu.memory_space<vmem>>
          %dma_wait3A_242 = tpu.memref_squeeze %dma_wait3A_241 : memref<1x32x128xf32, #tpu.memory_space<vmem>> -> memref<32x128xf32, #tpu.memory_space<vmem>>
          %dma_wait3A_243 = arith.constant 0 : i32
          %dma_wait3A_244 = tpu.memref_slice %arg7[%run_scoped3A_226, %run_scoped3A_227, %dma_wait3A_243] : memref<3x1x32xi32, #tpu.memory_space<vmem>> -> memref<1x1x32xi32, #tpu.memory_space<vmem>>
          %dma_wait3A_245 = tpu.memref_squeeze %dma_wait3A_244 : memref<1x1x32xi32, #tpu.memory_space<vmem>> -> memref<32xi32, #tpu.memory_space<vmem>>
          %dma_wait3A_246 = arith.constant 0 : i32
          %dma_wait3A_247 = arith.constant 0 : i32
          %dma_wait3A_248 = tpu.memref_slice %arg10[%dma_wait3A_246, %dma_wait3A_247] : memref<10112x128xf32, #tpu.memory_space<vmem_shared>> -> memref<10112x128xf32, #tpu.memory_space<vmem_shared>>
          tpu.wait_indirect_dma semaphore(%run_scoped3A_228 : memref<!tpu.dma_semaphore, #tpu.memory_space<semaphore_mem>>) src(%dma_wait3A_242 : memref<32x128xf32, #tpu.memory_space<vmem>>) dst(%dma_wait3A_248 : memref<10112x128xf32, #tpu.memory_space<vmem_shared>>)
          tpu.yield
        }) : () -> ()
      } else {
      }
      %jit3A_149 = arith.constant 6 : i32
      %eq3A_150 = arith.constant 0 : i32
      %eq3A_151 = arith.cmpi eq, %jit3A_149, %eq3A_150 : i32
      %jit3A_152 = arith.constant 1 : i32
      %select_n3A_153 = arith.select %eq3A_151, %jit3A_152, %jit3A_149 : i32
      %rem3A_154 = arith.remsi %add3A_69, %select_n3A_153 : i32
      %ne3A_155 = arith.constant 0 : i32
      %ne3A_156 = arith.cmpi ne, %rem3A_154, %ne3A_155 : i32
      %lt3A_157 = arith.constant 0 : i32
      %lt3A_158 = arith.cmpi slt, %rem3A_154, %lt3A_157 : i32
      %lt3A_159 = arith.constant 0 : i32
      %lt3A_160 = arith.cmpi slt, %select_n3A_153, %lt3A_159 : i32
      %ne3A_161 = arith.xori %lt3A_158, %lt3A_160 : i1
      %and3A_162 = arith.andi %ne3A_161, %ne3A_156 : i1
      %add3A_163 = arith.addi %rem3A_154, %select_n3A_153 : i32
      %select_n3A_164 = arith.select %and3A_162, %add3A_163, %rem3A_154 : i32
      %eq3A_165 = arith.constant 4 : i32
      %eq3A_166 = arith.cmpi eq, %select_n3A_164, %eq3A_165 : i32
      %convert_element_type3A_167 = arith.extui %eq3A_166 : i1 to i32
      %cond3A_168 = arith.constant 0 : i32
      %cond3A_169 = arith.cmpi ne, %convert_element_type3A_167, %cond3A_168 : i32
      scf.if %cond3A_169 {
        %ge3A = arith.constant 1 : i32
        %ge3A_191 = arith.cmpi sge, %add3A_69, %ge3A : i32
        %add3A_192 = arith.constant 1 : i32
        %add3A_193 = arith.addi %add3A_69, %add3A_192 : i32
        %le3A = arith.constant 639 : i32
        %le3A_194 = arith.cmpi sle, %add3A_193, %le3A : i32
        %and3A_195 = arith.andi %ge3A_191, %le3A_194 : i1
        %convert_element_type3A_196 = arith.extui %and3A_195 : i1 to i32
        %cond3A_197 = arith.constant 0 : i32
        %cond3A_198 = arith.cmpi ne, %convert_element_type3A_196, %cond3A_197 : i32
        scf.if %cond3A_198 {
          %dma_wait3A_228 = arith.constant 2 : i32
          %dma_wait3A_229 = arith.constant 0 : i32
          %dma_wait3A_230 = arith.constant 0 : i32
          %dma_wait3A_231 = tpu.memref_slice %arg6[%dma_wait3A_228, %dma_wait3A_229, %dma_wait3A_230] : memref<3x1x32xi32, #tpu.memory_space<vmem>> -> memref<1x1x32xi32, #tpu.memory_space<vmem>>
          %dma_wait3A_232 = arith.constant 0 : i32
          %dma_wait3A_233 = arith.constant 0 : i32
          %dma_wait3A_234 = tpu.memref_slice %arg3[%mul3A_21, %dma_wait3A_232, %dma_wait3A_233] : memref<10240x1x32xi32, #tpu.memory_space<hbm>> -> memref<1x1x32xi32, #tpu.memory_space<hbm>>
          %dma_wait3A_235 = arith.constant 2 : i32
          %dma_wait3A_236 = arith.constant 0 : i32
          %dma_wait3A_237 = arith.constant 0 : i32
          %dma_wait3A_238 = tpu.memref_slice %arg6[%dma_wait3A_235, %dma_wait3A_236, %dma_wait3A_237] : memref<3x1x32xi32, #tpu.memory_space<vmem>> -> memref<1x1x32xi32, #tpu.memory_space<vmem>>
          %dma_wait3A_239 = arith.constant 0 : i32
          %dma_wait3A_240 = arith.constant 0 : i32
          %dma_wait3A_241 = tpu.memref_slice %arg3[%mul3A_21, %dma_wait3A_239, %dma_wait3A_240] : memref<10240x1x32xi32, #tpu.memory_space<hbm>> -> memref<1x1x32xi32, #tpu.memory_space<hbm>>
          tpu.wait_dma2 semaphore(%arg13 : memref<!tpu.dma_semaphore, #tpu.memory_space<semaphore_mem>>) src(%dma_wait3A_241 : memref<1x1x32xi32, #tpu.memory_space<hbm>>) dst(%dma_wait3A_238 : memref<1x1x32xi32, #tpu.memory_space<vmem>>)
          %dma_wait3A_242 = arith.constant 2 : i32
          %dma_wait3A_243 = arith.constant 0 : i32
          %dma_wait3A_244 = arith.constant 0 : i32
          %dma_wait3A_245 = tpu.memref_slice %arg7[%dma_wait3A_242, %dma_wait3A_243, %dma_wait3A_244] : memref<3x1x32xi32, #tpu.memory_space<vmem>> -> memref<1x1x32xi32, #tpu.memory_space<vmem>>
          %dma_wait3A_246 = arith.constant 0 : i32
          %dma_wait3A_247 = arith.constant 0 : i32
          %dma_wait3A_248 = tpu.memref_slice %arg4[%mul3A_21, %dma_wait3A_246, %dma_wait3A_247] : memref<10240x1x32xi32, #tpu.memory_space<hbm>> -> memref<1x1x32xi32, #tpu.memory_space<hbm>>
          %dma_wait3A_249 = arith.constant 2 : i32
          %dma_wait3A_250 = arith.constant 0 : i32
          %dma_wait3A_251 = arith.constant 0 : i32
          %dma_wait3A_252 = tpu.memref_slice %arg7[%dma_wait3A_249, %dma_wait3A_250, %dma_wait3A_251] : memref<3x1x32xi32, #tpu.memory_space<vmem>> -> memref<1x1x32xi32, #tpu.memory_space<vmem>>
          %dma_wait3A_253 = arith.constant 0 : i32
          %dma_wait3A_254 = arith.constant 0 : i32
          %dma_wait3A_255 = tpu.memref_slice %arg4[%mul3A_21, %dma_wait3A_253, %dma_wait3A_254] : memref<10240x1x32xi32, #tpu.memory_space<hbm>> -> memref<1x1x32xi32, #tpu.memory_space<hbm>>
          tpu.wait_dma2 semaphore(%arg13 : memref<!tpu.dma_semaphore, #tpu.memory_space<semaphore_mem>>) src(%dma_wait3A_255 : memref<1x1x32xi32, #tpu.memory_space<hbm>>) dst(%dma_wait3A_252 : memref<1x1x32xi32, #tpu.memory_space<vmem>>)
        } else {
        }
        %add3A_199 = arith.constant 1 : i32
        %add3A_200 = arith.addi %add3A_69, %add3A_199 : i32
        %le3A_201 = arith.constant 639 : i32
        %le3A_202 = arith.cmpi sle, %add3A_200, %le3A_201 : i32
        %convert_element_type3A_203 = arith.extui %le3A_202 : i1 to i32
        %cond3A_204 = arith.constant 0 : i32
        %cond3A_205 = arith.cmpi ne, %convert_element_type3A_203, %cond3A_204 : i32
        scf.if %cond3A_205 {
          %scan3A_228 = arith.constant 0 : i32
          %scan3A_229 = arith.constant 2 : i32
          %scan3A_230 = arith.addi %scan3A_228, %scan3A_229 : i32
          %scan3A_231 = arith.constant 1 : i32
          scf.for %scan3A_246 = %scan3A_228 to %scan3A_230 step %scan3A_231  : i32 {
            %mul3A_247 = arith.constant 1 : i32
            %mul3A_248 = arith.muli %scan3A_246, %mul3A_247 : i32
            %add3A_249 = arith.constant 0 : i32
            %add3A_250 = arith.addi %add3A_249, %mul3A_248 : i32
            %mul3A_251 = arith.constant 16 : i32
            %mul3A_252 = arith.muli %add3A_250, %mul3A_251 : i32
            %get3A = arith.constant 2 : i32
            %get3A_253 = arith.constant 0 : i32
            %get3A_254 = arith.index_cast %get3A : i32 to index
            %get3A_255 = arith.index_cast %get3A_253 : i32 to index
            %get3A_256 = arith.index_cast %mul3A_252 : i32 to index
            %get3A_257 = tpu.vector_load %arg6[%get3A_254, %get3A_255, %get3A_256] {strides = array<i32>} : memref<3x1x32xi32, #tpu.memory_space<vmem>>, vector<1x1x16xi32>,
            %get3A_258 = vector.shape_cast %get3A_257 : vector<1x1x16xi32> to vector<16xi32>
            %sub3A = vector.broadcast %mul3A_0 : i32 to vector<16xi32>
            %sub3A_259 = arith.subi %get3A_258, %sub3A : vector<16xi32>
            %lt3A_260 = arith.constant 5120 : i32
            %lt3A_261 = vector.broadcast %lt3A_260 : i32 to vector<16xi32>
            %lt3A_262 = arith.cmpi ult, %sub3A_259, %lt3A_261 : vector<16xi32>
            %select_n3A_263 = arith.select %lt3A_262, %sub3A_259, %add3A_34 : vector<16xi1>, vector<16xi32>
            %mul3A_264 = arith.constant 16 : i32
            %mul3A_265 = arith.muli %add3A_250, %mul3A_264 : i32
            %swap3A = arith.constant 2 : i32
            %swap3A_266 = arith.constant 0 : i32
            %swap3A_267 = arith.index_cast %swap3A : i32 to index
            %swap3A_268 = arith.index_cast %swap3A_266 : i32 to index
            %swap3A_269 = arith.index_cast %mul3A_265 : i32 to index
            %swap3A_270 = tpu.vector_load %arg6[%swap3A_267, %swap3A_268, %swap3A_269] {strides = array<i32>} : memref<3x1x32xi32, #tpu.memory_space<vmem>>, vector<1x1x16xi32>,
            %swap3A_271 = vector.shape_cast %swap3A_270 : vector<1x1x16xi32> to vector<16xi32>
            %swap3A_272 = vector.shape_cast %select_n3A_263 : vector<16xi32> to vector<1x1x16xi32>
            tpu.vector_store %arg6[%swap3A_267, %swap3A_268, %swap3A_269], %swap3A_272 {strides = array<i32>} : memref<3x1x32xi32, #tpu.memory_space<vmem>>, vector<1x1x16xi32>,
          }
          %scan3A_232 = arith.constant 2 : i32
          %dma_start3A_233 = arith.constant 2 : i32
          %dma_start3A_234 = arith.constant 0 : i32
          %dma_start3A_235 = arith.constant 1 : i32
          %dma_start3A_236 = arith.constant 0 : i32
          %dma_start3A_237 = arith.constant 0 : i32
          %dma_start3A_238 = tpu.memref_slice %arg8[%dma_start3A_235, %dma_start3A_236, %dma_start3A_237] : memref<2x32x128xf32, #tpu.memory_space<vmem>> -> memref<1x32x128xf32, #tpu.memory_space<vmem>>
          %dma_start3A_239 = tpu.memref_squeeze %dma_start3A_238 : memref<1x32x128xf32, #tpu.memory_space<vmem>> -> memref<32x128xf32, #tpu.memory_space<vmem>>
          %dma_start3A_240 = arith.constant 0 : i32
          %dma_start3A_241 = tpu.memref_slice %arg6[%dma_start3A_233, %dma_start3A_234, %dma_start3A_240] : memref<3x1x32xi32, #tpu.memory_space<vmem>> -> memref<1x1x32xi32, #tpu.memory_space<vmem>>
          %dma_start3A_242 = tpu.memref_squeeze %dma_start3A_241 : memref<1x1x32xi32, #tpu.memory_space<vmem>> -> memref<32xi32, #tpu.memory_space<vmem>>
          %dma_start3A_243 = arith.constant 0 : i32
          %dma_start3A_244 = arith.constant 0 : i32
          %dma_start3A_245 = tpu.memref_slice %arg9[%dma_start3A_243, %dma_start3A_244] : memref<5128x128xf32, #tpu.memory_space<vmem_shared>> -> memref<5128x128xf32, #tpu.memory_space<vmem_shared>>
          tpu.enqueue_indirect_dma source(%dma_start3A_245 : memref<5128x128xf32, #tpu.memory_space<vmem_shared>>) target(%dma_start3A_239 : memref<32x128xf32, #tpu.memory_space<vmem>>) offsets(%dma_start3A_242 : memref<32xi32, #tpu.memory_space<vmem>>) semaphore(%arg15 : memref<!tpu.dma_semaphore, #tpu.memory_space<semaphore_mem>>)
        } else {
        }
        %add3A_206 = arith.constant 2 : i32
        %add3A_207 = arith.addi %add3A_69, %add3A_206 : i32
        %le3A_208 = arith.constant 639 : i32
        %le3A_209 = arith.cmpi sle, %add3A_207, %le3A_208 : i32
        %convert_element_type3A_210 = arith.extui %le3A_209 : i1 to i32
        %cond3A_211 = arith.constant 0 : i32
        %cond3A_212 = arith.cmpi ne, %convert_element_type3A_210, %cond3A_211 : i32
        scf.if %cond3A_212 {
          %add3A_228 = arith.addi %mul3A_21, %add3A_69 : i32
          %add3A_229 = arith.constant 2 : i32
          %add3A_230 = arith.addi %add3A_228, %add3A_229 : i32
          %dma_start3A_231 = arith.constant 0 : i32
          %dma_start3A_232 = arith.constant 0 : i32
          %dma_start3A_233 = arith.constant 0 : i32
          %dma_start3A_234 = tpu.memref_slice %arg6[%dma_start3A_231, %dma_start3A_232, %dma_start3A_233] : memref<3x1x32xi32, #tpu.memory_space<vmem>> -> memref<1x1x32xi32, #tpu.memory_space<vmem>>
          %dma_start3A_235 = arith.constant 0 : i32
          %dma_start3A_236 = arith.constant 0 : i32
          %dma_start3A_237 = tpu.memref_slice %arg3[%add3A_230, %dma_start3A_235, %dma_start3A_236] : memref<10240x1x32xi32, #tpu.memory_space<hbm>> -> memref<1x1x32xi32, #tpu.memory_space<hbm>>
          %dma_start3A_238 = arith.constant 0 : i32
          %dma_start3A_239 = arith.constant 0 : i32
          %dma_start3A_240 = arith.constant 0 : i32
          %dma_start3A_241 = tpu.memref_slice %arg6[%dma_start3A_238, %dma_start3A_239, %dma_start3A_240] : memref<3x1x32xi32, #tpu.memory_space<vmem>> -> memref<1x1x32xi32, #tpu.memory_space<vmem>>
          %dma_start3A_242 = arith.constant 0 : i32
          %dma_start3A_243 = arith.constant 0 : i32
          %dma_start3A_244 = tpu.memref_slice %arg3[%add3A_230, %dma_start3A_242, %dma_start3A_243] : memref<10240x1x32xi32, #tpu.memory_space<hbm>> -> memref<1x1x32xi32, #tpu.memory_space<hbm>>
          tpu.enqueue_dma source(%dma_start3A_244 : memref<1x1x32xi32, #tpu.memory_space<hbm>>) target(%dma_start3A_241 : memref<1x1x32xi32, #tpu.memory_space<vmem>>) target_semaphore(%arg11 : memref<!tpu.dma_semaphore, #tpu.memory_space<semaphore_mem>>)
          %add3A_245 = arith.addi %mul3A_21, %add3A_69 : i32
          %add3A_246 = arith.constant 2 : i32
          %add3A_247 = arith.addi %add3A_245, %add3A_246 : i32
          %dma_start3A_248 = arith.constant 0 : i32
          %dma_start3A_249 = arith.constant 0 : i32
          %dma_start3A_250 = arith.constant 0 : i32
          %dma_start3A_251 = tpu.memref_slice %arg7[%dma_start3A_248, %dma_start3A_249, %dma_start3A_250] : memref<3x1x32xi32, #tpu.memory_space<vmem>> -> memref<1x1x32xi32, #tpu.memory_space<vmem>>
          %dma_start3A_252 = arith.constant 0 : i32
          %dma_start3A_253 = arith.constant 0 : i32
          %dma_start3A_254 = tpu.memref_slice %arg4[%add3A_247, %dma_start3A_252, %dma_start3A_253] : memref<10240x1x32xi32, #tpu.memory_space<hbm>> -> memref<1x1x32xi32, #tpu.memory_space<hbm>>
          %dma_start3A_255 = arith.constant 0 : i32
          %dma_start3A_256 = arith.constant 0 : i32
          %dma_start3A_257 = arith.constant 0 : i32
          %dma_start3A_258 = tpu.memref_slice %arg7[%dma_start3A_255, %dma_start3A_256, %dma_start3A_257] : memref<3x1x32xi32, #tpu.memory_space<vmem>> -> memref<1x1x32xi32, #tpu.memory_space<vmem>>
          %dma_start3A_259 = arith.constant 0 : i32
          %dma_start3A_260 = arith.constant 0 : i32
          %dma_start3A_261 = tpu.memref_slice %arg4[%add3A_247, %dma_start3A_259, %dma_start3A_260] : memref<10240x1x32xi32, #tpu.memory_space<hbm>> -> memref<1x1x32xi32, #tpu.memory_space<hbm>>
          tpu.enqueue_dma source(%dma_start3A_261 : memref<1x1x32xi32, #tpu.memory_space<hbm>>) target(%dma_start3A_258 : memref<1x1x32xi32, #tpu.memory_space<vmem>>) target_semaphore(%arg11 : memref<!tpu.dma_semaphore, #tpu.memory_space<semaphore_mem>>)
        } else {
        }
        %dma_wait3A = arith.constant 1 : i32
        %dma_wait3A_213 = arith.constant 0 : i32
        %dma_wait3A_214 = arith.constant 0 : i32
        %dma_wait3A_215 = arith.constant 0 : i32
        %dma_wait3A_216 = arith.constant 0 : i32
        %dma_wait3A_217 = tpu.memref_slice %arg8[%dma_wait3A_214, %dma_wait3A_215, %dma_wait3A_216] : memref<2x32x128xf32, #tpu.memory_space<vmem>> -> memref<1x32x128xf32, #tpu.memory_space<vmem>>
        %dma_wait3A_218 = tpu.memref_squeeze %dma_wait3A_217 : memref<1x32x128xf32, #tpu.memory_space<vmem>> -> memref<32x128xf32, #tpu.memory_space<vmem>>
        %dma_wait3A_219 = arith.constant 0 : i32
        %dma_wait3A_220 = tpu.memref_slice %arg6[%dma_wait3A, %dma_wait3A_213, %dma_wait3A_219] : memref<3x1x32xi32, #tpu.memory_space<vmem>> -> memref<1x1x32xi32, #tpu.memory_space<vmem>>
        %dma_wait3A_221 = tpu.memref_squeeze %dma_wait3A_220 : memref<1x1x32xi32, #tpu.memory_space<vmem>> -> memref<32xi32, #tpu.memory_space<vmem>>
        %dma_wait3A_222 = arith.constant 0 : i32
        %dma_wait3A_223 = arith.constant 0 : i32
        %dma_wait3A_224 = tpu.memref_slice %arg9[%dma_wait3A_222, %dma_wait3A_223] : memref<5128x128xf32, #tpu.memory_space<vmem_shared>> -> memref<5128x128xf32, #tpu.memory_space<vmem_shared>>
        tpu.wait_indirect_dma semaphore(%arg14 : memref<!tpu.dma_semaphore, #tpu.memory_space<semaphore_mem>>) src(%dma_wait3A_224 : memref<5128x128xf32, #tpu.memory_space<vmem_shared>>) dst(%dma_wait3A_218 : memref<32x128xf32, #tpu.memory_space<vmem>>)
        %run_scoped3A_225 = arith.constant 0 : i32
        %run_scoped3A_226 = arith.constant 1 : i32
        %run_scoped3A_227 = arith.constant 0 : i32
        "tpu.region"() ({
          %run_scoped3A_228 = tpu.sem_alloc : memref<!tpu.dma_semaphore, #tpu.memory_space<semaphore_mem>>
          %dma_start3A_229 = arith.constant 0 : i32
          %dma_start3A_230 = arith.constant 0 : i32
          %dma_start3A_231 = tpu.memref_slice %arg8[%run_scoped3A_225, %dma_start3A_229, %dma_start3A_230] : memref<2x32x128xf32, #tpu.memory_space<vmem>> -> memref<1x32x128xf32, #tpu.memory_space<vmem>>
          %dma_start3A_232 = tpu.memref_squeeze %dma_start3A_231 : memref<1x32x128xf32, #tpu.memory_space<vmem>> -> memref<32x128xf32, #tpu.memory_space<vmem>>
          %dma_start3A_233 = arith.constant 0 : i32
          %dma_start3A_234 = tpu.memref_slice %arg7[%run_scoped3A_226, %run_scoped3A_227, %dma_start3A_233] : memref<3x1x32xi32, #tpu.memory_space<vmem>> -> memref<1x1x32xi32, #tpu.memory_space<vmem>>
          %dma_start3A_235 = tpu.memref_squeeze %dma_start3A_234 : memref<1x1x32xi32, #tpu.memory_space<vmem>> -> memref<32xi32, #tpu.memory_space<vmem>>
          %dma_start3A_236 = arith.constant 0 : i32
          %dma_start3A_237 = arith.constant 0 : i32
          %dma_start3A_238 = tpu.memref_slice %arg10[%dma_start3A_236, %dma_start3A_237] : memref<10112x128xf32, #tpu.memory_space<vmem_shared>> -> memref<10112x128xf32, #tpu.memory_space<vmem_shared>>
          tpu.enqueue_indirect_dma source(%dma_start3A_232 : memref<32x128xf32, #tpu.memory_space<vmem>>) target(%dma_start3A_238 : memref<10112x128xf32, #tpu.memory_space<vmem_shared>>) offsets(%dma_start3A_235 : memref<32xi32, #tpu.memory_space<vmem>>) semaphore(%run_scoped3A_228 : memref<!tpu.dma_semaphore, #tpu.memory_space<semaphore_mem>>) {add = true}
          %dma_wait3A_239 = arith.constant 0 : i32
          %dma_wait3A_240 = arith.constant 0 : i32
          %dma_wait3A_241 = tpu.memref_slice %arg8[%run_scoped3A_225, %dma_wait3A_239, %dma_wait3A_240] : memref<2x32x128xf32, #tpu.memory_space<vmem>> -> memref<1x32x128xf32, #tpu.memory_space<vmem>>
          %dma_wait3A_242 = tpu.memref_squeeze %dma_wait3A_241 : memref<1x32x128xf32, #tpu.memory_space<vmem>> -> memref<32x128xf32, #tpu.memory_space<vmem>>
          %dma_wait3A_243 = arith.constant 0 : i32
          %dma_wait3A_244 = tpu.memref_slice %arg7[%run_scoped3A_226, %run_scoped3A_227, %dma_wait3A_243] : memref<3x1x32xi32, #tpu.memory_space<vmem>> -> memref<1x1x32xi32, #tpu.memory_space<vmem>>
          %dma_wait3A_245 = tpu.memref_squeeze %dma_wait3A_244 : memref<1x1x32xi32, #tpu.memory_space<vmem>> -> memref<32xi32, #tpu.memory_space<vmem>>
          %dma_wait3A_246 = arith.constant 0 : i32
          %dma_wait3A_247 = arith.constant 0 : i32
          %dma_wait3A_248 = tpu.memref_slice %arg10[%dma_wait3A_246, %dma_wait3A_247] : memref<10112x128xf32, #tpu.memory_space<vmem_shared>> -> memref<10112x128xf32, #tpu.memory_space<vmem_shared>>
          tpu.wait_indirect_dma semaphore(%run_scoped3A_228 : memref<!tpu.dma_semaphore, #tpu.memory_space<semaphore_mem>>) src(%dma_wait3A_242 : memref<32x128xf32, #tpu.memory_space<vmem>>) dst(%dma_wait3A_248 : memref<10112x128xf32, #tpu.memory_space<vmem_shared>>)
          tpu.yield
        }) : () -> ()
      } else {
      }
      %jit3A_170 = arith.constant 6 : i32
      %eq3A_171 = arith.constant 0 : i32
      %eq3A_172 = arith.cmpi eq, %jit3A_170, %eq3A_171 : i32
      %jit3A_173 = arith.constant 1 : i32
      %select_n3A_174 = arith.select %eq3A_172, %jit3A_173, %jit3A_170 : i32
      %rem3A_175 = arith.remsi %add3A_69, %select_n3A_174 : i32
      %ne3A_176 = arith.constant 0 : i32
      %ne3A_177 = arith.cmpi ne, %rem3A_175, %ne3A_176 : i32
      %lt3A_178 = arith.constant 0 : i32
      %lt3A_179 = arith.cmpi slt, %rem3A_175, %lt3A_178 : i32
      %lt3A_180 = arith.constant 0 : i32
      %lt3A_181 = arith.cmpi slt, %select_n3A_174, %lt3A_180 : i32
      %ne3A_182 = arith.xori %lt3A_179, %lt3A_181 : i1
      %and3A_183 = arith.andi %ne3A_182, %ne3A_177 : i1
      %add3A_184 = arith.addi %rem3A_175, %select_n3A_174 : i32
      %select_n3A_185 = arith.select %and3A_183, %add3A_184, %rem3A_175 : i32
      %eq3A_186 = arith.constant 5 : i32
      %eq3A_187 = arith.cmpi eq, %select_n3A_185, %eq3A_186 : i32
      %convert_element_type3A_188 = arith.extui %eq3A_187 : i1 to i32
      %cond3A_189 = arith.constant 0 : i32
      %cond3A_190 = arith.cmpi ne, %convert_element_type3A_188, %cond3A_189 : i32
      scf.if %cond3A_190 {
        %ge3A = arith.constant 1 : i32
        %ge3A_191 = arith.cmpi sge, %add3A_69, %ge3A : i32
        %add3A_192 = arith.constant 1 : i32
        %add3A_193 = arith.addi %add3A_69, %add3A_192 : i32
        %le3A = arith.constant 639 : i32
        %le3A_194 = arith.cmpi sle, %add3A_193, %le3A : i32
        %and3A_195 = arith.andi %ge3A_191, %le3A_194 : i1
        %convert_element_type3A_196 = arith.extui %and3A_195 : i1 to i32
        %cond3A_197 = arith.constant 0 : i32
        %cond3A_198 = arith.cmpi ne, %convert_element_type3A_196, %cond3A_197 : i32
        scf.if %cond3A_198 {
          %dma_wait3A_228 = arith.constant 0 : i32
          %dma_wait3A_229 = arith.constant 0 : i32
          %dma_wait3A_230 = arith.constant 0 : i32
          %dma_wait3A_231 = tpu.memref_slice %arg6[%dma_wait3A_228, %dma_wait3A_229, %dma_wait3A_230] : memref<3x1x32xi32, #tpu.memory_space<vmem>> -> memref<1x1x32xi32, #tpu.memory_space<vmem>>
          %dma_wait3A_232 = arith.constant 0 : i32
          %dma_wait3A_233 = arith.constant 0 : i32
          %dma_wait3A_234 = tpu.memref_slice %arg3[%mul3A_21, %dma_wait3A_232, %dma_wait3A_233] : memref<10240x1x32xi32, #tpu.memory_space<hbm>> -> memref<1x1x32xi32, #tpu.memory_space<hbm>>
          %dma_wait3A_235 = arith.constant 0 : i32
          %dma_wait3A_236 = arith.constant 0 : i32
          %dma_wait3A_237 = arith.constant 0 : i32
          %dma_wait3A_238 = tpu.memref_slice %arg6[%dma_wait3A_235, %dma_wait3A_236, %dma_wait3A_237] : memref<3x1x32xi32, #tpu.memory_space<vmem>> -> memref<1x1x32xi32, #tpu.memory_space<vmem>>
          %dma_wait3A_239 = arith.constant 0 : i32
          %dma_wait3A_240 = arith.constant 0 : i32
          %dma_wait3A_241 = tpu.memref_slice %arg3[%mul3A_21, %dma_wait3A_239, %dma_wait3A_240] : memref<10240x1x32xi32, #tpu.memory_space<hbm>> -> memref<1x1x32xi32, #tpu.memory_space<hbm>>
          tpu.wait_dma2 semaphore(%arg11 : memref<!tpu.dma_semaphore, #tpu.memory_space<semaphore_mem>>) src(%dma_wait3A_241 : memref<1x1x32xi32, #tpu.memory_space<hbm>>) dst(%dma_wait3A_238 : memref<1x1x32xi32, #tpu.memory_space<vmem>>)
          %dma_wait3A_242 = arith.constant 0 : i32
          %dma_wait3A_243 = arith.constant 0 : i32
          %dma_wait3A_244 = arith.constant 0 : i32
          %dma_wait3A_245 = tpu.memref_slice %arg7[%dma_wait3A_242, %dma_wait3A_243, %dma_wait3A_244] : memref<3x1x32xi32, #tpu.memory_space<vmem>> -> memref<1x1x32xi32, #tpu.memory_space<vmem>>
          %dma_wait3A_246 = arith.constant 0 : i32
          %dma_wait3A_247 = arith.constant 0 : i32
          %dma_wait3A_248 = tpu.memref_slice %arg4[%mul3A_21, %dma_wait3A_246, %dma_wait3A_247] : memref<10240x1x32xi32, #tpu.memory_space<hbm>> -> memref<1x1x32xi32, #tpu.memory_space<hbm>>
          %dma_wait3A_249 = arith.constant 0 : i32
          %dma_wait3A_250 = arith.constant 0 : i32
          %dma_wait3A_251 = arith.constant 0 : i32
          %dma_wait3A_252 = tpu.memref_slice %arg7[%dma_wait3A_249, %dma_wait3A_250, %dma_wait3A_251] : memref<3x1x32xi32, #tpu.memory_space<vmem>> -> memref<1x1x32xi32, #tpu.memory_space<vmem>>
          %dma_wait3A_253 = arith.constant 0 : i32
          %dma_wait3A_254 = arith.constant 0 : i32
          %dma_wait3A_255 = tpu.memref_slice %arg4[%mul3A_21, %dma_wait3A_253, %dma_wait3A_254] : memref<10240x1x32xi32, #tpu.memory_space<hbm>> -> memref<1x1x32xi32, #tpu.memory_space<hbm>>
          tpu.wait_dma2 semaphore(%arg11 : memref<!tpu.dma_semaphore, #tpu.memory_space<semaphore_mem>>) src(%dma_wait3A_255 : memref<1x1x32xi32, #tpu.memory_space<hbm>>) dst(%dma_wait3A_252 : memref<1x1x32xi32, #tpu.memory_space<vmem>>)
        } else {
        }
        %add3A_199 = arith.constant 1 : i32
        %add3A_200 = arith.addi %add3A_69, %add3A_199 : i32
        %le3A_201 = arith.constant 639 : i32
        %le3A_202 = arith.cmpi sle, %add3A_200, %le3A_201 : i32
        %convert_element_type3A_203 = arith.extui %le3A_202 : i1 to i32
        %cond3A_204 = arith.constant 0 : i32
        %cond3A_205 = arith.cmpi ne, %convert_element_type3A_203, %cond3A_204 : i32
        scf.if %cond3A_205 {
          %scan3A_228 = arith.constant 0 : i32
          %scan3A_229 = arith.constant 2 : i32
          %scan3A_230 = arith.addi %scan3A_228, %scan3A_229 : i32
          %scan3A_231 = arith.constant 1 : i32
          scf.for %scan3A_246 = %scan3A_228 to %scan3A_230 step %scan3A_231  : i32 {
            %mul3A_247 = arith.constant 1 : i32
            %mul3A_248 = arith.muli %scan3A_246, %mul3A_247 : i32
            %add3A_249 = arith.constant 0 : i32
            %add3A_250 = arith.addi %add3A_249, %mul3A_248 : i32
            %mul3A_251 = arith.constant 16 : i32
            %mul3A_252 = arith.muli %add3A_250, %mul3A_251 : i32
            %get3A = arith.constant 0 : i32
            %get3A_253 = arith.constant 0 : i32
            %get3A_254 = arith.index_cast %get3A : i32 to index
            %get3A_255 = arith.index_cast %get3A_253 : i32 to index
            %get3A_256 = arith.index_cast %mul3A_252 : i32 to index
            %get3A_257 = tpu.vector_load %arg6[%get3A_254, %get3A_255, %get3A_256] {strides = array<i32>} : memref<3x1x32xi32, #tpu.memory_space<vmem>>, vector<1x1x16xi32>,
            %get3A_258 = vector.shape_cast %get3A_257 : vector<1x1x16xi32> to vector<16xi32>
            %sub3A = vector.broadcast %mul3A_0 : i32 to vector<16xi32>
            %sub3A_259 = arith.subi %get3A_258, %sub3A : vector<16xi32>
            %lt3A_260 = arith.constant 5120 : i32
            %lt3A_261 = vector.broadcast %lt3A_260 : i32 to vector<16xi32>
            %lt3A_262 = arith.cmpi ult, %sub3A_259, %lt3A_261 : vector<16xi32>
            %select_n3A_263 = arith.select %lt3A_262, %sub3A_259, %add3A_34 : vector<16xi1>, vector<16xi32>
            %mul3A_264 = arith.constant 16 : i32
            %mul3A_265 = arith.muli %add3A_250, %mul3A_264 : i32
            %swap3A = arith.constant 0 : i32
            %swap3A_266 = arith.constant 0 : i32
            %swap3A_267 = arith.index_cast %swap3A : i32 to index
            %swap3A_268 = arith.index_cast %swap3A_266 : i32 to index
            %swap3A_269 = arith.index_cast %mul3A_265 : i32 to index
            %swap3A_270 = tpu.vector_load %arg6[%swap3A_267, %swap3A_268, %swap3A_269] {strides = array<i32>} : memref<3x1x32xi32, #tpu.memory_space<vmem>>, vector<1x1x16xi32>,
            %swap3A_271 = vector.shape_cast %swap3A_270 : vector<1x1x16xi32> to vector<16xi32>
            %swap3A_272 = vector.shape_cast %select_n3A_263 : vector<16xi32> to vector<1x1x16xi32>
            tpu.vector_store %arg6[%swap3A_267, %swap3A_268, %swap3A_269], %swap3A_272 {strides = array<i32>} : memref<3x1x32xi32, #tpu.memory_space<vmem>>, vector<1x1x16xi32>,
          }
          %scan3A_232 = arith.constant 2 : i32
          %dma_start3A_233 = arith.constant 0 : i32
          %dma_start3A_234 = arith.constant 0 : i32
          %dma_start3A_235 = arith.constant 0 : i32
          %dma_start3A_236 = arith.constant 0 : i32
          %dma_start3A_237 = arith.constant 0 : i32
          %dma_start3A_238 = tpu.memref_slice %arg8[%dma_start3A_235, %dma_start3A_236, %dma_start3A_237] : memref<2x32x128xf32, #tpu.memory_space<vmem>> -> memref<1x32x128xf32, #tpu.memory_space<vmem>>
          %dma_start3A_239 = tpu.memref_squeeze %dma_start3A_238 : memref<1x32x128xf32, #tpu.memory_space<vmem>> -> memref<32x128xf32, #tpu.memory_space<vmem>>
          %dma_start3A_240 = arith.constant 0 : i32
          %dma_start3A_241 = tpu.memref_slice %arg6[%dma_start3A_233, %dma_start3A_234, %dma_start3A_240] : memref<3x1x32xi32, #tpu.memory_space<vmem>> -> memref<1x1x32xi32, #tpu.memory_space<vmem>>
          %dma_start3A_242 = tpu.memref_squeeze %dma_start3A_241 : memref<1x1x32xi32, #tpu.memory_space<vmem>> -> memref<32xi32, #tpu.memory_space<vmem>>
          %dma_start3A_243 = arith.constant 0 : i32
          %dma_start3A_244 = arith.constant 0 : i32
          %dma_start3A_245 = tpu.memref_slice %arg9[%dma_start3A_243, %dma_start3A_244] : memref<5128x128xf32, #tpu.memory_space<vmem_shared>> -> memref<5128x128xf32, #tpu.memory_space<vmem_shared>>
          tpu.enqueue_indirect_dma source(%dma_start3A_245 : memref<5128x128xf32, #tpu.memory_space<vmem_shared>>) target(%dma_start3A_239 : memref<32x128xf32, #tpu.memory_space<vmem>>) offsets(%dma_start3A_242 : memref<32xi32, #tpu.memory_space<vmem>>) semaphore(%arg14 : memref<!tpu.dma_semaphore, #tpu.memory_space<semaphore_mem>>)
        } else {
        }
        %add3A_206 = arith.constant 2 : i32
        %add3A_207 = arith.addi %add3A_69, %add3A_206 : i32
        %le3A_208 = arith.constant 639 : i32
        %le3A_209 = arith.cmpi sle, %add3A_207, %le3A_208 : i32
        %convert_element_type3A_210 = arith.extui %le3A_209 : i1 to i32
        %cond3A_211 = arith.constant 0 : i32
        %cond3A_212 = arith.cmpi ne, %convert_element_type3A_210, %cond3A_211 : i32
        scf.if %cond3A_212 {
          %add3A_228 = arith.addi %mul3A_21, %add3A_69 : i32
          %add3A_229 = arith.constant 2 : i32
          %add3A_230 = arith.addi %add3A_228, %add3A_229 : i32
          %dma_start3A_231 = arith.constant 1 : i32
          %dma_start3A_232 = arith.constant 0 : i32
          %dma_start3A_233 = arith.constant 0 : i32
          %dma_start3A_234 = tpu.memref_slice %arg6[%dma_start3A_231, %dma_start3A_232, %dma_start3A_233] : memref<3x1x32xi32, #tpu.memory_space<vmem>> -> memref<1x1x32xi32, #tpu.memory_space<vmem>>
          %dma_start3A_235 = arith.constant 0 : i32
          %dma_start3A_236 = arith.constant 0 : i32
          %dma_start3A_237 = tpu.memref_slice %arg3[%add3A_230, %dma_start3A_235, %dma_start3A_236] : memref<10240x1x32xi32, #tpu.memory_space<hbm>> -> memref<1x1x32xi32, #tpu.memory_space<hbm>>
          %dma_start3A_238 = arith.constant 1 : i32
          %dma_start3A_239 = arith.constant 0 : i32
          %dma_start3A_240 = arith.constant 0 : i32
          %dma_start3A_241 = tpu.memref_slice %arg6[%dma_start3A_238, %dma_start3A_239, %dma_start3A_240] : memref<3x1x32xi32, #tpu.memory_space<vmem>> -> memref<1x1x32xi32, #tpu.memory_space<vmem>>
          %dma_start3A_242 = arith.constant 0 : i32
          %dma_start3A_243 = arith.constant 0 : i32
          %dma_start3A_244 = tpu.memref_slice %arg3[%add3A_230, %dma_start3A_242, %dma_start3A_243] : memref<10240x1x32xi32, #tpu.memory_space<hbm>> -> memref<1x1x32xi32, #tpu.memory_space<hbm>>
          tpu.enqueue_dma source(%dma_start3A_244 : memref<1x1x32xi32, #tpu.memory_space<hbm>>) target(%dma_start3A_241 : memref<1x1x32xi32, #tpu.memory_space<vmem>>) target_semaphore(%arg12 : memref<!tpu.dma_semaphore, #tpu.memory_space<semaphore_mem>>)
          %add3A_245 = arith.addi %mul3A_21, %add3A_69 : i32
          %add3A_246 = arith.constant 2 : i32
          %add3A_247 = arith.addi %add3A_245, %add3A_246 : i32
          %dma_start3A_248 = arith.constant 1 : i32
          %dma_start3A_249 = arith.constant 0 : i32
          %dma_start3A_250 = arith.constant 0 : i32
          %dma_start3A_251 = tpu.memref_slice %arg7[%dma_start3A_248, %dma_start3A_249, %dma_start3A_250] : memref<3x1x32xi32, #tpu.memory_space<vmem>> -> memref<1x1x32xi32, #tpu.memory_space<vmem>>
          %dma_start3A_252 = arith.constant 0 : i32
          %dma_start3A_253 = arith.constant 0 : i32
          %dma_start3A_254 = tpu.memref_slice %arg4[%add3A_247, %dma_start3A_252, %dma_start3A_253] : memref<10240x1x32xi32, #tpu.memory_space<hbm>> -> memref<1x1x32xi32, #tpu.memory_space<hbm>>
          %dma_start3A_255 = arith.constant 1 : i32
          %dma_start3A_256 = arith.constant 0 : i32
          %dma_start3A_257 = arith.constant 0 : i32
          %dma_start3A_258 = tpu.memref_slice %arg7[%dma_start3A_255, %dma_start3A_256, %dma_start3A_257] : memref<3x1x32xi32, #tpu.memory_space<vmem>> -> memref<1x1x32xi32, #tpu.memory_space<vmem>>
          %dma_start3A_259 = arith.constant 0 : i32
          %dma_start3A_260 = arith.constant 0 : i32
          %dma_start3A_261 = tpu.memref_slice %arg4[%add3A_247, %dma_start3A_259, %dma_start3A_260] : memref<10240x1x32xi32, #tpu.memory_space<hbm>> -> memref<1x1x32xi32, #tpu.memory_space<hbm>>
          tpu.enqueue_dma source(%dma_start3A_261 : memref<1x1x32xi32, #tpu.memory_space<hbm>>) target(%dma_start3A_258 : memref<1x1x32xi32, #tpu.memory_space<vmem>>) target_semaphore(%arg12 : memref<!tpu.dma_semaphore, #tpu.memory_space<semaphore_mem>>)
        } else {
        }
        %dma_wait3A = arith.constant 2 : i32
        %dma_wait3A_213 = arith.constant 0 : i32
        %dma_wait3A_214 = arith.constant 1 : i32
        %dma_wait3A_215 = arith.constant 0 : i32
        %dma_wait3A_216 = arith.constant 0 : i32
        %dma_wait3A_217 = tpu.memref_slice %arg8[%dma_wait3A_214, %dma_wait3A_215, %dma_wait3A_216] : memref<2x32x128xf32, #tpu.memory_space<vmem>> -> memref<1x32x128xf32, #tpu.memory_space<vmem>>
        %dma_wait3A_218 = tpu.memref_squeeze %dma_wait3A_217 : memref<1x32x128xf32, #tpu.memory_space<vmem>> -> memref<32x128xf32, #tpu.memory_space<vmem>>
        %dma_wait3A_219 = arith.constant 0 : i32
        %dma_wait3A_220 = tpu.memref_slice %arg6[%dma_wait3A, %dma_wait3A_213, %dma_wait3A_219] : memref<3x1x32xi32, #tpu.memory_space<vmem>> -> memref<1x1x32xi32, #tpu.memory_space<vmem>>
        %dma_wait3A_221 = tpu.memref_squeeze %dma_wait3A_220 : memref<1x1x32xi32, #tpu.memory_space<vmem>> -> memref<32xi32, #tpu.memory_space<vmem>>
        %dma_wait3A_222 = arith.constant 0 : i32
        %dma_wait3A_223 = arith.constant 0 : i32
        %dma_wait3A_224 = tpu.memref_slice %arg9[%dma_wait3A_222, %dma_wait3A_223] : memref<5128x128xf32, #tpu.memory_space<vmem_shared>> -> memref<5128x128xf32, #tpu.memory_space<vmem_shared>>
        tpu.wait_indirect_dma semaphore(%arg15 : memref<!tpu.dma_semaphore, #tpu.memory_space<semaphore_mem>>) src(%dma_wait3A_224 : memref<5128x128xf32, #tpu.memory_space<vmem_shared>>) dst(%dma_wait3A_218 : memref<32x128xf32, #tpu.memory_space<vmem>>)
        %run_scoped3A_225 = arith.constant 1 : i32
        %run_scoped3A_226 = arith.constant 2 : i32
        %run_scoped3A_227 = arith.constant 0 : i32
        "tpu.region"() ({
          %run_scoped3A_228 = tpu.sem_alloc : memref<!tpu.dma_semaphore, #tpu.memory_space<semaphore_mem>>
          %dma_start3A_229 = arith.constant 0 : i32
          %dma_start3A_230 = arith.constant 0 : i32
          %dma_start3A_231 = tpu.memref_slice %arg8[%run_scoped3A_225, %dma_start3A_229, %dma_start3A_230] : memref<2x32x128xf32, #tpu.memory_space<vmem>> -> memref<1x32x128xf32, #tpu.memory_space<vmem>>
          %dma_start3A_232 = tpu.memref_squeeze %dma_start3A_231 : memref<1x32x128xf32, #tpu.memory_space<vmem>> -> memref<32x128xf32, #tpu.memory_space<vmem>>
          %dma_start3A_233 = arith.constant 0 : i32
          %dma_start3A_234 = tpu.memref_slice %arg7[%run_scoped3A_226, %run_scoped3A_227, %dma_start3A_233] : memref<3x1x32xi32, #tpu.memory_space<vmem>> -> memref<1x1x32xi32, #tpu.memory_space<vmem>>
          %dma_start3A_235 = tpu.memref_squeeze %dma_start3A_234 : memref<1x1x32xi32, #tpu.memory_space<vmem>> -> memref<32xi32, #tpu.memory_space<vmem>>
          %dma_start3A_236 = arith.constant 0 : i32
          %dma_start3A_237 = arith.constant 0 : i32
          %dma_start3A_238 = tpu.memref_slice %arg10[%dma_start3A_236, %dma_start3A_237] : memref<10112x128xf32, #tpu.memory_space<vmem_shared>> -> memref<10112x128xf32, #tpu.memory_space<vmem_shared>>
          tpu.enqueue_indirect_dma source(%dma_start3A_232 : memref<32x128xf32, #tpu.memory_space<vmem>>) target(%dma_start3A_238 : memref<10112x128xf32, #tpu.memory_space<vmem_shared>>) offsets(%dma_start3A_235 : memref<32xi32, #tpu.memory_space<vmem>>) semaphore(%run_scoped3A_228 : memref<!tpu.dma_semaphore, #tpu.memory_space<semaphore_mem>>) {add = true}
          %dma_wait3A_239 = arith.constant 0 : i32
          %dma_wait3A_240 = arith.constant 0 : i32
          %dma_wait3A_241 = tpu.memref_slice %arg8[%run_scoped3A_225, %dma_wait3A_239, %dma_wait3A_240] : memref<2x32x128xf32, #tpu.memory_space<vmem>> -> memref<1x32x128xf32, #tpu.memory_space<vmem>>
          %dma_wait3A_242 = tpu.memref_squeeze %dma_wait3A_241 : memref<1x32x128xf32, #tpu.memory_space<vmem>> -> memref<32x128xf32, #tpu.memory_space<vmem>>
          %dma_wait3A_243 = arith.constant 0 : i32
          %dma_wait3A_244 = tpu.memref_slice %arg7[%run_scoped3A_226, %run_scoped3A_227, %dma_wait3A_243] : memref<3x1x32xi32, #tpu.memory_space<vmem>> -> memref<1x1x32xi32, #tpu.memory_space<vmem>>
          %dma_wait3A_245 = tpu.memref_squeeze %dma_wait3A_244 : memref<1x1x32xi32, #tpu.memory_space<vmem>> -> memref<32xi32, #tpu.memory_space<vmem>>
          %dma_wait3A_246 = arith.constant 0 : i32
          %dma_wait3A_247 = arith.constant 0 : i32
          %dma_wait3A_248 = tpu.memref_slice %arg10[%dma_wait3A_246, %dma_wait3A_247] : memref<10112x128xf32, #tpu.memory_space<vmem_shared>> -> memref<10112x128xf32, #tpu.memory_space<vmem_shared>>
          tpu.wait_indirect_dma semaphore(%run_scoped3A_228 : memref<!tpu.dma_semaphore, #tpu.memory_space<semaphore_mem>>) src(%dma_wait3A_242 : memref<32x128xf32, #tpu.memory_space<vmem>>) dst(%dma_wait3A_248 : memref<10112x128xf32, #tpu.memory_space<vmem_shared>>)
          tpu.yield
        }) : () -> ()
      } else {
      }
    }
    %scan3A_56 = arith.constant 640 : i32
    %barrier3A_57 = arith.constant 0 : index
    tpu.barrier barrier_id(%barrier3A_57)
    %mul3A_58 = arith.constant 632 : i32
    %mul3A_59 = arith.muli %arg1, %mul3A_58 : i32
    %mul3A_60 = arith.constant 10240 : i32
    %mul3A_61 = arith.muli %arg0, %mul3A_60 : i32
    %mul3A_62 = arith.constant 632 : i32
    %mul3A_63 = arith.muli %arg1, %mul3A_62 : i32
    %add3A_64 = arith.addi %mul3A_61, %mul3A_63 : i32
    "tpu.region"() ({
      %run_scoped3A_65 = tpu.sem_alloc : memref<!tpu.dma_semaphore, #tpu.memory_space<semaphore_mem>>
      %dma_start3A_66 = arith.constant 0 : i32
      %dma_start3A_67 = tpu.memref_slice %arg5[%add3A_64, %dma_start3A_66] : memref<20480x128xf32, #tpu.memory_space<hbm>> -> memref<632x128xf32, #tpu.memory_space<hbm>>
      %dma_start3A_68 = arith.constant 0 : i32
      %dma_start3A_69 = tpu.memref_slice %arg10[%mul3A_59, %dma_start3A_68] : memref<10112x128xf32, #tpu.memory_space<vmem_shared>> -> memref<632x128xf32, #tpu.memory_space<vmem_shared>>
      tpu.enqueue_dma source(%dma_start3A_69 : memref<632x128xf32, #tpu.memory_space<vmem_shared>>) target(%dma_start3A_67 : memref<632x128xf32, #tpu.memory_space<hbm>>) target_semaphore(%run_scoped3A_65 : memref<!tpu.dma_semaphore, #tpu.memory_space<semaphore_mem>>)
      %dma_wait3A = arith.constant 0 : i32
      %dma_wait3A_70 = tpu.memref_slice %arg5[%add3A_64, %dma_wait3A] : memref<20480x128xf32, #tpu.memory_space<hbm>> -> memref<632x128xf32, #tpu.memory_space<hbm>>
      %dma_wait3A_71 = arith.constant 0 : i32
      %dma_wait3A_72 = tpu.memref_slice %arg10[%mul3A_59, %dma_wait3A_71] : memref<10112x128xf32, #tpu.memory_space<vmem_shared>> -> memref<632x128xf32, #tpu.memory_space<vmem_shared>>
      tpu.wait_dma2 semaphore(%run_scoped3A_65 : memref<!tpu.dma_semaphore, #tpu.memory_space<semaphore_mem>>) src(%dma_wait3A_72 : memref<632x128xf32, #tpu.memory_space<vmem_shared>>) dst(%dma_wait3A_70 : memref<632x128xf32, #tpu.memory_space<hbm>>)
      tpu.yield
    }) : () -> ()
    return
  }
}

#map = affine_map<(d0, d1) -> (0, 0, 0)>
#map1 = affine_map<(d0, d1) -> (0)>
module attributes {stable_mosaic.version = 14 : i64} {
  func.func @_sc_degree(%arg0: i32, %arg1: i32, %arg2: memref<2560x1x128xi32, #tpu.memory_space<hbm>>, %arg3: memref<20480xf32, #tpu.memory_space<hbm>>, %arg4: memref<80x1x128xi32, #tpu.memory_space<vmem>>, %arg5: memref<128xf32, #tpu.memory_space<vmem>>, %arg6: memref<640xf32, #tpu.memory_space<vmem>>, %arg7: memref<10240xf32, #tpu.memory_space<vmem_shared>>) attributes {dimension_semantics = [#tpu.dimension_semantics<core_parallel>, #tpu.dimension_semantics<subcore_parallel>], iteration_bounds = array<i64: 2, 16>, scalar_prefetch = 0 : i64, scratch_operands = 4 : i64, tpu.core_type = #tpu.core_type<sc_vector_subcore>, window_params = [{transform_indices = #map}, {transform_indices = #map1}]} {
    %mul3A = arith.constant 16 : i32
    %mul3A_0 = arith.muli %arg0, %mul3A : i32
    %add3A = arith.addi %mul3A_0, %arg1 : i32
    %scan3A = arith.constant 0 : i32
    %scan3A_1 = arith.constant 8 : i32
    %scan3A_2 = arith.addi %scan3A, %scan3A_1 : i32
    %scan3A_3 = arith.constant 1 : i32
    scf.for %scan3A_27 = %scan3A to %scan3A_2 step %scan3A_3  : i32 {
      %mul3A_28 = arith.constant 1 : i32
      %mul3A_29 = arith.muli %scan3A_27, %mul3A_28 : i32
      %add3A_30 = arith.constant 0 : i32
      %add3A_31 = arith.addi %add3A_30, %mul3A_29 : i32
      %broadcast_in_dim3A = arith.constant 1.000000e+00 : f32
      %broadcast_in_dim3A_32 = vector.broadcast %broadcast_in_dim3A : f32 to vector<16xf32>
      %mul3A_33 = arith.constant 16 : i32
      %mul3A_34 = arith.muli %add3A_31, %mul3A_33 : i32
      %swap3A = arith.index_cast %mul3A_34 : i32 to index
      %swap3A_35 = tpu.vector_load %arg5[%swap3A] {strides = array<i32>} : memref<128xf32, #tpu.memory_space<vmem>>, vector<16xf32>,
      %swap3A_36 = vector.shape_cast %swap3A_35 : vector<16xf32> to vector<16xf32>
      %swap3A_37 = vector.shape_cast %broadcast_in_dim3A_32 : vector<16xf32> to vector<16xf32>
      tpu.vector_store %arg5[%swap3A], %swap3A_37 {strides = array<i32>} : memref<128xf32, #tpu.memory_space<vmem>>, vector<16xf32>,
    }
    %scan3A_4 = arith.constant 8 : i32
    %scan3A_5 = arith.constant 0 : i32
    %scan3A_6 = arith.constant 40 : i32
    %scan3A_7 = arith.addi %scan3A_5, %scan3A_6 : i32
    %scan3A_8 = arith.constant 1 : i32
    scf.for %scan3A_27 = %scan3A_5 to %scan3A_7 step %scan3A_8  : i32 {
      %mul3A_28 = arith.constant 1 : i32
      %mul3A_29 = arith.muli %scan3A_27, %mul3A_28 : i32
      %add3A_30 = arith.constant 0 : i32
      %add3A_31 = arith.addi %add3A_30, %mul3A_29 : i32
      %broadcast_in_dim3A = arith.constant 0.000000e+00 : f32
      %broadcast_in_dim3A_32 = vector.broadcast %broadcast_in_dim3A : f32 to vector<16xf32>
      %mul3A_33 = arith.constant 16 : i32
      %mul3A_34 = arith.muli %add3A_31, %mul3A_33 : i32
      %swap3A = arith.index_cast %mul3A_34 : i32 to index
      %swap3A_35 = tpu.vector_load %arg6[%swap3A] {strides = array<i32>} : memref<640xf32, #tpu.memory_space<vmem>>, vector<16xf32>,
      %swap3A_36 = vector.shape_cast %swap3A_35 : vector<16xf32> to vector<16xf32>
      %swap3A_37 = vector.shape_cast %broadcast_in_dim3A_32 : vector<16xf32> to vector<16xf32>
      tpu.vector_store %arg6[%swap3A], %swap3A_37 {strides = array<i32>} : memref<640xf32, #tpu.memory_space<vmem>>, vector<16xf32>,
    }
    %scan3A_9 = arith.constant 40 : i32
    %mul3A_10 = arith.constant 640 : i32
    %mul3A_11 = arith.muli %arg1, %mul3A_10 : i32
    "tpu.region"() ({
      %run_scoped3A = tpu.sem_alloc : memref<!tpu.dma_semaphore, #tpu.memory_space<semaphore_mem>>
      %dma_start3A = tpu.memref_slice %arg7[%mul3A_11] : memref<10240xf32, #tpu.memory_space<vmem_shared>> -> memref<640xf32, #tpu.memory_space<vmem_shared>>
      %dma_start3A_27 = tpu.memref_slice %arg7[%mul3A_11] : memref<10240xf32, #tpu.memory_space<vmem_shared>> -> memref<640xf32, #tpu.memory_space<vmem_shared>>
      tpu.enqueue_dma source(%arg6 : memref<640xf32, #tpu.memory_space<vmem>>) target(%dma_start3A_27 : memref<640xf32, #tpu.memory_space<vmem_shared>>) target_semaphore(%run_scoped3A : memref<!tpu.dma_semaphore, #tpu.memory_space<semaphore_mem>>)
      %dma_wait3A = tpu.memref_slice %arg7[%mul3A_11] : memref<10240xf32, #tpu.memory_space<vmem_shared>> -> memref<640xf32, #tpu.memory_space<vmem_shared>>
      %dma_wait3A_28 = tpu.memref_slice %arg7[%mul3A_11] : memref<10240xf32, #tpu.memory_space<vmem_shared>> -> memref<640xf32, #tpu.memory_space<vmem_shared>>
      tpu.wait_dma2 semaphore(%run_scoped3A : memref<!tpu.dma_semaphore, #tpu.memory_space<semaphore_mem>>) src(%arg6 : memref<640xf32, #tpu.memory_space<vmem>>) dst(%dma_wait3A_28 : memref<640xf32, #tpu.memory_space<vmem_shared>>)
      tpu.yield
    }) : () -> ()
    %mul3A_12 = arith.constant 80 : i32
    %mul3A_13 = arith.muli %add3A, %mul3A_12 : i32
    "tpu.region"() ({
      %run_scoped3A = tpu.sem_alloc : memref<!tpu.dma_semaphore, #tpu.memory_space<semaphore_mem>>
      %dma_start3A = arith.constant 0 : i32
      %dma_start3A_27 = arith.constant 0 : i32
      %dma_start3A_28 = tpu.memref_slice %arg2[%mul3A_13, %dma_start3A, %dma_start3A_27] : memref<2560x1x128xi32, #tpu.memory_space<hbm>> -> memref<80x1x128xi32, #tpu.memory_space<hbm>>
      %dma_start3A_29 = arith.constant 0 : i32
      %dma_start3A_30 = arith.constant 0 : i32
      %dma_start3A_31 = tpu.memref_slice %arg2[%mul3A_13, %dma_start3A_29, %dma_start3A_30] : memref<2560x1x128xi32, #tpu.memory_space<hbm>> -> memref<80x1x128xi32, #tpu.memory_space<hbm>>
      tpu.enqueue_dma source(%dma_start3A_31 : memref<80x1x128xi32, #tpu.memory_space<hbm>>) target(%arg4 : memref<80x1x128xi32, #tpu.memory_space<vmem>>) target_semaphore(%run_scoped3A : memref<!tpu.dma_semaphore, #tpu.memory_space<semaphore_mem>>)
      %dma_wait3A = arith.constant 0 : i32
      %dma_wait3A_32 = arith.constant 0 : i32
      %dma_wait3A_33 = tpu.memref_slice %arg2[%mul3A_13, %dma_wait3A, %dma_wait3A_32] : memref<2560x1x128xi32, #tpu.memory_space<hbm>> -> memref<80x1x128xi32, #tpu.memory_space<hbm>>
      %dma_wait3A_34 = arith.constant 0 : i32
      %dma_wait3A_35 = arith.constant 0 : i32
      %dma_wait3A_36 = tpu.memref_slice %arg2[%mul3A_13, %dma_wait3A_34, %dma_wait3A_35] : memref<2560x1x128xi32, #tpu.memory_space<hbm>> -> memref<80x1x128xi32, #tpu.memory_space<hbm>>
      tpu.wait_dma2 semaphore(%run_scoped3A : memref<!tpu.dma_semaphore, #tpu.memory_space<semaphore_mem>>) src(%dma_wait3A_36 : memref<80x1x128xi32, #tpu.memory_space<hbm>>) dst(%arg4 : memref<80x1x128xi32, #tpu.memory_space<vmem>>)
      tpu.yield
    }) : () -> ()
    %barrier3A = arith.constant 0 : index
    tpu.barrier barrier_id(%barrier3A)
    %scan3A_14 = arith.constant 0 : i32
    %scan3A_15 = arith.constant 80 : i32
    %scan3A_16 = arith.addi %scan3A_14, %scan3A_15 : i32
    %scan3A_17 = arith.constant 1 : i32
    scf.for %scan3A_27 = %scan3A_14 to %scan3A_16 step %scan3A_17  : i32 {
      %mul3A_28 = arith.constant 1 : i32
      %mul3A_29 = arith.muli %scan3A_27, %mul3A_28 : i32
      %add3A_30 = arith.constant 0 : i32
      %add3A_31 = arith.addi %add3A_30, %mul3A_29 : i32
      %run_scoped3A = arith.constant 0 : i32
      "tpu.region"() ({
        %run_scoped3A_32 = tpu.sem_alloc : memref<!tpu.dma_semaphore, #tpu.memory_space<semaphore_mem>>
        %dma_start3A = arith.constant 0 : i32
        %dma_start3A_33 = tpu.memref_slice %arg4[%add3A_31, %run_scoped3A, %dma_start3A] : memref<80x1x128xi32, #tpu.memory_space<vmem>> -> memref<1x1x128xi32, #tpu.memory_space<vmem>>
        %dma_start3A_34 = tpu.memref_squeeze %dma_start3A_33 : memref<1x1x128xi32, #tpu.memory_space<vmem>> -> memref<128xi32, #tpu.memory_space<vmem>>
        %dma_start3A_35 = arith.constant 0 : i32
        %dma_start3A_36 = tpu.memref_slice %arg7[%dma_start3A_35] : memref<10240xf32, #tpu.memory_space<vmem_shared>> -> memref<10240xf32, #tpu.memory_space<vmem_shared>>
        tpu.enqueue_indirect_dma source(%arg5 : memref<128xf32, #tpu.memory_space<vmem>>) target(%dma_start3A_36 : memref<10240xf32, #tpu.memory_space<vmem_shared>>) offsets(%dma_start3A_34 : memref<128xi32, #tpu.memory_space<vmem>>) semaphore(%run_scoped3A_32 : memref<!tpu.dma_semaphore, #tpu.memory_space<semaphore_mem>>) {add = true}
        %dma_wait3A = arith.constant 0 : i32
        %dma_wait3A_37 = tpu.memref_slice %arg4[%add3A_31, %run_scoped3A, %dma_wait3A] : memref<80x1x128xi32, #tpu.memory_space<vmem>> -> memref<1x1x128xi32, #tpu.memory_space<vmem>>
        %dma_wait3A_38 = tpu.memref_squeeze %dma_wait3A_37 : memref<1x1x128xi32, #tpu.memory_space<vmem>> -> memref<128xi32, #tpu.memory_space<vmem>>
        %dma_wait3A_39 = arith.constant 0 : i32
        %dma_wait3A_40 = tpu.memref_slice %arg7[%dma_wait3A_39] : memref<10240xf32, #tpu.memory_space<vmem_shared>> -> memref<10240xf32, #tpu.memory_space<vmem_shared>>
        tpu.wait_indirect_dma semaphore(%run_scoped3A_32 : memref<!tpu.dma_semaphore, #tpu.memory_space<semaphore_mem>>) src(%arg5 : memref<128xf32, #tpu.memory_space<vmem>>) dst(%dma_wait3A_40 : memref<10240xf32, #tpu.memory_space<vmem_shared>>)
        tpu.yield
      }) : () -> ()
    }
    %scan3A_18 = arith.constant 80 : i32
    %barrier3A_19 = arith.constant 0 : index
    tpu.barrier barrier_id(%barrier3A_19)
    %mul3A_20 = arith.constant 640 : i32
    %mul3A_21 = arith.muli %arg1, %mul3A_20 : i32
    %mul3A_22 = arith.constant 10240 : i32
    %mul3A_23 = arith.muli %arg0, %mul3A_22 : i32
    %mul3A_24 = arith.constant 640 : i32
    %mul3A_25 = arith.muli %arg1, %mul3A_24 : i32
    %add3A_26 = arith.addi %mul3A_23, %mul3A_25 : i32
    "tpu.region"() ({
      %run_scoped3A = tpu.sem_alloc : memref<!tpu.dma_semaphore, #tpu.memory_space<semaphore_mem>>
      %dma_start3A = tpu.memref_slice %arg3[%add3A_26] : memref<20480xf32, #tpu.memory_space<hbm>> -> memref<640xf32, #tpu.memory_space<hbm>>
      %dma_start3A_27 = tpu.memref_slice %arg7[%mul3A_21] : memref<10240xf32, #tpu.memory_space<vmem_shared>> -> memref<640xf32, #tpu.memory_space<vmem_shared>>
      tpu.enqueue_dma source(%dma_start3A_27 : memref<640xf32, #tpu.memory_space<vmem_shared>>) target(%dma_start3A : memref<640xf32, #tpu.memory_space<hbm>>) target_semaphore(%run_scoped3A : memref<!tpu.dma_semaphore, #tpu.memory_space<semaphore_mem>>)
      %dma_wait3A = tpu.memref_slice %arg3[%add3A_26] : memref<20480xf32, #tpu.memory_space<hbm>> -> memref<640xf32, #tpu.memory_space<hbm>>
      %dma_wait3A_28 = tpu.memref_slice %arg7[%mul3A_21] : memref<10240xf32, #tpu.memory_space<vmem_shared>> -> memref<640xf32, #tpu.memory_space<vmem_shared>>
      tpu.wait_dma2 semaphore(%run_scoped3A : memref<!tpu.dma_semaphore, #tpu.memory_space<semaphore_mem>>) src(%dma_wait3A_28 : memref<640xf32, #tpu.memory_space<vmem_shared>>) dst(%dma_wait3A : memref<640xf32, #tpu.memory_space<hbm>>)
      tpu.yield
    }) : () -> ()
    return
  }
}

module attributes {stable_mosaic.version = 14 : i64} {
  func.func @_tc1_body(%arg0: i32, %arg1: memref<1024x128xf32, #tpu.memory_space<vmem>>, %arg2: memref<128x128xf32, #tpu.memory_space<vmem>>, %arg3: memref<1024x1xf32, #tpu.memory_space<vmem>>, %arg4: memref<1024x1xf32, #tpu.memory_space<vmem>>, %arg5: memref<1024x128xf32, #tpu.memory_space<vmem>>, %arg6: memref<1024x1xf32, #tpu.memory_space<vmem>>) attributes {dimension_semantics = [#tpu.dimension_semantics<arbitrary>], iteration_bounds = array<i64: 10>, scalar_prefetch = 0 : i64, scratch_operands = 0 : i64, tpu.core_type = #tpu.core_type<tc>, window_params = [{transform_indices = @transform_0, window_bounds = array<i64: 1024, 128>}, {pipeline_mode = #tpu.pipeline_mode<synchronous>, transform_indices = @transform_1, window_bounds = array<i64: 128, 128>}, {transform_indices = @transform_2, window_bounds = array<i64: 1024, 1>}, {transform_indices = @transform_3, window_bounds = array<i64: 1024, 1>}, {transform_indices = @transform_4, window_bounds = array<i64: 1024, 128>}, {transform_indices = @transform_5, window_bounds = array<i64: 1024, 1>}]} {
    %get3A = arith.constant 0 : index
    %get3A_0 = arith.constant 0 : index
    %get3A_1 = vector.load %arg3[%get3A, %get3A_0] : memref<1024x1xf32, #tpu.memory_space<vmem>>, vector<1024x1xf32>
    %get3A_2 = arith.constant 0 : index
    %get3A_3 = arith.constant 0 : index
    %get3A_4 = vector.load %arg4[%get3A_2, %get3A_3] : memref<1024x1xf32, #tpu.memory_space<vmem>>, vector<1024x1xf32>
    %add3A = arith.addf %get3A_1, %get3A_4 : vector<1024x1xf32>
    %add3A_5 = arith.constant 1.000000e+00 : f32
    %add3A_6 = vector.broadcast %add3A_5 : f32 to vector<1024x1xf32>
    %add3A_7 = arith.addf %add3A, %add3A_6 : vector<1024x1xf32>
    %rsqrt3A = math.rsqrt %add3A_7 : vector<1024x1xf32>
    %get3A_8 = arith.constant 0 : index
    %get3A_9 = arith.constant 0 : index
    %get3A_10 = vector.load %arg1[%get3A_8, %get3A_9] : memref<1024x128xf32, #tpu.memory_space<vmem>>, vector<1024x128xf32>
    %get3A_11 = arith.constant 0 : index
    %get3A_12 = arith.constant 0 : index
    %get3A_13 = vector.load %arg2[%get3A_11, %get3A_12] : memref<128x128xf32, #tpu.memory_space<vmem>>, vector<128x128xf32>
    %dot_general3A = arith.constant dense<0.000000e+00> : vector<1024x128xf32>
    %dot_general3A_14 = tpu.matmul %get3A_10, %get3A_13, %dot_general3A {dimension_numbers = #tpu.dot_dimension_numbers<[1], [0], [0], [1], [0, 0, 1, 1], [], []>, transpose_lhs_hint = false} : vector<1024x128xf32>, vector<128x128xf32>, vector<1024x128xf32> -> vector<1024x128xf32>
    %mul3A = vector.broadcast %rsqrt3A : vector<1024x1xf32> to vector<1024x128xf32>
    %mul3A_15 = arith.mulf %dot_general3A_14, %mul3A : vector<1024x128xf32>
    %swap3A = arith.constant 0 : index
    %swap3A_16 = arith.constant 0 : index
    %swap3A_17 = vector.load %arg5[%swap3A, %swap3A_16] : memref<1024x128xf32, #tpu.memory_space<vmem>>, vector<1024x128xf32>
    tpu.vector_store %arg5[%swap3A, %swap3A_16], %mul3A_15 {strides = array<i32>} : memref<1024x128xf32, #tpu.memory_space<vmem>>, vector<1024x128xf32>,
    %swap3A_18 = arith.constant 0 : index
    %swap3A_19 = arith.constant 0 : index
    %swap3A_20 = vector.load %arg6[%swap3A_18, %swap3A_19] : memref<1024x1xf32, #tpu.memory_space<vmem>>, vector<1024x1xf32>
    tpu.vector_store %arg6[%swap3A_18, %swap3A_19], %rsqrt3A {strides = array<i32>} : memref<1024x1xf32, #tpu.memory_space<vmem>>, vector<1024x1xf32>,
    return
  }
  func.func @transform_0(%arg0: i32) -> (i32, i32) {
    %c0_i32 = arith.constant 0 : i32
    %c0_i32_0 = arith.constant 0 : i32
    return %arg0, %c0_i32 : i32, i32
  }
  func.func @transform_1(%arg0: i32) -> (i32, i32) {
    %c0_i32 = arith.constant 0 : i32
    %c0_i32_0 = arith.constant 0 : i32
    %c0_i32_1 = arith.constant 0 : i32
    return %c0_i32, %c0_i32_0 : i32, i32
  }
  func.func @transform_2(%arg0: i32) -> (i32, i32) {
    %c0_i32 = arith.constant 0 : i32
    %c0_i32_0 = arith.constant 0 : i32
    return %arg0, %c0_i32 : i32, i32
  }
  func.func @transform_3(%arg0: i32) -> (i32, i32) {
    %c0_i32 = arith.constant 0 : i32
    %c0_i32_0 = arith.constant 0 : i32
    return %arg0, %c0_i32 : i32, i32
  }
  func.func @transform_4(%arg0: i32) -> (i32, i32) {
    %c0_i32 = arith.constant 0 : i32
    %c0_i32_0 = arith.constant 0 : i32
    return %arg0, %c0_i32 : i32, i32
  }
  func.func @transform_5(%arg0: i32) -> (i32, i32) {
    %c0_i32 = arith.constant 0 : i32
    %c0_i32_0 = arith.constant 0 : i32
    return %arg0, %c0_i32 : i32, i32
  }
}

module attributes {stable_mosaic.version = 14 : i64} {
  func.func @_tc2_body(%arg0: i32, %arg1: memref<2x1024x128xf32, #tpu.memory_space<vmem>>, %arg2: memref<1024x128xf32, #tpu.memory_space<vmem>>, %arg3: memref<1024x1xf32, #tpu.memory_space<vmem>>, %arg4: memref<1x128xf32, #tpu.memory_space<vmem>>, %arg5: memref<128x128xf32, #tpu.memory_space<vmem>>, %arg6: memref<1024x128xf32, #tpu.memory_space<vmem>>) attributes {dimension_semantics = [#tpu.dimension_semantics<arbitrary>], iteration_bounds = array<i64: 10>, scalar_prefetch = 0 : i64, scratch_operands = 0 : i64, tpu.core_type = #tpu.core_type<tc>, window_params = [{transform_indices = @transform_0, window_bounds = array<i64: 2, 1024, 128>}, {transform_indices = @transform_1, window_bounds = array<i64: 1024, 128>}, {transform_indices = @transform_2, window_bounds = array<i64: 1024, 1>}, {pipeline_mode = #tpu.pipeline_mode<synchronous>, transform_indices = @transform_3, window_bounds = array<i64: 1, 128>}, {pipeline_mode = #tpu.pipeline_mode<synchronous>, transform_indices = @transform_4, window_bounds = array<i64: 128, 128>}, {transform_indices = @transform_5, window_bounds = array<i64: 1024, 128>}]} {
    %get3A = arith.constant 0 : index
    %get3A_0 = arith.constant 0 : index
    %get3A_1 = vector.load %arg3[%get3A, %get3A_0] : memref<1024x1xf32, #tpu.memory_space<vmem>>, vector<1024x1xf32>
    %get3A_2 = arith.constant 0 : index
    %get3A_3 = arith.constant 0 : index
    %get3A_4 = arith.constant 0 : index
    %get3A_5 = vector.load %arg1[%get3A_2, %get3A_3, %get3A_4] : memref<2x1024x128xf32, #tpu.memory_space<vmem>>, vector<1x1024x128xf32>
    %get3A_6 = vector.shape_cast %get3A_5 : vector<1x1024x128xf32> to vector<1024x128xf32>
    %get3A_7 = arith.constant 1 : index
    %get3A_8 = arith.constant 0 : index
    %get3A_9 = arith.constant 0 : index
    %get3A_10 = vector.load %arg1[%get3A_7, %get3A_8, %get3A_9] : memref<2x1024x128xf32, #tpu.memory_space<vmem>>, vector<1x1024x128xf32>
    %get3A_11 = vector.shape_cast %get3A_10 : vector<1x1024x128xf32> to vector<1024x128xf32>
    %add3A = arith.addf %get3A_6, %get3A_11 : vector<1024x128xf32>
    %get3A_12 = arith.constant 0 : index
    %get3A_13 = arith.constant 0 : index
    %get3A_14 = vector.load %arg2[%get3A_12, %get3A_13] : memref<1024x128xf32, #tpu.memory_space<vmem>>, vector<1024x128xf32>
    %add3A_15 = arith.addf %add3A, %get3A_14 : vector<1024x128xf32>
    %mul3A = vector.broadcast %get3A_1 : vector<1024x1xf32> to vector<1024x128xf32>
    %mul3A_16 = arith.mulf %mul3A, %add3A_15 : vector<1024x128xf32>
    %get3A_17 = arith.constant 0 : index
    %get3A_18 = arith.constant 0 : index
    %get3A_19 = vector.load %arg4[%get3A_17, %get3A_18] : memref<1x128xf32, #tpu.memory_space<vmem>>, vector<1x128xf32>
    %add3A_20 = vector.broadcast %get3A_19 : vector<1x128xf32> to vector<1024x128xf32>
    %add3A_21 = arith.addf %mul3A_16, %add3A_20 : vector<1024x128xf32>
    %get3A_22 = arith.constant 0 : index
    %get3A_23 = arith.constant 0 : index
    %get3A_24 = vector.load %arg5[%get3A_22, %get3A_23] : memref<128x128xf32, #tpu.memory_space<vmem>>, vector<128x128xf32>
    %dot_general3A = arith.constant dense<0.000000e+00> : vector<1024x128xf32>
    %dot_general3A_25 = tpu.matmul %add3A_21, %get3A_24, %dot_general3A {dimension_numbers = #tpu.dot_dimension_numbers<[1], [0], [0], [1], [0, 0, 1, 1], [], []>, transpose_lhs_hint = false} : vector<1024x128xf32>, vector<128x128xf32>, vector<1024x128xf32> -> vector<1024x128xf32>
    %mul3A_26 = vector.broadcast %get3A_1 : vector<1024x1xf32> to vector<1024x128xf32>
    %mul3A_27 = arith.mulf %dot_general3A_25, %mul3A_26 : vector<1024x128xf32>
    %swap3A = arith.constant 0 : index
    %swap3A_28 = arith.constant 0 : index
    %swap3A_29 = vector.load %arg6[%swap3A, %swap3A_28] : memref<1024x128xf32, #tpu.memory_space<vmem>>, vector<1024x128xf32>
    tpu.vector_store %arg6[%swap3A, %swap3A_28], %mul3A_27 {strides = array<i32>} : memref<1024x128xf32, #tpu.memory_space<vmem>>, vector<1024x128xf32>,
    return
  }
  func.func @transform_0(%arg0: i32) -> (i32, i32, i32) {
    %c0_i32 = arith.constant 0 : i32
    %c0_i32_0 = arith.constant 0 : i32
    %c0_i32_1 = arith.constant 0 : i32
    return %c0_i32, %arg0, %c0_i32_0 : i32, i32, i32
  }
  func.func @transform_1(%arg0: i32) -> (i32, i32) {
    %c0_i32 = arith.constant 0 : i32
    %c0_i32_0 = arith.constant 0 : i32
    return %arg0, %c0_i32 : i32, i32
  }
  func.func @transform_2(%arg0: i32) -> (i32, i32) {
    %c0_i32 = arith.constant 0 : i32
    %c0_i32_0 = arith.constant 0 : i32
    return %arg0, %c0_i32 : i32, i32
  }
  func.func @transform_3(%arg0: i32) -> (i32, i32) {
    %c0_i32 = arith.constant 0 : i32
    %c0_i32_0 = arith.constant 0 : i32
    %c0_i32_1 = arith.constant 0 : i32
    return %c0_i32, %c0_i32_0 : i32, i32
  }
  func.func @transform_4(%arg0: i32) -> (i32, i32) {
    %c0_i32 = arith.constant 0 : i32
    %c0_i32_0 = arith.constant 0 : i32
    %c0_i32_1 = arith.constant 0 : i32
    return %c0_i32, %c0_i32_0 : i32, i32
  }
  func.func @transform_5(%arg0: i32) -> (i32, i32) {
    %c0_i32 = arith.constant 0 : i32
    %c0_i32_0 = arith.constant 0 : i32
    return %arg0, %c0_i32 : i32, i32
  }
}

module attributes {stable_mosaic.version = 14 : i64} {
  func.func @_tc3_body(%arg0: i32, %arg1: memref<2x1024x128xf32, #tpu.memory_space<vmem>>, %arg2: memref<1024x128xf32, #tpu.memory_space<vmem>>, %arg3: memref<1024x1xf32, #tpu.memory_space<vmem>>, %arg4: memref<1x128xf32, #tpu.memory_space<vmem>>, %arg5: memref<1024x128xf32, #tpu.memory_space<vmem>>) attributes {dimension_semantics = [#tpu.dimension_semantics<arbitrary>], iteration_bounds = array<i64: 10>, scalar_prefetch = 0 : i64, scratch_operands = 0 : i64, tpu.core_type = #tpu.core_type<tc>, window_params = [{transform_indices = @transform_0, window_bounds = array<i64: 2, 1024, 128>}, {transform_indices = @transform_1, window_bounds = array<i64: 1024, 128>}, {transform_indices = @transform_2, window_bounds = array<i64: 1024, 1>}, {pipeline_mode = #tpu.pipeline_mode<synchronous>, transform_indices = @transform_3, window_bounds = array<i64: 1, 128>}, {transform_indices = @transform_4, window_bounds = array<i64: 1024, 128>}]} {
    %get3A = arith.constant 0 : index
    %get3A_0 = arith.constant 0 : index
    %get3A_1 = vector.load %arg3[%get3A, %get3A_0] : memref<1024x1xf32, #tpu.memory_space<vmem>>, vector<1024x1xf32>
    %get3A_2 = arith.constant 0 : index
    %get3A_3 = arith.constant 0 : index
    %get3A_4 = arith.constant 0 : index
    %get3A_5 = vector.load %arg1[%get3A_2, %get3A_3, %get3A_4] : memref<2x1024x128xf32, #tpu.memory_space<vmem>>, vector<1x1024x128xf32>
    %get3A_6 = vector.shape_cast %get3A_5 : vector<1x1024x128xf32> to vector<1024x128xf32>
    %get3A_7 = arith.constant 1 : index
    %get3A_8 = arith.constant 0 : index
    %get3A_9 = arith.constant 0 : index
    %get3A_10 = vector.load %arg1[%get3A_7, %get3A_8, %get3A_9] : memref<2x1024x128xf32, #tpu.memory_space<vmem>>, vector<1x1024x128xf32>
    %get3A_11 = vector.shape_cast %get3A_10 : vector<1x1024x128xf32> to vector<1024x128xf32>
    %add3A = arith.addf %get3A_6, %get3A_11 : vector<1024x128xf32>
    %get3A_12 = arith.constant 0 : index
    %get3A_13 = arith.constant 0 : index
    %get3A_14 = vector.load %arg2[%get3A_12, %get3A_13] : memref<1024x128xf32, #tpu.memory_space<vmem>>, vector<1024x128xf32>
    %add3A_15 = arith.addf %add3A, %get3A_14 : vector<1024x128xf32>
    %mul3A = vector.broadcast %get3A_1 : vector<1024x1xf32> to vector<1024x128xf32>
    %mul3A_16 = arith.mulf %mul3A, %add3A_15 : vector<1024x128xf32>
    %get3A_17 = arith.constant 0 : index
    %get3A_18 = arith.constant 0 : index
    %get3A_19 = vector.load %arg4[%get3A_17, %get3A_18] : memref<1x128xf32, #tpu.memory_space<vmem>>, vector<1x128xf32>
    %add3A_20 = vector.broadcast %get3A_19 : vector<1x128xf32> to vector<1024x128xf32>
    %add3A_21 = arith.addf %mul3A_16, %add3A_20 : vector<1024x128xf32>
    %swap3A = arith.constant 0 : index
    %swap3A_22 = arith.constant 0 : index
    %swap3A_23 = vector.load %arg5[%swap3A, %swap3A_22] : memref<1024x128xf32, #tpu.memory_space<vmem>>, vector<1024x128xf32>
    tpu.vector_store %arg5[%swap3A, %swap3A_22], %add3A_21 {strides = array<i32>} : memref<1024x128xf32, #tpu.memory_space<vmem>>, vector<1024x128xf32>,
    return
  }
  func.func @transform_0(%arg0: i32) -> (i32, i32, i32) {
    %c0_i32 = arith.constant 0 : i32
    %c0_i32_0 = arith.constant 0 : i32
    %c0_i32_1 = arith.constant 0 : i32
    return %c0_i32, %arg0, %c0_i32_0 : i32, i32, i32
  }
  func.func @transform_1(%arg0: i32) -> (i32, i32) {
    %c0_i32 = arith.constant 0 : i32
    %c0_i32_0 = arith.constant 0 : i32
    return %arg0, %c0_i32 : i32, i32
  }
  func.func @transform_2(%arg0: i32) -> (i32, i32) {
    %c0_i32 = arith.constant 0 : i32
    %c0_i32_0 = arith.constant 0 : i32
    return %arg0, %c0_i32 : i32, i32
  }
  func.func @transform_3(%arg0: i32) -> (i32, i32) {
    %c0_i32 = arith.constant 0 : i32
    %c0_i32_0 = arith.constant 0 : i32
    %c0_i32_1 = arith.constant 0 : i32
    return %c0_i32, %c0_i32_0 : i32, i32
  }
  func.func @transform_4(%arg0: i32) -> (i32, i32) {
    %c0_i32 = arith.constant 0 : i32
    %c0_i32_0 = arith.constant 0 : i32
    return %arg0, %c0_i32 : i32, i32
  }
}

</mosaic_0001>

<sc_bundles>
// kernel: kernel.11.cloned.1.call-start
scs
__scs_entry_jumppad:
0x0: {  	(pc) =	sbr.rel $0x88, $3  }
0x1: {  	(tag) =	ssettag $0x0;
	lr =	simm.s32 $0x1  }
0x2: {  	[smem:$0x3F9B] =	sst lr;
	_ =	strace $0xD0000000  }
0x3: {  	_ = 	snop  }
0x4: {  	_ = 	snop  }
0x5: {  	_ = 	snop  }
0x6: {  	_ = 	snop  }
0x7: {  	_ = 	snop  }
__scs_overlays_trampoline_lowered:
0x8: {  	[smem:$0x3FAA] =	sst s0  }
0x9: {  	[smem:$0x3FAB] =	sst s1  }
0xa: {  	[smem:$0x3FAC] =	sst s2  }
0xb: {  	[smem:$0x3FAD] =	sst s3  }
0xc: {  	[smem:$0x3FAE] =	sst s4  }
0xd: {  	[smem:$0x3FAF] =	sst s5  }
0xe: {  	[smem:$0x3FB0] =	sst s6  }
0xf: {  	[smem:$0x3FB1] =	sst s7  }
0x10: {  	[smem:$0x3FB2] =	sst s8  }
0x11: {  	[smem:$0x3FB3] =	sst s9;
	s0 =	simm.s32 @!p0 $0x0  }
0x12: {  	s1 =	sld [smem:$0x3F99];
	s0 =	simm.s32 @p0 $0x1  }
0x13: {  	[smem:$0x3FB4] =	sst s0;
	s0 =	simm.s32 @!p1 $0x0  }
0x14: {  	s2 =	sld [smem:$0x3F98];
	s0 =	simm.s32 @p1 $0x1  }
0x15: {  	[smem:$0x3FB5] =	sst s0;
	s0 =	simm.s32 @!p2 $0x0  }
0x16: {  	s3 =	sld [smem:$0x3FDB];
	s0 =	simm.s32 @p2 $0x1  }
0x17: {  	s4 =	simm.s32 $0x1BF5;
	[smem:$0x3FB7] =	sst s0  }
0x18: {  	s0 =	sld [smem:$0x3F9A];
	_ =	swait.ge [sflag:s4], $0x0  }
0x19: {  	s7 =	sld [smem:$0x3F9B]  }
0x1a: {  	s8 =	sadd.s32 $0xFFFFE003, lr  }
0x1b: {  	s9 =	sadd.s32 $0xFFFFFEF7, lr;
	s5 =	simm.s32 $0xFFFFFFFF;
	p2 =	slt.u32 s8, $0xFFFFF086  }
0x1c: {  	p1 =	slt.u32 s9, $0xF7A;
	s5 =	simm.s32 @!p2 $0x0  }
0x1d: {  	s5 =	simm.s32 @p1 $0x1;
	p0 =	seq.s32 s7, s2  }
0x1e: {  	s7 =	smul.u32 @!p0 $0xF7A, s2;
	p2 =	seq.s32 @!p0 s5, $0x0  }
0x1f: {  	s9 =	smul.u32 $0xF7A, s1;
	s8 =	simm.s32 @!p0 $0x1BF5;
	p2 =	por !p2, p0  }
0x20: {  	[sflag:s8] =	ssyncset.s32 @!p0 $0xFFFFF086;
	s6 =	sadd.s32 @!p0 s3, s7;
	s7 =	simm.s32 @!p0 $0x108  }
0x21: {  	s3 =	sadd.s32 s3, s9;
	s6 =	sadd.s32 @!p0 $0x88, s6;
	s7 =	simm.s32 @p2 $0x1082  }
0x22: {  	[simem:s7], [sflag:s8] =	dma.local @!p0 [hbm:s6], $0xF7A  }
0x23: {  	s9 =	sor.u32 $0xD0000000, s2;
	s6 =	simm.s32 $0x108;
	_ =	swait.ge @!p0 [sflag:s8], $0x0  }
0x24: {  	s3 =	sadd.s32 $0x88, s3;
	s6 =	simm.s32 @!p1 $0x1082;
	[sflag:s4] =	ssyncset.s32 $0xFFFFF086  }
0x25: {  	[simem:s6], [sflag:s4] =	dma.local [hbm:s3], $0xF7A  }
0x26: {  	[smem:$0x3F9B] =	sst s1;
	(tag) =	ssettag s2;
	_ =	strace s9  }
0x27: {  	s1 =	sld [smem:$0x3FAB]  }
0x28: {  	s2 =	sld [smem:$0x3FAC]  }
0x29: {  	s4 =	sld [smem:$0x3FAE]  }
0x2a: {  	p0 =	seq.s32 s5, $0x0;
	s5 =	sld [smem:$0x3FAF]  }
0x2b: {  	s6 =	sld [smem:$0x3FB0]  }
0x2c: {  	s7 =	sld [smem:$0x3FB1]  }
0x2d: {  	s3 =	simm.s32 $0x108;
	s8 =	sld [smem:$0x3FB2]  }
0x2e: {  	s3 =	simm.s32 @!p0 $0x1082;
	s9 =	sld [smem:$0x3FB3]  }
0x2f: {  	lr =	sadd.s32 s0, s3;
	s0 =	sld [smem:$0x3FAA]  }
0x30: {  	s3 =	sld [smem:$0x3FAD]  }
0x31: {  	[smem:$0x3FB6] =	sst s10  }
0x32: {  	s10 =	sld [smem:$0x3FB4];
	_ =	sdelay $0x3  }
0x33: {  	p0 =	seq.s32 s10, $0x1;
	s10 =	sld [smem:$0x3FB6];
	_ =	sdelay $0x3  }
0x34: {  	[smem:$0x3FB6] =	sst s10  }
0x35: {  	s10 =	sld [smem:$0x3FB5];
	_ =	sdelay $0x3  }
0x36: {  	p1 =	seq.s32 s10, $0x1;
	s10 =	sld [smem:$0x3FB6];
	_ =	sdelay $0x3  }
0x37: {  	[smem:$0x3FB6] =	sst s10  }
0x38: {  	s10 =	sld [smem:$0x3FB7]  }
0x39: {  	_ = 	snop;
	(pc) =	sbr.ind lr, $3  }
0x3a: {  	_ = 	snop  }
0x3b: {  	_ = 	snop  }
0x3c: {  	p2 =	seq.s32 s10, $0x1;
	s10 =	sld [smem:$0x3FB6]  }
0x3d: {  	_ =	shalt  }
0x3e: {  	_ =	shalt  }
0x3f: {  	_ =	shalt  }
0x40: {  	_ =	shalt  }
0x41: {  	_ =	shalt  }
0x42: {  	_ =	shalt  }
0x43: {  	_ =	shalt  }
0x44: {  	_ =	shalt  }
0x45: {  	_ =	shalt  }
0x46: {  	_ =	shalt  }
0x47: {  	_ =	shalt  }
0x48: {  	_ =	shalt  }
0x49: {  	_ =	shalt  }
0x4a: {  	_ =	shalt  }
0x4b: {  	_ =	shalt  }
0x4c: {  	_ =	shalt  }
0x4d: {  	_ =	shalt  }
0x4e: {  	_ =	shalt  }
0x4f: {  	_ =	shalt  }
0x50: {  	_ =	shalt  }
0x51: {  	_ =	shalt  }
0x52: {  	_ =	shalt  }
0x53: {  	_ =	shalt  }
0x54: {  	_ =	shalt  }
0x55: {  	_ =	shalt  }
0x56: {  	_ =	shalt  }
0x57: {  	_ =	shalt  }
0x58: {  	_ =	shalt  }
0x59: {  	_ =	shalt  }
0x5a: {  	_ =	shalt  }
0x5b: {  	_ =	shalt  }
0x5c: {  	_ =	shalt  }
0x5d: {  	_ =	shalt  }
0x5e: {  	_ =	shalt  }
0x5f: {  	_ =	shalt  }
0x60: {  	_ =	shalt  }
0x61: {  	_ =	shalt  }
0x62: {  	_ =	shalt  }
0x63: {  	_ =	shalt  }
0x64: {  	_ =	shalt  }
0x65: {  	_ =	shalt  }
0x66: {  	_ =	shalt  }
0x67: {  	_ =	shalt  }
0x68: {  	_ =	shalt  }
0x69: {  	_ =	shalt  }
0x6a: {  	_ =	shalt  }
0x6b: {  	_ =	shalt  }
0x6c: {  	_ =	shalt  }
0x6d: {  	_ =	shalt  }
0x6e: {  	_ =	shalt  }
0x6f: {  	_ =	shalt  }
0x70: {  	_ =	shalt  }
0x71: {  	_ =	shalt  }
0x72: {  	_ =	shalt  }
0x73: {  	_ =	shalt  }
0x74: {  	_ =	shalt  }
0x75: {  	_ =	shalt  }
0x76: {  	_ =	shalt  }
0x77: {  	_ =	shalt  }
0x78: {  	_ =	shalt  }
0x79: {  	_ =	shalt  }
0x7a: {  	_ =	shalt  }
0x7b: {  	_ =	shalt  }
0x7c: {  	_ =	shalt  }
0x7d: {  	_ =	shalt  }
0x7e: {  	_ =	shalt  }
0x7f: {  	_ =	shalt  }
0x80: {  	_ =	shalt  }
0x81: {  	_ =	shalt  }
0x82: {  	_ =	shalt  }
0x83: {  	_ =	shalt  }
0x84: {  	_ =	shalt  }
0x85: {  	_ =	shalt  }
0x86: {  	_ =	shalt  }
0x87: {  	_ =	shalt  }
.Lfunc_end0:
.L_simem_size_0:
called_computation.1_lowered:
.L_overlay_start_0:
0x88: {  	s2 =	sld [smem:$0x3FD9]  }
0x89: {  	s3 =	sld [smem:$0x3FFE];
	_ =	sdelay $0x1  }
0x8a: {  	s1 =	srdreg.scid  }
0x8b: {  	s0 =	sand.u32 $0x1, s1  }
0x8c: {  	s16 =	sshll.u32 s0, $0xA;
	s2 =	sadd.s32 s3, s2  }
0x8d: {  	s2 =	sadd.s32 s2, s16  }
0x8e: {  	[smem:$0x3FC2] =	sst s2  }
0x8f: {  	_ = 	snop  }
0x90: {  	(tm) =	ssettm $0x1  }
0x91: {  	s17 =	sld [smem:$0x3FFB];
	_ =	sdelay $0x3  }
0x92: {  	_ =	strace s17  }
0x93: {  	s2 =	sld [smem:$0x3FFC];
	_ =	sdelay $0x3  }
0x94: {  	_ =	strace s2  }
0x95: {  	s2 =	sld [smem:$0x3FFD];
	_ =	sdelay $0x3  }
0x96: {  	_ =	strace s2  }
0x97: {  	_ =	strace $0x8FFFFFFF  }
0x98: {  	s18 =	sld [smem:$0x3FDB];
	_ =	sdelay $0x1  }
0x99: {  	s19 =	simm.s32 $_scs_section_size  }
0x9a: {  	s4 =	simm.s32 $_size__tile_overlayer_lowered;
	s5 =	simm.s32 $_tile_overlayer_lowered  }
0x9b: {  	s22 =	simm.s32 $0x1BFF;
	s21 =	sshll.u32 s5, $0x1;
	s2 =	sadd.s32 s19, s18  }
0x9c: {  	s6 =	simm.s32 $0x0;
	s20 =	sshll.u32 s4, $0x1;
	s4 =	sadd.s32 s21, s2  }
0x9d: {  	[timem:s6], [sflag:s22] =	dma.local [hbm:s4], s20  }
0x9e: {  	_ =	swait.ge [sflag:s22], s20  }
0x9f: {  	s3 =	ssub.s32 $0x0, s20;
	[sflag:s22] =	ssyncset.done $0x0  }
0xa0: {  	[sflag:s22] =	ssyncadd.s32 s3;
	_ =	sdelay $0x1  }
0xa1: {  	s23 =	simm.s32 $0x1B8B  }
0xa2: {  	_ =	swait.ge [sflag:s23], $0x1  }
0xa3: {  	[sflag:s23] =	ssyncset.done $0x0  }
0xa4: {  	s25 =	simm.s32 $0x1B8E;
	s24 =	sld [smem:$0x3FFE];
	[sflag:s23] =	ssyncadd.s32 $0xFFFFFFFF  }
0xa5: {  	s26 =	simm.s32 $execute0_lowered;
	[smem:$0x3FD2] =	sst s25  }
0xa6: {  	s4 =	sshll.u32 s26, $0x1;
	_ =	strace $0x80000049;
	[dreg:$0x1] =	wrdreg $0xFFFFFFFF  }
0xa7: {  	s28 =	simm.s32 $_size_execute0_lowered;
	s2 =	sadd.s32 s2, s4;
	[dreg:$0x0] =	wrdreg $0x0  }
0xa8: {  	s4 =	sshll.u32 s28, $0x1;
	[dreg:$0x2] =	wrdreg s2  }
0xa9: {  	[dreg:$0x3] =	wrdreg s4  }
0xaa: {  	[dreg:$0x4] =	wrdreg $0xC0  }
0xab: {  	_ =	task [dreg:s6], $0x5FFFF  }
0xac: {  	[dreg:$0x1] =	wrdreg $0xFFFFFFFF  }
0xad: {  	[dreg:$0x0] =	wrdreg $0x60  }
0xae: {  	[dreg:$0x2] =	wrdreg s24  }
0xaf: {  	[dreg:$0x3] =	wrdreg $0x23000  }
0xb0: {  	[dreg:$0x4] =	wrdreg $0xC3400  }
0xb1: {  	[dreg:$0x5] =	wrdreg $0x9  }
0xb2: {  	_ =	task.clear_ibuf [dreg:s6], $0x6FFFF;
	_ =	strace $0x90000049  }
0xb3: {  	s29 =	simm.s32 $0x9;
	_ =	strace $0x8000004B  }
0xb4: {  	_ =	swait.ge [sflag:s29], $0x1  }
0xb5: {  	[sflag:s29] =	ssyncadd.s32 $0xFFFFFFFF  }
0xb6: {  	_ =	strace $0x9000004B  }
0xb7: {  	_ =	sfence  }
0xb8: {  	s30 =	sld [smem:$0x0];
	_ =	sdelay $0x2  }
0xb9: {  	s31 =	sshll.u32 s1, $0xD;
	s1 =	sshrl.u32 s1, $0x2  }
0xba: {  	s3 =	sand.u32 $0x4000, s31;
	s1 =	sadd.s32 s1, s30  }
0xbb: {  	s0 =	sor.u32 s3, s0;
	s1 =	sshll.u32 s1, $0x11  }
0xbc: {  	s0 =	sor.u32 s1, s0  }
0xbd: {  	s0 =	sadd.s32 $0x8F2B, s0  }
0xbe: {  	[sflag:s0] =	ssyncadd.remote.s32 $0x1  }
0xbf: {  	_ =	sfence.sel $0xFFFF  }
0xc0: {  	[dreg:$0x0] =	wrdreg $0xFFFFFFFF;
	(pc) =	sbr.abs _section_cstart, $3  }
0xc1: {  	[dreg:$0x1] =	wrdreg $0xFFFFFFFF  }
0xc2: {  	_ =	task.clear_ibuf [dreg:s6], $0x2FFFF;
	_ =	strace $0x9FFFFFFF  }
0xc3: {  	(tm) =	ssettm $0x7FFFFFFF  }
tec
execute0_lowered:
.L_overlay_start_1:
0x0: {  	(tag) =	ssettag $0x1  }
0x1: {  	s1 =	rddreg [dreg:$0x0];
	s13 =	stileid.u32  }
0x2: {  	s2 =	srdreg.scid;
	s5 =	smul.u32 $0x140, s13  }
0x3: {  	s0 =	rddreg [dreg:$0x1];
	s6 =	smul.u32 $0x2780, s13  }
0x4: {  	s3 =	rddreg [dreg:$0x2];
	s4 =	simm.s32 $0x0;
	s11 =	smul.u32 $0x4F000, s13  }
0x5: {  	s2 =	sand.u32 $0x1, s2;
	[smem:$0x7FF] =	sst s4;
	s12 =	smul.u32 $0x28000, s13  }
0x6: {  	s9 =	sadd.s32 $0x2AC00, s1;
	s10 =	sadd.s32 $0x2C00, s1;
	s25 =	smul.u32 $0x2800, s13  }
0x7: {  	s29 =	sadd.s32 $0xA0000, s0;
	s7 =	smul.u32 $0x1400, s2;
	_ =	strace $0x8000004A  }
0x8: {  	s21 =	smul.u32 $0x28000, s2;
	[dreg:$0x5] =	wrdreg s29;
	s23 =	sshrl.u32 s11, $0x2  }
0x9: {  	s24 =	sshrl.u32 s12, $0x2;
	s30 =	sor.u32 $0x10, s25;
	s5 =	sadd.s32 s5, s7  }
0xa: {  	s12 =	sadd.s32 s9, s25;
	s9 =	sadd.s32 s9, s30;
	s5 =	sshll.u32 s5, $0x4  }
0xb: {  	[dreg:$0x7] =	wrdreg s9;
	s8 =	sadd.s32 s5, s1;
	s5 =	sadd.s32 s6, s21  }
0xc: {  	s6 =	sadd.s32 s24, s0;
	s1 =	sadd.s32 s5, s1;
	s8 =	sadd.s32 $0x52C00, s8  }
0xd: {  	s5 =	sadd.s32 s23, s3;
	s21 =	sshrl.u32 s6, $0x3;
	[dreg:$0x6] =	wrdreg s8  }
0xe: {  	s26 =	sadd.s32 $0x12C00, s5;
	[dreg:$0x14] =	wrdreg s21  }
0xf: {  	s8 =	sadd.s32 s10, s30;
	[dreg:$0x4] =	wrdreg s26  }
0x10: {  	s1 =	sadd.s32 $0x7AC00, s1;
	[dreg:$0x8] =	wrdreg s8  }
0x11: {  	s9 =	sadd.s32 $0x1000, s5;
	[dreg:$0x9] =	wrdreg s1  }
0x12: {  	s11 =	sadd.s32 s10, s25;
	s10 =	sadd.s32 $0x2000, s5;
	[dreg:$0xb] =	wrdreg s9  }
0x13: {  	s14 =	sadd.s32 $0x3000, s5;
	[dreg:$0xc] =	wrdreg s10  }
0x14: {  	s15 =	sadd.s32 $0x4000, s5;
	[dreg:$0xd] =	wrdreg s14  }
0x15: {  	s16 =	sadd.s32 $0x5000, s5;
	[dreg:$0xe] =	wrdreg s15  }
0x16: {  	p0 =	sne.s32 s13, $0x0;
	s17 =	sadd.s32 $0x6000, s5;
	[dreg:$0xf] =	wrdreg s16  }
0x17: {  	s13 =	simm.s32 $0x180;
	s18 =	sadd.s32 $0x7000, s5;
	[dreg:$0x10] =	wrdreg s17  }
0x18: {  	s2 =	ssub.s32 $0x2, s2;
	s19 =	sadd.s32 $0x8000, s5;
	[dreg:$0x11] =	wrdreg s18  }
0x19: {  	s22 =	sshrl.u32 s2, $0x1;
	s20 =	sadd.s32 $0x9000, s5;
	[dreg:$0x12] =	wrdreg s19  }
0x1a: {  	s2 =	ssub.s32 s2, s22;
	s22 =	sadd.s32 $0xA000, s5;
	[dreg:$0x13] =	wrdreg s20  }
0x1b: {  	s31 =	smov.u32 s12;
	s23 =	sadd.s32 $0xB000, s5;
	[dreg:$0x15] =	wrdreg s22  }
0x1c: {  	s28 =	sadd.s32 $0x20, s12;
	s24 =	sadd.s32 $0xC000, s5;
	[dreg:$0x16] =	wrdreg s23  }
0x1d: {  	s12 =	simm.s32 $0x6;
	s25 =	sadd.s32 $0xD000, s5;
	[dreg:$0x17] =	wrdreg s24  }
0x1e: {  	s29 =	sadd.s32 $0xF000, s5;
	s30 =	sadd.s32 $0x10000, s5;
	[dreg:$0x18] =	wrdreg s25  }
0x1f: {  	s6 =	sadd.s32 $0x12000, s5;
	s21 =	simm.s32 $0x5;
	[dreg:$0x1a] =	wrdreg s29  }
0x20: {  	s8 =	smax.u32 s2, $0x1;
	s26 =	sadd.s32 $0xE000, s5;
	[dreg:$0x1b] =	wrdreg s30  }
0x21: {  	s2 =	sadd.s32 $0x11000, s5;
	s1 =	smov.u32 s11;
	s14 =	simm.s32 $0x80  }
.Ltmp0:
0x22: {  	s15 =	simm.s32 $0x200;
	s16 =	simm.s32 $0x20;
	(pc) =	sbr.rel .LBB2_1-.Ltmp0, $4  }
0x23: {  	s17 =	simm.s32 $0x1300;
	s18 =	simm.s32 $0x4;
	s19 =	simm.s32 $0x2  }
0x24: {  	v0 =	vlaneseq.u32;
	s20 =	simm.s32 $0x100;
	s22 =	simm.s32 $0x3;
	s23 =	simm.s32 $0x280  }
0x25: {  	v2 =	vand.u32 $0x7, v0;
	s9 =	simm.s32 $0x1;
	s24 =	simm.s32 $0x0;
	[dreg:$0xa] =	wrdreg s8  }
0x26: {  	v1 =	vimm.f32 $0.0e+00;
	v2 =	vor.u32 $0x1400, v2;
	v0 =	vmov s7;
	[dreg:$0x19] =	wrdreg s26;
	s26 =	sadd.s32 $0x20, s11;
	s11 =	simm.s32 $0x300  }
.LBB2_40:
0x27: {  	[bflag:$0x0] =	sbarrier.arrive $0xFFFF  }
0x28: {  	s7 =	sshrl.u32 s5, $0x3;
	s8 =	rddreg [dreg:$0x9]  }
0x29: {  	[hbm:s8], [sflag:s10] =	dma.local [spmem:s7], $0x2780  }
0x2a: {  	_ =	swait.ge [sflag:s12], $0x2780  }
0x2b: {  	s24 =	sadd.s32 $0x1, s24;
	s30 =	rddreg [dreg:$0xa]  }
0x2c: {  	p1 =	sne.s32 s24, s30  }
.Ltmp1:
0x2d: {  	_ = 	snop;
	(pc) =	sbr.rel @!p1 .LBB2_41-.Ltmp1, $3  }
0x2e: {  	_ =	sdelay $0x1  }
0x2f: {  	[sflag:s12] =	ssyncset.done $0x0  }
0x30: {  	[sflag:s12] =	ssyncadd.s32 $0xFFFFD880  }
.LBB2_1:
0x31: {  	s7 =	simm.s32 $0x0;
	s8 =	simm.s32 $0x200  }
.LBB2_2:
0x32: {  	p1 =	sne.s32 s8, $0x3E00;
	[tilespmem:s7+$0x370] =	vst v1  }
0x33: {  	[tilespmem:s7+$0x300] =	vst v1  }
0x34: {  	[tilespmem:s7+$0x310] =	vst v1  }
.Ltmp2:
0x35: {  	[tilespmem:s7+$0x320] =	vst v1;
	(pc) =	sbr.rel @p1 .LBB2_2-.Ltmp2, $4  }
0x36: {  	[tilespmem:s7+$0x330] =	vst v1  }
0x37: {  	[tilespmem:s7+$0x340] =	vst v1  }
0x38: {  	[tilespmem:s7+$0x350] =	vst v1  }
0x39: {  	[tilespmem:s7+$0x360] =	vst v1;
	s7 =	sshra.s32 s8, $0x2;
	s8 =	sadd.s32 $0x200, s8  }
0x3a: {  	[tilespmem:s7+$0x370] =	vst v1  }
0x3b: {  	[tilespmem:s7+$0x300] =	vst v1  }
0x3c: {  	[tilespmem:s7+$0x310] =	vst v1  }
0x3d: {  	[tilespmem:s7+$0x320] =	vst v1  }
0x3e: {  	[tilespmem:s7+$0x330] =	vst v1  }
0x3f: {  	[tilespmem:s7+$0x340] =	vst v1  }
0x40: {  	[tilespmem:s7+$0x350] =	vst v1  }
0x41: {  	[tilespmem:s7+$0x360] =	vst v1  }
0x42: {  	[spmem:s5] =	stream.linear.scatter [tilespmem:s11], [sflag:$0x6], $0x1000, $0x38;
	[tilespmem:$0x1FF40] =	vst v63  }
0x43: {  	_ =	swait.ge [sflag:s12], $0x1000  }
0x44: {  	[sflag:s12] =	ssyncset.done $0x0  }
0x45: {  	s25 =	rddreg [dreg:$0xb];
	[sflag:s12] =	ssyncadd.s32 $0xFFFFF000  }
0x46: {  	[spmem:s25] =	stream.linear.scatter [tilespmem:s11], [sflag:$0x6], $0x1000, $0x38;
	[tilespmem:$0x1FF40] =	vst v63  }
0x47: {  	_ =	swait.ge [sflag:s12], $0x1000  }
0x48: {  	[sflag:s12] =	ssyncset.done $0x0  }
0x49: {  	s29 =	rddreg [dreg:$0xc];
	[sflag:s12] =	ssyncadd.s32 $0xFFFFF000  }
0x4a: {  	[spmem:s29] =	stream.linear.scatter [tilespmem:s11], [sflag:$0x6], $0x1000, $0x38;
	[tilespmem:$0x1FF40] =	vst v63  }
0x4b: {  	_ =	swait.ge [sflag:s12], $0x1000  }
0x4c: {  	[sflag:s12] =	ssyncset.done $0x0  }
0x4d: {  	s30 =	rddreg [dreg:$0xd];
	[sflag:s12] =	ssyncadd.s32 $0xFFFFF000  }
0x4e: {  	[spmem:s30] =	stream.linear.scatter [tilespmem:s11], [sflag:$0x6], $0x1000, $0x38;
	[tilespmem:$0x1FF40] =	vst v63  }
0x4f: {  	_ =	swait.ge [sflag:s12], $0x1000  }
0x50: {  	[sflag:s12] =	ssyncset.done $0x0  }
0x51: {  	s8 =	rddreg [dreg:$0xe];
	[sflag:s12] =	ssyncadd.s32 $0xFFFFF000  }
0x52: {  	[spmem:s8] =	stream.linear.scatter [tilespmem:s11], [sflag:$0x6], $0x1000, $0x38;
	[tilespmem:$0x1FF40] =	vst v63  }
0x53: {  	_ =	swait.ge [sflag:s12], $0x1000  }
0x54: {  	[sflag:s12] =	ssyncset.done $0x0  }
0x55: {  	s10 =	rddreg [dreg:$0xf];
	[sflag:s12] =	ssyncadd.s32 $0xFFFFF000  }
0x56: {  	[spmem:s10] =	stream.linear.scatter [tilespmem:s11], [sflag:$0x6], $0x1000, $0x38;
	[tilespmem:$0x1FF40] =	vst v63  }
0x57: {  	_ =	swait.ge [sflag:s12], $0x1000  }
0x58: {  	[sflag:s12] =	ssyncset.done $0x0  }
0x59: {  	s25 =	rddreg [dreg:$0x10];
	[sflag:s12] =	ssyncadd.s32 $0xFFFFF000  }
0x5a: {  	[spmem:s25] =	stream.linear.scatter [tilespmem:s11], [sflag:$0x6], $0x1000, $0x38;
	[tilespmem:$0x1FF40] =	vst v63  }
0x5b: {  	_ =	swait.ge [sflag:s12], $0x1000  }
0x5c: {  	[sflag:s12] =	ssyncset.done $0x0  }
0x5d: {  	s29 =	rddreg [dreg:$0x11];
	[sflag:s12] =	ssyncadd.s32 $0xFFFFF000  }
0x5e: {  	[spmem:s29] =	stream.linear.scatter [tilespmem:s11], [sflag:$0x6], $0x1000, $0x38;
	[tilespmem:$0x1FF40] =	vst v63  }
0x5f: {  	_ =	swait.ge [sflag:s12], $0x1000  }
0x60: {  	[sflag:s12] =	ssyncset.done $0x0  }
0x61: {  	s30 =	rddreg [dreg:$0x12];
	[sflag:s12] =	ssyncadd.s32 $0xFFFFF000  }
0x62: {  	[spmem:s30] =	stream.linear.scatter [tilespmem:s11], [sflag:$0x6], $0x1000, $0x38;
	[tilespmem:$0x1FF40] =	vst v63  }
0x63: {  	_ =	swait.ge [sflag:s12], $0x1000  }
0x64: {  	[sflag:s12] =	ssyncset.done $0x0  }
0x65: {  	s8 =	rddreg [dreg:$0x13];
	[sflag:s12] =	ssyncadd.s32 $0xFFFFF000  }
0x66: {  	[spmem:s8] =	stream.linear.scatter [tilespmem:s11], [sflag:$0x6], $0x1000, $0x38;
	[tilespmem:$0x1FF40] =	vst v63  }
0x67: {  	_ =	swait.ge [sflag:s12], $0x1000  }
0x68: {  	[sflag:s12] =	ssyncset.done $0x0  }
0x69: {  	s10 =	rddreg [dreg:$0x15];
	[sflag:s12] =	ssyncadd.s32 $0xFFFFF000  }
0x6a: {  	[spmem:s10] =	stream.linear.scatter [tilespmem:s11], [sflag:$0x6], $0x1000, $0x38;
	[tilespmem:$0x1FF40] =	vst v63  }
0x6b: {  	_ =	swait.ge [sflag:s12], $0x1000  }
0x6c: {  	[sflag:s12] =	ssyncset.done $0x0  }
0x6d: {  	s25 =	rddreg [dreg:$0x16];
	[sflag:s12] =	ssyncadd.s32 $0xFFFFF000  }
0x6e: {  	[spmem:s25] =	stream.linear.scatter [tilespmem:s11], [sflag:$0x6], $0x1000, $0x38;
	[tilespmem:$0x1FF40] =	vst v63  }
0x6f: {  	_ =	swait.ge [sflag:s12], $0x1000  }
0x70: {  	[sflag:s12] =	ssyncset.done $0x0  }
0x71: {  	s29 =	rddreg [dreg:$0x17];
	[sflag:s12] =	ssyncadd.s32 $0xFFFFF000  }
0x72: {  	[spmem:s29] =	stream.linear.scatter [tilespmem:s11], [sflag:$0x6], $0x1000, $0x38;
	[tilespmem:$0x1FF40] =	vst v63  }
0x73: {  	_ =	swait.ge [sflag:s12], $0x1000  }
0x74: {  	[sflag:s12] =	ssyncset.done $0x0  }
0x75: {  	s30 =	rddreg [dreg:$0x18];
	[sflag:s12] =	ssyncadd.s32 $0xFFFFF000  }
0x76: {  	[spmem:s30] =	stream.linear.scatter [tilespmem:s11], [sflag:$0x6], $0x1000, $0x38;
	[tilespmem:$0x1FF40] =	vst v63  }
0x77: {  	_ =	swait.ge [sflag:s12], $0x1000  }
0x78: {  	[sflag:s12] =	ssyncset.done $0x0  }
0x79: {  	s8 =	rddreg [dreg:$0x19];
	[sflag:s12] =	ssyncadd.s32 $0xFFFFF000  }
0x7a: {  	[spmem:s8] =	stream.linear.scatter [tilespmem:s11], [sflag:$0x6], $0x1000, $0x38;
	[tilespmem:$0x1FF40] =	vst v63  }
0x7b: {  	_ =	swait.ge [sflag:s12], $0x1000  }
0x7c: {  	[sflag:s12] =	ssyncset.done $0x0  }
0x7d: {  	s10 =	rddreg [dreg:$0x1a];
	[sflag:s12] =	ssyncadd.s32 $0xFFFFF000  }
0x7e: {  	[spmem:s10] =	stream.linear.scatter [tilespmem:s11], [sflag:$0x6], $0x1000, $0x38;
	[tilespmem:$0x1FF40] =	vst v63  }
0x7f: {  	_ =	swait.ge [sflag:s12], $0x1000  }
0x80: {  	[sflag:s12] =	ssyncset.done $0x0  }
0x81: {  	s25 =	rddreg [dreg:$0x1b];
	[sflag:s12] =	ssyncadd.s32 $0xFFFFF000  }
0x82: {  	[spmem:s25] =	stream.linear.scatter [tilespmem:s11], [sflag:$0x6], $0x1000, $0x38;
	[tilespmem:$0x1FF40] =	vst v63  }
0x83: {  	_ =	swait.ge [sflag:s12], $0x1000  }
0x84: {  	[sflag:s12] =	ssyncset.done $0x0  }
0x85: {  	[sflag:s12] =	ssyncadd.s32 $0xFFFFF000  }
0x86: {  	[spmem:s2] =	stream.linear.scatter [tilespmem:s11], [sflag:$0x6], $0x1000, $0x38;
	[tilespmem:$0x1FF40] =	vst v63  }
0x87: {  	_ =	swait.ge [sflag:s12], $0x1000  }
0x88: {  	[sflag:s12] =	ssyncset.done $0x0  }
0x89: {  	[sflag:s12] =	ssyncadd.s32 $0xFFFFF000  }
0x8a: {  	[spmem:s6] =	stream.linear.scatter [tilespmem:s11], [sflag:$0x6], $0x1000, $0x38;
	[tilespmem:$0x1FF40] =	vst v63  }
0x8b: {  	_ =	swait.ge [sflag:s12], $0x1000  }
0x8c: {  	[sflag:s12] =	ssyncset.done $0x0  }
0x8d: {  	s29 =	rddreg [dreg:$0x4];
	[sflag:s12] =	ssyncadd.s32 $0xFFFFF000  }
0x8e: {  	[spmem:s29] =	stream.linear.scatter [tilespmem:s11], [sflag:$0x6], $0x1000, $0x38;
	[tilespmem:$0x1FF40] =	vst v63  }
0x8f: {  	_ =	swait.ge [sflag:s12], $0x1000  }
0x90: {  	[sflag:s12] =	ssyncset.done $0x0  }
0x91: {  	s7 =	simm.s32 @!p0 $0x300;
	s8 =	rddreg [dreg:$0x5];
	[sflag:s12] =	ssyncadd.s32 $0xFFFFF000  }
0x92: {  	[spmem:s8] =	stream.linear.scatter @!p0 [tilespmem:s7], [sflag:$0x6], $0x400, $0x38;
	[tilespmem:$0x1FF40] =	vst v63  }
0x93: {  	s30 =	stileid.u32;
	s7 =	simm.s32 @!p0 $0x6  }
0x94: {  	s8 =	sshll.u32 s30, $0x6;
	_ =	swait.ge @!p0 [sflag:s7], $0x400  }
0x95: {  	s10 =	sor.u32 $0x1C06, s8;
	[sflag:s7] =	ssyncset.done @!p0 $0x0;
	s8 =	rddreg [dreg:$0x6]  }
0x96: {  	s25 =	rddreg [dreg:$0x14];
	[sflag:s7] =	ssyncadd.s32 @!p0 $0xFFFFFC00  }
0x97: {  	[spmem:s25], [sflag:s10] =	dma.local [hbm:s8], $0x1400  }
0x98: {  	_ =	swait.ge [sflag:s12], $0x1400  }
0x99: {  	[sflag:s12] =	ssyncset.done $0x0  }
0x9a: {  	s25 =	simm.s32 $0x0;
	[sflag:s12] =	ssyncadd.s32 $0xFFFFEC00  }
0x9b: {  	[tilespmem:s25], [sflag:$0x6] =	stream.linear.gather [hbm4b:s31+s25], $0x80, $0x38;
	[tilespmem:$0x1FF40] =	vst v63  }
0x9c: {  	_ =	swait.ge [sflag:s12], $0x80  }
0x9d: {  	[sflag:s12] =	ssyncset.done $0x0  }
0x9e: {  	[sflag:s12] =	ssyncadd.s32 $0xFFFFFF80  }
0x9f: {  	[tilespmem:s13], [sflag:$0x6] =	stream.linear.gather [hbm4b:s1+s25], $0x80, $0x38;
	[tilespmem:$0x1FF40] =	vst v63  }
0xa0: {  	_ =	swait.ge [sflag:s12], $0x80  }
0xa1: {  	[sflag:s12] =	ssyncset.done $0x0  }
0xa2: {  	s29 =	rddreg [dreg:$0x7];
	[sflag:s12] =	ssyncadd.s32 $0xFFFFFF80  }
0xa3: {  	[tilespmem:s14], [sflag:$0x6] =	stream.linear.gather [hbm4b:s29+s25], $0x80, $0x38;
	[tilespmem:$0x1FF40] =	vst v63  }
0xa4: {  	_ =	swait.ge [sflag:s12], $0x80  }
0xa5: {  	[sflag:s12] =	ssyncset.done $0x0  }
0xa6: {  	s30 =	rddreg [dreg:$0x8];
	[sflag:s12] =	ssyncadd.s32 $0xFFFFFF80  }
0xa7: {  	[tilespmem:s15], [sflag:$0x6] =	stream.linear.gather [hbm4b:s30+s25], $0x80, $0x38;
	[tilespmem:$0x1FF40] =	vst v63  }
0xa8: {  	_ =	swait.ge [sflag:s12], $0x80  }
0xa9: {  	[sflag:s12] =	ssyncset.done $0x0  }
0xaa: {  	[sflag:s12] =	ssyncadd.s32 $0xFFFFFF80  }
0xab: {  	[bflag:$0x0] =	sbarrier.arrive $0xFFFF  }
0xac: {  	v3 =	vld [tilespmem:$0x0]  }
0xad: {  	v4 =	vld [tilespmem:$0x10];
	_ =	sdelay $0x3  }
0xae: {  	v3 =	vsub.s32 v3, v0  }
.Ltmp3:
0xaf: {  	v4 =	vsub.s32 v4, v0;
	vm0 =	vlt.u32 v3, $0x1400;
	(pc) =	sbr.rel .LBB2_4-.Ltmp3, $4  }
0xb0: {  	vm15 =	vlt.u32 v4, $0x1400;
	v3 =	vsel vm0, v3, v2  }
0xb1: {  	[tilespmem:$0x0] =	vst v3;
	v3 =	vsel vm15, v4, v2  }
0xb2: {  	s7 =	smov.u32 s28;
	s8 =	smov.u32 s26;
	[tilespmem:$0x10] =	vst v3  }
0xb3: {  	[tilespmem:s11], [sflag:$0x4] =	stream.indirect.gather [spmem:s0], $0x80, s25, s16, $0xb8;
	[tilespmem:$0x1FF40] =	vst v63  }
.LBB2_31:
0xb4: {  	_ =	swait.ge [sflag:s19], $0x80  }
0xb5: {  	[sflag:s19] =	ssyncset.done $0x0  }
0xb6: {  	[sflag:s19] =	ssyncadd.s32 $0xFFFFFF80  }
0xb7: {  	_ =	swait.ge [sflag:s19], $0x80  }
0xb8: {  	[sflag:s19] =	ssyncset.done $0x0  }
0xb9: {  	[sflag:s19] =	ssyncadd.s32 $0xFFFFFF80  }
.LBB2_32:
0xba: {  	v3 =	vld [tilespmem:$0x80]  }
0xbb: {  	v4 =	vld [tilespmem:$0x90];
	_ =	sdelay $0x3  }
0xbc: {  	v3 =	vsub.s32 v3, v0  }
0xbd: {  	v4 =	vsub.s32 v4, v0;
	vm0 =	vlt.u32 v3, $0x1400  }
0xbe: {  	vm15 =	vlt.u32 v4, $0x1400;
	v3 =	vsel vm0, v3, v2  }
0xbf: {  	[tilespmem:$0x80] =	vst v3;
	v3 =	vsel vm15, v4, v2  }
0xc0: {  	p1 =	sgt.u32 s25, $0x27D;
	[tilespmem:$0x90] =	vst v3  }
0xc1: {  	[tilespmem:s11], [sflag:$0x4] =	stream.indirect.gather [spmem:s0], $0x80, s14, s16, $0xb8;
	[tilespmem:$0x1FF40] =	vst v63  }
0xc2: {  	s29 =	simm.s32 @!p1 $0x0;
	s30 =	simm.s32 @!p1 $0x100  }
0xc3: {  	[tilespmem:s30], [sflag:$0x3] =	stream.linear.gather @!p1 [hbm4b:s7+s29], $0x80, $0x38;
	[tilespmem:$0x1FF40] =	vst v63  }
0xc4: {  	s30 =	simm.s32 @!p1 $0x280  }
0xc5: {  	[tilespmem:s30], [sflag:$0x3] =	stream.linear.gather @!p1 [hbm4b:s8+s29], $0x80, $0x38;
	[tilespmem:$0x1FF40] =	vst v63  }
.LBB2_33:
0xc6: {  	_ =	swait.ge [sflag:s21], $0x1000  }
0xc7: {  	[sflag:s21] =	ssyncset.done $0x0  }
0xc8: {  	s29 =	simm.s32 $0x7;
	[sflag:s21] =	ssyncadd.s32 $0xFFFFF000  }
0xc9: {  	[spmem:s3] =	stream.indirect.scatter.add.f32 [tilespmem:s17], [sflag:$0x7], $0x80, s13, s16, $0xb8;
	[tilespmem:$0x1FF40] =	vst v63  }
.LBB2_39:
0xca: {  	s25 =	sadd.s32 $0x1, s25  }
0xcb: {  	p1 =	sne.s32 s25, $0x280  }
.Ltmp4:
0xcc: {  	_ = 	snop;
	(pc) =	sbr.rel @!p1 .LBB2_40-.Ltmp4, $4  }
0xcd: {  	_ = 	snop  }
0xce: {  	_ =	swait.ge [sflag:s29], $0x1000  }
0xcf: {  	[sflag:s29] =	ssyncset.done $0x0  }
0xd0: {  	s7 =	sadd.s32 $0x10, s7;
	s8 =	sadd.s32 $0x10, s8;
	[sflag:s29] =	ssyncadd.s32 $0xFFFFF000  }
.LBB2_4:
0xd1: {  	s29 =	smul.u32 $0xAAAB, s25;
	_ =	sdelay $0x1  }
0xd2: {  	s29 =	sshrl.u32 s29, $0x12  }
0xd3: {  	s29 =	smul.u32 $0x6, s29;
	_ =	sdelay $0x1  }
0xd4: {  	s29 =	ssub.s32 s25, s29  }
0xd5: {  	s29 =	sand.u32 $0xFFFF, s29  }
0xd6: {  	p1 =	sgt.s32 s29, $0x2  }
.Ltmp5:
0xd7: {  	_ = 	snop;
	(pc) =	sbr.rel @p1 .LBB2_12-.Ltmp5, $1  }
0xd8: {  	_ =	sdelay $0x3  }
0xd9: {  	p1 =	seq.s32 s29, $0x0  }
.Ltmp6:
0xda: {  	_ = 	snop;
	(pc) =	sbr.rel @p1 .LBB2_19-.Ltmp6, $1  }
0xdb: {  	_ =	sdelay $0x3  }
0xdc: {  	p1 =	seq.s32 s29, $0x1  }
.Ltmp7:
0xdd: {  	_ = 	snop;
	(pc) =	sbr.rel @!p1 .LBB2_24-.Ltmp7, $1  }
0xde: {  	_ =	sdelay $0x3  }
0xdf: {  	p1 =	seq.s32 s25, $0x0  }
.Ltmp8:
0xe0: {  	_ = 	snop;
	(pc) =	sbr.rel @p1 .LBB2_10-.Ltmp8, $1  }
0xe1: {  	_ =	sdelay $0x3  }
0xe2: {  	p1 =	seq.s32 s25, $0x27F  }
.Ltmp9:
0xe3: {  	_ = 	snop;
	(pc) =	sbr.rel @p1 .LBB2_11-.Ltmp9, $1  }
0xe4: {  	_ =	sdelay $0x3  }
0xe5: {  	_ =	swait.ge [sflag:s22], $0x80  }
0xe6: {  	[sflag:s22] =	ssyncset.done $0x0  }
0xe7: {  	[sflag:s22] =	ssyncadd.s32 $0xFFFFFF80  }
0xe8: {  	_ =	swait.ge [sflag:s22], $0x80  }
0xe9: {  	[sflag:s22] =	ssyncset.done $0x0  }
0xea: {  	[sflag:s22] =	ssyncadd.s32 $0xFFFFFF80  }
.LBB2_10:
0xeb: {  	v3 =	vld [tilespmem:$0x100]  }
0xec: {  	v4 =	vld [tilespmem:$0x110];
	_ =	sdelay $0x3  }
0xed: {  	v3 =	vsub.s32 v3, v0  }
0xee: {  	v4 =	vsub.s32 v4, v0;
	vm0 =	vlt.u32 v3, $0x1400  }
0xef: {  	vm15 =	vlt.u32 v4, $0x1400;
	v3 =	vsel vm0, v3, v2  }
0xf0: {  	[tilespmem:$0x100] =	vst v3;
	v3 =	vsel vm15, v4, v2  }
0xf1: {  	p1 =	sgt.u32 s25, $0x27D;
	[tilespmem:$0x110] =	vst v3  }
0xf2: {  	[tilespmem:s11], [sflag:$0x4] =	stream.indirect.gather [spmem:s0], $0x80, s20, s16, $0xb8;
	[tilespmem:$0x1FF40] =	vst v63  }
0xf3: {  	s29 =	simm.s32 @!p1 $0x0  }
0xf4: {  	[tilespmem:s29], [sflag:$0x1] =	stream.linear.gather @!p1 [hbm4b:s7+s29], $0x80, $0x38;
	[tilespmem:$0x1FF40] =	vst v63  }
0xf5: {  	s30 =	simm.s32 @!p1 $0x180  }
0xf6: {  	[tilespmem:s30], [sflag:$0x1] =	stream.linear.gather @!p1 [hbm4b:s8+s29], $0x80, $0x38;
	[tilespmem:$0x1FF40] =	vst v63  }
.LBB2_11:
.Ltmp10:
0xf7: {  	(pc) =	sbr.rel .LBB2_39-.Ltmp10, $4  }
0xf8: {  	_ =	swait.ge [sflag:s21], $0x1000  }
0xf9: {  	[sflag:s21] =	ssyncset.done $0x0  }
0xfa: {  	s29 =	simm.s32 $0x7;
	[sflag:s21] =	ssyncadd.s32 $0xFFFFF000  }
0xfb: {  	[spmem:s3] =	stream.indirect.scatter.add.f32 [tilespmem:s17], [sflag:$0x7], $0x80, s15, s16, $0xb8;
	[tilespmem:$0x1FF40] =	vst v63  }
.LBB2_12:
0xfc: {  	p2 =	seq.s32 s29, $0x3  }
.Ltmp11:
0xfd: {  	_ = 	snop;
	(pc) =	sbr.rel @p2 .LBB2_29-.Ltmp11, $2  }
0xfe: {  	_ =	sdelay $0x2  }
0xff: {  	p1 =	seq.s32 s25, $0x0  }
0x100: {  	p2 =	seq.s32 s29, $0x4  }
.Ltmp12:
0x101: {  	_ = 	snop;
	(pc) =	sbr.rel @!p2 .LBB2_34-.Ltmp12, $1  }
0x102: {  	_ =	sdelay $0x3  }
.Ltmp13:
0x103: {  	(pc) =	sbr.rel @p1 .LBB2_17-.Ltmp13, $1  }
0x104: {  	_ =	sdelay $0x3  }
0x105: {  	p1 =	seq.s32 s25, $0x27F  }
.Ltmp14:
0x106: {  	_ = 	snop;
	(pc) =	sbr.rel @p1 .LBB2_18-.Ltmp14, $1  }
0x107: {  	_ =	sdelay $0x3  }
0x108: {  	_ =	swait.ge [sflag:s22], $0x80  }
0x109: {  	[sflag:s22] =	ssyncset.done $0x0  }
0x10a: {  	[sflag:s22] =	ssyncadd.s32 $0xFFFFFF80  }
0x10b: {  	_ =	swait.ge [sflag:s22], $0x80  }
0x10c: {  	[sflag:s22] =	ssyncset.done $0x0  }
0x10d: {  	[sflag:s22] =	ssyncadd.s32 $0xFFFFFF80  }
.LBB2_17:
0x10e: {  	v3 =	vld [tilespmem:$0x100]  }
0x10f: {  	v4 =	vld [tilespmem:$0x110];
	_ =	sdelay $0x3  }
0x110: {  	v3 =	vsub.s32 v3, v0  }
0x111: {  	v4 =	vsub.s32 v4, v0;
	vm0 =	vlt.u32 v3, $0x1400  }
0x112: {  	vm15 =	vlt.u32 v4, $0x1400;
	v3 =	vsel vm0, v3, v2  }
0x113: {  	[tilespmem:$0x100] =	vst v3;
	v3 =	vsel vm15, v4, v2  }
0x114: {  	p1 =	sgt.u32 s25, $0x27D;
	[tilespmem:$0x110] =	vst v3  }
0x115: {  	[tilespmem:s17], [sflag:$0x5] =	stream.indirect.gather [spmem:s0], $0x80, s20, s16, $0xb8;
	[tilespmem:$0x1FF40] =	vst v63  }
0x116: {  	s29 =	simm.s32 @!p1 $0x0  }
0x117: {  	[tilespmem:s29], [sflag:$0x1] =	stream.linear.gather @!p1 [hbm4b:s7+s29], $0x80, $0x38;
	[tilespmem:$0x1FF40] =	vst v63  }
0x118: {  	s30 =	simm.s32 @!p1 $0x180  }
0x119: {  	[tilespmem:s30], [sflag:$0x1] =	stream.linear.gather @!p1 [hbm4b:s8+s29], $0x80, $0x38;
	[tilespmem:$0x1FF40] =	vst v63  }
.LBB2_18:
.Ltmp15:
0x11a: {  	(pc) =	sbr.rel .LBB2_39-.Ltmp15, $4  }
0x11b: {  	_ =	swait.ge [sflag:s18], $0x1000  }
0x11c: {  	[sflag:s18] =	ssyncset.done $0x0  }
0x11d: {  	s29 =	simm.s32 $0x7;
	[sflag:s18] =	ssyncadd.s32 $0xFFFFF000  }
0x11e: {  	[spmem:s3] =	stream.indirect.scatter.add.f32 [tilespmem:s11], [sflag:$0x7], $0x80, s15, s16, $0xb8;
	[tilespmem:$0x1FF40] =	vst v63  }
.LBB2_19:
0x11f: {  	p1 =	seq.s32 s25, $0x0  }
.Ltmp16:
0x120: {  	_ = 	snop;
	(pc) =	sbr.rel @p1 .LBB2_22-.Ltmp16, $1  }
0x121: {  	_ =	sdelay $0x3  }
0x122: {  	p1 =	seq.s32 s25, $0x27F  }
.Ltmp17:
0x123: {  	_ = 	snop;
	(pc) =	sbr.rel @p1 .LBB2_23-.Ltmp17, $1  }
0x124: {  	_ =	sdelay $0x3  }
0x125: {  	_ =	swait.ge [sflag:s19], $0x80  }
0x126: {  	[sflag:s19] =	ssyncset.done $0x0  }
0x127: {  	[sflag:s19] =	ssyncadd.s32 $0xFFFFFF80  }
0x128: {  	_ =	swait.ge [sflag:s19], $0x80  }
0x129: {  	[sflag:s19] =	ssyncset.done $0x0  }
0x12a: {  	[sflag:s19] =	ssyncadd.s32 $0xFFFFFF80  }
.LBB2_22:
0x12b: {  	v3 =	vld [tilespmem:$0x80]  }
0x12c: {  	v4 =	vld [tilespmem:$0x90];
	_ =	sdelay $0x3  }
0x12d: {  	v3 =	vsub.s32 v3, v0  }
0x12e: {  	v4 =	vsub.s32 v4, v0;
	vm0 =	vlt.u32 v3, $0x1400  }
0x12f: {  	vm15 =	vlt.u32 v4, $0x1400;
	v3 =	vsel vm0, v3, v2  }
0x130: {  	[tilespmem:$0x80] =	vst v3;
	v3 =	vsel vm15, v4, v2  }
0x131: {  	p1 =	sgt.u32 s25, $0x27D;
	[tilespmem:$0x90] =	vst v3  }
0x132: {  	[tilespmem:s17], [sflag:$0x5] =	stream.indirect.gather [spmem:s0], $0x80, s14, s16, $0xb8;
	[tilespmem:$0x1FF40] =	vst v63  }
0x133: {  	s29 =	simm.s32 @!p1 $0x0;
	s30 =	simm.s32 @!p1 $0x100  }
0x134: {  	[tilespmem:s30], [sflag:$0x3] =	stream.linear.gather @!p1 [hbm4b:s7+s29], $0x80, $0x38;
	[tilespmem:$0x1FF40] =	vst v63  }
0x135: {  	s30 =	simm.s32 @!p1 $0x280  }
0x136: {  	[tilespmem:s30], [sflag:$0x3] =	stream.linear.gather @!p1 [hbm4b:s8+s29], $0x80, $0x38;
	[tilespmem:$0x1FF40] =	vst v63  }
.LBB2_23:
.Ltmp18:
0x137: {  	(pc) =	sbr.rel .LBB2_39-.Ltmp18, $4  }
0x138: {  	_ =	swait.ge [sflag:s18], $0x1000  }
0x139: {  	[sflag:s18] =	ssyncset.done $0x0  }
0x13a: {  	s29 =	simm.s32 $0x7;
	[sflag:s18] =	ssyncadd.s32 $0xFFFFF000  }
0x13b: {  	[spmem:s3] =	stream.indirect.scatter.add.f32 [tilespmem:s11], [sflag:$0x7], $0x80, s13, s16, $0xb8;
	[tilespmem:$0x1FF40] =	vst v63  }
.LBB2_29:
.Ltmp19:
0x13c: {  	(pc) =	sbr.rel @p1 .LBB2_32-.Ltmp19, $1  }
0x13d: {  	_ =	sdelay $0x3  }
0x13e: {  	p1 =	seq.s32 s25, $0x27F  }
.Ltmp20:
0x13f: {  	_ = 	snop;
	(pc) =	sbr.rel @p1 .LBB2_33-.Ltmp20, $4  }
.Ltmp21:
0x140: {  	_ = 	snop;
	(pc) =	sbr.rel @!p1 .LBB2_31-.Ltmp21, $4  }
0x141: {  	_ = 	snop  }
0x142: {  	_ = 	snop  }
0x143: {  	_ = 	snop  }
0x144: {  	_ = 	snop  }
.LBB2_24:
0x145: {  	p1 =	seq.s32 s25, $0x0  }
.Ltmp22:
0x146: {  	_ = 	snop;
	(pc) =	sbr.rel @p1 .LBB2_27-.Ltmp22, $1  }
0x147: {  	_ =	sdelay $0x3  }
0x148: {  	p1 =	seq.s32 s25, $0x27F  }
.Ltmp23:
0x149: {  	_ = 	snop;
	(pc) =	sbr.rel @p1 .LBB2_28-.Ltmp23, $1  }
0x14a: {  	_ =	sdelay $0x3  }
0x14b: {  	_ =	swait.ge [sflag:s9], $0x80  }
0x14c: {  	[sflag:s9] =	ssyncset.done $0x0  }
0x14d: {  	[sflag:s9] =	ssyncadd.s32 $0xFFFFFF80  }
0x14e: {  	_ =	swait.ge [sflag:s9], $0x80  }
0x14f: {  	[sflag:s9] =	ssyncset.done $0x0  }
0x150: {  	[sflag:s9] =	ssyncadd.s32 $0xFFFFFF80  }
.LBB2_27:
0x151: {  	v3 =	vld [tilespmem:$0x0]  }
0x152: {  	v4 =	vld [tilespmem:$0x10];
	_ =	sdelay $0x3  }
0x153: {  	v3 =	vsub.s32 v3, v0  }
0x154: {  	v4 =	vsub.s32 v4, v0;
	vm0 =	vlt.u32 v3, $0x1400  }
0x155: {  	vm15 =	vlt.u32 v4, $0x1400;
	v3 =	vsel vm0, v3, v2  }
0x156: {  	[tilespmem:$0x0] =	vst v3;
	v3 =	vsel vm15, v4, v2  }
0x157: {  	p1 =	sgt.u32 s25, $0x27D;
	[tilespmem:$0x10] =	vst v3  }
0x158: {  	[tilespmem:s17], [sflag:$0x5] =	stream.indirect.gather [spmem:s0], $0x80, s4, s16, $0xb8;
	[tilespmem:$0x1FF40] =	vst v63  }
0x159: {  	s29 =	simm.s32 @!p1 $0x0;
	s30 =	simm.s32 @!p1 $0x80  }
0x15a: {  	[tilespmem:s30], [sflag:$0x2] =	stream.linear.gather @!p1 [hbm4b:s7+s29], $0x80, $0x38;
	[tilespmem:$0x1FF40] =	vst v63  }
0x15b: {  	s30 =	simm.s32 @!p1 $0x200  }
0x15c: {  	[tilespmem:s30], [sflag:$0x2] =	stream.linear.gather @!p1 [hbm4b:s8+s29], $0x80, $0x38;
	[tilespmem:$0x1FF40] =	vst v63  }
.LBB2_28:
.Ltmp24:
0x15d: {  	(pc) =	sbr.rel .LBB2_39-.Ltmp24, $4  }
0x15e: {  	_ =	swait.ge [sflag:s18], $0x1000  }
0x15f: {  	[sflag:s18] =	ssyncset.done $0x0  }
0x160: {  	s29 =	simm.s32 $0x7;
	[sflag:s18] =	ssyncadd.s32 $0xFFFFF000  }
0x161: {  	[spmem:s3] =	stream.indirect.scatter.add.f32 [tilespmem:s11], [sflag:$0x7], $0x80, s23, s16, $0xb8;
	[tilespmem:$0x1FF40] =	vst v63  }
.LBB2_34:
.Ltmp25:
0x162: {  	(pc) =	sbr.rel @p1 .LBB2_37-.Ltmp25, $1  }
0x163: {  	_ =	sdelay $0x3  }
0x164: {  	p1 =	seq.s32 s25, $0x27F  }
.Ltmp26:
0x165: {  	_ = 	snop;
	(pc) =	sbr.rel @p1 .LBB2_38-.Ltmp26, $1  }
0x166: {  	_ =	sdelay $0x3  }
0x167: {  	_ =	swait.ge [sflag:s9], $0x80  }
0x168: {  	[sflag:s9] =	ssyncset.done $0x0  }
0x169: {  	[sflag:s9] =	ssyncadd.s32 $0xFFFFFF80  }
0x16a: {  	_ =	swait.ge [sflag:s9], $0x80  }
0x16b: {  	[sflag:s9] =	ssyncset.done $0x0  }
0x16c: {  	[sflag:s9] =	ssyncadd.s32 $0xFFFFFF80  }
.LBB2_37:
0x16d: {  	v3 =	vld [tilespmem:$0x0]  }
0x16e: {  	v4 =	vld [tilespmem:$0x10];
	_ =	sdelay $0x3  }
0x16f: {  	v3 =	vsub.s32 v3, v0  }
0x170: {  	v4 =	vsub.s32 v4, v0;
	vm0 =	vlt.u32 v3, $0x1400  }
0x171: {  	vm15 =	vlt.u32 v4, $0x1400;
	v3 =	vsel vm0, v3, v2  }
0x172: {  	[tilespmem:$0x0] =	vst v3;
	v3 =	vsel vm15, v4, v2  }
0x173: {  	p1 =	sgt.u32 s25, $0x27D;
	[tilespmem:$0x10] =	vst v3  }
0x174: {  	[tilespmem:s11], [sflag:$0x4] =	stream.indirect.gather [spmem:s0], $0x80, s4, s16, $0xb8;
	[tilespmem:$0x1FF40] =	vst v63  }
0x175: {  	s29 =	simm.s32 @!p1 $0x0;
	s30 =	simm.s32 @!p1 $0x80  }
0x176: {  	[tilespmem:s30], [sflag:$0x2] =	stream.linear.gather @!p1 [hbm4b:s7+s29], $0x80, $0x38;
	[tilespmem:$0x1FF40] =	vst v63  }
0x177: {  	s30 =	simm.s32 @!p1 $0x200  }
0x178: {  	[tilespmem:s30], [sflag:$0x2] =	stream.linear.gather @!p1 [hbm4b:s8+s29], $0x80, $0x38;
	[tilespmem:$0x1FF40] =	vst v63  }
.LBB2_38:
.Ltmp27:
0x179: {  	(pc) =	sbr.rel .LBB2_39-.Ltmp27, $4  }
0x17a: {  	_ =	swait.ge [sflag:s21], $0x1000  }
0x17b: {  	[sflag:s21] =	ssyncset.done $0x0  }
0x17c: {  	s29 =	simm.s32 $0x6;
	[sflag:s21] =	ssyncadd.s32 $0xFFFFF000  }
0x17d: {  	[spmem:s3] =	stream.indirect.scatter.add.f32 [tilespmem:s17], [sflag:$0x6], $0x80, s23, s16, $0xb8;
	[tilespmem:$0x1FF40] =	vst v63  }
.LBB2_41:
0x17e: {  	_ =	sfence.sel $0x180000  }
0x17f: {  	[bflag:$0x0] =	sbarrier.arrive $0xFFFF  }
0x180: {  	_ =	strace $0x9000004A  }
0x181: {  	[bflag:$0x2] =	sbarrier.arrive $0xFFFF  }
0x182: {  	s0 =	rddreg [dreg:$0x3]  }
0x183: {  	s0 =	sadd.s32 @!p0 $0x100000, s0  }
0x184: {  	[sflag:s0] =	ssyncadd.tile.s32 @!p0 $0x1;
	_ =	shalt  }
.Lfunc_end2:
_tile_overlayer_lowered:
.L_overlay_start_2:
0x185: {  	(tag) =	ssettag $0x2  }
0x186: {  	s0 =	rddreg [dreg:$0x0];
	s2 =	stileid.u32  }
0x187: {  	s1 =	rddreg [dreg:$0x1];
	p0 =	sne.s32 s2, $0x0  }
0x188: {  	s3 =	rddreg [dreg:$0x2];
	[bflag:$0x3] =	sbarrier.arrive $0xFFFF;
	s2 =	simm.s32 @!p0 $0x1C06  }
0x189: {  	[timem:s3], [sflag:s2] =	dma.local @!p0 [hbm:s0], s1  }
0x18a: {  	s0 =	simm.s32 @!p0 $0x6  }
0x18b: {  	_ =	swait.ge @!p0 [sflag:s0], s1  }
0x18c: {  	s1 =	ssub.s32 @!p0 $0x0, s1;
	[sflag:s0] =	ssyncset.done @!p0 $0x0  }
0x18d: {  	[sflag:s0] =	ssyncadd.s32 @!p0 s1  }
0x18e: {  	[bflag:$0x3] =	sbarrier.arrive $0xFFFF  }
0x18f: {  	_ =	shalt  }

// kernel: kernel.14.cloned.1.call-start
scs
__scs_entry_jumppad:
0x0: {  	(pc) =	sbr.rel $0x88, $3  }
0x1: {  	(tag) =	ssettag $0x0;
	lr =	simm.s32 $0x1  }
0x2: {  	[smem:$0x3F9B] =	sst lr;
	_ =	strace $0xD0000000  }
0x3: {  	_ = 	snop  }
0x4: {  	_ = 	snop  }
0x5: {  	_ = 	snop  }
0x6: {  	_ = 	snop  }
0x7: {  	_ = 	snop  }
__scs_overlays_trampoline_lowered:
0x8: {  	[smem:$0x3FAA] =	sst s0  }
0x9: {  	[smem:$0x3FAB] =	sst s1  }
0xa: {  	[smem:$0x3FAC] =	sst s2  }
0xb: {  	[smem:$0x3FAD] =	sst s3  }
0xc: {  	[smem:$0x3FAE] =	sst s4  }
0xd: {  	[smem:$0x3FAF] =	sst s5  }
0xe: {  	[smem:$0x3FB0] =	sst s6  }
0xf: {  	[smem:$0x3FB1] =	sst s7  }
0x10: {  	[smem:$0x3FB2] =	sst s8  }
0x11: {  	[smem:$0x3FB3] =	sst s9;
	s0 =	simm.s32 @!p0 $0x0  }
0x12: {  	s1 =	sld [smem:$0x3F99];
	s0 =	simm.s32 @p0 $0x1  }
0x13: {  	[smem:$0x3FB4] =	sst s0;
	s0 =	simm.s32 @!p1 $0x0  }
0x14: {  	s2 =	sld [smem:$0x3F98];
	s0 =	simm.s32 @p1 $0x1  }
0x15: {  	[smem:$0x3FB5] =	sst s0;
	s0 =	simm.s32 @!p2 $0x0  }
0x16: {  	s3 =	sld [smem:$0x3FDB];
	s0 =	simm.s32 @p2 $0x1  }
0x17: {  	s4 =	simm.s32 $0x1BF5;
	[smem:$0x3FB7] =	sst s0  }
0x18: {  	s0 =	sld [smem:$0x3F9A];
	_ =	swait.ge [sflag:s4], $0x0  }
0x19: {  	s7 =	sld [smem:$0x3F9B]  }
0x1a: {  	s8 =	sadd.s32 $0xFFFFE003, lr  }
0x1b: {  	s9 =	sadd.s32 $0xFFFFFEF7, lr;
	s5 =	simm.s32 $0xFFFFFFFF;
	p2 =	slt.u32 s8, $0xFFFFF086  }
0x1c: {  	p1 =	slt.u32 s9, $0xF7A;
	s5 =	simm.s32 @!p2 $0x0  }
0x1d: {  	s5 =	simm.s32 @p1 $0x1;
	p0 =	seq.s32 s7, s2  }
0x1e: {  	s7 =	smul.u32 @!p0 $0xF7A, s2;
	p2 =	seq.s32 @!p0 s5, $0x0  }
0x1f: {  	s9 =	smul.u32 $0xF7A, s1;
	s8 =	simm.s32 @!p0 $0x1BF5;
	p2 =	por !p2, p0  }
0x20: {  	[sflag:s8] =	ssyncset.s32 @!p0 $0xFFFFF086;
	s6 =	sadd.s32 @!p0 s3, s7;
	s7 =	simm.s32 @!p0 $0x108  }
0x21: {  	s3 =	sadd.s32 s3, s9;
	s6 =	sadd.s32 @!p0 $0x88, s6;
	s7 =	simm.s32 @p2 $0x1082  }
0x22: {  	[simem:s7], [sflag:s8] =	dma.local @!p0 [hbm:s6], $0xF7A  }
0x23: {  	s9 =	sor.u32 $0xD0000000, s2;
	s6 =	simm.s32 $0x108;
	_ =	swait.ge @!p0 [sflag:s8], $0x0  }
0x24: {  	s3 =	sadd.s32 $0x88, s3;
	s6 =	simm.s32 @!p1 $0x1082;
	[sflag:s4] =	ssyncset.s32 $0xFFFFF086  }
0x25: {  	[simem:s6], [sflag:s4] =	dma.local [hbm:s3], $0xF7A  }
0x26: {  	[smem:$0x3F9B] =	sst s1;
	(tag) =	ssettag s2;
	_ =	strace s9  }
0x27: {  	s1 =	sld [smem:$0x3FAB]  }
0x28: {  	s2 =	sld [smem:$0x3FAC]  }
0x29: {  	s4 =	sld [smem:$0x3FAE]  }
0x2a: {  	p0 =	seq.s32 s5, $0x0;
	s5 =	sld [smem:$0x3FAF]  }
0x2b: {  	s6 =	sld [smem:$0x3FB0]  }
0x2c: {  	s7 =	sld [smem:$0x3FB1]  }
0x2d: {  	s3 =	simm.s32 $0x108;
	s8 =	sld [smem:$0x3FB2]  }
0x2e: {  	s3 =	simm.s32 @!p0 $0x1082;
	s9 =	sld [smem:$0x3FB3]  }
0x2f: {  	lr =	sadd.s32 s0, s3;
	s0 =	sld [smem:$0x3FAA]  }
0x30: {  	s3 =	sld [smem:$0x3FAD]  }
0x31: {  	[smem:$0x3FB6] =	sst s10  }
0x32: {  	s10 =	sld [smem:$0x3FB4];
	_ =	sdelay $0x3  }
0x33: {  	p0 =	seq.s32 s10, $0x1;
	s10 =	sld [smem:$0x3FB6];
	_ =	sdelay $0x3  }
0x34: {  	[smem:$0x3FB6] =	sst s10  }
0x35: {  	s10 =	sld [smem:$0x3FB5];
	_ =	sdelay $0x3  }
0x36: {  	p1 =	seq.s32 s10, $0x1;
	s10 =	sld [smem:$0x3FB6];
	_ =	sdelay $0x3  }
0x37: {  	[smem:$0x3FB6] =	sst s10  }
0x38: {  	s10 =	sld [smem:$0x3FB7]  }
0x39: {  	_ = 	snop;
	(pc) =	sbr.ind lr, $3  }
0x3a: {  	_ = 	snop  }
0x3b: {  	_ = 	snop  }
0x3c: {  	p2 =	seq.s32 s10, $0x1;
	s10 =	sld [smem:$0x3FB6]  }
0x3d: {  	_ =	shalt  }
0x3e: {  	_ =	shalt  }
0x3f: {  	_ =	shalt  }
0x40: {  	_ =	shalt  }
0x41: {  	_ =	shalt  }
0x42: {  	_ =	shalt  }
0x43: {  	_ =	shalt  }
0x44: {  	_ =	shalt  }
0x45: {  	_ =	shalt  }
0x46: {  	_ =	shalt  }
0x47: {  	_ =	shalt  }
0x48: {  	_ =	shalt  }
0x49: {  	_ =	shalt  }
0x4a: {  	_ =	shalt  }
0x4b: {  	_ =	shalt  }
0x4c: {  	_ =	shalt  }
0x4d: {  	_ =	shalt  }
0x4e: {  	_ =	shalt  }
0x4f: {  	_ =	shalt  }
0x50: {  	_ =	shalt  }
0x51: {  	_ =	shalt  }
0x52: {  	_ =	shalt  }
0x53: {  	_ =	shalt  }
0x54: {  	_ =	shalt  }
0x55: {  	_ =	shalt  }
0x56: {  	_ =	shalt  }
0x57: {  	_ =	shalt  }
0x58: {  	_ =	shalt  }
0x59: {  	_ =	shalt  }
0x5a: {  	_ =	shalt  }
0x5b: {  	_ =	shalt  }
0x5c: {  	_ =	shalt  }
0x5d: {  	_ =	shalt  }
0x5e: {  	_ =	shalt  }
0x5f: {  	_ =	shalt  }
0x60: {  	_ =	shalt  }
0x61: {  	_ =	shalt  }
0x62: {  	_ =	shalt  }
0x63: {  	_ =	shalt  }
0x64: {  	_ =	shalt  }
0x65: {  	_ =	shalt  }
0x66: {  	_ =	shalt  }
0x67: {  	_ =	shalt  }
0x68: {  	_ =	shalt  }
0x69: {  	_ =	shalt  }
0x6a: {  	_ =	shalt  }
0x6b: {  	_ =	shalt  }
0x6c: {  	_ =	shalt  }
0x6d: {  	_ =	shalt  }
0x6e: {  	_ =	shalt  }
0x6f: {  	_ =	shalt  }
0x70: {  	_ =	shalt  }
0x71: {  	_ =	shalt  }
0x72: {  	_ =	shalt  }
0x73: {  	_ =	shalt  }
0x74: {  	_ =	shalt  }
0x75: {  	_ =	shalt  }
0x76: {  	_ =	shalt  }
0x77: {  	_ =	shalt  }
0x78: {  	_ =	shalt  }
0x79: {  	_ =	shalt  }
0x7a: {  	_ =	shalt  }
0x7b: {  	_ =	shalt  }
0x7c: {  	_ =	shalt  }
0x7d: {  	_ =	shalt  }
0x7e: {  	_ =	shalt  }
0x7f: {  	_ =	shalt  }
0x80: {  	_ =	shalt  }
0x81: {  	_ =	shalt  }
0x82: {  	_ =	shalt  }
0x83: {  	_ =	shalt  }
0x84: {  	_ =	shalt  }
0x85: {  	_ =	shalt  }
0x86: {  	_ =	shalt  }
0x87: {  	_ =	shalt  }
.Lfunc_end0:
.L_simem_size_0:
called_computation.2_lowered:
.L_overlay_start_0:
0x88: {  	s2 =	sld [smem:$0x3FD9]  }
0x89: {  	s3 =	sld [smem:$0x3FFE];
	_ =	sdelay $0x1  }
0x8a: {  	s1 =	srdreg.scid  }
0x8b: {  	s0 =	sand.u32 $0x1, s1  }
0x8c: {  	s16 =	sshll.u32 s0, $0xA;
	s2 =	sadd.s32 s3, s2  }
0x8d: {  	s2 =	sadd.s32 s2, s16  }
0x8e: {  	[smem:$0x3FC2] =	sst s2  }
0x8f: {  	_ = 	snop  }
0x90: {  	(tm) =	ssettm $0x1  }
0x91: {  	s17 =	sld [smem:$0x3FFB];
	_ =	sdelay $0x3  }
0x92: {  	_ =	strace s17  }
0x93: {  	s2 =	sld [smem:$0x3FFC];
	_ =	sdelay $0x3  }
0x94: {  	_ =	strace s2  }
0x95: {  	s2 =	sld [smem:$0x3FFD];
	_ =	sdelay $0x3  }
0x96: {  	_ =	strace s2  }
0x97: {  	_ =	strace $0x8FFFFFFF  }
0x98: {  	s18 =	sld [smem:$0x3FDB];
	_ =	sdelay $0x1  }
0x99: {  	s19 =	simm.s32 $_scs_section_size  }
0x9a: {  	s4 =	simm.s32 $_size__tile_overlayer_lowered;
	s5 =	simm.s32 $_tile_overlayer_lowered  }
0x9b: {  	s22 =	simm.s32 $0x1BFF;
	s21 =	sshll.u32 s5, $0x1;
	s2 =	sadd.s32 s19, s18  }
0x9c: {  	s6 =	simm.s32 $0x0;
	s20 =	sshll.u32 s4, $0x1;
	s4 =	sadd.s32 s21, s2  }
0x9d: {  	[timem:s6], [sflag:s22] =	dma.local [hbm:s4], s20  }
0x9e: {  	_ =	swait.ge [sflag:s22], s20  }
0x9f: {  	s3 =	ssub.s32 $0x0, s20;
	[sflag:s22] =	ssyncset.done $0x0  }
0xa0: {  	[sflag:s22] =	ssyncadd.s32 s3;
	_ =	sdelay $0x1  }
0xa1: {  	s23 =	simm.s32 $0x1B8B  }
0xa2: {  	_ =	swait.ge [sflag:s23], $0x1  }
0xa3: {  	[sflag:s23] =	ssyncset.done $0x0  }
0xa4: {  	s25 =	simm.s32 $0x1B8E;
	s24 =	sld [smem:$0x3FFE];
	[sflag:s23] =	ssyncadd.s32 $0xFFFFFFFF  }
0xa5: {  	s26 =	simm.s32 $execute0_lowered;
	[smem:$0x3FD2] =	sst s25  }
0xa6: {  	s4 =	sshll.u32 s26, $0x1;
	_ =	strace $0x8000004C;
	[dreg:$0x1] =	wrdreg $0xFFFFFFFF  }
0xa7: {  	s28 =	simm.s32 $_size_execute0_lowered;
	s2 =	sadd.s32 s2, s4;
	[dreg:$0x0] =	wrdreg $0x0  }
0xa8: {  	s4 =	sshll.u32 s28, $0x1;
	[dreg:$0x2] =	wrdreg s2  }
0xa9: {  	[dreg:$0x3] =	wrdreg s4  }
0xaa: {  	[dreg:$0x4] =	wrdreg $0xC0  }
0xab: {  	_ =	task [dreg:s6], $0x5FFFF  }
0xac: {  	[dreg:$0x1] =	wrdreg $0xFFFFFFFF  }
0xad: {  	[dreg:$0x0] =	wrdreg $0x60  }
0xae: {  	[dreg:$0x2] =	wrdreg s24  }
0xaf: {  	[dreg:$0x3] =	wrdreg $0x23000  }
0xb0: {  	[dreg:$0x4] =	wrdreg $0xC3400  }
0xb1: {  	[dreg:$0x5] =	wrdreg $0x9  }
0xb2: {  	_ =	task.clear_ibuf [dreg:s6], $0x6FFFF;
	_ =	strace $0x9000004C  }
0xb3: {  	s29 =	simm.s32 $0x9;
	_ =	strace $0x8000004E  }
0xb4: {  	_ =	swait.ge [sflag:s29], $0x1  }
0xb5: {  	[sflag:s29] =	ssyncadd.s32 $0xFFFFFFFF  }
0xb6: {  	_ =	strace $0x9000004E  }
0xb7: {  	_ =	sfence  }
0xb8: {  	s30 =	sld [smem:$0x0];
	_ =	sdelay $0x2  }
0xb9: {  	s31 =	sshll.u32 s1, $0xD;
	s1 =	sshrl.u32 s1, $0x2  }
0xba: {  	s3 =	sand.u32 $0x4000, s31;
	s1 =	sadd.s32 s1, s30  }
0xbb: {  	s0 =	sor.u32 s3, s0;
	s1 =	sshll.u32 s1, $0x11  }
0xbc: {  	s0 =	sor.u32 s1, s0  }
0xbd: {  	s0 =	sadd.s32 $0x8F2B, s0  }
0xbe: {  	[sflag:s0] =	ssyncadd.remote.s32 $0x1  }
0xbf: {  	_ =	sfence.sel $0xFFFF  }
0xc0: {  	[dreg:$0x0] =	wrdreg $0xFFFFFFFF;
	(pc) =	sbr.abs _section_cstart, $3  }
0xc1: {  	[dreg:$0x1] =	wrdreg $0xFFFFFFFF  }
0xc2: {  	_ =	task.clear_ibuf [dreg:s6], $0x2FFFF;
	_ =	strace $0x9FFFFFFF  }
0xc3: {  	(tm) =	ssettm $0x7FFFFFFF  }
tec
execute0_lowered:
.L_overlay_start_1:
0x0: {  	(tag) =	ssettag $0x1  }
0x1: {  	s1 =	rddreg [dreg:$0x0];
	s13 =	stileid.u32  }
0x2: {  	s2 =	srdreg.scid;
	s5 =	smul.u32 $0x140, s13  }
0x3: {  	s0 =	rddreg [dreg:$0x1];
	s6 =	smul.u32 $0x2780, s13  }
0x4: {  	s3 =	rddreg [dreg:$0x2];
	s4 =	simm.s32 $0x0;
	s11 =	smul.u32 $0x4F000, s13  }
0x5: {  	s2 =	sand.u32 $0x1, s2;
	[smem:$0x7FF] =	sst s4;
	s12 =	smul.u32 $0x28000, s13  }
0x6: {  	s9 =	sadd.s32 $0x2AC00, s1;
	s10 =	sadd.s32 $0x2C00, s1;
	s25 =	smul.u32 $0x2800, s13  }
0x7: {  	s29 =	sadd.s32 $0xA0000, s0;
	s7 =	smul.u32 $0x1400, s2;
	_ =	strace $0x8000004D  }
0x8: {  	s21 =	smul.u32 $0x28000, s2;
	[dreg:$0x5] =	wrdreg s29;
	s23 =	sshrl.u32 s11, $0x2  }
0x9: {  	s24 =	sshrl.u32 s12, $0x2;
	s30 =	sor.u32 $0x10, s25;
	s5 =	sadd.s32 s5, s7  }
0xa: {  	s12 =	sadd.s32 s9, s25;
	s9 =	sadd.s32 s9, s30;
	s5 =	sshll.u32 s5, $0x4  }
0xb: {  	[dreg:$0x7] =	wrdreg s9;
	s8 =	sadd.s32 s5, s1;
	s5 =	sadd.s32 s6, s21  }
0xc: {  	s6 =	sadd.s32 s24, s0;
	s1 =	sadd.s32 s5, s1;
	s8 =	sadd.s32 $0x52C00, s8  }
0xd: {  	s5 =	sadd.s32 s23, s3;
	s21 =	sshrl.u32 s6, $0x3;
	[dreg:$0x6] =	wrdreg s8  }
0xe: {  	s26 =	sadd.s32 $0x12C00, s5;
	[dreg:$0x14] =	wrdreg s21  }
0xf: {  	s8 =	sadd.s32 s10, s30;
	[dreg:$0x4] =	wrdreg s26  }
0x10: {  	s1 =	sadd.s32 $0x7AC00, s1;
	[dreg:$0x8] =	wrdreg s8  }
0x11: {  	s9 =	sadd.s32 $0x1000, s5;
	[dreg:$0x9] =	wrdreg s1  }
0x12: {  	s11 =	sadd.s32 s10, s25;
	s10 =	sadd.s32 $0x2000, s5;
	[dreg:$0xb] =	wrdreg s9  }
0x13: {  	s14 =	sadd.s32 $0x3000, s5;
	[dreg:$0xc] =	wrdreg s10  }
0x14: {  	s15 =	sadd.s32 $0x4000, s5;
	[dreg:$0xd] =	wrdreg s14  }
0x15: {  	s16 =	sadd.s32 $0x5000, s5;
	[dreg:$0xe] =	wrdreg s15  }
0x16: {  	p0 =	sne.s32 s13, $0x0;
	s17 =	sadd.s32 $0x6000, s5;
	[dreg:$0xf] =	wrdreg s16  }
0x17: {  	s13 =	simm.s32 $0x180;
	s18 =	sadd.s32 $0x7000, s5;
	[dreg:$0x10] =	wrdreg s17  }
0x18: {  	s2 =	ssub.s32 $0x2, s2;
	s19 =	sadd.s32 $0x8000, s5;
	[dreg:$0x11] =	wrdreg s18  }
0x19: {  	s22 =	sshrl.u32 s2, $0x1;
	s20 =	sadd.s32 $0x9000, s5;
	[dreg:$0x12] =	wrdreg s19  }
0x1a: {  	s2 =	ssub.s32 s2, s22;
	s22 =	sadd.s32 $0xA000, s5;
	[dreg:$0x13] =	wrdreg s20  }
0x1b: {  	s31 =	smov.u32 s12;
	s23 =	sadd.s32 $0xB000, s5;
	[dreg:$0x15] =	wrdreg s22  }
0x1c: {  	s28 =	sadd.s32 $0x20, s12;
	s24 =	sadd.s32 $0xC000, s5;
	[dreg:$0x16] =	wrdreg s23  }
0x1d: {  	s12 =	simm.s32 $0x6;
	s25 =	sadd.s32 $0xD000, s5;
	[dreg:$0x17] =	wrdreg s24  }
0x1e: {  	s29 =	sadd.s32 $0xF000, s5;
	s30 =	sadd.s32 $0x10000, s5;
	[dreg:$0x18] =	wrdreg s25  }
0x1f: {  	s6 =	sadd.s32 $0x12000, s5;
	s21 =	simm.s32 $0x5;
	[dreg:$0x1a] =	wrdreg s29  }
0x20: {  	s8 =	smax.u32 s2, $0x1;
	s26 =	sadd.s32 $0xE000, s5;
	[dreg:$0x1b] =	wrdreg s30  }
0x21: {  	s2 =	sadd.s32 $0x11000, s5;
	s1 =	smov.u32 s11;
	s14 =	simm.s32 $0x80  }
.Ltmp0:
0x22: {  	s15 =	simm.s32 $0x200;
	s16 =	simm.s32 $0x20;
	(pc) =	sbr.rel .LBB2_1-.Ltmp0, $4  }
0x23: {  	s17 =	simm.s32 $0x1300;
	s18 =	simm.s32 $0x4;
	s19 =	simm.s32 $0x2  }
0x24: {  	v0 =	vlaneseq.u32;
	s20 =	simm.s32 $0x100;
	s22 =	simm.s32 $0x3;
	s23 =	simm.s32 $0x280  }
0x25: {  	v2 =	vand.u32 $0x7, v0;
	s9 =	simm.s32 $0x1;
	s24 =	simm.s32 $0x0;
	[dreg:$0xa] =	wrdreg s8  }
0x26: {  	v1 =	vimm.f32 $0.0e+00;
	v2 =	vor.u32 $0x1400, v2;
	v0 =	vmov s7;
	[dreg:$0x19] =	wrdreg s26;
	s26 =	sadd.s32 $0x20, s11;
	s11 =	simm.s32 $0x300  }
.LBB2_40:
0x27: {  	[bflag:$0x0] =	sbarrier.arrive $0xFFFF  }
0x28: {  	s7 =	sshrl.u32 s5, $0x3;
	s8 =	rddreg [dreg:$0x9]  }
0x29: {  	[hbm:s8], [sflag:s10] =	dma.local [spmem:s7], $0x2780  }
0x2a: {  	_ =	swait.ge [sflag:s12], $0x2780  }
0x2b: {  	s24 =	sadd.s32 $0x1, s24;
	s30 =	rddreg [dreg:$0xa]  }
0x2c: {  	p1 =	sne.s32 s24, s30  }
.Ltmp1:
0x2d: {  	_ = 	snop;
	(pc) =	sbr.rel @!p1 .LBB2_41-.Ltmp1, $3  }
0x2e: {  	_ =	sdelay $0x1  }
0x2f: {  	[sflag:s12] =	ssyncset.done $0x0  }
0x30: {  	[sflag:s12] =	ssyncadd.s32 $0xFFFFD880  }
.LBB2_1:
0x31: {  	s7 =	simm.s32 $0x0;
	s8 =	simm.s32 $0x200  }
.LBB2_2:
0x32: {  	p1 =	sne.s32 s8, $0x3E00;
	[tilespmem:s7+$0x370] =	vst v1  }
0x33: {  	[tilespmem:s7+$0x300] =	vst v1  }
0x34: {  	[tilespmem:s7+$0x310] =	vst v1  }
.Ltmp2:
0x35: {  	[tilespmem:s7+$0x320] =	vst v1;
	(pc) =	sbr.rel @p1 .LBB2_2-.Ltmp2, $4  }
0x36: {  	[tilespmem:s7+$0x330] =	vst v1  }
0x37: {  	[tilespmem:s7+$0x340] =	vst v1  }
0x38: {  	[tilespmem:s7+$0x350] =	vst v1  }
0x39: {  	[tilespmem:s7+$0x360] =	vst v1;
	s7 =	sshra.s32 s8, $0x2;
	s8 =	sadd.s32 $0x200, s8  }
0x3a: {  	[tilespmem:s7+$0x370] =	vst v1  }
0x3b: {  	[tilespmem:s7+$0x300] =	vst v1  }
0x3c: {  	[tilespmem:s7+$0x310] =	vst v1  }
0x3d: {  	[tilespmem:s7+$0x320] =	vst v1  }
0x3e: {  	[tilespmem:s7+$0x330] =	vst v1  }
0x3f: {  	[tilespmem:s7+$0x340] =	vst v1  }
0x40: {  	[tilespmem:s7+$0x350] =	vst v1  }
0x41: {  	[tilespmem:s7+$0x360] =	vst v1  }
0x42: {  	[spmem:s5] =	stream.linear.scatter [tilespmem:s11], [sflag:$0x6], $0x1000, $0x38;
	[tilespmem:$0x1FF40] =	vst v63  }
0x43: {  	_ =	swait.ge [sflag:s12], $0x1000  }
0x44: {  	[sflag:s12] =	ssyncset.done $0x0  }
0x45: {  	s25 =	rddreg [dreg:$0xb];
	[sflag:s12] =	ssyncadd.s32 $0xFFFFF000  }
0x46: {  	[spmem:s25] =	stream.linear.scatter [tilespmem:s11], [sflag:$0x6], $0x1000, $0x38;
	[tilespmem:$0x1FF40] =	vst v63  }
0x47: {  	_ =	swait.ge [sflag:s12], $0x1000  }
0x48: {  	[sflag:s12] =	ssyncset.done $0x0  }
0x49: {  	s29 =	rddreg [dreg:$0xc];
	[sflag:s12] =	ssyncadd.s32 $0xFFFFF000  }
0x4a: {  	[spmem:s29] =	stream.linear.scatter [tilespmem:s11], [sflag:$0x6], $0x1000, $0x38;
	[tilespmem:$0x1FF40] =	vst v63  }
0x4b: {  	_ =	swait.ge [sflag:s12], $0x1000  }
0x4c: {  	[sflag:s12] =	ssyncset.done $0x0  }
0x4d: {  	s30 =	rddreg [dreg:$0xd];
	[sflag:s12] =	ssyncadd.s32 $0xFFFFF000  }
0x4e: {  	[spmem:s30] =	stream.linear.scatter [tilespmem:s11], [sflag:$0x6], $0x1000, $0x38;
	[tilespmem:$0x1FF40] =	vst v63  }
0x4f: {  	_ =	swait.ge [sflag:s12], $0x1000  }
0x50: {  	[sflag:s12] =	ssyncset.done $0x0  }
0x51: {  	s8 =	rddreg [dreg:$0xe];
	[sflag:s12] =	ssyncadd.s32 $0xFFFFF000  }
0x52: {  	[spmem:s8] =	stream.linear.scatter [tilespmem:s11], [sflag:$0x6], $0x1000, $0x38;
	[tilespmem:$0x1FF40] =	vst v63  }
0x53: {  	_ =	swait.ge [sflag:s12], $0x1000  }
0x54: {  	[sflag:s12] =	ssyncset.done $0x0  }
0x55: {  	s10 =	rddreg [dreg:$0xf];
	[sflag:s12] =	ssyncadd.s32 $0xFFFFF000  }
0x56: {  	[spmem:s10] =	stream.linear.scatter [tilespmem:s11], [sflag:$0x6], $0x1000, $0x38;
	[tilespmem:$0x1FF40] =	vst v63  }
0x57: {  	_ =	swait.ge [sflag:s12], $0x1000  }
0x58: {  	[sflag:s12] =	ssyncset.done $0x0  }
0x59: {  	s25 =	rddreg [dreg:$0x10];
	[sflag:s12] =	ssyncadd.s32 $0xFFFFF000  }
0x5a: {  	[spmem:s25] =	stream.linear.scatter [tilespmem:s11], [sflag:$0x6], $0x1000, $0x38;
	[tilespmem:$0x1FF40] =	vst v63  }
0x5b: {  	_ =	swait.ge [sflag:s12], $0x1000  }
0x5c: {  	[sflag:s12] =	ssyncset.done $0x0  }
0x5d: {  	s29 =	rddreg [dreg:$0x11];
	[sflag:s12] =	ssyncadd.s32 $0xFFFFF000  }
0x5e: {  	[spmem:s29] =	stream.linear.scatter [tilespmem:s11], [sflag:$0x6], $0x1000, $0x38;
	[tilespmem:$0x1FF40] =	vst v63  }
0x5f: {  	_ =	swait.ge [sflag:s12], $0x1000  }
0x60: {  	[sflag:s12] =	ssyncset.done $0x0  }
0x61: {  	s30 =	rddreg [dreg:$0x12];
	[sflag:s12] =	ssyncadd.s32 $0xFFFFF000  }
0x62: {  	[spmem:s30] =	stream.linear.scatter [tilespmem:s11], [sflag:$0x6], $0x1000, $0x38;
	[tilespmem:$0x1FF40] =	vst v63  }
0x63: {  	_ =	swait.ge [sflag:s12], $0x1000  }
0x64: {  	[sflag:s12] =	ssyncset.done $0x0  }
0x65: {  	s8 =	rddreg [dreg:$0x13];
	[sflag:s12] =	ssyncadd.s32 $0xFFFFF000  }
0x66: {  	[spmem:s8] =	stream.linear.scatter [tilespmem:s11], [sflag:$0x6], $0x1000, $0x38;
	[tilespmem:$0x1FF40] =	vst v63  }
0x67: {  	_ =	swait.ge [sflag:s12], $0x1000  }
0x68: {  	[sflag:s12] =	ssyncset.done $0x0  }
0x69: {  	s10 =	rddreg [dreg:$0x15];
	[sflag:s12] =	ssyncadd.s32 $0xFFFFF000  }
0x6a: {  	[spmem:s10] =	stream.linear.scatter [tilespmem:s11], [sflag:$0x6], $0x1000, $0x38;
	[tilespmem:$0x1FF40] =	vst v63  }
0x6b: {  	_ =	swait.ge [sflag:s12], $0x1000  }
0x6c: {  	[sflag:s12] =	ssyncset.done $0x0  }
0x6d: {  	s25 =	rddreg [dreg:$0x16];
	[sflag:s12] =	ssyncadd.s32 $0xFFFFF000  }
0x6e: {  	[spmem:s25] =	stream.linear.scatter [tilespmem:s11], [sflag:$0x6], $0x1000, $0x38;
	[tilespmem:$0x1FF40] =	vst v63  }
0x6f: {  	_ =	swait.ge [sflag:s12], $0x1000  }
0x70: {  	[sflag:s12] =	ssyncset.done $0x0  }
0x71: {  	s29 =	rddreg [dreg:$0x17];
	[sflag:s12] =	ssyncadd.s32 $0xFFFFF000  }
0x72: {  	[spmem:s29] =	stream.linear.scatter [tilespmem:s11], [sflag:$0x6], $0x1000, $0x38;
	[tilespmem:$0x1FF40] =	vst v63  }
0x73: {  	_ =	swait.ge [sflag:s12], $0x1000  }
0x74: {  	[sflag:s12] =	ssyncset.done $0x0  }
0x75: {  	s30 =	rddreg [dreg:$0x18];
	[sflag:s12] =	ssyncadd.s32 $0xFFFFF000  }
0x76: {  	[spmem:s30] =	stream.linear.scatter [tilespmem:s11], [sflag:$0x6], $0x1000, $0x38;
	[tilespmem:$0x1FF40] =	vst v63  }
0x77: {  	_ =	swait.ge [sflag:s12], $0x1000  }
0x78: {  	[sflag:s12] =	ssyncset.done $0x0  }
0x79: {  	s8 =	rddreg [dreg:$0x19];
	[sflag:s12] =	ssyncadd.s32 $0xFFFFF000  }
0x7a: {  	[spmem:s8] =	stream.linear.scatter [tilespmem:s11], [sflag:$0x6], $0x1000, $0x38;
	[tilespmem:$0x1FF40] =	vst v63  }
0x7b: {  	_ =	swait.ge [sflag:s12], $0x1000  }
0x7c: {  	[sflag:s12] =	ssyncset.done $0x0  }
0x7d: {  	s10 =	rddreg [dreg:$0x1a];
	[sflag:s12] =	ssyncadd.s32 $0xFFFFF000  }
0x7e: {  	[spmem:s10] =	stream.linear.scatter [tilespmem:s11], [sflag:$0x6], $0x1000, $0x38;
	[tilespmem:$0x1FF40] =	vst v63  }
0x7f: {  	_ =	swait.ge [sflag:s12], $0x1000  }
0x80: {  	[sflag:s12] =	ssyncset.done $0x0  }
0x81: {  	s25 =	rddreg [dreg:$0x1b];
	[sflag:s12] =	ssyncadd.s32 $0xFFFFF000  }
0x82: {  	[spmem:s25] =	stream.linear.scatter [tilespmem:s11], [sflag:$0x6], $0x1000, $0x38;
	[tilespmem:$0x1FF40] =	vst v63  }
0x83: {  	_ =	swait.ge [sflag:s12], $0x1000  }
0x84: {  	[sflag:s12] =	ssyncset.done $0x0  }
0x85: {  	[sflag:s12] =	ssyncadd.s32 $0xFFFFF000  }
0x86: {  	[spmem:s2] =	stream.linear.scatter [tilespmem:s11], [sflag:$0x6], $0x1000, $0x38;
	[tilespmem:$0x1FF40] =	vst v63  }
0x87: {  	_ =	swait.ge [sflag:s12], $0x1000  }
0x88: {  	[sflag:s12] =	ssyncset.done $0x0  }
0x89: {  	[sflag:s12] =	ssyncadd.s32 $0xFFFFF000  }
0x8a: {  	[spmem:s6] =	stream.linear.scatter [tilespmem:s11], [sflag:$0x6], $0x1000, $0x38;
	[tilespmem:$0x1FF40] =	vst v63  }
0x8b: {  	_ =	swait.ge [sflag:s12], $0x1000  }
0x8c: {  	[sflag:s12] =	ssyncset.done $0x0  }
0x8d: {  	s29 =	rddreg [dreg:$0x4];
	[sflag:s12] =	ssyncadd.s32 $0xFFFFF000  }
0x8e: {  	[spmem:s29] =	stream.linear.scatter [tilespmem:s11], [sflag:$0x6], $0x1000, $0x38;
	[tilespmem:$0x1FF40] =	vst v63  }
0x8f: {  	_ =	swait.ge [sflag:s12], $0x1000  }
0x90: {  	[sflag:s12] =	ssyncset.done $0x0  }
0x91: {  	s7 =	simm.s32 @!p0 $0x300;
	s8 =	rddreg [dreg:$0x5];
	[sflag:s12] =	ssyncadd.s32 $0xFFFFF000  }
0x92: {  	[spmem:s8] =	stream.linear.scatter @!p0 [tilespmem:s7], [sflag:$0x6], $0x400, $0x38;
	[tilespmem:$0x1FF40] =	vst v63  }
0x93: {  	s30 =	stileid.u32;
	s7 =	simm.s32 @!p0 $0x6  }
0x94: {  	s8 =	sshll.u32 s30, $0x6;
	_ =	swait.ge @!p0 [sflag:s7], $0x400  }
0x95: {  	s10 =	sor.u32 $0x1C06, s8;
	[sflag:s7] =	ssyncset.done @!p0 $0x0;
	s8 =	rddreg [dreg:$0x6]  }
0x96: {  	s25 =	rddreg [dreg:$0x14];
	[sflag:s7] =	ssyncadd.s32 @!p0 $0xFFFFFC00  }
0x97: {  	[spmem:s25], [sflag:s10] =	dma.local [hbm:s8], $0x1400  }
0x98: {  	_ =	swait.ge [sflag:s12], $0x1400  }
0x99: {  	[sflag:s12] =	ssyncset.done $0x0  }
0x9a: {  	s25 =	simm.s32 $0x0;
	[sflag:s12] =	ssyncadd.s32 $0xFFFFEC00  }
0x9b: {  	[tilespmem:s25], [sflag:$0x6] =	stream.linear.gather [hbm4b:s31+s25], $0x80, $0x38;
	[tilespmem:$0x1FF40] =	vst v63  }
0x9c: {  	_ =	swait.ge [sflag:s12], $0x80  }
0x9d: {  	[sflag:s12] =	ssyncset.done $0x0  }
0x9e: {  	[sflag:s12] =	ssyncadd.s32 $0xFFFFFF80  }
0x9f: {  	[tilespmem:s13], [sflag:$0x6] =	stream.linear.gather [hbm4b:s1+s25], $0x80, $0x38;
	[tilespmem:$0x1FF40] =	vst v63  }
0xa0: {  	_ =	swait.ge [sflag:s12], $0x80  }
0xa1: {  	[sflag:s12] =	ssyncset.done $0x0  }
0xa2: {  	s29 =	rddreg [dreg:$0x7];
	[sflag:s12] =	ssyncadd.s32 $0xFFFFFF80  }
0xa3: {  	[tilespmem:s14], [sflag:$0x6] =	stream.linear.gather [hbm4b:s29+s25], $0x80, $0x38;
	[tilespmem:$0x1FF40] =	vst v63  }
0xa4: {  	_ =	swait.ge [sflag:s12], $0x80  }
0xa5: {  	[sflag:s12] =	ssyncset.done $0x0  }
0xa6: {  	s30 =	rddreg [dreg:$0x8];
	[sflag:s12] =	ssyncadd.s32 $0xFFFFFF80  }
0xa7: {  	[tilespmem:s15], [sflag:$0x6] =	stream.linear.gather [hbm4b:s30+s25], $0x80, $0x38;
	[tilespmem:$0x1FF40] =	vst v63  }
0xa8: {  	_ =	swait.ge [sflag:s12], $0x80  }
0xa9: {  	[sflag:s12] =	ssyncset.done $0x0  }
0xaa: {  	[sflag:s12] =	ssyncadd.s32 $0xFFFFFF80  }
0xab: {  	[bflag:$0x0] =	sbarrier.arrive $0xFFFF  }
0xac: {  	v3 =	vld [tilespmem:$0x0]  }
0xad: {  	v4 =	vld [tilespmem:$0x10];
	_ =	sdelay $0x3  }
0xae: {  	v3 =	vsub.s32 v3, v0  }
.Ltmp3:
0xaf: {  	v4 =	vsub.s32 v4, v0;
	vm0 =	vlt.u32 v3, $0x1400;
	(pc) =	sbr.rel .LBB2_4-.Ltmp3, $4  }
0xb0: {  	vm15 =	vlt.u32 v4, $0x1400;
	v3 =	vsel vm0, v3, v2  }
0xb1: {  	[tilespmem:$0x0] =	vst v3;
	v3 =	vsel vm15, v4, v2  }
0xb2: {  	s7 =	smov.u32 s28;
	s8 =	smov.u32 s26;
	[tilespmem:$0x10] =	vst v3  }
0xb3: {  	[tilespmem:s11], [sflag:$0x4] =	stream.indirect.gather [spmem:s0], $0x80, s25, s16, $0xb8;
	[tilespmem:$0x1FF40] =	vst v63  }
.LBB2_31:
0xb4: {  	_ =	swait.ge [sflag:s19], $0x80  }
0xb5: {  	[sflag:s19] =	ssyncset.done $0x0  }
0xb6: {  	[sflag:s19] =	ssyncadd.s32 $0xFFFFFF80  }
0xb7: {  	_ =	swait.ge [sflag:s19], $0x80  }
0xb8: {  	[sflag:s19] =	ssyncset.done $0x0  }
0xb9: {  	[sflag:s19] =	ssyncadd.s32 $0xFFFFFF80  }
.LBB2_32:
0xba: {  	v3 =	vld [tilespmem:$0x80]  }
0xbb: {  	v4 =	vld [tilespmem:$0x90];
	_ =	sdelay $0x3  }
0xbc: {  	v3 =	vsub.s32 v3, v0  }
0xbd: {  	v4 =	vsub.s32 v4, v0;
	vm0 =	vlt.u32 v3, $0x1400  }
0xbe: {  	vm15 =	vlt.u32 v4, $0x1400;
	v3 =	vsel vm0, v3, v2  }
0xbf: {  	[tilespmem:$0x80] =	vst v3;
	v3 =	vsel vm15, v4, v2  }
0xc0: {  	p1 =	sgt.u32 s25, $0x27D;
	[tilespmem:$0x90] =	vst v3  }
0xc1: {  	[tilespmem:s11], [sflag:$0x4] =	stream.indirect.gather [spmem:s0], $0x80, s14, s16, $0xb8;
	[tilespmem:$0x1FF40] =	vst v63  }
0xc2: {  	s29 =	simm.s32 @!p1 $0x0;
	s30 =	simm.s32 @!p1 $0x100  }
0xc3: {  	[tilespmem:s30], [sflag:$0x3] =	stream.linear.gather @!p1 [hbm4b:s7+s29], $0x80, $0x38;
	[tilespmem:$0x1FF40] =	vst v63  }
0xc4: {  	s30 =	simm.s32 @!p1 $0x280  }
0xc5: {  	[tilespmem:s30], [sflag:$0x3] =	stream.linear.gather @!p1 [hbm4b:s8+s29], $0x80, $0x38;
	[tilespmem:$0x1FF40] =	vst v63  }
.LBB2_33:
0xc6: {  	_ =	swait.ge [sflag:s21], $0x1000  }
0xc7: {  	[sflag:s21] =	ssyncset.done $0x0  }
0xc8: {  	s29 =	simm.s32 $0x7;
	[sflag:s21] =	ssyncadd.s32 $0xFFFFF000  }
0xc9: {  	[spmem:s3] =	stream.indirect.scatter.add.f32 [tilespmem:s17], [sflag:$0x7], $0x80, s13, s16, $0xb8;
	[tilespmem:$0x1FF40] =	vst v63  }
.LBB2_39:
0xca: {  	s25 =	sadd.s32 $0x1, s25  }
0xcb: {  	p1 =	sne.s32 s25, $0x280  }
.Ltmp4:
0xcc: {  	_ = 	snop;
	(pc) =	sbr.rel @!p1 .LBB2_40-.Ltmp4, $4  }
0xcd: {  	_ = 	snop  }
0xce: {  	_ =	swait.ge [sflag:s29], $0x1000  }
0xcf: {  	[sflag:s29] =	ssyncset.done $0x0  }
0xd0: {  	s7 =	sadd.s32 $0x10, s7;
	s8 =	sadd.s32 $0x10, s8;
	[sflag:s29] =	ssyncadd.s32 $0xFFFFF000  }
.LBB2_4:
0xd1: {  	s29 =	smul.u32 $0xAAAB, s25;
	_ =	sdelay $0x1  }
0xd2: {  	s29 =	sshrl.u32 s29, $0x12  }
0xd3: {  	s29 =	smul.u32 $0x6, s29;
	_ =	sdelay $0x1  }
0xd4: {  	s29 =	ssub.s32 s25, s29  }
0xd5: {  	s29 =	sand.u32 $0xFFFF, s29  }
0xd6: {  	p1 =	sgt.s32 s29, $0x2  }
.Ltmp5:
0xd7: {  	_ = 	snop;
	(pc) =	sbr.rel @p1 .LBB2_12-.Ltmp5, $1  }
0xd8: {  	_ =	sdelay $0x3  }
0xd9: {  	p1 =	seq.s32 s29, $0x0  }
.Ltmp6:
0xda: {  	_ = 	snop;
	(pc) =	sbr.rel @p1 .LBB2_19-.Ltmp6, $1  }
0xdb: {  	_ =	sdelay $0x3  }
0xdc: {  	p1 =	seq.s32 s29, $0x1  }
.Ltmp7:
0xdd: {  	_ = 	snop;
	(pc) =	sbr.rel @!p1 .LBB2_24-.Ltmp7, $1  }
0xde: {  	_ =	sdelay $0x3  }
0xdf: {  	p1 =	seq.s32 s25, $0x0  }
.Ltmp8:
0xe0: {  	_ = 	snop;
	(pc) =	sbr.rel @p1 .LBB2_10-.Ltmp8, $1  }
0xe1: {  	_ =	sdelay $0x3  }
0xe2: {  	p1 =	seq.s32 s25, $0x27F  }
.Ltmp9:
0xe3: {  	_ = 	snop;
	(pc) =	sbr.rel @p1 .LBB2_11-.Ltmp9, $1  }
0xe4: {  	_ =	sdelay $0x3  }
0xe5: {  	_ =	swait.ge [sflag:s22], $0x80  }
0xe6: {  	[sflag:s22] =	ssyncset.done $0x0  }
0xe7: {  	[sflag:s22] =	ssyncadd.s32 $0xFFFFFF80  }
0xe8: {  	_ =	swait.ge [sflag:s22], $0x80  }
0xe9: {  	[sflag:s22] =	ssyncset.done $0x0  }
0xea: {  	[sflag:s22] =	ssyncadd.s32 $0xFFFFFF80  }
.LBB2_10:
0xeb: {  	v3 =	vld [tilespmem:$0x100]  }
0xec: {  	v4 =	vld [tilespmem:$0x110];
	_ =	sdelay $0x3  }
0xed: {  	v3 =	vsub.s32 v3, v0  }
0xee: {  	v4 =	vsub.s32 v4, v0;
	vm0 =	vlt.u32 v3, $0x1400  }
0xef: {  	vm15 =	vlt.u32 v4, $0x1400;
	v3 =	vsel vm0, v3, v2  }
0xf0: {  	[tilespmem:$0x100] =	vst v3;
	v3 =	vsel vm15, v4, v2  }
0xf1: {  	p1 =	sgt.u32 s25, $0x27D;
	[tilespmem:$0x110] =	vst v3  }
0xf2: {  	[tilespmem:s11], [sflag:$0x4] =	stream.indirect.gather [spmem:s0], $0x80, s20, s16, $0xb8;
	[tilespmem:$0x1FF40] =	vst v63  }
0xf3: {  	s29 =	simm.s32 @!p1 $0x0  }
0xf4: {  	[tilespmem:s29], [sflag:$0x1] =	stream.linear.gather @!p1 [hbm4b:s7+s29], $0x80, $0x38;
	[tilespmem:$0x1FF40] =	vst v63  }
0xf5: {  	s30 =	simm.s32 @!p1 $0x180  }
0xf6: {  	[tilespmem:s30], [sflag:$0x1] =	stream.linear.gather @!p1 [hbm4b:s8+s29], $0x80, $0x38;
	[tilespmem:$0x1FF40] =	vst v63  }
.LBB2_11:
.Ltmp10:
0xf7: {  	(pc) =	sbr.rel .LBB2_39-.Ltmp10, $4  }
0xf8: {  	_ =	swait.ge [sflag:s21], $0x1000  }
0xf9: {  	[sflag:s21] =	ssyncset.done $0x0  }
0xfa: {  	s29 =	simm.s32 $0x7;
	[sflag:s21] =	ssyncadd.s32 $0xFFFFF000  }
0xfb: {  	[spmem:s3] =	stream.indirect.scatter.add.f32 [tilespmem:s17], [sflag:$0x7], $0x80, s15, s16, $0xb8;
	[tilespmem:$0x1FF40] =	vst v63  }
.LBB2_12:
0xfc: {  	p2 =	seq.s32 s29, $0x3  }
.Ltmp11:
0xfd: {  	_ = 	snop;
	(pc) =	sbr.rel @p2 .LBB2_29-.Ltmp11, $2  }
0xfe: {  	_ =	sdelay $0x2  }
0xff: {  	p1 =	seq.s32 s25, $0x0  }
0x100: {  	p2 =	seq.s32 s29, $0x4  }
.Ltmp12:
0x101: {  	_ = 	snop;
	(pc) =	sbr.rel @!p2 .LBB2_34-.Ltmp12, $1  }
0x102: {  	_ =	sdelay $0x3  }
.Ltmp13:
0x103: {  	(pc) =	sbr.rel @p1 .LBB2_17-.Ltmp13, $1  }
0x104: {  	_ =	sdelay $0x3  }
0x105: {  	p1 =	seq.s32 s25, $0x27F  }
.Ltmp14:
0x106: {  	_ = 	snop;
	(pc) =	sbr.rel @p1 .LBB2_18-.Ltmp14, $1  }
0x107: {  	_ =	sdelay $0x3  }
0x108: {  	_ =	swait.ge [sflag:s22], $0x80  }
0x109: {  	[sflag:s22] =	ssyncset.done $0x0  }
0x10a: {  	[sflag:s22] =	ssyncadd.s32 $0xFFFFFF80  }
0x10b: {  	_ =	swait.ge [sflag:s22], $0x80  }
0x10c: {  	[sflag:s22] =	ssyncset.done $0x0  }
0x10d: {  	[sflag:s22] =	ssyncadd.s32 $0xFFFFFF80  }
.LBB2_17:
0x10e: {  	v3 =	vld [tilespmem:$0x100]  }
0x10f: {  	v4 =	vld [tilespmem:$0x110];
	_ =	sdelay $0x3  }
0x110: {  	v3 =	vsub.s32 v3, v0  }
0x111: {  	v4 =	vsub.s32 v4, v0;
	vm0 =	vlt.u32 v3, $0x1400  }
0x112: {  	vm15 =	vlt.u32 v4, $0x1400;
	v3 =	vsel vm0, v3, v2  }
0x113: {  	[tilespmem:$0x100] =	vst v3;
	v3 =	vsel vm15, v4, v2  }
0x114: {  	p1 =	sgt.u32 s25, $0x27D;
	[tilespmem:$0x110] =	vst v3  }
0x115: {  	[tilespmem:s17], [sflag:$0x5] =	stream.indirect.gather [spmem:s0], $0x80, s20, s16, $0xb8;
	[tilespmem:$0x1FF40] =	vst v63  }
0x116: {  	s29 =	simm.s32 @!p1 $0x0  }
0x117: {  	[tilespmem:s29], [sflag:$0x1] =	stream.linear.gather @!p1 [hbm4b:s7+s29], $0x80, $0x38;
	[tilespmem:$0x1FF40] =	vst v63  }
0x118: {  	s30 =	simm.s32 @!p1 $0x180  }
0x119: {  	[tilespmem:s30], [sflag:$0x1] =	stream.linear.gather @!p1 [hbm4b:s8+s29], $0x80, $0x38;
	[tilespmem:$0x1FF40] =	vst v63  }
.LBB2_18:
.Ltmp15:
0x11a: {  	(pc) =	sbr.rel .LBB2_39-.Ltmp15, $4  }
0x11b: {  	_ =	swait.ge [sflag:s18], $0x1000  }
0x11c: {  	[sflag:s18] =	ssyncset.done $0x0  }
0x11d: {  	s29 =	simm.s32 $0x7;
	[sflag:s18] =	ssyncadd.s32 $0xFFFFF000  }
0x11e: {  	[spmem:s3] =	stream.indirect.scatter.add.f32 [tilespmem:s11], [sflag:$0x7], $0x80, s15, s16, $0xb8;
	[tilespmem:$0x1FF40] =	vst v63  }
.LBB2_19:
0x11f: {  	p1 =	seq.s32 s25, $0x0  }
.Ltmp16:
0x120: {  	_ = 	snop;
	(pc) =	sbr.rel @p1 .LBB2_22-.Ltmp16, $1  }
0x121: {  	_ =	sdelay $0x3  }
0x122: {  	p1 =	seq.s32 s25, $0x27F  }
.Ltmp17:
0x123: {  	_ = 	snop;
	(pc) =	sbr.rel @p1 .LBB2_23-.Ltmp17, $1  }
0x124: {  	_ =	sdelay $0x3  }
0x125: {  	_ =	swait.ge [sflag:s19], $0x80  }
0x126: {  	[sflag:s19] =	ssyncset.done $0x0  }
0x127: {  	[sflag:s19] =	ssyncadd.s32 $0xFFFFFF80  }
0x128: {  	_ =	swait.ge [sflag:s19], $0x80  }
0x129: {  	[sflag:s19] =	ssyncset.done $0x0  }
0x12a: {  	[sflag:s19] =	ssyncadd.s32 $0xFFFFFF80  }
.LBB2_22:
0x12b: {  	v3 =	vld [tilespmem:$0x80]  }
0x12c: {  	v4 =	vld [tilespmem:$0x90];
	_ =	sdelay $0x3  }
0x12d: {  	v3 =	vsub.s32 v3, v0  }
0x12e: {  	v4 =	vsub.s32 v4, v0;
	vm0 =	vlt.u32 v3, $0x1400  }
0x12f: {  	vm15 =	vlt.u32 v4, $0x1400;
	v3 =	vsel vm0, v3, v2  }
0x130: {  	[tilespmem:$0x80] =	vst v3;
	v3 =	vsel vm15, v4, v2  }
0x131: {  	p1 =	sgt.u32 s25, $0x27D;
	[tilespmem:$0x90] =	vst v3  }
0x132: {  	[tilespmem:s17], [sflag:$0x5] =	stream.indirect.gather [spmem:s0], $0x80, s14, s16, $0xb8;
	[tilespmem:$0x1FF40] =	vst v63  }
0x133: {  	s29 =	simm.s32 @!p1 $0x0;
	s30 =	simm.s32 @!p1 $0x100  }
0x134: {  	[tilespmem:s30], [sflag:$0x3] =	stream.linear.gather @!p1 [hbm4b:s7+s29], $0x80, $0x38;
	[tilespmem:$0x1FF40] =	vst v63  }
0x135: {  	s30 =	simm.s32 @!p1 $0x280  }
0x136: {  	[tilespmem:s30], [sflag:$0x3] =	stream.linear.gather @!p1 [hbm4b:s8+s29], $0x80, $0x38;
	[tilespmem:$0x1FF40] =	vst v63  }
.LBB2_23:
.Ltmp18:
0x137: {  	(pc) =	sbr.rel .LBB2_39-.Ltmp18, $4  }
0x138: {  	_ =	swait.ge [sflag:s18], $0x1000  }
0x139: {  	[sflag:s18] =	ssyncset.done $0x0  }
0x13a: {  	s29 =	simm.s32 $0x7;
	[sflag:s18] =	ssyncadd.s32 $0xFFFFF000  }
0x13b: {  	[spmem:s3] =	stream.indirect.scatter.add.f32 [tilespmem:s11], [sflag:$0x7], $0x80, s13, s16, $0xb8;
	[tilespmem:$0x1FF40] =	vst v63  }
.LBB2_29:
.Ltmp19:
0x13c: {  	(pc) =	sbr.rel @p1 .LBB2_32-.Ltmp19, $1  }
0x13d: {  	_ =	sdelay $0x3  }
0x13e: {  	p1 =	seq.s32 s25, $0x27F  }
.Ltmp20:
0x13f: {  	_ = 	snop;
	(pc) =	sbr.rel @p1 .LBB2_33-.Ltmp20, $4  }
.Ltmp21:
0x140: {  	_ = 	snop;
	(pc) =	sbr.rel @!p1 .LBB2_31-.Ltmp21, $4  }
0x141: {  	_ = 	snop  }
0x142: {  	_ = 	snop  }
0x143: {  	_ = 	snop  }
0x144: {  	_ = 	snop  }
.LBB2_24:
0x145: {  	p1 =	seq.s32 s25, $0x0  }
.Ltmp22:
0x146: {  	_ = 	snop;
	(pc) =	sbr.rel @p1 .LBB2_27-.Ltmp22, $1  }
0x147: {  	_ =	sdelay $0x3  }
0x148: {  	p1 =	seq.s32 s25, $0x27F  }
.Ltmp23:
0x149: {  	_ = 	snop;
	(pc) =	sbr.rel @p1 .LBB2_28-.Ltmp23, $1  }
0x14a: {  	_ =	sdelay $0x3  }
0x14b: {  	_ =	swait.ge [sflag:s9], $0x80  }
0x14c: {  	[sflag:s9] =	ssyncset.done $0x0  }
0x14d: {  	[sflag:s9] =	ssyncadd.s32 $0xFFFFFF80  }
0x14e: {  	_ =	swait.ge [sflag:s9], $0x80  }
0x14f: {  	[sflag:s9] =	ssyncset.done $0x0  }
0x150: {  	[sflag:s9] =	ssyncadd.s32 $0xFFFFFF80  }
.LBB2_27:
0x151: {  	v3 =	vld [tilespmem:$0x0]  }
0x152: {  	v4 =	vld [tilespmem:$0x10];
	_ =	sdelay $0x3  }
0x153: {  	v3 =	vsub.s32 v3, v0  }
0x154: {  	v4 =	vsub.s32 v4, v0;
	vm0 =	vlt.u32 v3, $0x1400  }
0x155: {  	vm15 =	vlt.u32 v4, $0x1400;
	v3 =	vsel vm0, v3, v2  }
0x156: {  	[tilespmem:$0x0] =	vst v3;
	v3 =	vsel vm15, v4, v2  }
0x157: {  	p1 =	sgt.u32 s25, $0x27D;
	[tilespmem:$0x10] =	vst v3  }
0x158: {  	[tilespmem:s17], [sflag:$0x5] =	stream.indirect.gather [spmem:s0], $0x80, s4, s16, $0xb8;
	[tilespmem:$0x1FF40] =	vst v63  }
0x159: {  	s29 =	simm.s32 @!p1 $0x0;
	s30 =	simm.s32 @!p1 $0x80  }
0x15a: {  	[tilespmem:s30], [sflag:$0x2] =	stream.linear.gather @!p1 [hbm4b:s7+s29], $0x80, $0x38;
	[tilespmem:$0x1FF40] =	vst v63  }
0x15b: {  	s30 =	simm.s32 @!p1 $0x200  }
0x15c: {  	[tilespmem:s30], [sflag:$0x2] =	stream.linear.gather @!p1 [hbm4b:s8+s29], $0x80, $0x38;
	[tilespmem:$0x1FF40] =	vst v63  }
.LBB2_28:
.Ltmp24:
0x15d: {  	(pc) =	sbr.rel .LBB2_39-.Ltmp24, $4  }
0x15e: {  	_ =	swait.ge [sflag:s18], $0x1000  }
0x15f: {  	[sflag:s18] =	ssyncset.done $0x0  }
0x160: {  	s29 =	simm.s32 $0x7;
	[sflag:s18] =	ssyncadd.s32 $0xFFFFF000  }
0x161: {  	[spmem:s3] =	stream.indirect.scatter.add.f32 [tilespmem:s11], [sflag:$0x7], $0x80, s23, s16, $0xb8;
	[tilespmem:$0x1FF40] =	vst v63  }
.LBB2_34:
.Ltmp25:
0x162: {  	(pc) =	sbr.rel @p1 .LBB2_37-.Ltmp25, $1  }
0x163: {  	_ =	sdelay $0x3  }
0x164: {  	p1 =	seq.s32 s25, $0x27F  }
.Ltmp26:
0x165: {  	_ = 	snop;
	(pc) =	sbr.rel @p1 .LBB2_38-.Ltmp26, $1  }
0x166: {  	_ =	sdelay $0x3  }
0x167: {  	_ =	swait.ge [sflag:s9], $0x80  }
0x168: {  	[sflag:s9] =	ssyncset.done $0x0  }
0x169: {  	[sflag:s9] =	ssyncadd.s32 $0xFFFFFF80  }
0x16a: {  	_ =	swait.ge [sflag:s9], $0x80  }
0x16b: {  	[sflag:s9] =	ssyncset.done $0x0  }
0x16c: {  	[sflag:s9] =	ssyncadd.s32 $0xFFFFFF80  }
.LBB2_37:
0x16d: {  	v3 =	vld [tilespmem:$0x0]  }
0x16e: {  	v4 =	vld [tilespmem:$0x10];
	_ =	sdelay $0x3  }
0x16f: {  	v3 =	vsub.s32 v3, v0  }
0x170: {  	v4 =	vsub.s32 v4, v0;
	vm0 =	vlt.u32 v3, $0x1400  }
0x171: {  	vm15 =	vlt.u32 v4, $0x1400;
	v3 =	vsel vm0, v3, v2  }
0x172: {  	[tilespmem:$0x0] =	vst v3;
	v3 =	vsel vm15, v4, v2  }
0x173: {  	p1 =	sgt.u32 s25, $0x27D;
	[tilespmem:$0x10] =	vst v3  }
0x174: {  	[tilespmem:s11], [sflag:$0x4] =	stream.indirect.gather [spmem:s0], $0x80, s4, s16, $0xb8;
	[tilespmem:$0x1FF40] =	vst v63  }
0x175: {  	s29 =	simm.s32 @!p1 $0x0;
	s30 =	simm.s32 @!p1 $0x80  }
0x176: {  	[tilespmem:s30], [sflag:$0x2] =	stream.linear.gather @!p1 [hbm4b:s7+s29], $0x80, $0x38;
	[tilespmem:$0x1FF40] =	vst v63  }
0x177: {  	s30 =	simm.s32 @!p1 $0x200  }
0x178: {  	[tilespmem:s30], [sflag:$0x2] =	stream.linear.gather @!p1 [hbm4b:s8+s29], $0x80, $0x38;
	[tilespmem:$0x1FF40] =	vst v63  }
.LBB2_38:
.Ltmp27:
0x179: {  	(pc) =	sbr.rel .LBB2_39-.Ltmp27, $4  }
0x17a: {  	_ =	swait.ge [sflag:s21], $0x1000  }
0x17b: {  	[sflag:s21] =	ssyncset.done $0x0  }
0x17c: {  	s29 =	simm.s32 $0x6;
	[sflag:s21] =	ssyncadd.s32 $0xFFFFF000  }
0x17d: {  	[spmem:s3] =	stream.indirect.scatter.add.f32 [tilespmem:s17], [sflag:$0x6], $0x80, s23, s16, $0xb8;
	[tilespmem:$0x1FF40] =	vst v63  }
.LBB2_41:
0x17e: {  	_ =	sfence.sel $0x180000  }
0x17f: {  	[bflag:$0x0] =	sbarrier.arrive $0xFFFF  }
0x180: {  	_ =	strace $0x9000004D  }
0x181: {  	[bflag:$0x2] =	sbarrier.arrive $0xFFFF  }
0x182: {  	s0 =	rddreg [dreg:$0x3]  }
0x183: {  	s0 =	sadd.s32 @!p0 $0x100000, s0  }
0x184: {  	[sflag:s0] =	ssyncadd.tile.s32 @!p0 $0x1;
	_ =	shalt  }
.Lfunc_end2:
_tile_overlayer_lowered:
.L_overlay_start_2:
0x185: {  	(tag) =	ssettag $0x2  }
0x186: {  	s0 =	rddreg [dreg:$0x0];
	s2 =	stileid.u32  }
0x187: {  	s1 =	rddreg [dreg:$0x1];
	p0 =	sne.s32 s2, $0x0  }
0x188: {  	s3 =	rddreg [dreg:$0x2];
	[bflag:$0x3] =	sbarrier.arrive $0xFFFF;
	s2 =	simm.s32 @!p0 $0x1C06  }
0x189: {  	[timem:s3], [sflag:s2] =	dma.local @!p0 [hbm:s0], s1  }
0x18a: {  	s0 =	simm.s32 @!p0 $0x6  }
0x18b: {  	_ =	swait.ge @!p0 [sflag:s0], s1  }
0x18c: {  	s1 =	ssub.s32 @!p0 $0x0, s1;
	[sflag:s0] =	ssyncset.done @!p0 $0x0  }
0x18d: {  	[sflag:s0] =	ssyncadd.s32 @!p0 s1  }
0x18e: {  	[bflag:$0x3] =	sbarrier.arrive $0xFFFF  }
0x18f: {  	_ =	shalt  }

// kernel: kernel.8.cloned.1.call-start
scs
__scs_entry_jumppad:
0x0: {  	(pc) =	sbr.rel $0x88, $3  }
0x1: {  	(tag) =	ssettag $0x0;
	lr =	simm.s32 $0x1  }
0x2: {  	[smem:$0x3F9B] =	sst lr;
	_ =	strace $0xD0000000  }
0x3: {  	_ = 	snop  }
0x4: {  	_ = 	snop  }
0x5: {  	_ = 	snop  }
0x6: {  	_ = 	snop  }
0x7: {  	_ = 	snop  }
__scs_overlays_trampoline_lowered:
0x8: {  	[smem:$0x3FAA] =	sst s0  }
0x9: {  	[smem:$0x3FAB] =	sst s1  }
0xa: {  	[smem:$0x3FAC] =	sst s2  }
0xb: {  	[smem:$0x3FAD] =	sst s3  }
0xc: {  	[smem:$0x3FAE] =	sst s4  }
0xd: {  	[smem:$0x3FAF] =	sst s5  }
0xe: {  	[smem:$0x3FB0] =	sst s6  }
0xf: {  	[smem:$0x3FB1] =	sst s7  }
0x10: {  	[smem:$0x3FB2] =	sst s8  }
0x11: {  	[smem:$0x3FB3] =	sst s9;
	s0 =	simm.s32 @!p0 $0x0  }
0x12: {  	s1 =	sld [smem:$0x3F99];
	s0 =	simm.s32 @p0 $0x1  }
0x13: {  	[smem:$0x3FB4] =	sst s0;
	s0 =	simm.s32 @!p1 $0x0  }
0x14: {  	s2 =	sld [smem:$0x3F98];
	s0 =	simm.s32 @p1 $0x1  }
0x15: {  	[smem:$0x3FB5] =	sst s0;
	s0 =	simm.s32 @!p2 $0x0  }
0x16: {  	s3 =	sld [smem:$0x3FDB];
	s0 =	simm.s32 @p2 $0x1  }
0x17: {  	s4 =	simm.s32 $0x1BF5;
	[smem:$0x3FB7] =	sst s0  }
0x18: {  	s0 =	sld [smem:$0x3F9A];
	_ =	swait.ge [sflag:s4], $0x0  }
0x19: {  	s7 =	sld [smem:$0x3F9B]  }
0x1a: {  	s8 =	sadd.s32 $0xFFFFE003, lr  }
0x1b: {  	s9 =	sadd.s32 $0xFFFFFEF7, lr;
	s5 =	simm.s32 $0xFFFFFFFF;
	p2 =	slt.u32 s8, $0xFFFFF086  }
0x1c: {  	p1 =	slt.u32 s9, $0xF7A;
	s5 =	simm.s32 @!p2 $0x0  }
0x1d: {  	s5 =	simm.s32 @p1 $0x1;
	p0 =	seq.s32 s7, s2  }
0x1e: {  	s7 =	smul.u32 @!p0 $0xF7A, s2;
	p2 =	seq.s32 @!p0 s5, $0x0  }
0x1f: {  	s9 =	smul.u32 $0xF7A, s1;
	s8 =	simm.s32 @!p0 $0x1BF5;
	p2 =	por !p2, p0  }
0x20: {  	[sflag:s8] =	ssyncset.s32 @!p0 $0xFFFFF086;
	s6 =	sadd.s32 @!p0 s3, s7;
	s7 =	simm.s32 @!p0 $0x108  }
0x21: {  	s3 =	sadd.s32 s3, s9;
	s6 =	sadd.s32 @!p0 $0x88, s6;
	s7 =	simm.s32 @p2 $0x1082  }
0x22: {  	[simem:s7], [sflag:s8] =	dma.local @!p0 [hbm:s6], $0xF7A  }
0x23: {  	s9 =	sor.u32 $0xD0000000, s2;
	s6 =	simm.s32 $0x108;
	_ =	swait.ge @!p0 [sflag:s8], $0x0  }
0x24: {  	s3 =	sadd.s32 $0x88, s3;
	s6 =	simm.s32 @!p1 $0x1082;
	[sflag:s4] =	ssyncset.s32 $0xFFFFF086  }
0x25: {  	[simem:s6], [sflag:s4] =	dma.local [hbm:s3], $0xF7A  }
0x26: {  	[smem:$0x3F9B] =	sst s1;
	(tag) =	ssettag s2;
	_ =	strace s9  }
0x27: {  	s1 =	sld [smem:$0x3FAB]  }
0x28: {  	s2 =	sld [smem:$0x3FAC]  }
0x29: {  	s4 =	sld [smem:$0x3FAE]  }
0x2a: {  	p0 =	seq.s32 s5, $0x0;
	s5 =	sld [smem:$0x3FAF]  }
0x2b: {  	s6 =	sld [smem:$0x3FB0]  }
0x2c: {  	s7 =	sld [smem:$0x3FB1]  }
0x2d: {  	s3 =	simm.s32 $0x108;
	s8 =	sld [smem:$0x3FB2]  }
0x2e: {  	s3 =	simm.s32 @!p0 $0x1082;
	s9 =	sld [smem:$0x3FB3]  }
0x2f: {  	lr =	sadd.s32 s0, s3;
	s0 =	sld [smem:$0x3FAA]  }
0x30: {  	s3 =	sld [smem:$0x3FAD]  }
0x31: {  	[smem:$0x3FB6] =	sst s10  }
0x32: {  	s10 =	sld [smem:$0x3FB4];
	_ =	sdelay $0x3  }
0x33: {  	p0 =	seq.s32 s10, $0x1;
	s10 =	sld [smem:$0x3FB6];
	_ =	sdelay $0x3  }
0x34: {  	[smem:$0x3FB6] =	sst s10  }
0x35: {  	s10 =	sld [smem:$0x3FB5];
	_ =	sdelay $0x3  }
0x36: {  	p1 =	seq.s32 s10, $0x1;
	s10 =	sld [smem:$0x3FB6];
	_ =	sdelay $0x3  }
0x37: {  	[smem:$0x3FB6] =	sst s10  }
0x38: {  	s10 =	sld [smem:$0x3FB7]  }
0x39: {  	_ = 	snop;
	(pc) =	sbr.ind lr, $3  }
0x3a: {  	_ = 	snop  }
0x3b: {  	_ = 	snop  }
0x3c: {  	p2 =	seq.s32 s10, $0x1;
	s10 =	sld [smem:$0x3FB6]  }
0x3d: {  	_ =	shalt  }
0x3e: {  	_ =	shalt  }
0x3f: {  	_ =	shalt  }
0x40: {  	_ =	shalt  }
0x41: {  	_ =	shalt  }
0x42: {  	_ =	shalt  }
0x43: {  	_ =	shalt  }
0x44: {  	_ =	shalt  }
0x45: {  	_ =	shalt  }
0x46: {  	_ =	shalt  }
0x47: {  	_ =	shalt  }
0x48: {  	_ =	shalt  }
0x49: {  	_ =	shalt  }
0x4a: {  	_ =	shalt  }
0x4b: {  	_ =	shalt  }
0x4c: {  	_ =	shalt  }
0x4d: {  	_ =	shalt  }
0x4e: {  	_ =	shalt  }
0x4f: {  	_ =	shalt  }
0x50: {  	_ =	shalt  }
0x51: {  	_ =	shalt  }
0x52: {  	_ =	shalt  }
0x53: {  	_ =	shalt  }
0x54: {  	_ =	shalt  }
0x55: {  	_ =	shalt  }
0x56: {  	_ =	shalt  }
0x57: {  	_ =	shalt  }
0x58: {  	_ =	shalt  }
0x59: {  	_ =	shalt  }
0x5a: {  	_ =	shalt  }
0x5b: {  	_ =	shalt  }
0x5c: {  	_ =	shalt  }
0x5d: {  	_ =	shalt  }
0x5e: {  	_ =	shalt  }
0x5f: {  	_ =	shalt  }
0x60: {  	_ =	shalt  }
0x61: {  	_ =	shalt  }
0x62: {  	_ =	shalt  }
0x63: {  	_ =	shalt  }
0x64: {  	_ =	shalt  }
0x65: {  	_ =	shalt  }
0x66: {  	_ =	shalt  }
0x67: {  	_ =	shalt  }
0x68: {  	_ =	shalt  }
0x69: {  	_ =	shalt  }
0x6a: {  	_ =	shalt  }
0x6b: {  	_ =	shalt  }
0x6c: {  	_ =	shalt  }
0x6d: {  	_ =	shalt  }
0x6e: {  	_ =	shalt  }
0x6f: {  	_ =	shalt  }
0x70: {  	_ =	shalt  }
0x71: {  	_ =	shalt  }
0x72: {  	_ =	shalt  }
0x73: {  	_ =	shalt  }
0x74: {  	_ =	shalt  }
0x75: {  	_ =	shalt  }
0x76: {  	_ =	shalt  }
0x77: {  	_ =	shalt  }
0x78: {  	_ =	shalt  }
0x79: {  	_ =	shalt  }
0x7a: {  	_ =	shalt  }
0x7b: {  	_ =	shalt  }
0x7c: {  	_ =	shalt  }
0x7d: {  	_ =	shalt  }
0x7e: {  	_ =	shalt  }
0x7f: {  	_ =	shalt  }
0x80: {  	_ =	shalt  }
0x81: {  	_ =	shalt  }
0x82: {  	_ =	shalt  }
0x83: {  	_ =	shalt  }
0x84: {  	_ =	shalt  }
0x85: {  	_ =	shalt  }
0x86: {  	_ =	shalt  }
0x87: {  	_ =	shalt  }
.Lfunc_end0:
.L_simem_size_0:
called_computation_lowered:
.L_overlay_start_0:
0x88: {  	s2 =	sld [smem:$0x3FD9]  }
0x89: {  	s3 =	sld [smem:$0x3FFE];
	_ =	sdelay $0x1  }
0x8a: {  	s1 =	srdreg.scid  }
0x8b: {  	s0 =	sand.u32 $0x1, s1  }
0x8c: {  	s17 =	sshll.u32 s0, $0xA;
	s2 =	sadd.s32 s3, s2  }
0x8d: {  	s2 =	sadd.s32 s2, s17  }
0x8e: {  	[smem:$0x3FC2] =	sst s2  }
0x8f: {  	_ = 	snop  }
0x90: {  	s2 =	sld [smem:$0x3FD0];
	(tm) =	ssettm $0x1  }
0x91: {  	s18 =	sld [smem:$0x3FFB];
	_ =	sdelay $0x3  }
0x92: {  	_ =	strace s18  }
0x93: {  	s3 =	sld [smem:$0x3FFC];
	_ =	sdelay $0x3  }
0x94: {  	_ =	strace s3  }
0x95: {  	s3 =	sld [smem:$0x3FFD];
	_ =	sdelay $0x3  }
0x96: {  	_ =	strace s3  }
0x97: {  	_ =	strace $0x8FFFFFFF  }
0x98: {  	s19 =	sld [smem:$0x3FDB];
	_ =	sdelay $0x1  }
0x99: {  	s4 =	simm.s32 $_scs_section_size  }
0x9a: {  	s5 =	simm.s32 $_size__tile_overlayer_lowered;
	s6 =	simm.s32 $_tile_overlayer_lowered  }
0x9b: {  	s22 =	simm.s32 $0x1BFF;
	s21 =	sshll.u32 s6, $0x1;
	s3 =	sadd.s32 s4, s19  }
0x9c: {  	s7 =	simm.s32 $0x0;
	s20 =	sshll.u32 s5, $0x1;
	s5 =	sadd.s32 s21, s3  }
0x9d: {  	[timem:s7], [sflag:s22] =	dma.local [hbm:s5], s20  }
0x9e: {  	_ =	swait.ge [sflag:s22], s20  }
0x9f: {  	s4 =	ssub.s32 $0x0, s20;
	[sflag:s22] =	ssyncset.done $0x0  }
0xa0: {  	[sflag:s22] =	ssyncadd.s32 s4;
	_ =	sdelay $0x1  }
0xa1: {  	s23 =	simm.s32 $0x1B8B  }
0xa2: {  	_ =	swait.ge [sflag:s23], $0x1  }
0xa3: {  	[sflag:s23] =	ssyncset.done $0x0  }
0xa4: {  	s25 =	simm.s32 $0x1B8E;
	s24 =	sld [smem:$0x3FFE];
	[sflag:s23] =	ssyncadd.s32 $0xFFFFFFFF  }
0xa5: {  	s26 =	simm.s32 $execute0_lowered;
	[smem:$0x3FD2] =	sst s25  }
0xa6: {  	s5 =	sshll.u32 s26, $0x1;
	_ =	strace $0x80000046;
	[dreg:$0x1] =	wrdreg $0xFFFFFFFF  }
0xa7: {  	s28 =	simm.s32 $_size_execute0_lowered;
	s3 =	sadd.s32 s3, s5;
	[dreg:$0x0] =	wrdreg $0x0  }
0xa8: {  	s5 =	sshll.u32 s28, $0x1;
	[dreg:$0x2] =	wrdreg s3  }
0xa9: {  	[dreg:$0x3] =	wrdreg s5  }
0xaa: {  	[dreg:$0x4] =	wrdreg $0xC0  }
0xab: {  	_ =	task [dreg:s7], $0x5FFFF  }
0xac: {  	[dreg:$0x1] =	wrdreg $0xFFFFFFFF  }
0xad: {  	[dreg:$0x0] =	wrdreg $0x60  }
0xae: {  	[dreg:$0x2] =	wrdreg s2  }
0xaf: {  	[dreg:$0x3] =	wrdreg s24  }
0xb0: {  	[dreg:$0x4] =	wrdreg $0x2B000  }
0xb1: {  	[dreg:$0x5] =	wrdreg $0x9  }
0xb2: {  	_ =	task.clear_ibuf [dreg:s7], $0x6FFFF;
	_ =	strace $0x90000046  }
0xb3: {  	s29 =	simm.s32 $0x9;
	_ =	strace $0x80000048  }
0xb4: {  	_ =	swait.ge [sflag:s29], $0x1  }
0xb5: {  	[sflag:s29] =	ssyncadd.s32 $0xFFFFFFFF  }
0xb6: {  	_ =	strace $0x90000048  }
0xb7: {  	_ =	sfence  }
0xb8: {  	s30 =	sld [smem:$0x0];
	_ =	sdelay $0x2  }
0xb9: {  	s31 =	sshll.u32 s1, $0xD;
	s1 =	sshrl.u32 s1, $0x2  }
0xba: {  	s3 =	sand.u32 $0x4000, s31;
	s1 =	sadd.s32 s1, s30  }
0xbb: {  	s0 =	sor.u32 s3, s0;
	s1 =	sshll.u32 s1, $0x11  }
0xbc: {  	s0 =	sor.u32 s1, s0  }
0xbd: {  	s0 =	sadd.s32 $0x8F2B, s0  }
0xbe: {  	[sflag:s0] =	ssyncadd.remote.s32 $0x1  }
0xbf: {  	_ =	sfence.sel $0xFFFF  }
0xc0: {  	[dreg:$0x0] =	wrdreg $0xFFFFFFFF;
	(pc) =	sbr.abs _section_cstart, $3  }
0xc1: {  	[dreg:$0x1] =	wrdreg $0xFFFFFFFF  }
0xc2: {  	_ =	task.clear_ibuf [dreg:s7], $0x2FFFF;
	_ =	strace $0x9FFFFFFF  }
0xc3: {  	(tm) =	ssettm $0x7FFFFFFF  }
tec
execute0_lowered:
.L_overlay_start_1:
0x0: {  	(tag) =	ssettag $0x1  }
0x1: {  	s5 =	rddreg [dreg:$0x0]  }
0x2: {  	s4 =	rddreg [dreg:$0x1];
	s1 =	srdreg.scid  }
0x3: {  	s0 =	stileid.u32;
	s2 =	rddreg [dreg:$0x2];
	s3 =	simm.s32 $0x0  }
0x4: {  	s11 =	simm.s32 $0x2800;
	s6 =	sand.u32 $0x1, s1;
	s1 =	rddreg [dreg:$0x3]  }
0x5: {  	s14 =	simm.s32 $0x0;
	s7 =	smul.u32 $0x280, s0;
	[smem:$0x7FF] =	sst s3  }
0x6: {  	s12 =	sshll.u32 s0, $0x6;
	s8 =	smul.u32 $0x2800, s6;
	s9 =	sshll.u32 s6, $0x4  }
0x7: {  	s6 =	ssub.s32 $0x2, s6;
	_ =	strace $0x80000047;
	s9 =	sor.u32 s0, s9  }
0x8: {  	s10 =	sshrl.u32 s6, $0x1;
	s8 =	sadd.s32 s7, s8;
	s9 =	smul.u32 $0x500, s9  }
0x9: {  	s12 =	sor.u32 $0x1C01, s12;
	s10 =	ssub.s32 s6, s10;
	s8 =	sshrl.u32 s8, $0x3  }
0xa: {  	s8 =	sadd.s32 s8, s4;
	s4 =	sadd.s32 s7, s2;
	s5 =	sadd.s32 s5, s9  }
0xb: {  	s7 =	smax.u32 s10, $0x1;
	s9 =	simm.s32 $0x1;
	s10 =	simm.s32 $0x80  }
0xc: {  	v0 =	vimm.f32 $1.000000000e+00;
	v1 =	vimm.f32 $0.0e+00;
	s6 =	sadd.s32 $0x2200, s8;
	s8 =	simm.s32 $0x2880;
	s13 =	sshrl.u32 s4, $0x3  }
.LBB2_1:
0xd: {  	[tilespmem:$0x2800] =	vst v0  }
0xe: {  	[tilespmem:$0x2810] =	vst v0  }
0xf: {  	[tilespmem:$0x2820] =	vst v0  }
0x10: {  	[tilespmem:$0x2830] =	vst v0  }
0x11: {  	[tilespmem:$0x2840] =	vst v0  }
0x12: {  	[tilespmem:$0x2850] =	vst v0  }
0x13: {  	[tilespmem:$0x2860] =	vst v0  }
0x14: {  	[tilespmem:$0x2870] =	vst v0  }
0x15: {  	[tilespmem:$0x2880] =	vst v1  }
0x16: {  	[tilespmem:$0x2890] =	vst v1  }
0x17: {  	[tilespmem:$0x28A0] =	vst v1  }
0x18: {  	[tilespmem:$0x28B0] =	vst v1  }
0x19: {  	[tilespmem:$0x28C0] =	vst v1  }
0x1a: {  	[tilespmem:$0x28D0] =	vst v1  }
0x1b: {  	[tilespmem:$0x28E0] =	vst v1  }
0x1c: {  	[tilespmem:$0x28F0] =	vst v1  }
0x1d: {  	[tilespmem:$0x2900] =	vst v1  }
0x1e: {  	[tilespmem:$0x2910] =	vst v1  }
0x1f: {  	[tilespmem:$0x2920] =	vst v1  }
0x20: {  	[tilespmem:$0x2930] =	vst v1  }
0x21: {  	[tilespmem:$0x2940] =	vst v1  }
0x22: {  	[tilespmem:$0x2950] =	vst v1  }
0x23: {  	[tilespmem:$0x2960] =	vst v1  }
0x24: {  	[tilespmem:$0x2970] =	vst v1  }
0x25: {  	[tilespmem:$0x2980] =	vst v1  }
0x26: {  	[tilespmem:$0x2990] =	vst v1  }
0x27: {  	[tilespmem:$0x29A0] =	vst v1  }
0x28: {  	[tilespmem:$0x29B0] =	vst v1  }
0x29: {  	[tilespmem:$0x29C0] =	vst v1  }
0x2a: {  	[tilespmem:$0x29D0] =	vst v1  }
0x2b: {  	[tilespmem:$0x29E0] =	vst v1  }
0x2c: {  	[tilespmem:$0x29F0] =	vst v1  }
0x2d: {  	[tilespmem:$0x2A00] =	vst v1  }
0x2e: {  	[tilespmem:$0x2A10] =	vst v1  }
0x2f: {  	[tilespmem:$0x2A20] =	vst v1  }
0x30: {  	[tilespmem:$0x2A30] =	vst v1  }
0x31: {  	[tilespmem:$0x2A40] =	vst v1  }
0x32: {  	[tilespmem:$0x2A50] =	vst v1  }
0x33: {  	[tilespmem:$0x2A60] =	vst v1  }
0x34: {  	[tilespmem:$0x2A70] =	vst v1  }
0x35: {  	[tilespmem:$0x2A80] =	vst v1  }
0x36: {  	[tilespmem:$0x2A90] =	vst v1  }
0x37: {  	[tilespmem:$0x2AA0] =	vst v1  }
0x38: {  	[tilespmem:$0x2AB0] =	vst v1  }
0x39: {  	[tilespmem:$0x2AC0] =	vst v1  }
0x3a: {  	[tilespmem:$0x2AD0] =	vst v1  }
0x3b: {  	[tilespmem:$0x2AE0] =	vst v1  }
0x3c: {  	[tilespmem:$0x2AF0] =	vst v1  }
0x3d: {  	[spmem:s4] =	stream.linear.scatter [tilespmem:s8], [sflag:$0x1], $0x280, $0x38;
	[tilespmem:$0x2D80] =	vst v63  }
0x3e: {  	_ =	swait.ge [sflag:s9], $0x280  }
0x3f: {  	[sflag:s9] =	ssyncset.done $0x0  }
0x40: {  	[sflag:s9] =	ssyncadd.s32 $0xFFFFFD80  }
0x41: {  	[tilespmem:s3], [sflag:$0x1] =	stream.linear.gather [hbm4b:s5+s3], $0x2800, $0x38;
	[tilespmem:$0x2D80] =	vst v63  }
0x42: {  	_ =	swait.ge [sflag:s9], $0x2800  }
0x43: {  	[sflag:s9] =	ssyncset.done $0x0  }
0x44: {  	[sflag:s9] =	ssyncadd.s32 $0xFFFFD800  }
0x45: {  	s15 =	simm.s32 $0x0;
	[bflag:$0x0] =	sbarrier.arrive $0xFFFF  }
0x46: {  	[spmem:s2] =	stream.indirect.scatter.add.f32 [tilespmem:s11], [sflag:$0x1], $0x1, s15, s10, $0xb8;
	[tilespmem:$0x2D80] =	vst v63  }
0x47: {  	_ =	swait.ge [sflag:s9], $0x80  }
0x48: {  	s15 =	simm.s32 $0x200;
	[sflag:s9] =	ssyncset.done $0x0  }
.LBB2_2:
0x49: {  	s16 =	sshra.s32 s15, $0x2;
	[sflag:s9] =	ssyncadd.s32 $0xFFFFFF80;
	p0 =	sne.s32 s15, $0x9E00  }
0x4a: {  	[spmem:s2] =	stream.indirect.scatter.add.f32 [tilespmem:s11], [sflag:$0x1], $0x1, s16, s10, $0xb8;
	[tilespmem:$0x2D80] =	vst v63  }
.Ltmp0:
0x4b: {  	_ = 	snop;
	(pc) =	sbr.rel @p0 .LBB2_2-.Ltmp0, $4  }
0x4c: {  	_ = 	snop  }
0x4d: {  	s15 =	sadd.s32 $0x200, s15  }
0x4e: {  	_ =	swait.ge [sflag:s9], $0x80  }
0x4f: {  	[sflag:s9] =	ssyncset.done $0x0  }
0x50: {  	s14 =	sadd.s32 $0x1, s14  }
0x51: {  	[sflag:s9] =	ssyncadd.s32 $0xFFFFFF80;
	p0 =	sne.s32 s14, s7  }
.Ltmp1:
0x52: {  	[bflag:$0x0] =	sbarrier.arrive $0xFFFF;
	(pc) =	sbr.rel @p0 .LBB2_1-.Ltmp1, $4  }
0x53: {  	[hbm:s6], [sflag:s12] =	dma.local [spmem:s13], $0x50  }
0x54: {  	_ =	swait.ge [sflag:s9], $0x50  }
0x55: {  	[sflag:s9] =	ssyncset.done $0x0  }
0x56: {  	[sflag:s9] =	ssyncadd.s32 $0xFFFFFFB0  }
0x57: {  	_ =	sfence.sel $0x180000  }
0x58: {  	[bflag:$0x0] =	sbarrier.arrive $0xFFFF  }
0x59: {  	p0 =	sne.s32 s0, $0x0;
	_ =	strace $0x90000047  }
0x5a: {  	s0 =	sadd.s32 @!p0 $0x100000, s1;
	[bflag:$0x2] =	sbarrier.arrive $0xFFFF  }
0x5b: {  	[sflag:s0] =	ssyncadd.tile.s32 @!p0 $0x1;
	_ =	shalt  }
.Lfunc_end2:
_tile_overlayer_lowered:
.L_overlay_start_2:
0x5c: {  	(tag) =	ssettag $0x2  }
0x5d: {  	s0 =	rddreg [dreg:$0x0];
	s2 =	stileid.u32  }
0x5e: {  	s1 =	rddreg [dreg:$0x1];
	p0 =	sne.s32 s2, $0x0  }
0x5f: {  	s3 =	rddreg [dreg:$0x2];
	[bflag:$0x3] =	sbarrier.arrive $0xFFFF;
	s2 =	simm.s32 @!p0 $0x1C01  }
0x60: {  	[timem:s3], [sflag:s2] =	dma.local @!p0 [hbm:s0], s1  }
0x61: {  	s0 =	simm.s32 @!p0 $0x1  }
0x62: {  	_ =	swait.ge @!p0 [sflag:s0], s1  }
0x63: {  	s1 =	ssub.s32 @!p0 $0x0, s1;
	[sflag:s0] =	ssyncset.done @!p0 $0x0  }
0x64: {  	[sflag:s0] =	ssyncadd.s32 @!p0 s1  }
0x65: {  	[bflag:$0x3] =	sbarrier.arrive $0xFFFF  }
0x66: {  	_ =	shalt  }

</sc_bundles>
